<compile_context>
chip_gen: v7x
topology: tpu7x:2x2x1
jax: 0.10.2.dev20260603
libtpu: 0.0.44.dev20260713+nightly
codegen_flags: <defaults>
</compile_context>

<pallas_src>
import functools

import jax
import jax.numpy as jnp
from jax import lax
from jax.experimental import pallas as pl
from jax.experimental.pallas import tpu as pltpu
from jax.experimental.pallas import tpu_sc as plsc

NC = 2
NS = 16
NW = NC * NS
WIN = 128

PAD_ROWS = 112
_HIGHEST = jax.lax.Precision.HIGHEST
_UNTILED = pltpu.CompilerParams(use_tc_tiling_on_sc=False)

_MESH = plsc.VectorSubcoreMesh(core_axis_name="c", subcore_axis_name="s")


def _flat_wid():
    return lax.axis_index("c") * NS + lax.axis_index("s")



def _win_split(e_win):
    base = e_win // NW
    rem = e_win % NW
    ku = base + (1 if rem else 0)
    ku_even = ku + (ku % 2)
    return base, rem, ku, ku_even


def _worker_range(base, rem, wid):
    count = base + jnp.where(wid < rem, 1, 0)
    start = wid * base + lax.min(wid, rem)
    return start, count


def _stage_idx(idx_hbm, idx_v, start, count, base, rem):
    if rem == 0:
        pltpu.sync_copy(idx_hbm.at[pl.ds(start, base)],
                        idx_v.at[pl.ds(0, base)])
    else:
        @pl.when(count == base + 1)
        def _():
            pltpu.sync_copy(idx_hbm.at[pl.ds(start, base + 1)],
                            idx_v.at[pl.ds(0, base + 1)])

        @pl.when(count == base)
        def _():
            pltpu.sync_copy(idx_hbm.at[pl.ds(start, base)],
                            idx_v.at[pl.ds(0, base)])


def _deg_partials(edge3, ones_rows, zeros16, n_acc):
    e_win = edge3.shape[1]
    base, rem, ku, _ = _win_split(e_win)
    rows_sub = n_acc // NS

    @functools.partial(
        pl.kernel,
        mesh=_MESH,
        out_type=jax.ShapeDtypeStruct((NC, n_acc, 16), jnp.float32),
        scratch_types=[
            pltpu.VMEM((ku, WIN), jnp.int32),
            pltpu.VMEM((WIN, 16), jnp.float32),
            pltpu.VMEM_SHARED((n_acc, 16), jnp.float32),
            pltpu.SemaphoreType.DMA,
        ],
        compiler_params=_UNTILED,
    )
    def deg_kernel(edge_hbm, ones_hbm, zeros_hbm, out_hbm, dst_v, ones_v,
                   acc_sh, sem):
        c = lax.axis_index("c")
        s = lax.axis_index("s")
        wid = _flat_wid()
        start, count = _worker_range(base, rem, wid)
        pltpu.sync_copy(zeros_hbm.at[pl.ds(s * rows_sub, rows_sub)],
                        acc_sh.at[pl.ds(s * rows_sub, rows_sub)])
        _stage_idx(edge_hbm.at[1], dst_v, start, count, base, rem)
        pltpu.sync_copy(ones_hbm, ones_v)
        plsc.subcore_barrier()

        @pl.loop(0, ku)
        def _(j):
            @pl.when(j < count)
            def _():
                pltpu.async_copy(ones_v, acc_sh.at[dst_v.at[j]], sem,
                                 add=True)

        @pl.loop(0, ku)
        def _(j):
            @pl.when(j < count)
            def _():
                pltpu.make_async_copy(ones_hbm, ones_v, sem).wait()

        plsc.subcore_barrier()
        pltpu.sync_copy(acc_sh.at[pl.ds(s * rows_sub, rows_sub)],
                        out_hbm.at[c, pl.ds(s * rows_sub, rows_sub)])

    return deg_kernel(edge3, ones_rows, zeros16)


def _agg_partials(edge3, p, zeros_d, n_acc):
    e_win = edge3.shape[1]
    base, rem, ku, ku_even = _win_split(e_win)
    n_tab = p.shape[0]
    dh = p.shape[1] // 2
    rows_sub = n_acc // NS
    tab_sub = n_tab // NS

    del ku_even
    ku4 = -(-ku // 4) * 4
    segn = 2
    seg_len = ku4 // segn
    n_t = seg_len // 4
    pad_lo = base - (segn - 1) * seg_len
    assert seg_len % 4 == 0 and base >= (segn - 1) * seg_len and pad_lo >= 2

    @functools.partial(
        pl.kernel,
        mesh=_MESH,
        out_type=jax.ShapeDtypeStruct((NC, n_acc, 2 * dh), jnp.float32),
        scratch_types=[
            pltpu.VMEM((seg_len, WIN), jnp.int32),
            pltpu.VMEM((seg_len, WIN), jnp.int32),
            pltpu.VMEM((WIN, dh), jnp.float32),
            pltpu.VMEM((WIN, dh), jnp.float32),
            pltpu.VMEM((WIN, dh), jnp.float32),
            pltpu.VMEM((WIN, dh), jnp.float32),
            pltpu.VMEM_SHARED((n_tab, dh), jnp.float32),
            pltpu.VMEM_SHARED((n_acc, dh), jnp.float32),
            pltpu.SemaphoreType.DMA,
            pltpu.SemaphoreType.DMA,
            pltpu.SemaphoreType.DMA,
            pltpu.SemaphoreType.DMA,
            pltpu.SemaphoreType.DMA,
            pltpu.SemaphoreType.DMA,
            pltpu.SemaphoreType.DMA,
            pltpu.SemaphoreType.DMA,
        ],
        compiler_params=_UNTILED,
    )
    def agg_kernel(edge_hbm, p_hbm, zeros_hbm, out_hbm,
                   src_v, dst_v, r0, r1, r2, r3, tab_sh, acc_sh,
                   g0, g1, g2, g3, s0, s1, s2, s3):
        c = lax.axis_index("c")
        s = lax.axis_index("s")
        wid = _flat_wid()
        start, count = _worker_range(base, rem, wid)
        rows = (r0, r1, r2, r3)
        semg = (g0, g1, g2, g3)
        sems = (s0, s1, s2, s3)

        def fire_gather(j, b):
            pltpu.async_copy(tab_sh.at[src_v.at[j]], rows[b], semg[b])

        def fire_scatter(j, b):
            pltpu.async_copy(rows[b], acc_sh.at[dst_v.at[j]], sems[b],
                             add=True)

        def drain(sem, b):
            pltpu.make_async_copy(zeros_hbm.at[pl.ds(0, WIN)], rows[b],
                                  sem[b]).wait()

        def stage_segment(seg):
            s0 = start + seg * seg_len
            if seg < segn - 1:
                pltpu.sync_copy(edge_hbm.at[0, pl.ds(s0, seg_len)], src_v)
                pltpu.sync_copy(edge_hbm.at[1, pl.ds(s0, seg_len)], dst_v)
                return
            local = count - seg * seg_len

            def copy_rows(k):
                pltpu.sync_copy(edge_hbm.at[0, pl.ds(s0, k)],
                                src_v.at[pl.ds(0, k)])
                pltpu.sync_copy(edge_hbm.at[1, pl.ds(s0, k)],
                                dst_v.at[pl.ds(0, k)])

            if rem == 0:
                copy_rows(pad_lo)
            else:
                @pl.when(local == pad_lo + 1)
                def _():
                    copy_rows(pad_lo + 1)

                @pl.when(local == pad_lo)
                def _():
                    copy_rows(pad_lo)

            zeros16i = jnp.zeros((16,), jnp.int32)
            pad16i = n_tab + lax.iota(jnp.int32, 16)
            for j in range(pad_lo, seg_len):
                @pl.when(j >= local)
                def _():
                    for q in range(WIN // 16):
                        src_v[j, pl.ds(16 * q, 16)] = zeros16i
                        dst_v[j, pl.ds(16 * q, 16)] = pad16i

        def run_pipeline():
            fire_gather(0, 0)
            fire_gather(1, 1)

            @pl.loop(0, n_t)
            def _(t):
                for b in range(4):
                    j = 4 * t + b
                    b2 = (b + 2) % 4
                    if b < 2:
                        @pl.when(t > 0)
                        def _():
                            drain(sems, b2)

                        fire_gather(j + 2, b2)
                    else:
                        drain(sems, b2)

                        @pl.when(t < n_t - 1)
                        def _():
                            fire_gather(j + 2, b2)

                    drain(semg, b)
                    fire_scatter(j, b)

            drain(sems, 2)
            drain(sems, 3)

        @pl.loop(0, 2)
        def _(h):
            pltpu.sync_copy(
                p_hbm.at[pl.ds(s * tab_sub, tab_sub), pl.ds(h * dh, dh)],
                tab_sh.at[pl.ds(s * tab_sub, tab_sub)])
            pltpu.sync_copy(zeros_hbm.at[pl.ds(s * rows_sub, rows_sub)],
                            acc_sh.at[pl.ds(s * rows_sub, rows_sub)])
            plsc.subcore_barrier()

            for seg in range(segn):
                stage_segment(seg)
                run_pipeline()

            plsc.subcore_barrier()
            pltpu.sync_copy(
                acc_sh.at[pl.ds(s * rows_sub, rows_sub)],
                out_hbm.at[c, pl.ds(s * rows_sub, rows_sub),
                           pl.ds(h * dh, dh)])

    return agg_kernel(edge3, p, zeros_d)



BLK = 1000


def _dinv_from_parts(degp):
    deg = degp[0, :, 0:1] + degp[1, :, 0:1] + 1.0
    return 1.0 / jnp.sqrt(deg)


def _mm_body(x_ref, w_ref, o_ref):
    o_ref[...] = jnp.dot(x_ref[...], w_ref[...],
                         preferred_element_type=jnp.float32,
                         precision=_HIGHEST)


def _scale_body(h_ref, degp_ref, p_ref):
    p_ref[...] = h_ref[...] * _dinv_from_parts(degp_ref[...])


def _hidden_body(a_ref, p1_ref, degp_ref, b1_ref, p2_ref):
    dinv = _dinv_from_parts(degp_ref[...])
    a = a_ref[...]
    pre = (a[0] + a[1] + p1_ref[...]) * dinv + b1_ref[...]
    p2_ref[...] = jnp.maximum(pre, 0.0) * dinv


def _final_body(a_ref, p2_ref, degp_ref, wmu_ref, bmu_ref, wlv_ref, blv_ref,
                mu_ref, lv_ref):
    dinv = _dinv_from_parts(degp_ref[...])
    a = a_ref[...]
    z = (a[0] + a[1] + p2_ref[...]) * dinv
    mu_ref[...] = jnp.dot(z, wmu_ref[...], preferred_element_type=jnp.float32,
                          precision=_HIGHEST) + bmu_ref[...]
    lv_ref[...] = jnp.dot(z, wlv_ref[...], preferred_element_type=jnp.float32,
                          precision=_HIGHEST) + blv_ref[...]


def _f32(*shape):
    return jax.ShapeDtypeStruct(shape, jnp.float32)


def _row_spec(shape, row_dim):
    block = tuple(BLK if d == row_dim else s for d, s in enumerate(shape))

    def index_map(i):
        return tuple(i if d == row_dim else 0 for d in range(len(shape)))

    return pl.BlockSpec(block, index_map)


def _full_spec(shape):
    return pl.BlockSpec(shape, lambda i: (0,) * len(shape))



def kernel(x, edge_index, W1, b1, W_mu, b_mu, W_lv, b_lv):
    n, d_in = x.shape
    h1_dim = W1.shape[1]
    h2_dim = W_mu.shape[1]
    e = edge_index.shape[1]

    assert e % WIN == 0, "edge count must be a multiple of the window size"
    e_win = e // WIN
    n_acc = n + PAD_ROWS

    edge3 = edge_index.reshape(2, e_win, WIN)

    ones_rows = jnp.ones((WIN, 16), jnp.float32)
    zeros16 = jnp.zeros((n_acc, 16), jnp.float32)
    zeros_d = jnp.zeros((n_acc, h1_dim // 2), jnp.float32)

    grid = (n // BLK,)
    a_spec = _row_spec((NC, n_acc, h1_dim), 1)
    degp_spec = _row_spec((NC, n_acc, 16), 1)
    p_spec = _row_spec((n, h1_dim), 0)

    degp = _deg_partials(edge3, ones_rows, zeros16, n_acc)
    h1 = pl.pallas_call(
        _mm_body, out_shape=_f32(n, h1_dim), grid=grid,
        in_specs=[_row_spec((n, d_in), 0), _full_spec((d_in, h1_dim))],
        out_specs=_row_spec((n, h1_dim), 0))(x, W1)

    p1 = pl.pallas_call(
        _scale_body, out_shape=_f32(n, h1_dim), grid=grid,
        in_specs=[p_spec, degp_spec], out_specs=p_spec)(h1, degp)

    a1 = _agg_partials(edge3, p1, zeros_d, n_acc)

    p2 = pl.pallas_call(
        _hidden_body, out_shape=_f32(n, h1_dim), grid=grid,
        in_specs=[a_spec, p_spec, degp_spec, _full_spec((1, h1_dim))],
        out_specs=p_spec)(a1, p1, degp, b1.reshape(1, h1_dim))

    a2 = _agg_partials(edge3, p2, zeros_d, n_acc)

    out_spec = _row_spec((n, h2_dim), 0)
    mu, lv = pl.pallas_call(
        _final_body, out_shape=(_f32(n, h2_dim), _f32(n, h2_dim)), grid=grid,
        in_specs=[a_spec, p_spec, degp_spec,
                  _full_spec((d_in, h2_dim)), _full_spec((1, h2_dim)),
                  _full_spec((d_in, h2_dim)), _full_spec((1, h2_dim))],
        out_specs=(out_spec, out_spec))(
        a2, p2, degp, W_mu, b_mu.reshape(1, h2_dim), W_lv,
        b_lv.reshape(1, h2_dim))
    return (mu, lv)

# --- scband reference (transcript-rebuilt; emitter-appended) ---
"""Pipeline reference for scband-sample-conv-867583394136 (READ-ONLY COPY).

The authoritative reference and input builder live on the scoring server;
editing this copy changes nothing except your own understanding.
"""

import jax, jax.numpy as jnp
import numpy as np

N = 10000
E = 320000
D_IN = 128
H1 = 128
H2 = 64

def _glorot(key, fan_in, fan_out):
    lim = jnp.sqrt(6.0 / (fan_in + fan_out))
    return jax.random.uniform(key, (fan_in, fan_out), jnp.float32, -lim, lim)

def setup_inputs(seed: int = 0) -> dict:
    key = jax.random.key(seed)
    ks = jax.random.split(key, 8)
    x = jax.random.normal(ks[0], (N, D_IN), jnp.float32)
    edge_index = jax.random.randint(ks[1], (2, E), 0, N, jnp.int32)
    W1 = _glorot(ks[2], D_IN, H1)
    b1 = jnp.zeros((H1,), jnp.float32)
    W_mu = _glorot(ks[3], H1, H2)
    b_mu = jnp.zeros((H2,), jnp.float32)
    W_lv = _glorot(ks[4], H1, H2)
    b_lv = jnp.zeros((H2,), jnp.float32)
    return {"x": x, "edge_index": edge_index, "W1": W1, "b1": b1, "W_mu": W_mu, "b_mu": b_mu, "W_lv": W_lv, "b_lv": b_lv}

def _gcn_conv(x, edge_index, W, b):
    n = x.shape[0]
    src = edge_index[0]
    dst = edge_index[1]
    loop = jnp.arange(n, dtype=src.dtype)
    src = jnp.concatenate([src, loop])
    dst = jnp.concatenate([dst, loop])
    ones = jnp.ones(src.shape[0], jnp.float32)
    deg = jnp.zeros((n,), jnp.float32).at[dst].add(ones)
    deg_inv_sqrt = jnp.where(deg > 0, 1.0 / jnp.sqrt(deg), 0.0)
    norm = deg_inv_sqrt[src] * deg_inv_sqrt[dst]
    h = x @ W
    msg = h[src] * norm[:, None]
    out = jnp.zeros((n, W.shape[1]), jnp.float32).at[dst].add(msg)
    return out + b

def reference(x, edge_index, W1, b1, W_mu, b_mu, W_lv, b_lv):
    hidden = jax.nn.relu(_gcn_conv(x, edge_index, W1, b1))
    mu = _gcn_conv(hidden, edge_index, W_mu, b_mu)
    logvar = _gcn_conv(hidden, edge_index, W_lv, b_lv)
    return (mu, logvar)

if __name__ == "__main__":
    import jax
    _d = setup_inputs()
    print(jax.jit(kernel)(*tuple(_d.values())))

</pallas_src>

<mosaic_0001>
#map = affine_map<(d0, d1) -> (0, 0, 0)>
#map1 = affine_map<(d0, d1) -> (0, 0)>
module attributes {stable_mosaic.version = 14 : i64} {
  func.func @agg_kernel(%arg0: i32, %arg1: i32, %arg2: memref<2x2500x128xi32, #tpu.memory_space<hbm>>, %arg3: memref<10000x128xf32, #tpu.memory_space<hbm>>, %arg4: memref<10112x64xf32, #tpu.memory_space<hbm>>, %arg5: memref<2x10112x128xf32, #tpu.memory_space<hbm>>, %arg6: memref<40x128xi32, #tpu.memory_space<vmem>>, %arg7: memref<40x128xi32, #tpu.memory_space<vmem>>, %arg8: memref<128x64xf32, #tpu.memory_space<vmem>>, %arg9: memref<128x64xf32, #tpu.memory_space<vmem>>, %arg10: memref<128x64xf32, #tpu.memory_space<vmem>>, %arg11: memref<128x64xf32, #tpu.memory_space<vmem>>, %arg12: memref<10000x64xf32, #tpu.memory_space<vmem_shared>>, %arg13: memref<10112x64xf32, #tpu.memory_space<vmem_shared>>, %arg14: memref<!tpu.dma_semaphore, #tpu.memory_space<semaphore_mem>>, %arg15: memref<!tpu.dma_semaphore, #tpu.memory_space<semaphore_mem>>, %arg16: memref<!tpu.dma_semaphore, #tpu.memory_space<semaphore_mem>>, %arg17: memref<!tpu.dma_semaphore, #tpu.memory_space<semaphore_mem>>, %arg18: memref<!tpu.dma_semaphore, #tpu.memory_space<semaphore_mem>>, %arg19: memref<!tpu.dma_semaphore, #tpu.memory_space<semaphore_mem>>, %arg20: memref<!tpu.dma_semaphore, #tpu.memory_space<semaphore_mem>>, %arg21: memref<!tpu.dma_semaphore, #tpu.memory_space<semaphore_mem>>) attributes {dimension_semantics = [#tpu.dimension_semantics<core_parallel>, #tpu.dimension_semantics<subcore_parallel>], iteration_bounds = array<i64: 2, 16>, scalar_prefetch = 0 : i64, scratch_operands = 16 : i64, tpu.core_type = #tpu.core_type<sc_vector_subcore>, window_params = [{transform_indices = #map}, {transform_indices = #map1}, {transform_indices = #map1}, {transform_indices = #map}]} {
    %mul3A = arith.constant 16 : i32
    %mul3A_0 = arith.muli %arg0, %mul3A : i32
    %add3A = arith.addi %mul3A_0, %arg1 : i32
    %lt3A = arith.constant 4 : i32
    %lt3A_1 = arith.cmpi slt, %add3A, %lt3A : i32
    %jit3A = arith.constant 1 : i32
    %jit3A_2 = arith.constant 0 : i32
    %select_n3A = arith.select %lt3A_1, %jit3A, %jit3A_2 : i32
    %add3A_3 = arith.constant 78 : i32
    %add3A_4 = arith.addi %add3A_3, %select_n3A : i32
    %mul3A_5 = arith.constant 78 : i32
    %mul3A_6 = arith.muli %add3A, %mul3A_5 : i32
    %min3A = arith.constant 4 : i32
    %min3A_7 = arith.minsi %add3A, %min3A : i32
    %add3A_8 = arith.addi %mul3A_6, %min3A_7 : i32
    %scan3A = arith.constant 0 : i32
    %scan3A_9 = arith.constant 2 : i32
    %scan3A_10 = arith.addi %scan3A, %scan3A_9 : i32
    %scan3A_11 = arith.constant 1 : i32
    scf.for %scan3A_13 = %scan3A to %scan3A_10 step %scan3A_11  : i32 {
      %mul3A_14 = arith.constant 1 : i32
      %mul3A_15 = arith.muli %scan3A_13, %mul3A_14 : i32
      %add3A_16 = arith.constant 0 : i32
      %add3A_17 = arith.addi %add3A_16, %mul3A_15 : i32
      %mul3A_18 = arith.constant 625 : i32
      %mul3A_19 = arith.muli %arg1, %mul3A_18 : i32
      %mul3A_20 = arith.constant 64 : i32
      %mul3A_21 = arith.muli %add3A_17, %mul3A_20 : i32
      %mul3A_22 = arith.constant 625 : i32
      %mul3A_23 = arith.muli %arg1, %mul3A_22 : i32
      "tpu.region"() ({
        %run_scoped3A_121 = tpu.sem_alloc : memref<!tpu.dma_semaphore, #tpu.memory_space<semaphore_mem>>
        %dma_start3A_122 = arith.constant 0 : i32
        %dma_start3A_123 = tpu.memref_slice %arg12[%mul3A_23, %dma_start3A_122] : memref<10000x64xf32, #tpu.memory_space<vmem_shared>> -> memref<625x64xf32, #tpu.memory_space<vmem_shared>>
        %dma_start3A_124 = tpu.memref_slice %arg3[%mul3A_19, %mul3A_21] : memref<10000x128xf32, #tpu.memory_space<hbm>> -> memref<625x64xf32, #tpu.memory_space<hbm>>
        tpu.enqueue_dma source(%dma_start3A_124 : memref<625x64xf32, #tpu.memory_space<hbm>>) target(%dma_start3A_123 : memref<625x64xf32, #tpu.memory_space<vmem_shared>>) target_semaphore(%run_scoped3A_121 : memref<!tpu.dma_semaphore, #tpu.memory_space<semaphore_mem>>)
        %dma_wait3A_125 = arith.constant 0 : i32
        %dma_wait3A_126 = tpu.memref_slice %arg12[%mul3A_23, %dma_wait3A_125] : memref<10000x64xf32, #tpu.memory_space<vmem_shared>> -> memref<625x64xf32, #tpu.memory_space<vmem_shared>>
        %dma_wait3A_127 = tpu.memref_slice %arg3[%mul3A_19, %mul3A_21] : memref<10000x128xf32, #tpu.memory_space<hbm>> -> memref<625x64xf32, #tpu.memory_space<hbm>>
        tpu.wait_dma2 semaphore(%run_scoped3A_121 : memref<!tpu.dma_semaphore, #tpu.memory_space<semaphore_mem>>) src(%dma_wait3A_127 : memref<625x64xf32, #tpu.memory_space<hbm>>) dst(%dma_wait3A_126 : memref<625x64xf32, #tpu.memory_space<vmem_shared>>)
        tpu.yield
      }) : () -> ()
      %mul3A_24 = arith.constant 632 : i32
      %mul3A_25 = arith.muli %arg1, %mul3A_24 : i32
      %mul3A_26 = arith.constant 632 : i32
      %mul3A_27 = arith.muli %arg1, %mul3A_26 : i32
      "tpu.region"() ({
        %run_scoped3A_121 = tpu.sem_alloc : memref<!tpu.dma_semaphore, #tpu.memory_space<semaphore_mem>>
        %dma_start3A_122 = arith.constant 0 : i32
        %dma_start3A_123 = tpu.memref_slice %arg13[%mul3A_27, %dma_start3A_122] : memref<10112x64xf32, #tpu.memory_space<vmem_shared>> -> memref<632x64xf32, #tpu.memory_space<vmem_shared>>
        %dma_start3A_124 = arith.constant 0 : i32
        %dma_start3A_125 = tpu.memref_slice %arg4[%mul3A_25, %dma_start3A_124] : memref<10112x64xf32, #tpu.memory_space<hbm>> -> memref<632x64xf32, #tpu.memory_space<hbm>>
        tpu.enqueue_dma source(%dma_start3A_125 : memref<632x64xf32, #tpu.memory_space<hbm>>) target(%dma_start3A_123 : memref<632x64xf32, #tpu.memory_space<vmem_shared>>) target_semaphore(%run_scoped3A_121 : memref<!tpu.dma_semaphore, #tpu.memory_space<semaphore_mem>>)
        %dma_wait3A_126 = arith.constant 0 : i32
        %dma_wait3A_127 = tpu.memref_slice %arg13[%mul3A_27, %dma_wait3A_126] : memref<10112x64xf32, #tpu.memory_space<vmem_shared>> -> memref<632x64xf32, #tpu.memory_space<vmem_shared>>
        %dma_wait3A_128 = arith.constant 0 : i32
        %dma_wait3A_129 = tpu.memref_slice %arg4[%mul3A_25, %dma_wait3A_128] : memref<10112x64xf32, #tpu.memory_space<hbm>> -> memref<632x64xf32, #tpu.memory_space<hbm>>
        tpu.wait_dma2 semaphore(%run_scoped3A_121 : memref<!tpu.dma_semaphore, #tpu.memory_space<semaphore_mem>>) src(%dma_wait3A_129 : memref<632x64xf32, #tpu.memory_space<hbm>>) dst(%dma_wait3A_127 : memref<632x64xf32, #tpu.memory_space<vmem_shared>>)
        tpu.yield
      }) : () -> ()
      %barrier3A = arith.constant 0 : index
      tpu.barrier barrier_id(%barrier3A)
      %add3A_28 = arith.constant 0 : i32
      %add3A_29 = arith.addi %add3A_8, %add3A_28 : i32
      %run_scoped3A = arith.constant 0 : i32
      "tpu.region"() ({
        %run_scoped3A_121 = tpu.sem_alloc : memref<!tpu.dma_semaphore, #tpu.memory_space<semaphore_mem>>
        %dma_start3A_122 = arith.constant 0 : i32
        %dma_start3A_123 = tpu.memref_slice %arg2[%run_scoped3A, %add3A_29, %dma_start3A_122] : memref<2x2500x128xi32, #tpu.memory_space<hbm>> -> memref<1x40x128xi32, #tpu.memory_space<hbm>>
        %dma_start3A_124 = tpu.memref_squeeze %dma_start3A_123 : memref<1x40x128xi32, #tpu.memory_space<hbm>> -> memref<40x128xi32, #tpu.memory_space<hbm>>
        %dma_start3A_125 = arith.constant 0 : i32
        %dma_start3A_126 = tpu.memref_slice %arg2[%run_scoped3A, %add3A_29, %dma_start3A_125] : memref<2x2500x128xi32, #tpu.memory_space<hbm>> -> memref<1x40x128xi32, #tpu.memory_space<hbm>>
        %dma_start3A_127 = tpu.memref_squeeze %dma_start3A_126 : memref<1x40x128xi32, #tpu.memory_space<hbm>> -> memref<40x128xi32, #tpu.memory_space<hbm>>
        tpu.enqueue_dma source(%dma_start3A_127 : memref<40x128xi32, #tpu.memory_space<hbm>>) target(%arg6 : memref<40x128xi32, #tpu.memory_space<vmem>>) target_semaphore(%run_scoped3A_121 : memref<!tpu.dma_semaphore, #tpu.memory_space<semaphore_mem>>)
        %dma_wait3A_128 = arith.constant 0 : i32
        %dma_wait3A_129 = tpu.memref_slice %arg2[%run_scoped3A, %add3A_29, %dma_wait3A_128] : memref<2x2500x128xi32, #tpu.memory_space<hbm>> -> memref<1x40x128xi32, #tpu.memory_space<hbm>>
        %dma_wait3A_130 = tpu.memref_squeeze %dma_wait3A_129 : memref<1x40x128xi32, #tpu.memory_space<hbm>> -> memref<40x128xi32, #tpu.memory_space<hbm>>
        %dma_wait3A_131 = arith.constant 0 : i32
        %dma_wait3A_132 = tpu.memref_slice %arg2[%run_scoped3A, %add3A_29, %dma_wait3A_131] : memref<2x2500x128xi32, #tpu.memory_space<hbm>> -> memref<1x40x128xi32, #tpu.memory_space<hbm>>
        %dma_wait3A_133 = tpu.memref_squeeze %dma_wait3A_132 : memref<1x40x128xi32, #tpu.memory_space<hbm>> -> memref<40x128xi32, #tpu.memory_space<hbm>>
        tpu.wait_dma2 semaphore(%run_scoped3A_121 : memref<!tpu.dma_semaphore, #tpu.memory_space<semaphore_mem>>) src(%dma_wait3A_133 : memref<40x128xi32, #tpu.memory_space<hbm>>) dst(%arg6 : memref<40x128xi32, #tpu.memory_space<vmem>>)
        tpu.yield
      }) : () -> ()
      %run_scoped3A_30 = arith.constant 1 : i32
      "tpu.region"() ({
        %run_scoped3A_121 = tpu.sem_alloc : memref<!tpu.dma_semaphore, #tpu.memory_space<semaphore_mem>>
        %dma_start3A_122 = arith.constant 0 : i32
        %dma_start3A_123 = tpu.memref_slice %arg2[%run_scoped3A_30, %add3A_29, %dma_start3A_122] : memref<2x2500x128xi32, #tpu.memory_space<hbm>> -> memref<1x40x128xi32, #tpu.memory_space<hbm>>
        %dma_start3A_124 = tpu.memref_squeeze %dma_start3A_123 : memref<1x40x128xi32, #tpu.memory_space<hbm>> -> memref<40x128xi32, #tpu.memory_space<hbm>>
        %dma_start3A_125 = arith.constant 0 : i32
        %dma_start3A_126 = tpu.memref_slice %arg2[%run_scoped3A_30, %add3A_29, %dma_start3A_125] : memref<2x2500x128xi32, #tpu.memory_space<hbm>> -> memref<1x40x128xi32, #tpu.memory_space<hbm>>
        %dma_start3A_127 = tpu.memref_squeeze %dma_start3A_126 : memref<1x40x128xi32, #tpu.memory_space<hbm>> -> memref<40x128xi32, #tpu.memory_space<hbm>>
        tpu.enqueue_dma source(%dma_start3A_127 : memref<40x128xi32, #tpu.memory_space<hbm>>) target(%arg7 : memref<40x128xi32, #tpu.memory_space<vmem>>) target_semaphore(%run_scoped3A_121 : memref<!tpu.dma_semaphore, #tpu.memory_space<semaphore_mem>>)
        %dma_wait3A_128 = arith.constant 0 : i32
        %dma_wait3A_129 = tpu.memref_slice %arg2[%run_scoped3A_30, %add3A_29, %dma_wait3A_128] : memref<2x2500x128xi32, #tpu.memory_space<hbm>> -> memref<1x40x128xi32, #tpu.memory_space<hbm>>
        %dma_wait3A_130 = tpu.memref_squeeze %dma_wait3A_129 : memref<1x40x128xi32, #tpu.memory_space<hbm>> -> memref<40x128xi32, #tpu.memory_space<hbm>>
        %dma_wait3A_131 = arith.constant 0 : i32
        %dma_wait3A_132 = tpu.memref_slice %arg2[%run_scoped3A_30, %add3A_29, %dma_wait3A_131] : memref<2x2500x128xi32, #tpu.memory_space<hbm>> -> memref<1x40x128xi32, #tpu.memory_space<hbm>>
        %dma_wait3A_133 = tpu.memref_squeeze %dma_wait3A_132 : memref<1x40x128xi32, #tpu.memory_space<hbm>> -> memref<40x128xi32, #tpu.memory_space<hbm>>
        tpu.wait_dma2 semaphore(%run_scoped3A_121 : memref<!tpu.dma_semaphore, #tpu.memory_space<semaphore_mem>>) src(%dma_wait3A_133 : memref<40x128xi32, #tpu.memory_space<hbm>>) dst(%arg7 : memref<40x128xi32, #tpu.memory_space<vmem>>)
        tpu.yield
      }) : () -> ()
      %dma_start3A = arith.constant 0 : i32
      %dma_start3A_31 = arith.constant 0 : i32
      %dma_start3A_32 = tpu.memref_slice %arg6[%dma_start3A, %dma_start3A_31] : memref<40x128xi32, #tpu.memory_space<vmem>> -> memref<1x128xi32, #tpu.memory_space<vmem>>
      %dma_start3A_33 = tpu.memref_squeeze %dma_start3A_32 : memref<1x128xi32, #tpu.memory_space<vmem>> -> memref<128xi32, #tpu.memory_space<vmem>>
      %dma_start3A_34 = arith.constant 0 : i32
      %dma_start3A_35 = arith.constant 0 : i32
      %dma_start3A_36 = tpu.memref_slice %arg12[%dma_start3A_34, %dma_start3A_35] : memref<10000x64xf32, #tpu.memory_space<vmem_shared>> -> memref<10000x64xf32, #tpu.memory_space<vmem_shared>>
      tpu.enqueue_indirect_dma source(%dma_start3A_36 : memref<10000x64xf32, #tpu.memory_space<vmem_shared>>) target(%arg8 : memref<128x64xf32, #tpu.memory_space<vmem>>) offsets(%dma_start3A_33 : memref<128xi32, #tpu.memory_space<vmem>>) semaphore(%arg14 : memref<!tpu.dma_semaphore, #tpu.memory_space<semaphore_mem>>)
      %dma_start3A_37 = arith.constant 1 : i32
      %dma_start3A_38 = arith.constant 0 : i32
      %dma_start3A_39 = tpu.memref_slice %arg6[%dma_start3A_37, %dma_start3A_38] : memref<40x128xi32, #tpu.memory_space<vmem>> -> memref<1x128xi32, #tpu.memory_space<vmem>>
      %dma_start3A_40 = tpu.memref_squeeze %dma_start3A_39 : memref<1x128xi32, #tpu.memory_space<vmem>> -> memref<128xi32, #tpu.memory_space<vmem>>
      %dma_start3A_41 = arith.constant 0 : i32
      %dma_start3A_42 = arith.constant 0 : i32
      %dma_start3A_43 = tpu.memref_slice %arg12[%dma_start3A_41, %dma_start3A_42] : memref<10000x64xf32, #tpu.memory_space<vmem_shared>> -> memref<10000x64xf32, #tpu.memory_space<vmem_shared>>
      tpu.enqueue_indirect_dma source(%dma_start3A_43 : memref<10000x64xf32, #tpu.memory_space<vmem_shared>>) target(%arg9 : memref<128x64xf32, #tpu.memory_space<vmem>>) offsets(%dma_start3A_40 : memref<128xi32, #tpu.memory_space<vmem>>) semaphore(%arg15 : memref<!tpu.dma_semaphore, #tpu.memory_space<semaphore_mem>>)
      %scan3A_44 = arith.constant 0 : i32
      %scan3A_45 = arith.constant 10 : i32
      %scan3A_46 = arith.addi %scan3A_44, %scan3A_45 : i32
      %scan3A_47 = arith.constant 1 : i32
      scf.for %scan3A_121 = %scan3A_44 to %scan3A_46 step %scan3A_47  : i32 {
        %mul3A_122 = arith.constant 1 : i32
        %mul3A_123 = arith.muli %scan3A_121, %mul3A_122 : i32
        %add3A_124 = arith.constant 0 : i32
        %add3A_125 = arith.addi %add3A_124, %mul3A_123 : i32
        %mul3A_126 = arith.constant 4 : i32
        %mul3A_127 = arith.muli %mul3A_126, %add3A_125 : i32
        %add3A_128 = arith.constant 0 : i32
        %add3A_129 = arith.addi %mul3A_127, %add3A_128 : i32
        %gt3A = arith.constant 0 : i32
        %gt3A_130 = arith.cmpi sgt, %add3A_125, %gt3A : i32
        %convert_element_type3A_131 = arith.extui %gt3A_130 : i1 to i32
        %cond3A_132 = arith.constant 0 : i32
        %cond3A_133 = arith.cmpi ne, %convert_element_type3A_131, %cond3A_132 : i32
        scf.if %cond3A_133 {
          %dma_wait3A_237 = arith.constant 0 : i32
          %dma_wait3A_238 = arith.constant 0 : i32
          %dma_wait3A_239 = tpu.memref_slice %arg4[%dma_wait3A_237, %dma_wait3A_238] : memref<10112x64xf32, #tpu.memory_space<hbm>> -> memref<128x64xf32, #tpu.memory_space<hbm>>
          %dma_wait3A_240 = arith.constant 0 : i32
          %dma_wait3A_241 = arith.constant 0 : i32
          %dma_wait3A_242 = tpu.memref_slice %arg4[%dma_wait3A_240, %dma_wait3A_241] : memref<10112x64xf32, #tpu.memory_space<hbm>> -> memref<128x64xf32, #tpu.memory_space<hbm>>
          tpu.wait_dma2 semaphore(%arg20 : memref<!tpu.dma_semaphore, #tpu.memory_space<semaphore_mem>>) src(%dma_wait3A_242 : memref<128x64xf32, #tpu.memory_space<hbm>>) dst(%arg10 : memref<128x64xf32, #tpu.memory_space<vmem>>)
        } else {
        }
        %add3A_134 = arith.constant 2 : i32
        %add3A_135 = arith.addi %add3A_129, %add3A_134 : i32
        %dma_start3A_136 = arith.constant 0 : i32
        %dma_start3A_137 = tpu.memref_slice %arg6[%add3A_135, %dma_start3A_136] : memref<40x128xi32, #tpu.memory_space<vmem>> -> memref<1x128xi32, #tpu.memory_space<vmem>>
        %dma_start3A_138 = tpu.memref_squeeze %dma_start3A_137 : memref<1x128xi32, #tpu.memory_space<vmem>> -> memref<128xi32, #tpu.memory_space<vmem>>
        %dma_start3A_139 = arith.constant 0 : i32
        %dma_start3A_140 = arith.constant 0 : i32
        %dma_start3A_141 = tpu.memref_slice %arg12[%dma_start3A_139, %dma_start3A_140] : memref<10000x64xf32, #tpu.memory_space<vmem_shared>> -> memref<10000x64xf32, #tpu.memory_space<vmem_shared>>
        tpu.enqueue_indirect_dma source(%dma_start3A_141 : memref<10000x64xf32, #tpu.memory_space<vmem_shared>>) target(%arg10 : memref<128x64xf32, #tpu.memory_space<vmem>>) offsets(%dma_start3A_138 : memref<128xi32, #tpu.memory_space<vmem>>) semaphore(%arg16 : memref<!tpu.dma_semaphore, #tpu.memory_space<semaphore_mem>>)
        %dma_wait3A_142 = arith.constant 0 : i32
        %dma_wait3A_143 = arith.constant 0 : i32
        %dma_wait3A_144 = tpu.memref_slice %arg4[%dma_wait3A_142, %dma_wait3A_143] : memref<10112x64xf32, #tpu.memory_space<hbm>> -> memref<128x64xf32, #tpu.memory_space<hbm>>
        %dma_wait3A_145 = arith.constant 0 : i32
        %dma_wait3A_146 = arith.constant 0 : i32
        %dma_wait3A_147 = tpu.memref_slice %arg4[%dma_wait3A_145, %dma_wait3A_146] : memref<10112x64xf32, #tpu.memory_space<hbm>> -> memref<128x64xf32, #tpu.memory_space<hbm>>
        tpu.wait_dma2 semaphore(%arg14 : memref<!tpu.dma_semaphore, #tpu.memory_space<semaphore_mem>>) src(%dma_wait3A_147 : memref<128x64xf32, #tpu.memory_space<hbm>>) dst(%arg8 : memref<128x64xf32, #tpu.memory_space<vmem>>)
        %dma_start3A_148 = arith.constant 0 : i32
        %dma_start3A_149 = tpu.memref_slice %arg7[%add3A_129, %dma_start3A_148] : memref<40x128xi32, #tpu.memory_space<vmem>> -> memref<1x128xi32, #tpu.memory_space<vmem>>
        %dma_start3A_150 = tpu.memref_squeeze %dma_start3A_149 : memref<1x128xi32, #tpu.memory_space<vmem>> -> memref<128xi32, #tpu.memory_space<vmem>>
        %dma_start3A_151 = arith.constant 0 : i32
        %dma_start3A_152 = arith.constant 0 : i32
        %dma_start3A_153 = tpu.memref_slice %arg13[%dma_start3A_151, %dma_start3A_152] : memref<10112x64xf32, #tpu.memory_space<vmem_shared>> -> memref<10112x64xf32, #tpu.memory_space<vmem_shared>>
        tpu.enqueue_indirect_dma source(%arg8 : memref<128x64xf32, #tpu.memory_space<vmem>>) target(%dma_start3A_153 : memref<10112x64xf32, #tpu.memory_space<vmem_shared>>) offsets(%dma_start3A_150 : memref<128xi32, #tpu.memory_space<vmem>>) semaphore(%arg18 : memref<!tpu.dma_semaphore, #tpu.memory_space<semaphore_mem>>) {add = true}
        %mul3A_154 = arith.constant 4 : i32
        %mul3A_155 = arith.muli %mul3A_154, %add3A_125 : i32
        %add3A_156 = arith.constant 1 : i32
        %add3A_157 = arith.addi %mul3A_155, %add3A_156 : i32
        %gt3A_158 = arith.constant 0 : i32
        %gt3A_159 = arith.cmpi sgt, %add3A_125, %gt3A_158 : i32
        %convert_element_type3A_160 = arith.extui %gt3A_159 : i1 to i32
        %cond3A_161 = arith.constant 0 : i32
        %cond3A_162 = arith.cmpi ne, %convert_element_type3A_160, %cond3A_161 : i32
        scf.if %cond3A_162 {
          %dma_wait3A_237 = arith.constant 0 : i32
          %dma_wait3A_238 = arith.constant 0 : i32
          %dma_wait3A_239 = tpu.memref_slice %arg4[%dma_wait3A_237, %dma_wait3A_238] : memref<10112x64xf32, #tpu.memory_space<hbm>> -> memref<128x64xf32, #tpu.memory_space<hbm>>
          %dma_wait3A_240 = arith.constant 0 : i32
          %dma_wait3A_241 = arith.constant 0 : i32
          %dma_wait3A_242 = tpu.memref_slice %arg4[%dma_wait3A_240, %dma_wait3A_241] : memref<10112x64xf32, #tpu.memory_space<hbm>> -> memref<128x64xf32, #tpu.memory_space<hbm>>
          tpu.wait_dma2 semaphore(%arg21 : memref<!tpu.dma_semaphore, #tpu.memory_space<semaphore_mem>>) src(%dma_wait3A_242 : memref<128x64xf32, #tpu.memory_space<hbm>>) dst(%arg11 : memref<128x64xf32, #tpu.memory_space<vmem>>)
        } else {
        }
        %add3A_163 = arith.constant 2 : i32
        %add3A_164 = arith.addi %add3A_157, %add3A_163 : i32
        %dma_start3A_165 = arith.constant 0 : i32
        %dma_start3A_166 = tpu.memref_slice %arg6[%add3A_164, %dma_start3A_165] : memref<40x128xi32, #tpu.memory_space<vmem>> -> memref<1x128xi32, #tpu.memory_space<vmem>>
        %dma_start3A_167 = tpu.memref_squeeze %dma_start3A_166 : memref<1x128xi32, #tpu.memory_space<vmem>> -> memref<128xi32, #tpu.memory_space<vmem>>
        %dma_start3A_168 = arith.constant 0 : i32
        %dma_start3A_169 = arith.constant 0 : i32
        %dma_start3A_170 = tpu.memref_slice %arg12[%dma_start3A_168, %dma_start3A_169] : memref<10000x64xf32, #tpu.memory_space<vmem_shared>> -> memref<10000x64xf32, #tpu.memory_space<vmem_shared>>
        tpu.enqueue_indirect_dma source(%dma_start3A_170 : memref<10000x64xf32, #tpu.memory_space<vmem_shared>>) target(%arg11 : memref<128x64xf32, #tpu.memory_space<vmem>>) offsets(%dma_start3A_167 : memref<128xi32, #tpu.memory_space<vmem>>) semaphore(%arg17 : memref<!tpu.dma_semaphore, #tpu.memory_space<semaphore_mem>>)
        %dma_wait3A_171 = arith.constant 0 : i32
        %dma_wait3A_172 = arith.constant 0 : i32
        %dma_wait3A_173 = tpu.memref_slice %arg4[%dma_wait3A_171, %dma_wait3A_172] : memref<10112x64xf32, #tpu.memory_space<hbm>> -> memref<128x64xf32, #tpu.memory_space<hbm>>
        %dma_wait3A_174 = arith.constant 0 : i32
        %dma_wait3A_175 = arith.constant 0 : i32
        %dma_wait3A_176 = tpu.memref_slice %arg4[%dma_wait3A_174, %dma_wait3A_175] : memref<10112x64xf32, #tpu.memory_space<hbm>> -> memref<128x64xf32, #tpu.memory_space<hbm>>
        tpu.wait_dma2 semaphore(%arg15 : memref<!tpu.dma_semaphore, #tpu.memory_space<semaphore_mem>>) src(%dma_wait3A_176 : memref<128x64xf32, #tpu.memory_space<hbm>>) dst(%arg9 : memref<128x64xf32, #tpu.memory_space<vmem>>)
        %dma_start3A_177 = arith.constant 0 : i32
        %dma_start3A_178 = tpu.memref_slice %arg7[%add3A_157, %dma_start3A_177] : memref<40x128xi32, #tpu.memory_space<vmem>> -> memref<1x128xi32, #tpu.memory_space<vmem>>
        %dma_start3A_179 = tpu.memref_squeeze %dma_start3A_178 : memref<1x128xi32, #tpu.memory_space<vmem>> -> memref<128xi32, #tpu.memory_space<vmem>>
        %dma_start3A_180 = arith.constant 0 : i32
        %dma_start3A_181 = arith.constant 0 : i32
        %dma_start3A_182 = tpu.memref_slice %arg13[%dma_start3A_180, %dma_start3A_181] : memref<10112x64xf32, #tpu.memory_space<vmem_shared>> -> memref<10112x64xf32, #tpu.memory_space<vmem_shared>>
        tpu.enqueue_indirect_dma source(%arg9 : memref<128x64xf32, #tpu.memory_space<vmem>>) target(%dma_start3A_182 : memref<10112x64xf32, #tpu.memory_space<vmem_shared>>) offsets(%dma_start3A_179 : memref<128xi32, #tpu.memory_space<vmem>>) semaphore(%arg19 : memref<!tpu.dma_semaphore, #tpu.memory_space<semaphore_mem>>) {add = true}
        %mul3A_183 = arith.constant 4 : i32
        %mul3A_184 = arith.muli %mul3A_183, %add3A_125 : i32
        %add3A_185 = arith.constant 2 : i32
        %add3A_186 = arith.addi %mul3A_184, %add3A_185 : i32
        %dma_wait3A_187 = arith.constant 0 : i32
        %dma_wait3A_188 = arith.constant 0 : i32
        %dma_wait3A_189 = tpu.memref_slice %arg4[%dma_wait3A_187, %dma_wait3A_188] : memref<10112x64xf32, #tpu.memory_space<hbm>> -> memref<128x64xf32, #tpu.memory_space<hbm>>
        %dma_wait3A_190 = arith.constant 0 : i32
        %dma_wait3A_191 = arith.constant 0 : i32
        %dma_wait3A_192 = tpu.memref_slice %arg4[%dma_wait3A_190, %dma_wait3A_191] : memref<10112x64xf32, #tpu.memory_space<hbm>> -> memref<128x64xf32, #tpu.memory_space<hbm>>
        tpu.wait_dma2 semaphore(%arg18 : memref<!tpu.dma_semaphore, #tpu.memory_space<semaphore_mem>>) src(%dma_wait3A_192 : memref<128x64xf32, #tpu.memory_space<hbm>>) dst(%arg8 : memref<128x64xf32, #tpu.memory_space<vmem>>)
        %lt3A_193 = arith.constant 9 : i32
        %lt3A_194 = arith.cmpi slt, %add3A_125, %lt3A_193 : i32
        %convert_element_type3A_195 = arith.extui %lt3A_194 : i1 to i32
        %cond3A_196 = arith.constant 0 : i32
        %cond3A_197 = arith.cmpi ne, %convert_element_type3A_195, %cond3A_196 : i32
        scf.if %cond3A_197 {
          %add3A_237 = arith.constant 2 : i32
          %add3A_238 = arith.addi %add3A_186, %add3A_237 : i32
          %dma_start3A_239 = arith.constant 0 : i32
          %dma_start3A_240 = tpu.memref_slice %arg6[%add3A_238, %dma_start3A_239] : memref<40x128xi32, #tpu.memory_space<vmem>> -> memref<1x128xi32, #tpu.memory_space<vmem>>
          %dma_start3A_241 = tpu.memref_squeeze %dma_start3A_240 : memref<1x128xi32, #tpu.memory_space<vmem>> -> memref<128xi32, #tpu.memory_space<vmem>>
          %dma_start3A_242 = arith.constant 0 : i32
          %dma_start3A_243 = arith.constant 0 : i32
          %dma_start3A_244 = tpu.memref_slice %arg12[%dma_start3A_242, %dma_start3A_243] : memref<10000x64xf32, #tpu.memory_space<vmem_shared>> -> memref<10000x64xf32, #tpu.memory_space<vmem_shared>>
          tpu.enqueue_indirect_dma source(%dma_start3A_244 : memref<10000x64xf32, #tpu.memory_space<vmem_shared>>) target(%arg8 : memref<128x64xf32, #tpu.memory_space<vmem>>) offsets(%dma_start3A_241 : memref<128xi32, #tpu.memory_space<vmem>>) semaphore(%arg14 : memref<!tpu.dma_semaphore, #tpu.memory_space<semaphore_mem>>)
        } else {
        }
        %dma_wait3A_198 = arith.constant 0 : i32
        %dma_wait3A_199 = arith.constant 0 : i32
        %dma_wait3A_200 = tpu.memref_slice %arg4[%dma_wait3A_198, %dma_wait3A_199] : memref<10112x64xf32, #tpu.memory_space<hbm>> -> memref<128x64xf32, #tpu.memory_space<hbm>>
        %dma_wait3A_201 = arith.constant 0 : i32
        %dma_wait3A_202 = arith.constant 0 : i32
        %dma_wait3A_203 = tpu.memref_slice %arg4[%dma_wait3A_201, %dma_wait3A_202] : memref<10112x64xf32, #tpu.memory_space<hbm>> -> memref<128x64xf32, #tpu.memory_space<hbm>>
        tpu.wait_dma2 semaphore(%arg16 : memref<!tpu.dma_semaphore, #tpu.memory_space<semaphore_mem>>) src(%dma_wait3A_203 : memref<128x64xf32, #tpu.memory_space<hbm>>) dst(%arg10 : memref<128x64xf32, #tpu.memory_space<vmem>>)
        %dma_start3A_204 = arith.constant 0 : i32
        %dma_start3A_205 = tpu.memref_slice %arg7[%add3A_186, %dma_start3A_204] : memref<40x128xi32, #tpu.memory_space<vmem>> -> memref<1x128xi32, #tpu.memory_space<vmem>>
        %dma_start3A_206 = tpu.memref_squeeze %dma_start3A_205 : memref<1x128xi32, #tpu.memory_space<vmem>> -> memref<128xi32, #tpu.memory_space<vmem>>
        %dma_start3A_207 = arith.constant 0 : i32
        %dma_start3A_208 = arith.constant 0 : i32
        %dma_start3A_209 = tpu.memref_slice %arg13[%dma_start3A_207, %dma_start3A_208] : memref<10112x64xf32, #tpu.memory_space<vmem_shared>> -> memref<10112x64xf32, #tpu.memory_space<vmem_shared>>
        tpu.enqueue_indirect_dma source(%arg10 : memref<128x64xf32, #tpu.memory_space<vmem>>) target(%dma_start3A_209 : memref<10112x64xf32, #tpu.memory_space<vmem_shared>>) offsets(%dma_start3A_206 : memref<128xi32, #tpu.memory_space<vmem>>) semaphore(%arg20 : memref<!tpu.dma_semaphore, #tpu.memory_space<semaphore_mem>>) {add = true}
        %mul3A_210 = arith.constant 4 : i32
        %mul3A_211 = arith.muli %mul3A_210, %add3A_125 : i32
        %add3A_212 = arith.constant 3 : i32
        %add3A_213 = arith.addi %mul3A_211, %add3A_212 : i32
        %dma_wait3A_214 = arith.constant 0 : i32
        %dma_wait3A_215 = arith.constant 0 : i32
        %dma_wait3A_216 = tpu.memref_slice %arg4[%dma_wait3A_214, %dma_wait3A_215] : memref<10112x64xf32, #tpu.memory_space<hbm>> -> memref<128x64xf32, #tpu.memory_space<hbm>>
        %dma_wait3A_217 = arith.constant 0 : i32
        %dma_wait3A_218 = arith.constant 0 : i32
        %dma_wait3A_219 = tpu.memref_slice %arg4[%dma_wait3A_217, %dma_wait3A_218] : memref<10112x64xf32, #tpu.memory_space<hbm>> -> memref<128x64xf32, #tpu.memory_space<hbm>>
        tpu.wait_dma2 semaphore(%arg19 : memref<!tpu.dma_semaphore, #tpu.memory_space<semaphore_mem>>) src(%dma_wait3A_219 : memref<128x64xf32, #tpu.memory_space<hbm>>) dst(%arg9 : memref<128x64xf32, #tpu.memory_space<vmem>>)
        %lt3A_220 = arith.constant 9 : i32
        %lt3A_221 = arith.cmpi slt, %add3A_125, %lt3A_220 : i32
        %convert_element_type3A_222 = arith.extui %lt3A_221 : i1 to i32
        %cond3A_223 = arith.constant 0 : i32
        %cond3A_224 = arith.cmpi ne, %convert_element_type3A_222, %cond3A_223 : i32
        scf.if %cond3A_224 {
          %add3A_237 = arith.constant 2 : i32
          %add3A_238 = arith.addi %add3A_213, %add3A_237 : i32
          %dma_start3A_239 = arith.constant 0 : i32
          %dma_start3A_240 = tpu.memref_slice %arg6[%add3A_238, %dma_start3A_239] : memref<40x128xi32, #tpu.memory_space<vmem>> -> memref<1x128xi32, #tpu.memory_space<vmem>>
          %dma_start3A_241 = tpu.memref_squeeze %dma_start3A_240 : memref<1x128xi32, #tpu.memory_space<vmem>> -> memref<128xi32, #tpu.memory_space<vmem>>
          %dma_start3A_242 = arith.constant 0 : i32
          %dma_start3A_243 = arith.constant 0 : i32
          %dma_start3A_244 = tpu.memref_slice %arg12[%dma_start3A_242, %dma_start3A_243] : memref<10000x64xf32, #tpu.memory_space<vmem_shared>> -> memref<10000x64xf32, #tpu.memory_space<vmem_shared>>
          tpu.enqueue_indirect_dma source(%dma_start3A_244 : memref<10000x64xf32, #tpu.memory_space<vmem_shared>>) target(%arg9 : memref<128x64xf32, #tpu.memory_space<vmem>>) offsets(%dma_start3A_241 : memref<128xi32, #tpu.memory_space<vmem>>) semaphore(%arg15 : memref<!tpu.dma_semaphore, #tpu.memory_space<semaphore_mem>>)
        } else {
        }
        %dma_wait3A_225 = arith.constant 0 : i32
        %dma_wait3A_226 = arith.constant 0 : i32
        %dma_wait3A_227 = tpu.memref_slice %arg4[%dma_wait3A_225, %dma_wait3A_226] : memref<10112x64xf32, #tpu.memory_space<hbm>> -> memref<128x64xf32, #tpu.memory_space<hbm>>
        %dma_wait3A_228 = arith.constant 0 : i32
        %dma_wait3A_229 = arith.constant 0 : i32
        %dma_wait3A_230 = tpu.memref_slice %arg4[%dma_wait3A_228, %dma_wait3A_229] : memref<10112x64xf32, #tpu.memory_space<hbm>> -> memref<128x64xf32, #tpu.memory_space<hbm>>
        tpu.wait_dma2 semaphore(%arg17 : memref<!tpu.dma_semaphore, #tpu.memory_space<semaphore_mem>>) src(%dma_wait3A_230 : memref<128x64xf32, #tpu.memory_space<hbm>>) dst(%arg11 : memref<128x64xf32, #tpu.memory_space<vmem>>)
        %dma_start3A_231 = arith.constant 0 : i32
        %dma_start3A_232 = tpu.memref_slice %arg7[%add3A_213, %dma_start3A_231] : memref<40x128xi32, #tpu.memory_space<vmem>> -> memref<1x128xi32, #tpu.memory_space<vmem>>
        %dma_start3A_233 = tpu.memref_squeeze %dma_start3A_232 : memref<1x128xi32, #tpu.memory_space<vmem>> -> memref<128xi32, #tpu.memory_space<vmem>>
        %dma_start3A_234 = arith.constant 0 : i32
        %dma_start3A_235 = arith.constant 0 : i32
        %dma_start3A_236 = tpu.memref_slice %arg13[%dma_start3A_234, %dma_start3A_235] : memref<10112x64xf32, #tpu.memory_space<vmem_shared>> -> memref<10112x64xf32, #tpu.memory_space<vmem_shared>>
        tpu.enqueue_indirect_dma source(%arg11 : memref<128x64xf32, #tpu.memory_space<vmem>>) target(%dma_start3A_236 : memref<10112x64xf32, #tpu.memory_space<vmem_shared>>) offsets(%dma_start3A_233 : memref<128xi32, #tpu.memory_space<vmem>>) semaphore(%arg21 : memref<!tpu.dma_semaphore, #tpu.memory_space<semaphore_mem>>) {add = true}
      }
      %scan3A_48 = arith.constant 10 : i32
      %dma_wait3A = arith.constant 0 : i32
      %dma_wait3A_49 = arith.constant 0 : i32
      %dma_wait3A_50 = tpu.memref_slice %arg4[%dma_wait3A, %dma_wait3A_49] : memref<10112x64xf32, #tpu.memory_space<hbm>> -> memref<128x64xf32, #tpu.memory_space<hbm>>
      %dma_wait3A_51 = arith.constant 0 : i32
      %dma_wait3A_52 = arith.constant 0 : i32
      %dma_wait3A_53 = tpu.memref_slice %arg4[%dma_wait3A_51, %dma_wait3A_52] : memref<10112x64xf32, #tpu.memory_space<hbm>> -> memref<128x64xf32, #tpu.memory_space<hbm>>
      tpu.wait_dma2 semaphore(%arg20 : memref<!tpu.dma_semaphore, #tpu.memory_space<semaphore_mem>>) src(%dma_wait3A_53 : memref<128x64xf32, #tpu.memory_space<hbm>>) dst(%arg10 : memref<128x64xf32, #tpu.memory_space<vmem>>)
      %dma_wait3A_54 = arith.constant 0 : i32
      %dma_wait3A_55 = arith.constant 0 : i32
      %dma_wait3A_56 = tpu.memref_slice %arg4[%dma_wait3A_54, %dma_wait3A_55] : memref<10112x64xf32, #tpu.memory_space<hbm>> -> memref<128x64xf32, #tpu.memory_space<hbm>>
      %dma_wait3A_57 = arith.constant 0 : i32
      %dma_wait3A_58 = arith.constant 0 : i32
      %dma_wait3A_59 = tpu.memref_slice %arg4[%dma_wait3A_57, %dma_wait3A_58] : memref<10112x64xf32, #tpu.memory_space<hbm>> -> memref<128x64xf32, #tpu.memory_space<hbm>>
      tpu.wait_dma2 semaphore(%arg21 : memref<!tpu.dma_semaphore, #tpu.memory_space<semaphore_mem>>) src(%dma_wait3A_59 : memref<128x64xf32, #tpu.memory_space<hbm>>) dst(%arg11 : memref<128x64xf32, #tpu.memory_space<vmem>>)
      %add3A_60 = arith.constant 40 : i32
      %add3A_61 = arith.addi %add3A_8, %add3A_60 : i32
      %sub3A = arith.constant 40 : i32
      %sub3A_62 = arith.subi %add3A_4, %sub3A : i32
      %eq3A = arith.constant 39 : i32
      %eq3A_63 = arith.cmpi eq, %sub3A_62, %eq3A : i32
      %convert_element_type3A = arith.extui %eq3A_63 : i1 to i32
      %cond3A = arith.constant 0 : i32
      %cond3A_64 = arith.cmpi ne, %convert_element_type3A, %cond3A : i32
      scf.if %cond3A_64 {
        %run_scoped3A_121 = arith.constant 0 : i32
        "tpu.region"() ({
          %run_scoped3A_123 = tpu.sem_alloc : memref<!tpu.dma_semaphore, #tpu.memory_space<semaphore_mem>>
          %dma_start3A_124 = arith.constant 0 : i32
          %dma_start3A_125 = arith.constant 0 : i32
          %dma_start3A_126 = tpu.memref_slice %arg6[%dma_start3A_124, %dma_start3A_125] : memref<40x128xi32, #tpu.memory_space<vmem>> -> memref<39x128xi32, #tpu.memory_space<vmem>>
          %dma_start3A_127 = arith.constant 0 : i32
          %dma_start3A_128 = tpu.memref_slice %arg2[%run_scoped3A_121, %add3A_61, %dma_start3A_127] : memref<2x2500x128xi32, #tpu.memory_space<hbm>> -> memref<1x39x128xi32, #tpu.memory_space<hbm>>
          %dma_start3A_129 = tpu.memref_squeeze %dma_start3A_128 : memref<1x39x128xi32, #tpu.memory_space<hbm>> -> memref<39x128xi32, #tpu.memory_space<hbm>>
          %dma_start3A_130 = arith.constant 0 : i32
          %dma_start3A_131 = arith.constant 0 : i32
          %dma_start3A_132 = tpu.memref_slice %arg6[%dma_start3A_130, %dma_start3A_131] : memref<40x128xi32, #tpu.memory_space<vmem>> -> memref<39x128xi32, #tpu.memory_space<vmem>>
          %dma_start3A_133 = arith.constant 0 : i32
          %dma_start3A_134 = tpu.memref_slice %arg2[%run_scoped3A_121, %add3A_61, %dma_start3A_133] : memref<2x2500x128xi32, #tpu.memory_space<hbm>> -> memref<1x39x128xi32, #tpu.memory_space<hbm>>
          %dma_start3A_135 = tpu.memref_squeeze %dma_start3A_134 : memref<1x39x128xi32, #tpu.memory_space<hbm>> -> memref<39x128xi32, #tpu.memory_space<hbm>>
          tpu.enqueue_dma source(%dma_start3A_135 : memref<39x128xi32, #tpu.memory_space<hbm>>) target(%dma_start3A_132 : memref<39x128xi32, #tpu.memory_space<vmem>>) target_semaphore(%run_scoped3A_123 : memref<!tpu.dma_semaphore, #tpu.memory_space<semaphore_mem>>)
          %dma_wait3A_136 = arith.constant 0 : i32
          %dma_wait3A_137 = arith.constant 0 : i32
          %dma_wait3A_138 = tpu.memref_slice %arg6[%dma_wait3A_136, %dma_wait3A_137] : memref<40x128xi32, #tpu.memory_space<vmem>> -> memref<39x128xi32, #tpu.memory_space<vmem>>
          %dma_wait3A_139 = arith.constant 0 : i32
          %dma_wait3A_140 = tpu.memref_slice %arg2[%run_scoped3A_121, %add3A_61, %dma_wait3A_139] : memref<2x2500x128xi32, #tpu.memory_space<hbm>> -> memref<1x39x128xi32, #tpu.memory_space<hbm>>
          %dma_wait3A_141 = tpu.memref_squeeze %dma_wait3A_140 : memref<1x39x128xi32, #tpu.memory_space<hbm>> -> memref<39x128xi32, #tpu.memory_space<hbm>>
          %dma_wait3A_142 = arith.constant 0 : i32
          %dma_wait3A_143 = arith.constant 0 : i32
          %dma_wait3A_144 = tpu.memref_slice %arg6[%dma_wait3A_142, %dma_wait3A_143] : memref<40x128xi32, #tpu.memory_space<vmem>> -> memref<39x128xi32, #tpu.memory_space<vmem>>
          %dma_wait3A_145 = arith.constant 0 : i32
          %dma_wait3A_146 = tpu.memref_slice %arg2[%run_scoped3A_121, %add3A_61, %dma_wait3A_145] : memref<2x2500x128xi32, #tpu.memory_space<hbm>> -> memref<1x39x128xi32, #tpu.memory_space<hbm>>
          %dma_wait3A_147 = tpu.memref_squeeze %dma_wait3A_146 : memref<1x39x128xi32, #tpu.memory_space<hbm>> -> memref<39x128xi32, #tpu.memory_space<hbm>>
          tpu.wait_dma2 semaphore(%run_scoped3A_123 : memref<!tpu.dma_semaphore, #tpu.memory_space<semaphore_mem>>) src(%dma_wait3A_147 : memref<39x128xi32, #tpu.memory_space<hbm>>) dst(%dma_wait3A_144 : memref<39x128xi32, #tpu.memory_space<vmem>>)
          tpu.yield
        }) : () -> ()
        %run_scoped3A_122 = arith.constant 1 : i32
        "tpu.region"() ({
          %run_scoped3A_123 = tpu.sem_alloc : memref<!tpu.dma_semaphore, #tpu.memory_space<semaphore_mem>>
          %dma_start3A_124 = arith.constant 0 : i32
          %dma_start3A_125 = arith.constant 0 : i32
          %dma_start3A_126 = tpu.memref_slice %arg7[%dma_start3A_124, %dma_start3A_125] : memref<40x128xi32, #tpu.memory_space<vmem>> -> memref<39x128xi32, #tpu.memory_space<vmem>>
          %dma_start3A_127 = arith.constant 0 : i32
          %dma_start3A_128 = tpu.memref_slice %arg2[%run_scoped3A_122, %add3A_61, %dma_start3A_127] : memref<2x2500x128xi32, #tpu.memory_space<hbm>> -> memref<1x39x128xi32, #tpu.memory_space<hbm>>
          %dma_start3A_129 = tpu.memref_squeeze %dma_start3A_128 : memref<1x39x128xi32, #tpu.memory_space<hbm>> -> memref<39x128xi32, #tpu.memory_space<hbm>>
          %dma_start3A_130 = arith.constant 0 : i32
          %dma_start3A_131 = arith.constant 0 : i32
          %dma_start3A_132 = tpu.memref_slice %arg7[%dma_start3A_130, %dma_start3A_131] : memref<40x128xi32, #tpu.memory_space<vmem>> -> memref<39x128xi32, #tpu.memory_space<vmem>>
          %dma_start3A_133 = arith.constant 0 : i32
          %dma_start3A_134 = tpu.memref_slice %arg2[%run_scoped3A_122, %add3A_61, %dma_start3A_133] : memref<2x2500x128xi32, #tpu.memory_space<hbm>> -> memref<1x39x128xi32, #tpu.memory_space<hbm>>
          %dma_start3A_135 = tpu.memref_squeeze %dma_start3A_134 : memref<1x39x128xi32, #tpu.memory_space<hbm>> -> memref<39x128xi32, #tpu.memory_space<hbm>>
          tpu.enqueue_dma source(%dma_start3A_135 : memref<39x128xi32, #tpu.memory_space<hbm>>) target(%dma_start3A_132 : memref<39x128xi32, #tpu.memory_space<vmem>>) target_semaphore(%run_scoped3A_123 : memref<!tpu.dma_semaphore, #tpu.memory_space<semaphore_mem>>)
          %dma_wait3A_136 = arith.constant 0 : i32
          %dma_wait3A_137 = arith.constant 0 : i32
          %dma_wait3A_138 = tpu.memref_slice %arg7[%dma_wait3A_136, %dma_wait3A_137] : memref<40x128xi32, #tpu.memory_space<vmem>> -> memref<39x128xi32, #tpu.memory_space<vmem>>
          %dma_wait3A_139 = arith.constant 0 : i32
          %dma_wait3A_140 = tpu.memref_slice %arg2[%run_scoped3A_122, %add3A_61, %dma_wait3A_139] : memref<2x2500x128xi32, #tpu.memory_space<hbm>> -> memref<1x39x128xi32, #tpu.memory_space<hbm>>
          %dma_wait3A_141 = tpu.memref_squeeze %dma_wait3A_140 : memref<1x39x128xi32, #tpu.memory_space<hbm>> -> memref<39x128xi32, #tpu.memory_space<hbm>>
          %dma_wait3A_142 = arith.constant 0 : i32
          %dma_wait3A_143 = arith.constant 0 : i32
          %dma_wait3A_144 = tpu.memref_slice %arg7[%dma_wait3A_142, %dma_wait3A_143] : memref<40x128xi32, #tpu.memory_space<vmem>> -> memref<39x128xi32, #tpu.memory_space<vmem>>
          %dma_wait3A_145 = arith.constant 0 : i32
          %dma_wait3A_146 = tpu.memref_slice %arg2[%run_scoped3A_122, %add3A_61, %dma_wait3A_145] : memref<2x2500x128xi32, #tpu.memory_space<hbm>> -> memref<1x39x128xi32, #tpu.memory_space<hbm>>
          %dma_wait3A_147 = tpu.memref_squeeze %dma_wait3A_146 : memref<1x39x128xi32, #tpu.memory_space<hbm>> -> memref<39x128xi32, #tpu.memory_space<hbm>>
          tpu.wait_dma2 semaphore(%run_scoped3A_123 : memref<!tpu.dma_semaphore, #tpu.memory_space<semaphore_mem>>) src(%dma_wait3A_147 : memref<39x128xi32, #tpu.memory_space<hbm>>) dst(%dma_wait3A_144 : memref<39x128xi32, #tpu.memory_space<vmem>>)
          tpu.yield
        }) : () -> ()
      } else {
      }
      %eq3A_65 = arith.constant 38 : i32
      %eq3A_66 = arith.cmpi eq, %sub3A_62, %eq3A_65 : i32
      %convert_element_type3A_67 = arith.extui %eq3A_66 : i1 to i32
      %cond3A_68 = arith.constant 0 : i32
      %cond3A_69 = arith.cmpi ne, %convert_element_type3A_67, %cond3A_68 : i32
      scf.if %cond3A_69 {
        %run_scoped3A_121 = arith.constant 0 : i32
        "tpu.region"() ({
          %run_scoped3A_123 = tpu.sem_alloc : memref<!tpu.dma_semaphore, #tpu.memory_space<semaphore_mem>>
          %dma_start3A_124 = arith.constant 0 : i32
          %dma_start3A_125 = arith.constant 0 : i32
          %dma_start3A_126 = tpu.memref_slice %arg6[%dma_start3A_124, %dma_start3A_125] : memref<40x128xi32, #tpu.memory_space<vmem>> -> memref<38x128xi32, #tpu.memory_space<vmem>>
          %dma_start3A_127 = arith.constant 0 : i32
          %dma_start3A_128 = tpu.memref_slice %arg2[%run_scoped3A_121, %add3A_61, %dma_start3A_127] : memref<2x2500x128xi32, #tpu.memory_space<hbm>> -> memref<1x38x128xi32, #tpu.memory_space<hbm>>
          %dma_start3A_129 = tpu.memref_squeeze %dma_start3A_128 : memref<1x38x128xi32, #tpu.memory_space<hbm>> -> memref<38x128xi32, #tpu.memory_space<hbm>>
          %dma_start3A_130 = arith.constant 0 : i32
          %dma_start3A_131 = arith.constant 0 : i32
          %dma_start3A_132 = tpu.memref_slice %arg6[%dma_start3A_130, %dma_start3A_131] : memref<40x128xi32, #tpu.memory_space<vmem>> -> memref<38x128xi32, #tpu.memory_space<vmem>>
          %dma_start3A_133 = arith.constant 0 : i32
          %dma_start3A_134 = tpu.memref_slice %arg2[%run_scoped3A_121, %add3A_61, %dma_start3A_133] : memref<2x2500x128xi32, #tpu.memory_space<hbm>> -> memref<1x38x128xi32, #tpu.memory_space<hbm>>
          %dma_start3A_135 = tpu.memref_squeeze %dma_start3A_134 : memref<1x38x128xi32, #tpu.memory_space<hbm>> -> memref<38x128xi32, #tpu.memory_space<hbm>>
          tpu.enqueue_dma source(%dma_start3A_135 : memref<38x128xi32, #tpu.memory_space<hbm>>) target(%dma_start3A_132 : memref<38x128xi32, #tpu.memory_space<vmem>>) target_semaphore(%run_scoped3A_123 : memref<!tpu.dma_semaphore, #tpu.memory_space<semaphore_mem>>)
          %dma_wait3A_136 = arith.constant 0 : i32
          %dma_wait3A_137 = arith.constant 0 : i32
          %dma_wait3A_138 = tpu.memref_slice %arg6[%dma_wait3A_136, %dma_wait3A_137] : memref<40x128xi32, #tpu.memory_space<vmem>> -> memref<38x128xi32, #tpu.memory_space<vmem>>
          %dma_wait3A_139 = arith.constant 0 : i32
          %dma_wait3A_140 = tpu.memref_slice %arg2[%run_scoped3A_121, %add3A_61, %dma_wait3A_139] : memref<2x2500x128xi32, #tpu.memory_space<hbm>> -> memref<1x38x128xi32, #tpu.memory_space<hbm>>
          %dma_wait3A_141 = tpu.memref_squeeze %dma_wait3A_140 : memref<1x38x128xi32, #tpu.memory_space<hbm>> -> memref<38x128xi32, #tpu.memory_space<hbm>>
          %dma_wait3A_142 = arith.constant 0 : i32
          %dma_wait3A_143 = arith.constant 0 : i32
          %dma_wait3A_144 = tpu.memref_slice %arg6[%dma_wait3A_142, %dma_wait3A_143] : memref<40x128xi32, #tpu.memory_space<vmem>> -> memref<38x128xi32, #tpu.memory_space<vmem>>
          %dma_wait3A_145 = arith.constant 0 : i32
          %dma_wait3A_146 = tpu.memref_slice %arg2[%run_scoped3A_121, %add3A_61, %dma_wait3A_145] : memref<2x2500x128xi32, #tpu.memory_space<hbm>> -> memref<1x38x128xi32, #tpu.memory_space<hbm>>
          %dma_wait3A_147 = tpu.memref_squeeze %dma_wait3A_146 : memref<1x38x128xi32, #tpu.memory_space<hbm>> -> memref<38x128xi32, #tpu.memory_space<hbm>>
          tpu.wait_dma2 semaphore(%run_scoped3A_123 : memref<!tpu.dma_semaphore, #tpu.memory_space<semaphore_mem>>) src(%dma_wait3A_147 : memref<38x128xi32, #tpu.memory_space<hbm>>) dst(%dma_wait3A_144 : memref<38x128xi32, #tpu.memory_space<vmem>>)
          tpu.yield
        }) : () -> ()
        %run_scoped3A_122 = arith.constant 1 : i32
        "tpu.region"() ({
          %run_scoped3A_123 = tpu.sem_alloc : memref<!tpu.dma_semaphore, #tpu.memory_space<semaphore_mem>>
          %dma_start3A_124 = arith.constant 0 : i32
          %dma_start3A_125 = arith.constant 0 : i32
          %dma_start3A_126 = tpu.memref_slice %arg7[%dma_start3A_124, %dma_start3A_125] : memref<40x128xi32, #tpu.memory_space<vmem>> -> memref<38x128xi32, #tpu.memory_space<vmem>>
          %dma_start3A_127 = arith.constant 0 : i32
          %dma_start3A_128 = tpu.memref_slice %arg2[%run_scoped3A_122, %add3A_61, %dma_start3A_127] : memref<2x2500x128xi32, #tpu.memory_space<hbm>> -> memref<1x38x128xi32, #tpu.memory_space<hbm>>
          %dma_start3A_129 = tpu.memref_squeeze %dma_start3A_128 : memref<1x38x128xi32, #tpu.memory_space<hbm>> -> memref<38x128xi32, #tpu.memory_space<hbm>>
          %dma_start3A_130 = arith.constant 0 : i32
          %dma_start3A_131 = arith.constant 0 : i32
          %dma_start3A_132 = tpu.memref_slice %arg7[%dma_start3A_130, %dma_start3A_131] : memref<40x128xi32, #tpu.memory_space<vmem>> -> memref<38x128xi32, #tpu.memory_space<vmem>>
          %dma_start3A_133 = arith.constant 0 : i32
          %dma_start3A_134 = tpu.memref_slice %arg2[%run_scoped3A_122, %add3A_61, %dma_start3A_133] : memref<2x2500x128xi32, #tpu.memory_space<hbm>> -> memref<1x38x128xi32, #tpu.memory_space<hbm>>
          %dma_start3A_135 = tpu.memref_squeeze %dma_start3A_134 : memref<1x38x128xi32, #tpu.memory_space<hbm>> -> memref<38x128xi32, #tpu.memory_space<hbm>>
          tpu.enqueue_dma source(%dma_start3A_135 : memref<38x128xi32, #tpu.memory_space<hbm>>) target(%dma_start3A_132 : memref<38x128xi32, #tpu.memory_space<vmem>>) target_semaphore(%run_scoped3A_123 : memref<!tpu.dma_semaphore, #tpu.memory_space<semaphore_mem>>)
          %dma_wait3A_136 = arith.constant 0 : i32
          %dma_wait3A_137 = arith.constant 0 : i32
          %dma_wait3A_138 = tpu.memref_slice %arg7[%dma_wait3A_136, %dma_wait3A_137] : memref<40x128xi32, #tpu.memory_space<vmem>> -> memref<38x128xi32, #tpu.memory_space<vmem>>
          %dma_wait3A_139 = arith.constant 0 : i32
          %dma_wait3A_140 = tpu.memref_slice %arg2[%run_scoped3A_122, %add3A_61, %dma_wait3A_139] : memref<2x2500x128xi32, #tpu.memory_space<hbm>> -> memref<1x38x128xi32, #tpu.memory_space<hbm>>
          %dma_wait3A_141 = tpu.memref_squeeze %dma_wait3A_140 : memref<1x38x128xi32, #tpu.memory_space<hbm>> -> memref<38x128xi32, #tpu.memory_space<hbm>>
          %dma_wait3A_142 = arith.constant 0 : i32
          %dma_wait3A_143 = arith.constant 0 : i32
          %dma_wait3A_144 = tpu.memref_slice %arg7[%dma_wait3A_142, %dma_wait3A_143] : memref<40x128xi32, #tpu.memory_space<vmem>> -> memref<38x128xi32, #tpu.memory_space<vmem>>
          %dma_wait3A_145 = arith.constant 0 : i32
          %dma_wait3A_146 = tpu.memref_slice %arg2[%run_scoped3A_122, %add3A_61, %dma_wait3A_145] : memref<2x2500x128xi32, #tpu.memory_space<hbm>> -> memref<1x38x128xi32, #tpu.memory_space<hbm>>
          %dma_wait3A_147 = tpu.memref_squeeze %dma_wait3A_146 : memref<1x38x128xi32, #tpu.memory_space<hbm>> -> memref<38x128xi32, #tpu.memory_space<hbm>>
          tpu.wait_dma2 semaphore(%run_scoped3A_123 : memref<!tpu.dma_semaphore, #tpu.memory_space<semaphore_mem>>) src(%dma_wait3A_147 : memref<38x128xi32, #tpu.memory_space<hbm>>) dst(%dma_wait3A_144 : memref<38x128xi32, #tpu.memory_space<vmem>>)
          tpu.yield
        }) : () -> ()
      } else {
      }
      %broadcast_in_dim3A = arith.constant 0 : i32
      %broadcast_in_dim3A_70 = vector.broadcast %broadcast_in_dim3A : i32 to vector<16xi32>
      %iota3A = tpu.iota {dimensions = array<i32: 0>} : vector<16xi32>
      %add3A_71 = arith.constant 10000 : i32
      %add3A_72 = vector.broadcast %add3A_71 : i32 to vector<16xi32>
      %add3A_73 = arith.addi %add3A_72, %iota3A : vector<16xi32>
      %le3A = arith.constant 38 : i32
      %le3A_74 = arith.cmpi sle, %sub3A_62, %le3A : i32
      %convert_element_type3A_75 = arith.extui %le3A_74 : i1 to i32
      %cond3A_76 = arith.constant 0 : i32
      %cond3A_77 = arith.cmpi ne, %convert_element_type3A_75, %cond3A_76 : i32
      scf.if %cond3A_77 {
        %swap3A = arith.constant 38 : i32
        %swap3A_121 = arith.index_cast %swap3A : i32 to index
        %swap3A_122 = arith.constant 0 : index
        %swap3A_123 = tpu.vector_load %arg6[%swap3A_121, %swap3A_122] {strides = array<i32>} : memref<40x128xi32, #tpu.memory_space<vmem>>, vector<1x16xi32>,
        %swap3A_124 = vector.shape_cast %swap3A_123 : vector<1x16xi32> to vector<16xi32>
        %swap3A_125 = vector.shape_cast %broadcast_in_dim3A_70 : vector<16xi32> to vector<1x16xi32>
        tpu.vector_store %arg6[%swap3A_121, %swap3A_122], %swap3A_125 {strides = array<i32>} : memref<40x128xi32, #tpu.memory_space<vmem>>, vector<1x16xi32>,
        %swap3A_126 = arith.constant 38 : i32
        %swap3A_127 = arith.index_cast %swap3A_126 : i32 to index
        %swap3A_128 = arith.constant 0 : index
        %swap3A_129 = tpu.vector_load %arg7[%swap3A_127, %swap3A_128] {strides = array<i32>} : memref<40x128xi32, #tpu.memory_space<vmem>>, vector<1x16xi32>,
        %swap3A_130 = vector.shape_cast %swap3A_129 : vector<1x16xi32> to vector<16xi32>
        %swap3A_131 = vector.shape_cast %add3A_73 : vector<16xi32> to vector<1x16xi32>
        tpu.vector_store %arg7[%swap3A_127, %swap3A_128], %swap3A_131 {strides = array<i32>} : memref<40x128xi32, #tpu.memory_space<vmem>>, vector<1x16xi32>,
        %swap3A_132 = arith.constant 38 : i32
        %swap3A_133 = arith.index_cast %swap3A_132 : i32 to index
        %swap3A_134 = arith.constant 16 : index
        %swap3A_135 = tpu.vector_load %arg6[%swap3A_133, %swap3A_134] {strides = array<i32>} : memref<40x128xi32, #tpu.memory_space<vmem>>, vector<1x16xi32>,
        %swap3A_136 = vector.shape_cast %swap3A_135 : vector<1x16xi32> to vector<16xi32>
        %swap3A_137 = vector.shape_cast %broadcast_in_dim3A_70 : vector<16xi32> to vector<1x16xi32>
        tpu.vector_store %arg6[%swap3A_133, %swap3A_134], %swap3A_137 {strides = array<i32>} : memref<40x128xi32, #tpu.memory_space<vmem>>, vector<1x16xi32>,
        %swap3A_138 = arith.constant 38 : i32
        %swap3A_139 = arith.index_cast %swap3A_138 : i32 to index
        %swap3A_140 = arith.constant 16 : index
        %swap3A_141 = tpu.vector_load %arg7[%swap3A_139, %swap3A_140] {strides = array<i32>} : memref<40x128xi32, #tpu.memory_space<vmem>>, vector<1x16xi32>,
        %swap3A_142 = vector.shape_cast %swap3A_141 : vector<1x16xi32> to vector<16xi32>
        %swap3A_143 = vector.shape_cast %add3A_73 : vector<16xi32> to vector<1x16xi32>
        tpu.vector_store %arg7[%swap3A_139, %swap3A_140], %swap3A_143 {strides = array<i32>} : memref<40x128xi32, #tpu.memory_space<vmem>>, vector<1x16xi32>,
        %swap3A_144 = arith.constant 38 : i32
        %swap3A_145 = arith.index_cast %swap3A_144 : i32 to index
        %swap3A_146 = arith.constant 32 : index
        %swap3A_147 = tpu.vector_load %arg6[%swap3A_145, %swap3A_146] {strides = array<i32>} : memref<40x128xi32, #tpu.memory_space<vmem>>, vector<1x16xi32>,
        %swap3A_148 = vector.shape_cast %swap3A_147 : vector<1x16xi32> to vector<16xi32>
        %swap3A_149 = vector.shape_cast %broadcast_in_dim3A_70 : vector<16xi32> to vector<1x16xi32>
        tpu.vector_store %arg6[%swap3A_145, %swap3A_146], %swap3A_149 {strides = array<i32>} : memref<40x128xi32, #tpu.memory_space<vmem>>, vector<1x16xi32>,
        %swap3A_150 = arith.constant 38 : i32
        %swap3A_151 = arith.index_cast %swap3A_150 : i32 to index
        %swap3A_152 = arith.constant 32 : index
        %swap3A_153 = tpu.vector_load %arg7[%swap3A_151, %swap3A_152] {strides = array<i32>} : memref<40x128xi32, #tpu.memory_space<vmem>>, vector<1x16xi32>,
        %swap3A_154 = vector.shape_cast %swap3A_153 : vector<1x16xi32> to vector<16xi32>
        %swap3A_155 = vector.shape_cast %add3A_73 : vector<16xi32> to vector<1x16xi32>
        tpu.vector_store %arg7[%swap3A_151, %swap3A_152], %swap3A_155 {strides = array<i32>} : memref<40x128xi32, #tpu.memory_space<vmem>>, vector<1x16xi32>,
        %swap3A_156 = arith.constant 38 : i32
        %swap3A_157 = arith.index_cast %swap3A_156 : i32 to index
        %swap3A_158 = arith.constant 48 : index
        %swap3A_159 = tpu.vector_load %arg6[%swap3A_157, %swap3A_158] {strides = array<i32>} : memref<40x128xi32, #tpu.memory_space<vmem>>, vector<1x16xi32>,
        %swap3A_160 = vector.shape_cast %swap3A_159 : vector<1x16xi32> to vector<16xi32>
        %swap3A_161 = vector.shape_cast %broadcast_in_dim3A_70 : vector<16xi32> to vector<1x16xi32>
        tpu.vector_store %arg6[%swap3A_157, %swap3A_158], %swap3A_161 {strides = array<i32>} : memref<40x128xi32, #tpu.memory_space<vmem>>, vector<1x16xi32>,
        %swap3A_162 = arith.constant 38 : i32
        %swap3A_163 = arith.index_cast %swap3A_162 : i32 to index
        %swap3A_164 = arith.constant 48 : index
        %swap3A_165 = tpu.vector_load %arg7[%swap3A_163, %swap3A_164] {strides = array<i32>} : memref<40x128xi32, #tpu.memory_space<vmem>>, vector<1x16xi32>,
        %swap3A_166 = vector.shape_cast %swap3A_165 : vector<1x16xi32> to vector<16xi32>
        %swap3A_167 = vector.shape_cast %add3A_73 : vector<16xi32> to vector<1x16xi32>
        tpu.vector_store %arg7[%swap3A_163, %swap3A_164], %swap3A_167 {strides = array<i32>} : memref<40x128xi32, #tpu.memory_space<vmem>>, vector<1x16xi32>,
        %swap3A_168 = arith.constant 38 : i32
        %swap3A_169 = arith.index_cast %swap3A_168 : i32 to index
        %swap3A_170 = arith.constant 64 : index
        %swap3A_171 = tpu.vector_load %arg6[%swap3A_169, %swap3A_170] {strides = array<i32>} : memref<40x128xi32, #tpu.memory_space<vmem>>, vector<1x16xi32>,
        %swap3A_172 = vector.shape_cast %swap3A_171 : vector<1x16xi32> to vector<16xi32>
        %swap3A_173 = vector.shape_cast %broadcast_in_dim3A_70 : vector<16xi32> to vector<1x16xi32>
        tpu.vector_store %arg6[%swap3A_169, %swap3A_170], %swap3A_173 {strides = array<i32>} : memref<40x128xi32, #tpu.memory_space<vmem>>, vector<1x16xi32>,
        %swap3A_174 = arith.constant 38 : i32
        %swap3A_175 = arith.index_cast %swap3A_174 : i32 to index
        %swap3A_176 = arith.constant 64 : index
        %swap3A_177 = tpu.vector_load %arg7[%swap3A_175, %swap3A_176] {strides = array<i32>} : memref<40x128xi32, #tpu.memory_space<vmem>>, vector<1x16xi32>,
        %swap3A_178 = vector.shape_cast %swap3A_177 : vector<1x16xi32> to vector<16xi32>
        %swap3A_179 = vector.shape_cast %add3A_73 : vector<16xi32> to vector<1x16xi32>
        tpu.vector_store %arg7[%swap3A_175, %swap3A_176], %swap3A_179 {strides = array<i32>} : memref<40x128xi32, #tpu.memory_space<vmem>>, vector<1x16xi32>,
        %swap3A_180 = arith.constant 38 : i32
        %swap3A_181 = arith.index_cast %swap3A_180 : i32 to index
        %swap3A_182 = arith.constant 80 : index
        %swap3A_183 = tpu.vector_load %arg6[%swap3A_181, %swap3A_182] {strides = array<i32>} : memref<40x128xi32, #tpu.memory_space<vmem>>, vector<1x16xi32>,
        %swap3A_184 = vector.shape_cast %swap3A_183 : vector<1x16xi32> to vector<16xi32>
        %swap3A_185 = vector.shape_cast %broadcast_in_dim3A_70 : vector<16xi32> to vector<1x16xi32>
        tpu.vector_store %arg6[%swap3A_181, %swap3A_182], %swap3A_185 {strides = array<i32>} : memref<40x128xi32, #tpu.memory_space<vmem>>, vector<1x16xi32>,
        %swap3A_186 = arith.constant 38 : i32
        %swap3A_187 = arith.index_cast %swap3A_186 : i32 to index
        %swap3A_188 = arith.constant 80 : index
        %swap3A_189 = tpu.vector_load %arg7[%swap3A_187, %swap3A_188] {strides = array<i32>} : memref<40x128xi32, #tpu.memory_space<vmem>>, vector<1x16xi32>,
        %swap3A_190 = vector.shape_cast %swap3A_189 : vector<1x16xi32> to vector<16xi32>
        %swap3A_191 = vector.shape_cast %add3A_73 : vector<16xi32> to vector<1x16xi32>
        tpu.vector_store %arg7[%swap3A_187, %swap3A_188], %swap3A_191 {strides = array<i32>} : memref<40x128xi32, #tpu.memory_space<vmem>>, vector<1x16xi32>,
        %swap3A_192 = arith.constant 38 : i32
        %swap3A_193 = arith.index_cast %swap3A_192 : i32 to index
        %swap3A_194 = arith.constant 96 : index
        %swap3A_195 = tpu.vector_load %arg6[%swap3A_193, %swap3A_194] {strides = array<i32>} : memref<40x128xi32, #tpu.memory_space<vmem>>, vector<1x16xi32>,
        %swap3A_196 = vector.shape_cast %swap3A_195 : vector<1x16xi32> to vector<16xi32>
        %swap3A_197 = vector.shape_cast %broadcast_in_dim3A_70 : vector<16xi32> to vector<1x16xi32>
        tpu.vector_store %arg6[%swap3A_193, %swap3A_194], %swap3A_197 {strides = array<i32>} : memref<40x128xi32, #tpu.memory_space<vmem>>, vector<1x16xi32>,
        %swap3A_198 = arith.constant 38 : i32
        %swap3A_199 = arith.index_cast %swap3A_198 : i32 to index
        %swap3A_200 = arith.constant 96 : index
        %swap3A_201 = tpu.vector_load %arg7[%swap3A_199, %swap3A_200] {strides = array<i32>} : memref<40x128xi32, #tpu.memory_space<vmem>>, vector<1x16xi32>,
        %swap3A_202 = vector.shape_cast %swap3A_201 : vector<1x16xi32> to vector<16xi32>
        %swap3A_203 = vector.shape_cast %add3A_73 : vector<16xi32> to vector<1x16xi32>
        tpu.vector_store %arg7[%swap3A_199, %swap3A_200], %swap3A_203 {strides = array<i32>} : memref<40x128xi32, #tpu.memory_space<vmem>>, vector<1x16xi32>,
        %swap3A_204 = arith.constant 38 : i32
        %swap3A_205 = arith.index_cast %swap3A_204 : i32 to index
        %swap3A_206 = arith.constant 112 : index
        %swap3A_207 = tpu.vector_load %arg6[%swap3A_205, %swap3A_206] {strides = array<i32>} : memref<40x128xi32, #tpu.memory_space<vmem>>, vector<1x16xi32>,
        %swap3A_208 = vector.shape_cast %swap3A_207 : vector<1x16xi32> to vector<16xi32>
        %swap3A_209 = vector.shape_cast %broadcast_in_dim3A_70 : vector<16xi32> to vector<1x16xi32>
        tpu.vector_store %arg6[%swap3A_205, %swap3A_206], %swap3A_209 {strides = array<i32>} : memref<40x128xi32, #tpu.memory_space<vmem>>, vector<1x16xi32>,
        %swap3A_210 = arith.constant 38 : i32
        %swap3A_211 = arith.index_cast %swap3A_210 : i32 to index
        %swap3A_212 = arith.constant 112 : index
        %swap3A_213 = tpu.vector_load %arg7[%swap3A_211, %swap3A_212] {strides = array<i32>} : memref<40x128xi32, #tpu.memory_space<vmem>>, vector<1x16xi32>,
        %swap3A_214 = vector.shape_cast %swap3A_213 : vector<1x16xi32> to vector<16xi32>
        %swap3A_215 = vector.shape_cast %add3A_73 : vector<16xi32> to vector<1x16xi32>
        tpu.vector_store %arg7[%swap3A_211, %swap3A_212], %swap3A_215 {strides = array<i32>} : memref<40x128xi32, #tpu.memory_space<vmem>>, vector<1x16xi32>,
      } else {
      }
      %le3A_78 = arith.constant 39 : i32
      %le3A_79 = arith.cmpi sle, %sub3A_62, %le3A_78 : i32
      %convert_element_type3A_80 = arith.extui %le3A_79 : i1 to i32
      %cond3A_81 = arith.constant 0 : i32
      %cond3A_82 = arith.cmpi ne, %convert_element_type3A_80, %cond3A_81 : i32
      scf.if %cond3A_82 {
        %swap3A = arith.constant 39 : i32
        %swap3A_121 = arith.index_cast %swap3A : i32 to index
        %swap3A_122 = arith.constant 0 : index
        %swap3A_123 = tpu.vector_load %arg6[%swap3A_121, %swap3A_122] {strides = array<i32>} : memref<40x128xi32, #tpu.memory_space<vmem>>, vector<1x16xi32>,
        %swap3A_124 = vector.shape_cast %swap3A_123 : vector<1x16xi32> to vector<16xi32>
        %swap3A_125 = vector.shape_cast %broadcast_in_dim3A_70 : vector<16xi32> to vector<1x16xi32>
        tpu.vector_store %arg6[%swap3A_121, %swap3A_122], %swap3A_125 {strides = array<i32>} : memref<40x128xi32, #tpu.memory_space<vmem>>, vector<1x16xi32>,
        %swap3A_126 = arith.constant 39 : i32
        %swap3A_127 = arith.index_cast %swap3A_126 : i32 to index
        %swap3A_128 = arith.constant 0 : index
        %swap3A_129 = tpu.vector_load %arg7[%swap3A_127, %swap3A_128] {strides = array<i32>} : memref<40x128xi32, #tpu.memory_space<vmem>>, vector<1x16xi32>,
        %swap3A_130 = vector.shape_cast %swap3A_129 : vector<1x16xi32> to vector<16xi32>
        %swap3A_131 = vector.shape_cast %add3A_73 : vector<16xi32> to vector<1x16xi32>
        tpu.vector_store %arg7[%swap3A_127, %swap3A_128], %swap3A_131 {strides = array<i32>} : memref<40x128xi32, #tpu.memory_space<vmem>>, vector<1x16xi32>,
        %swap3A_132 = arith.constant 39 : i32
        %swap3A_133 = arith.index_cast %swap3A_132 : i32 to index
        %swap3A_134 = arith.constant 16 : index
        %swap3A_135 = tpu.vector_load %arg6[%swap3A_133, %swap3A_134] {strides = array<i32>} : memref<40x128xi32, #tpu.memory_space<vmem>>, vector<1x16xi32>,
        %swap3A_136 = vector.shape_cast %swap3A_135 : vector<1x16xi32> to vector<16xi32>
        %swap3A_137 = vector.shape_cast %broadcast_in_dim3A_70 : vector<16xi32> to vector<1x16xi32>
        tpu.vector_store %arg6[%swap3A_133, %swap3A_134], %swap3A_137 {strides = array<i32>} : memref<40x128xi32, #tpu.memory_space<vmem>>, vector<1x16xi32>,
        %swap3A_138 = arith.constant 39 : i32
        %swap3A_139 = arith.index_cast %swap3A_138 : i32 to index
        %swap3A_140 = arith.constant 16 : index
        %swap3A_141 = tpu.vector_load %arg7[%swap3A_139, %swap3A_140] {strides = array<i32>} : memref<40x128xi32, #tpu.memory_space<vmem>>, vector<1x16xi32>,
        %swap3A_142 = vector.shape_cast %swap3A_141 : vector<1x16xi32> to vector<16xi32>
        %swap3A_143 = vector.shape_cast %add3A_73 : vector<16xi32> to vector<1x16xi32>
        tpu.vector_store %arg7[%swap3A_139, %swap3A_140], %swap3A_143 {strides = array<i32>} : memref<40x128xi32, #tpu.memory_space<vmem>>, vector<1x16xi32>,
        %swap3A_144 = arith.constant 39 : i32
        %swap3A_145 = arith.index_cast %swap3A_144 : i32 to index
        %swap3A_146 = arith.constant 32 : index
        %swap3A_147 = tpu.vector_load %arg6[%swap3A_145, %swap3A_146] {strides = array<i32>} : memref<40x128xi32, #tpu.memory_space<vmem>>, vector<1x16xi32>,
        %swap3A_148 = vector.shape_cast %swap3A_147 : vector<1x16xi32> to vector<16xi32>
        %swap3A_149 = vector.shape_cast %broadcast_in_dim3A_70 : vector<16xi32> to vector<1x16xi32>
        tpu.vector_store %arg6[%swap3A_145, %swap3A_146], %swap3A_149 {strides = array<i32>} : memref<40x128xi32, #tpu.memory_space<vmem>>, vector<1x16xi32>,
        %swap3A_150 = arith.constant 39 : i32
        %swap3A_151 = arith.index_cast %swap3A_150 : i32 to index
        %swap3A_152 = arith.constant 32 : index
        %swap3A_153 = tpu.vector_load %arg7[%swap3A_151, %swap3A_152] {strides = array<i32>} : memref<40x128xi32, #tpu.memory_space<vmem>>, vector<1x16xi32>,
        %swap3A_154 = vector.shape_cast %swap3A_153 : vector<1x16xi32> to vector<16xi32>
        %swap3A_155 = vector.shape_cast %add3A_73 : vector<16xi32> to vector<1x16xi32>
        tpu.vector_store %arg7[%swap3A_151, %swap3A_152], %swap3A_155 {strides = array<i32>} : memref<40x128xi32, #tpu.memory_space<vmem>>, vector<1x16xi32>,
        %swap3A_156 = arith.constant 39 : i32
        %swap3A_157 = arith.index_cast %swap3A_156 : i32 to index
        %swap3A_158 = arith.constant 48 : index
        %swap3A_159 = tpu.vector_load %arg6[%swap3A_157, %swap3A_158] {strides = array<i32>} : memref<40x128xi32, #tpu.memory_space<vmem>>, vector<1x16xi32>,
        %swap3A_160 = vector.shape_cast %swap3A_159 : vector<1x16xi32> to vector<16xi32>
        %swap3A_161 = vector.shape_cast %broadcast_in_dim3A_70 : vector<16xi32> to vector<1x16xi32>
        tpu.vector_store %arg6[%swap3A_157, %swap3A_158], %swap3A_161 {strides = array<i32>} : memref<40x128xi32, #tpu.memory_space<vmem>>, vector<1x16xi32>,
        %swap3A_162 = arith.constant 39 : i32
        %swap3A_163 = arith.index_cast %swap3A_162 : i32 to index
        %swap3A_164 = arith.constant 48 : index
        %swap3A_165 = tpu.vector_load %arg7[%swap3A_163, %swap3A_164] {strides = array<i32>} : memref<40x128xi32, #tpu.memory_space<vmem>>, vector<1x16xi32>,
        %swap3A_166 = vector.shape_cast %swap3A_165 : vector<1x16xi32> to vector<16xi32>
        %swap3A_167 = vector.shape_cast %add3A_73 : vector<16xi32> to vector<1x16xi32>
        tpu.vector_store %arg7[%swap3A_163, %swap3A_164], %swap3A_167 {strides = array<i32>} : memref<40x128xi32, #tpu.memory_space<vmem>>, vector<1x16xi32>,
        %swap3A_168 = arith.constant 39 : i32
        %swap3A_169 = arith.index_cast %swap3A_168 : i32 to index
        %swap3A_170 = arith.constant 64 : index
        %swap3A_171 = tpu.vector_load %arg6[%swap3A_169, %swap3A_170] {strides = array<i32>} : memref<40x128xi32, #tpu.memory_space<vmem>>, vector<1x16xi32>,
        %swap3A_172 = vector.shape_cast %swap3A_171 : vector<1x16xi32> to vector<16xi32>
        %swap3A_173 = vector.shape_cast %broadcast_in_dim3A_70 : vector<16xi32> to vector<1x16xi32>
        tpu.vector_store %arg6[%swap3A_169, %swap3A_170], %swap3A_173 {strides = array<i32>} : memref<40x128xi32, #tpu.memory_space<vmem>>, vector<1x16xi32>,
        %swap3A_174 = arith.constant 39 : i32
        %swap3A_175 = arith.index_cast %swap3A_174 : i32 to index
        %swap3A_176 = arith.constant 64 : index
        %swap3A_177 = tpu.vector_load %arg7[%swap3A_175, %swap3A_176] {strides = array<i32>} : memref<40x128xi32, #tpu.memory_space<vmem>>, vector<1x16xi32>,
        %swap3A_178 = vector.shape_cast %swap3A_177 : vector<1x16xi32> to vector<16xi32>
        %swap3A_179 = vector.shape_cast %add3A_73 : vector<16xi32> to vector<1x16xi32>
        tpu.vector_store %arg7[%swap3A_175, %swap3A_176], %swap3A_179 {strides = array<i32>} : memref<40x128xi32, #tpu.memory_space<vmem>>, vector<1x16xi32>,
        %swap3A_180 = arith.constant 39 : i32
        %swap3A_181 = arith.index_cast %swap3A_180 : i32 to index
        %swap3A_182 = arith.constant 80 : index
        %swap3A_183 = tpu.vector_load %arg6[%swap3A_181, %swap3A_182] {strides = array<i32>} : memref<40x128xi32, #tpu.memory_space<vmem>>, vector<1x16xi32>,
        %swap3A_184 = vector.shape_cast %swap3A_183 : vector<1x16xi32> to vector<16xi32>
        %swap3A_185 = vector.shape_cast %broadcast_in_dim3A_70 : vector<16xi32> to vector<1x16xi32>
        tpu.vector_store %arg6[%swap3A_181, %swap3A_182], %swap3A_185 {strides = array<i32>} : memref<40x128xi32, #tpu.memory_space<vmem>>, vector<1x16xi32>,
        %swap3A_186 = arith.constant 39 : i32
        %swap3A_187 = arith.index_cast %swap3A_186 : i32 to index
        %swap3A_188 = arith.constant 80 : index
        %swap3A_189 = tpu.vector_load %arg7[%swap3A_187, %swap3A_188] {strides = array<i32>} : memref<40x128xi32, #tpu.memory_space<vmem>>, vector<1x16xi32>,
        %swap3A_190 = vector.shape_cast %swap3A_189 : vector<1x16xi32> to vector<16xi32>
        %swap3A_191 = vector.shape_cast %add3A_73 : vector<16xi32> to vector<1x16xi32>
        tpu.vector_store %arg7[%swap3A_187, %swap3A_188], %swap3A_191 {strides = array<i32>} : memref<40x128xi32, #tpu.memory_space<vmem>>, vector<1x16xi32>,
        %swap3A_192 = arith.constant 39 : i32
        %swap3A_193 = arith.index_cast %swap3A_192 : i32 to index
        %swap3A_194 = arith.constant 96 : index
        %swap3A_195 = tpu.vector_load %arg6[%swap3A_193, %swap3A_194] {strides = array<i32>} : memref<40x128xi32, #tpu.memory_space<vmem>>, vector<1x16xi32>,
        %swap3A_196 = vector.shape_cast %swap3A_195 : vector<1x16xi32> to vector<16xi32>
        %swap3A_197 = vector.shape_cast %broadcast_in_dim3A_70 : vector<16xi32> to vector<1x16xi32>
        tpu.vector_store %arg6[%swap3A_193, %swap3A_194], %swap3A_197 {strides = array<i32>} : memref<40x128xi32, #tpu.memory_space<vmem>>, vector<1x16xi32>,
        %swap3A_198 = arith.constant 39 : i32
        %swap3A_199 = arith.index_cast %swap3A_198 : i32 to index
        %swap3A_200 = arith.constant 96 : index
        %swap3A_201 = tpu.vector_load %arg7[%swap3A_199, %swap3A_200] {strides = array<i32>} : memref<40x128xi32, #tpu.memory_space<vmem>>, vector<1x16xi32>,
        %swap3A_202 = vector.shape_cast %swap3A_201 : vector<1x16xi32> to vector<16xi32>
        %swap3A_203 = vector.shape_cast %add3A_73 : vector<16xi32> to vector<1x16xi32>
        tpu.vector_store %arg7[%swap3A_199, %swap3A_200], %swap3A_203 {strides = array<i32>} : memref<40x128xi32, #tpu.memory_space<vmem>>, vector<1x16xi32>,
        %swap3A_204 = arith.constant 39 : i32
        %swap3A_205 = arith.index_cast %swap3A_204 : i32 to index
        %swap3A_206 = arith.constant 112 : index
        %swap3A_207 = tpu.vector_load %arg6[%swap3A_205, %swap3A_206] {strides = array<i32>} : memref<40x128xi32, #tpu.memory_space<vmem>>, vector<1x16xi32>,
        %swap3A_208 = vector.shape_cast %swap3A_207 : vector<1x16xi32> to vector<16xi32>
        %swap3A_209 = vector.shape_cast %broadcast_in_dim3A_70 : vector<16xi32> to vector<1x16xi32>
        tpu.vector_store %arg6[%swap3A_205, %swap3A_206], %swap3A_209 {strides = array<i32>} : memref<40x128xi32, #tpu.memory_space<vmem>>, vector<1x16xi32>,
        %swap3A_210 = arith.constant 39 : i32
        %swap3A_211 = arith.index_cast %swap3A_210 : i32 to index
        %swap3A_212 = arith.constant 112 : index
        %swap3A_213 = tpu.vector_load %arg7[%swap3A_211, %swap3A_212] {strides = array<i32>} : memref<40x128xi32, #tpu.memory_space<vmem>>, vector<1x16xi32>,
        %swap3A_214 = vector.shape_cast %swap3A_213 : vector<1x16xi32> to vector<16xi32>
        %swap3A_215 = vector.shape_cast %add3A_73 : vector<16xi32> to vector<1x16xi32>
        tpu.vector_store %arg7[%swap3A_211, %swap3A_212], %swap3A_215 {strides = array<i32>} : memref<40x128xi32, #tpu.memory_space<vmem>>, vector<1x16xi32>,
      } else {
      }
      %dma_start3A_83 = arith.constant 0 : i32
      %dma_start3A_84 = arith.constant 0 : i32
      %dma_start3A_85 = tpu.memref_slice %arg6[%dma_start3A_83, %dma_start3A_84] : memref<40x128xi32, #tpu.memory_space<vmem>> -> memref<1x128xi32, #tpu.memory_space<vmem>>
      %dma_start3A_86 = tpu.memref_squeeze %dma_start3A_85 : memref<1x128xi32, #tpu.memory_space<vmem>> -> memref<128xi32, #tpu.memory_space<vmem>>
      %dma_start3A_87 = arith.constant 0 : i32
      %dma_start3A_88 = arith.constant 0 : i32
      %dma_start3A_89 = tpu.memref_slice %arg12[%dma_start3A_87, %dma_start3A_88] : memref<10000x64xf32, #tpu.memory_space<vmem_shared>> -> memref<10000x64xf32, #tpu.memory_space<vmem_shared>>
      tpu.enqueue_indirect_dma source(%dma_start3A_89 : memref<10000x64xf32, #tpu.memory_space<vmem_shared>>) target(%arg8 : memref<128x64xf32, #tpu.memory_space<vmem>>) offsets(%dma_start3A_86 : memref<128xi32, #tpu.memory_space<vmem>>) semaphore(%arg14 : memref<!tpu.dma_semaphore, #tpu.memory_space<semaphore_mem>>)
      %dma_start3A_90 = arith.constant 1 : i32
      %dma_start3A_91 = arith.constant 0 : i32
      %dma_start3A_92 = tpu.memref_slice %arg6[%dma_start3A_90, %dma_start3A_91] : memref<40x128xi32, #tpu.memory_space<vmem>> -> memref<1x128xi32, #tpu.memory_space<vmem>>
      %dma_start3A_93 = tpu.memref_squeeze %dma_start3A_92 : memref<1x128xi32, #tpu.memory_space<vmem>> -> memref<128xi32, #tpu.memory_space<vmem>>
      %dma_start3A_94 = arith.constant 0 : i32
      %dma_start3A_95 = arith.constant 0 : i32
      %dma_start3A_96 = tpu.memref_slice %arg12[%dma_start3A_94, %dma_start3A_95] : memref<10000x64xf32, #tpu.memory_space<vmem_shared>> -> memref<10000x64xf32, #tpu.memory_space<vmem_shared>>
      tpu.enqueue_indirect_dma source(%dma_start3A_96 : memref<10000x64xf32, #tpu.memory_space<vmem_shared>>) target(%arg9 : memref<128x64xf32, #tpu.memory_space<vmem>>) offsets(%dma_start3A_93 : memref<128xi32, #tpu.memory_space<vmem>>) semaphore(%arg15 : memref<!tpu.dma_semaphore, #tpu.memory_space<semaphore_mem>>)
      %scan3A_97 = arith.constant 0 : i32
      %scan3A_98 = arith.constant 10 : i32
      %scan3A_99 = arith.addi %scan3A_97, %scan3A_98 : i32
      %scan3A_100 = arith.constant 1 : i32
      scf.for %scan3A_121 = %scan3A_97 to %scan3A_99 step %scan3A_100  : i32 {
        %mul3A_122 = arith.constant 1 : i32
        %mul3A_123 = arith.muli %scan3A_121, %mul3A_122 : i32
        %add3A_124 = arith.constant 0 : i32
        %add3A_125 = arith.addi %add3A_124, %mul3A_123 : i32
        %mul3A_126 = arith.constant 4 : i32
        %mul3A_127 = arith.muli %mul3A_126, %add3A_125 : i32
        %add3A_128 = arith.constant 0 : i32
        %add3A_129 = arith.addi %mul3A_127, %add3A_128 : i32
        %gt3A = arith.constant 0 : i32
        %gt3A_130 = arith.cmpi sgt, %add3A_125, %gt3A : i32
        %convert_element_type3A_131 = arith.extui %gt3A_130 : i1 to i32
        %cond3A_132 = arith.constant 0 : i32
        %cond3A_133 = arith.cmpi ne, %convert_element_type3A_131, %cond3A_132 : i32
        scf.if %cond3A_133 {
          %dma_wait3A_237 = arith.constant 0 : i32
          %dma_wait3A_238 = arith.constant 0 : i32
          %dma_wait3A_239 = tpu.memref_slice %arg4[%dma_wait3A_237, %dma_wait3A_238] : memref<10112x64xf32, #tpu.memory_space<hbm>> -> memref<128x64xf32, #tpu.memory_space<hbm>>
          %dma_wait3A_240 = arith.constant 0 : i32
          %dma_wait3A_241 = arith.constant 0 : i32
          %dma_wait3A_242 = tpu.memref_slice %arg4[%dma_wait3A_240, %dma_wait3A_241] : memref<10112x64xf32, #tpu.memory_space<hbm>> -> memref<128x64xf32, #tpu.memory_space<hbm>>
          tpu.wait_dma2 semaphore(%arg20 : memref<!tpu.dma_semaphore, #tpu.memory_space<semaphore_mem>>) src(%dma_wait3A_242 : memref<128x64xf32, #tpu.memory_space<hbm>>) dst(%arg10 : memref<128x64xf32, #tpu.memory_space<vmem>>)
        } else {
        }
        %add3A_134 = arith.constant 2 : i32
        %add3A_135 = arith.addi %add3A_129, %add3A_134 : i32
        %dma_start3A_136 = arith.constant 0 : i32
        %dma_start3A_137 = tpu.memref_slice %arg6[%add3A_135, %dma_start3A_136] : memref<40x128xi32, #tpu.memory_space<vmem>> -> memref<1x128xi32, #tpu.memory_space<vmem>>
        %dma_start3A_138 = tpu.memref_squeeze %dma_start3A_137 : memref<1x128xi32, #tpu.memory_space<vmem>> -> memref<128xi32, #tpu.memory_space<vmem>>
        %dma_start3A_139 = arith.constant 0 : i32
        %dma_start3A_140 = arith.constant 0 : i32
        %dma_start3A_141 = tpu.memref_slice %arg12[%dma_start3A_139, %dma_start3A_140] : memref<10000x64xf32, #tpu.memory_space<vmem_shared>> -> memref<10000x64xf32, #tpu.memory_space<vmem_shared>>
        tpu.enqueue_indirect_dma source(%dma_start3A_141 : memref<10000x64xf32, #tpu.memory_space<vmem_shared>>) target(%arg10 : memref<128x64xf32, #tpu.memory_space<vmem>>) offsets(%dma_start3A_138 : memref<128xi32, #tpu.memory_space<vmem>>) semaphore(%arg16 : memref<!tpu.dma_semaphore, #tpu.memory_space<semaphore_mem>>)
        %dma_wait3A_142 = arith.constant 0 : i32
        %dma_wait3A_143 = arith.constant 0 : i32
        %dma_wait3A_144 = tpu.memref_slice %arg4[%dma_wait3A_142, %dma_wait3A_143] : memref<10112x64xf32, #tpu.memory_space<hbm>> -> memref<128x64xf32, #tpu.memory_space<hbm>>
        %dma_wait3A_145 = arith.constant 0 : i32
        %dma_wait3A_146 = arith.constant 0 : i32
        %dma_wait3A_147 = tpu.memref_slice %arg4[%dma_wait3A_145, %dma_wait3A_146] : memref<10112x64xf32, #tpu.memory_space<hbm>> -> memref<128x64xf32, #tpu.memory_space<hbm>>
        tpu.wait_dma2 semaphore(%arg14 : memref<!tpu.dma_semaphore, #tpu.memory_space<semaphore_mem>>) src(%dma_wait3A_147 : memref<128x64xf32, #tpu.memory_space<hbm>>) dst(%arg8 : memref<128x64xf32, #tpu.memory_space<vmem>>)
        %dma_start3A_148 = arith.constant 0 : i32
        %dma_start3A_149 = tpu.memref_slice %arg7[%add3A_129, %dma_start3A_148] : memref<40x128xi32, #tpu.memory_space<vmem>> -> memref<1x128xi32, #tpu.memory_space<vmem>>
        %dma_start3A_150 = tpu.memref_squeeze %dma_start3A_149 : memref<1x128xi32, #tpu.memory_space<vmem>> -> memref<128xi32, #tpu.memory_space<vmem>>
        %dma_start3A_151 = arith.constant 0 : i32
        %dma_start3A_152 = arith.constant 0 : i32
        %dma_start3A_153 = tpu.memref_slice %arg13[%dma_start3A_151, %dma_start3A_152] : memref<10112x64xf32, #tpu.memory_space<vmem_shared>> -> memref<10112x64xf32, #tpu.memory_space<vmem_shared>>
        tpu.enqueue_indirect_dma source(%arg8 : memref<128x64xf32, #tpu.memory_space<vmem>>) target(%dma_start3A_153 : memref<10112x64xf32, #tpu.memory_space<vmem_shared>>) offsets(%dma_start3A_150 : memref<128xi32, #tpu.memory_space<vmem>>) semaphore(%arg18 : memref<!tpu.dma_semaphore, #tpu.memory_space<semaphore_mem>>) {add = true}
        %mul3A_154 = arith.constant 4 : i32
        %mul3A_155 = arith.muli %mul3A_154, %add3A_125 : i32
        %add3A_156 = arith.constant 1 : i32
        %add3A_157 = arith.addi %mul3A_155, %add3A_156 : i32
        %gt3A_158 = arith.constant 0 : i32
        %gt3A_159 = arith.cmpi sgt, %add3A_125, %gt3A_158 : i32
        %convert_element_type3A_160 = arith.extui %gt3A_159 : i1 to i32
        %cond3A_161 = arith.constant 0 : i32
        %cond3A_162 = arith.cmpi ne, %convert_element_type3A_160, %cond3A_161 : i32
        scf.if %cond3A_162 {
          %dma_wait3A_237 = arith.constant 0 : i32
          %dma_wait3A_238 = arith.constant 0 : i32
          %dma_wait3A_239 = tpu.memref_slice %arg4[%dma_wait3A_237, %dma_wait3A_238] : memref<10112x64xf32, #tpu.memory_space<hbm>> -> memref<128x64xf32, #tpu.memory_space<hbm>>
          %dma_wait3A_240 = arith.constant 0 : i32
          %dma_wait3A_241 = arith.constant 0 : i32
          %dma_wait3A_242 = tpu.memref_slice %arg4[%dma_wait3A_240, %dma_wait3A_241] : memref<10112x64xf32, #tpu.memory_space<hbm>> -> memref<128x64xf32, #tpu.memory_space<hbm>>
          tpu.wait_dma2 semaphore(%arg21 : memref<!tpu.dma_semaphore, #tpu.memory_space<semaphore_mem>>) src(%dma_wait3A_242 : memref<128x64xf32, #tpu.memory_space<hbm>>) dst(%arg11 : memref<128x64xf32, #tpu.memory_space<vmem>>)
        } else {
        }
        %add3A_163 = arith.constant 2 : i32
        %add3A_164 = arith.addi %add3A_157, %add3A_163 : i32
        %dma_start3A_165 = arith.constant 0 : i32
        %dma_start3A_166 = tpu.memref_slice %arg6[%add3A_164, %dma_start3A_165] : memref<40x128xi32, #tpu.memory_space<vmem>> -> memref<1x128xi32, #tpu.memory_space<vmem>>
        %dma_start3A_167 = tpu.memref_squeeze %dma_start3A_166 : memref<1x128xi32, #tpu.memory_space<vmem>> -> memref<128xi32, #tpu.memory_space<vmem>>
        %dma_start3A_168 = arith.constant 0 : i32
        %dma_start3A_169 = arith.constant 0 : i32
        %dma_start3A_170 = tpu.memref_slice %arg12[%dma_start3A_168, %dma_start3A_169] : memref<10000x64xf32, #tpu.memory_space<vmem_shared>> -> memref<10000x64xf32, #tpu.memory_space<vmem_shared>>
        tpu.enqueue_indirect_dma source(%dma_start3A_170 : memref<10000x64xf32, #tpu.memory_space<vmem_shared>>) target(%arg11 : memref<128x64xf32, #tpu.memory_space<vmem>>) offsets(%dma_start3A_167 : memref<128xi32, #tpu.memory_space<vmem>>) semaphore(%arg17 : memref<!tpu.dma_semaphore, #tpu.memory_space<semaphore_mem>>)
        %dma_wait3A_171 = arith.constant 0 : i32
        %dma_wait3A_172 = arith.constant 0 : i32
        %dma_wait3A_173 = tpu.memref_slice %arg4[%dma_wait3A_171, %dma_wait3A_172] : memref<10112x64xf32, #tpu.memory_space<hbm>> -> memref<128x64xf32, #tpu.memory_space<hbm>>
        %dma_wait3A_174 = arith.constant 0 : i32
        %dma_wait3A_175 = arith.constant 0 : i32
        %dma_wait3A_176 = tpu.memref_slice %arg4[%dma_wait3A_174, %dma_wait3A_175] : memref<10112x64xf32, #tpu.memory_space<hbm>> -> memref<128x64xf32, #tpu.memory_space<hbm>>
        tpu.wait_dma2 semaphore(%arg15 : memref<!tpu.dma_semaphore, #tpu.memory_space<semaphore_mem>>) src(%dma_wait3A_176 : memref<128x64xf32, #tpu.memory_space<hbm>>) dst(%arg9 : memref<128x64xf32, #tpu.memory_space<vmem>>)
        %dma_start3A_177 = arith.constant 0 : i32
        %dma_start3A_178 = tpu.memref_slice %arg7[%add3A_157, %dma_start3A_177] : memref<40x128xi32, #tpu.memory_space<vmem>> -> memref<1x128xi32, #tpu.memory_space<vmem>>
        %dma_start3A_179 = tpu.memref_squeeze %dma_start3A_178 : memref<1x128xi32, #tpu.memory_space<vmem>> -> memref<128xi32, #tpu.memory_space<vmem>>
        %dma_start3A_180 = arith.constant 0 : i32
        %dma_start3A_181 = arith.constant 0 : i32
        %dma_start3A_182 = tpu.memref_slice %arg13[%dma_start3A_180, %dma_start3A_181] : memref<10112x64xf32, #tpu.memory_space<vmem_shared>> -> memref<10112x64xf32, #tpu.memory_space<vmem_shared>>
        tpu.enqueue_indirect_dma source(%arg9 : memref<128x64xf32, #tpu.memory_space<vmem>>) target(%dma_start3A_182 : memref<10112x64xf32, #tpu.memory_space<vmem_shared>>) offsets(%dma_start3A_179 : memref<128xi32, #tpu.memory_space<vmem>>) semaphore(%arg19 : memref<!tpu.dma_semaphore, #tpu.memory_space<semaphore_mem>>) {add = true}
        %mul3A_183 = arith.constant 4 : i32
        %mul3A_184 = arith.muli %mul3A_183, %add3A_125 : i32
        %add3A_185 = arith.constant 2 : i32
        %add3A_186 = arith.addi %mul3A_184, %add3A_185 : i32
        %dma_wait3A_187 = arith.constant 0 : i32
        %dma_wait3A_188 = arith.constant 0 : i32
        %dma_wait3A_189 = tpu.memref_slice %arg4[%dma_wait3A_187, %dma_wait3A_188] : memref<10112x64xf32, #tpu.memory_space<hbm>> -> memref<128x64xf32, #tpu.memory_space<hbm>>
        %dma_wait3A_190 = arith.constant 0 : i32
        %dma_wait3A_191 = arith.constant 0 : i32
        %dma_wait3A_192 = tpu.memref_slice %arg4[%dma_wait3A_190, %dma_wait3A_191] : memref<10112x64xf32, #tpu.memory_space<hbm>> -> memref<128x64xf32, #tpu.memory_space<hbm>>
        tpu.wait_dma2 semaphore(%arg18 : memref<!tpu.dma_semaphore, #tpu.memory_space<semaphore_mem>>) src(%dma_wait3A_192 : memref<128x64xf32, #tpu.memory_space<hbm>>) dst(%arg8 : memref<128x64xf32, #tpu.memory_space<vmem>>)
        %lt3A_193 = arith.constant 9 : i32
        %lt3A_194 = arith.cmpi slt, %add3A_125, %lt3A_193 : i32
        %convert_element_type3A_195 = arith.extui %lt3A_194 : i1 to i32
        %cond3A_196 = arith.constant 0 : i32
        %cond3A_197 = arith.cmpi ne, %convert_element_type3A_195, %cond3A_196 : i32
        scf.if %cond3A_197 {
          %add3A_237 = arith.constant 2 : i32
          %add3A_238 = arith.addi %add3A_186, %add3A_237 : i32
          %dma_start3A_239 = arith.constant 0 : i32
          %dma_start3A_240 = tpu.memref_slice %arg6[%add3A_238, %dma_start3A_239] : memref<40x128xi32, #tpu.memory_space<vmem>> -> memref<1x128xi32, #tpu.memory_space<vmem>>
          %dma_start3A_241 = tpu.memref_squeeze %dma_start3A_240 : memref<1x128xi32, #tpu.memory_space<vmem>> -> memref<128xi32, #tpu.memory_space<vmem>>
          %dma_start3A_242 = arith.constant 0 : i32
          %dma_start3A_243 = arith.constant 0 : i32
          %dma_start3A_244 = tpu.memref_slice %arg12[%dma_start3A_242, %dma_start3A_243] : memref<10000x64xf32, #tpu.memory_space<vmem_shared>> -> memref<10000x64xf32, #tpu.memory_space<vmem_shared>>
          tpu.enqueue_indirect_dma source(%dma_start3A_244 : memref<10000x64xf32, #tpu.memory_space<vmem_shared>>) target(%arg8 : memref<128x64xf32, #tpu.memory_space<vmem>>) offsets(%dma_start3A_241 : memref<128xi32, #tpu.memory_space<vmem>>) semaphore(%arg14 : memref<!tpu.dma_semaphore, #tpu.memory_space<semaphore_mem>>)
        } else {
        }
        %dma_wait3A_198 = arith.constant 0 : i32
        %dma_wait3A_199 = arith.constant 0 : i32
        %dma_wait3A_200 = tpu.memref_slice %arg4[%dma_wait3A_198, %dma_wait3A_199] : memref<10112x64xf32, #tpu.memory_space<hbm>> -> memref<128x64xf32, #tpu.memory_space<hbm>>
        %dma_wait3A_201 = arith.constant 0 : i32
        %dma_wait3A_202 = arith.constant 0 : i32
        %dma_wait3A_203 = tpu.memref_slice %arg4[%dma_wait3A_201, %dma_wait3A_202] : memref<10112x64xf32, #tpu.memory_space<hbm>> -> memref<128x64xf32, #tpu.memory_space<hbm>>
        tpu.wait_dma2 semaphore(%arg16 : memref<!tpu.dma_semaphore, #tpu.memory_space<semaphore_mem>>) src(%dma_wait3A_203 : memref<128x64xf32, #tpu.memory_space<hbm>>) dst(%arg10 : memref<128x64xf32, #tpu.memory_space<vmem>>)
        %dma_start3A_204 = arith.constant 0 : i32
        %dma_start3A_205 = tpu.memref_slice %arg7[%add3A_186, %dma_start3A_204] : memref<40x128xi32, #tpu.memory_space<vmem>> -> memref<1x128xi32, #tpu.memory_space<vmem>>
        %dma_start3A_206 = tpu.memref_squeeze %dma_start3A_205 : memref<1x128xi32, #tpu.memory_space<vmem>> -> memref<128xi32, #tpu.memory_space<vmem>>
        %dma_start3A_207 = arith.constant 0 : i32
        %dma_start3A_208 = arith.constant 0 : i32
        %dma_start3A_209 = tpu.memref_slice %arg13[%dma_start3A_207, %dma_start3A_208] : memref<10112x64xf32, #tpu.memory_space<vmem_shared>> -> memref<10112x64xf32, #tpu.memory_space<vmem_shared>>
        tpu.enqueue_indirect_dma source(%arg10 : memref<128x64xf32, #tpu.memory_space<vmem>>) target(%dma_start3A_209 : memref<10112x64xf32, #tpu.memory_space<vmem_shared>>) offsets(%dma_start3A_206 : memref<128xi32, #tpu.memory_space<vmem>>) semaphore(%arg20 : memref<!tpu.dma_semaphore, #tpu.memory_space<semaphore_mem>>) {add = true}
        %mul3A_210 = arith.constant 4 : i32
        %mul3A_211 = arith.muli %mul3A_210, %add3A_125 : i32
        %add3A_212 = arith.constant 3 : i32
        %add3A_213 = arith.addi %mul3A_211, %add3A_212 : i32
        %dma_wait3A_214 = arith.constant 0 : i32
        %dma_wait3A_215 = arith.constant 0 : i32
        %dma_wait3A_216 = tpu.memref_slice %arg4[%dma_wait3A_214, %dma_wait3A_215] : memref<10112x64xf32, #tpu.memory_space<hbm>> -> memref<128x64xf32, #tpu.memory_space<hbm>>
        %dma_wait3A_217 = arith.constant 0 : i32
        %dma_wait3A_218 = arith.constant 0 : i32
        %dma_wait3A_219 = tpu.memref_slice %arg4[%dma_wait3A_217, %dma_wait3A_218] : memref<10112x64xf32, #tpu.memory_space<hbm>> -> memref<128x64xf32, #tpu.memory_space<hbm>>
        tpu.wait_dma2 semaphore(%arg19 : memref<!tpu.dma_semaphore, #tpu.memory_space<semaphore_mem>>) src(%dma_wait3A_219 : memref<128x64xf32, #tpu.memory_space<hbm>>) dst(%arg9 : memref<128x64xf32, #tpu.memory_space<vmem>>)
        %lt3A_220 = arith.constant 9 : i32
        %lt3A_221 = arith.cmpi slt, %add3A_125, %lt3A_220 : i32
        %convert_element_type3A_222 = arith.extui %lt3A_221 : i1 to i32
        %cond3A_223 = arith.constant 0 : i32
        %cond3A_224 = arith.cmpi ne, %convert_element_type3A_222, %cond3A_223 : i32
        scf.if %cond3A_224 {
          %add3A_237 = arith.constant 2 : i32
          %add3A_238 = arith.addi %add3A_213, %add3A_237 : i32
          %dma_start3A_239 = arith.constant 0 : i32
          %dma_start3A_240 = tpu.memref_slice %arg6[%add3A_238, %dma_start3A_239] : memref<40x128xi32, #tpu.memory_space<vmem>> -> memref<1x128xi32, #tpu.memory_space<vmem>>
          %dma_start3A_241 = tpu.memref_squeeze %dma_start3A_240 : memref<1x128xi32, #tpu.memory_space<vmem>> -> memref<128xi32, #tpu.memory_space<vmem>>
          %dma_start3A_242 = arith.constant 0 : i32
          %dma_start3A_243 = arith.constant 0 : i32
          %dma_start3A_244 = tpu.memref_slice %arg12[%dma_start3A_242, %dma_start3A_243] : memref<10000x64xf32, #tpu.memory_space<vmem_shared>> -> memref<10000x64xf32, #tpu.memory_space<vmem_shared>>
          tpu.enqueue_indirect_dma source(%dma_start3A_244 : memref<10000x64xf32, #tpu.memory_space<vmem_shared>>) target(%arg9 : memref<128x64xf32, #tpu.memory_space<vmem>>) offsets(%dma_start3A_241 : memref<128xi32, #tpu.memory_space<vmem>>) semaphore(%arg15 : memref<!tpu.dma_semaphore, #tpu.memory_space<semaphore_mem>>)
        } else {
        }
        %dma_wait3A_225 = arith.constant 0 : i32
        %dma_wait3A_226 = arith.constant 0 : i32
        %dma_wait3A_227 = tpu.memref_slice %arg4[%dma_wait3A_225, %dma_wait3A_226] : memref<10112x64xf32, #tpu.memory_space<hbm>> -> memref<128x64xf32, #tpu.memory_space<hbm>>
        %dma_wait3A_228 = arith.constant 0 : i32
        %dma_wait3A_229 = arith.constant 0 : i32
        %dma_wait3A_230 = tpu.memref_slice %arg4[%dma_wait3A_228, %dma_wait3A_229] : memref<10112x64xf32, #tpu.memory_space<hbm>> -> memref<128x64xf32, #tpu.memory_space<hbm>>
        tpu.wait_dma2 semaphore(%arg17 : memref<!tpu.dma_semaphore, #tpu.memory_space<semaphore_mem>>) src(%dma_wait3A_230 : memref<128x64xf32, #tpu.memory_space<hbm>>) dst(%arg11 : memref<128x64xf32, #tpu.memory_space<vmem>>)
        %dma_start3A_231 = arith.constant 0 : i32
        %dma_start3A_232 = tpu.memref_slice %arg7[%add3A_213, %dma_start3A_231] : memref<40x128xi32, #tpu.memory_space<vmem>> -> memref<1x128xi32, #tpu.memory_space<vmem>>
        %dma_start3A_233 = tpu.memref_squeeze %dma_start3A_232 : memref<1x128xi32, #tpu.memory_space<vmem>> -> memref<128xi32, #tpu.memory_space<vmem>>
        %dma_start3A_234 = arith.constant 0 : i32
        %dma_start3A_235 = arith.constant 0 : i32
        %dma_start3A_236 = tpu.memref_slice %arg13[%dma_start3A_234, %dma_start3A_235] : memref<10112x64xf32, #tpu.memory_space<vmem_shared>> -> memref<10112x64xf32, #tpu.memory_space<vmem_shared>>
        tpu.enqueue_indirect_dma source(%arg11 : memref<128x64xf32, #tpu.memory_space<vmem>>) target(%dma_start3A_236 : memref<10112x64xf32, #tpu.memory_space<vmem_shared>>) offsets(%dma_start3A_233 : memref<128xi32, #tpu.memory_space<vmem>>) semaphore(%arg21 : memref<!tpu.dma_semaphore, #tpu.memory_space<semaphore_mem>>) {add = true}
      }
      %scan3A_101 = arith.constant 10 : i32
      %dma_wait3A_102 = arith.constant 0 : i32
      %dma_wait3A_103 = arith.constant 0 : i32
      %dma_wait3A_104 = tpu.memref_slice %arg4[%dma_wait3A_102, %dma_wait3A_103] : memref<10112x64xf32, #tpu.memory_space<hbm>> -> memref<128x64xf32, #tpu.memory_space<hbm>>
      %dma_wait3A_105 = arith.constant 0 : i32
      %dma_wait3A_106 = arith.constant 0 : i32
      %dma_wait3A_107 = tpu.memref_slice %arg4[%dma_wait3A_105, %dma_wait3A_106] : memref<10112x64xf32, #tpu.memory_space<hbm>> -> memref<128x64xf32, #tpu.memory_space<hbm>>
      tpu.wait_dma2 semaphore(%arg20 : memref<!tpu.dma_semaphore, #tpu.memory_space<semaphore_mem>>) src(%dma_wait3A_107 : memref<128x64xf32, #tpu.memory_space<hbm>>) dst(%arg10 : memref<128x64xf32, #tpu.memory_space<vmem>>)
      %dma_wait3A_108 = arith.constant 0 : i32
      %dma_wait3A_109 = arith.constant 0 : i32
      %dma_wait3A_110 = tpu.memref_slice %arg4[%dma_wait3A_108, %dma_wait3A_109] : memref<10112x64xf32, #tpu.memory_space<hbm>> -> memref<128x64xf32, #tpu.memory_space<hbm>>
      %dma_wait3A_111 = arith.constant 0 : i32
      %dma_wait3A_112 = arith.constant 0 : i32
      %dma_wait3A_113 = tpu.memref_slice %arg4[%dma_wait3A_111, %dma_wait3A_112] : memref<10112x64xf32, #tpu.memory_space<hbm>> -> memref<128x64xf32, #tpu.memory_space<hbm>>
      tpu.wait_dma2 semaphore(%arg21 : memref<!tpu.dma_semaphore, #tpu.memory_space<semaphore_mem>>) src(%dma_wait3A_113 : memref<128x64xf32, #tpu.memory_space<hbm>>) dst(%arg11 : memref<128x64xf32, #tpu.memory_space<vmem>>)
      %barrier3A_114 = arith.constant 0 : index
      tpu.barrier barrier_id(%barrier3A_114)
      %mul3A_115 = arith.constant 632 : i32
      %mul3A_116 = arith.muli %arg1, %mul3A_115 : i32
      %mul3A_117 = arith.constant 632 : i32
      %mul3A_118 = arith.muli %arg1, %mul3A_117 : i32
      %mul3A_119 = arith.constant 64 : i32
      %mul3A_120 = arith.muli %add3A_17, %mul3A_119 : i32
      "tpu.region"() ({
        %run_scoped3A_121 = tpu.sem_alloc : memref<!tpu.dma_semaphore, #tpu.memory_space<semaphore_mem>>
        %dma_start3A_122 = tpu.memref_slice %arg5[%arg0, %mul3A_118, %mul3A_120] : memref<2x10112x128xf32, #tpu.memory_space<hbm>> -> memref<1x632x64xf32, #tpu.memory_space<hbm>>
        %dma_start3A_123 = tpu.memref_squeeze %dma_start3A_122 : memref<1x632x64xf32, #tpu.memory_space<hbm>> -> memref<632x64xf32, #tpu.memory_space<hbm>>
        %dma_start3A_124 = arith.constant 0 : i32
        %dma_start3A_125 = tpu.memref_slice %arg13[%mul3A_116, %dma_start3A_124] : memref<10112x64xf32, #tpu.memory_space<vmem_shared>> -> memref<632x64xf32, #tpu.memory_space<vmem_shared>>
        tpu.enqueue_dma source(%dma_start3A_125 : memref<632x64xf32, #tpu.memory_space<vmem_shared>>) target(%dma_start3A_123 : memref<632x64xf32, #tpu.memory_space<hbm>>) target_semaphore(%run_scoped3A_121 : memref<!tpu.dma_semaphore, #tpu.memory_space<semaphore_mem>>)
        %dma_wait3A_126 = tpu.memref_slice %arg5[%arg0, %mul3A_118, %mul3A_120] : memref<2x10112x128xf32, #tpu.memory_space<hbm>> -> memref<1x632x64xf32, #tpu.memory_space<hbm>>
        %dma_wait3A_127 = tpu.memref_squeeze %dma_wait3A_126 : memref<1x632x64xf32, #tpu.memory_space<hbm>> -> memref<632x64xf32, #tpu.memory_space<hbm>>
        %dma_wait3A_128 = arith.constant 0 : i32
        %dma_wait3A_129 = tpu.memref_slice %arg13[%mul3A_116, %dma_wait3A_128] : memref<10112x64xf32, #tpu.memory_space<vmem_shared>> -> memref<632x64xf32, #tpu.memory_space<vmem_shared>>
        tpu.wait_dma2 semaphore(%run_scoped3A_121 : memref<!tpu.dma_semaphore, #tpu.memory_space<semaphore_mem>>) src(%dma_wait3A_129 : memref<632x64xf32, #tpu.memory_space<vmem_shared>>) dst(%dma_wait3A_127 : memref<632x64xf32, #tpu.memory_space<hbm>>)
        tpu.yield
      }) : () -> ()
    }
    %scan3A_12 = arith.constant 2 : i32
    return
  }
}

#map = affine_map<(d0, d1) -> (0, 0, 0)>
#map1 = affine_map<(d0, d1) -> (0, 0)>
module attributes {stable_mosaic.version = 14 : i64} {
  func.func @agg_kernel(%arg0: i32, %arg1: i32, %arg2: memref<2x2500x128xi32, #tpu.memory_space<hbm>>, %arg3: memref<10000x128xf32, #tpu.memory_space<hbm>>, %arg4: memref<10112x64xf32, #tpu.memory_space<hbm>>, %arg5: memref<2x10112x128xf32, #tpu.memory_space<hbm>>, %arg6: memref<40x128xi32, #tpu.memory_space<vmem>>, %arg7: memref<40x128xi32, #tpu.memory_space<vmem>>, %arg8: memref<128x64xf32, #tpu.memory_space<vmem>>, %arg9: memref<128x64xf32, #tpu.memory_space<vmem>>, %arg10: memref<128x64xf32, #tpu.memory_space<vmem>>, %arg11: memref<128x64xf32, #tpu.memory_space<vmem>>, %arg12: memref<10000x64xf32, #tpu.memory_space<vmem_shared>>, %arg13: memref<10112x64xf32, #tpu.memory_space<vmem_shared>>, %arg14: memref<!tpu.dma_semaphore, #tpu.memory_space<semaphore_mem>>, %arg15: memref<!tpu.dma_semaphore, #tpu.memory_space<semaphore_mem>>, %arg16: memref<!tpu.dma_semaphore, #tpu.memory_space<semaphore_mem>>, %arg17: memref<!tpu.dma_semaphore, #tpu.memory_space<semaphore_mem>>, %arg18: memref<!tpu.dma_semaphore, #tpu.memory_space<semaphore_mem>>, %arg19: memref<!tpu.dma_semaphore, #tpu.memory_space<semaphore_mem>>, %arg20: memref<!tpu.dma_semaphore, #tpu.memory_space<semaphore_mem>>, %arg21: memref<!tpu.dma_semaphore, #tpu.memory_space<semaphore_mem>>) attributes {dimension_semantics = [#tpu.dimension_semantics<core_parallel>, #tpu.dimension_semantics<subcore_parallel>], iteration_bounds = array<i64: 2, 16>, scalar_prefetch = 0 : i64, scratch_operands = 16 : i64, tpu.core_type = #tpu.core_type<sc_vector_subcore>, window_params = [{transform_indices = #map}, {transform_indices = #map1}, {transform_indices = #map1}, {transform_indices = #map}]} {
    %mul3A = arith.constant 16 : i32
    %mul3A_0 = arith.muli %arg0, %mul3A : i32
    %add3A = arith.addi %mul3A_0, %arg1 : i32
    %lt3A = arith.constant 4 : i32
    %lt3A_1 = arith.cmpi slt, %add3A, %lt3A : i32
    %jit3A = arith.constant 1 : i32
    %jit3A_2 = arith.constant 0 : i32
    %select_n3A = arith.select %lt3A_1, %jit3A, %jit3A_2 : i32
    %add3A_3 = arith.constant 78 : i32
    %add3A_4 = arith.addi %add3A_3, %select_n3A : i32
    %mul3A_5 = arith.constant 78 : i32
    %mul3A_6 = arith.muli %add3A, %mul3A_5 : i32
    %min3A = arith.constant 4 : i32
    %min3A_7 = arith.minsi %add3A, %min3A : i32
    %add3A_8 = arith.addi %mul3A_6, %min3A_7 : i32
    %scan3A = arith.constant 0 : i32
    %scan3A_9 = arith.constant 2 : i32
    %scan3A_10 = arith.addi %scan3A, %scan3A_9 : i32
    %scan3A_11 = arith.constant 1 : i32
    scf.for %scan3A_13 = %scan3A to %scan3A_10 step %scan3A_11  : i32 {
      %mul3A_14 = arith.constant 1 : i32
      %mul3A_15 = arith.muli %scan3A_13, %mul3A_14 : i32
      %add3A_16 = arith.constant 0 : i32
      %add3A_17 = arith.addi %add3A_16, %mul3A_15 : i32
      %mul3A_18 = arith.constant 625 : i32
      %mul3A_19 = arith.muli %arg1, %mul3A_18 : i32
      %mul3A_20 = arith.constant 64 : i32
      %mul3A_21 = arith.muli %add3A_17, %mul3A_20 : i32
      %mul3A_22 = arith.constant 625 : i32
      %mul3A_23 = arith.muli %arg1, %mul3A_22 : i32
      "tpu.region"() ({
        %run_scoped3A_121 = tpu.sem_alloc : memref<!tpu.dma_semaphore, #tpu.memory_space<semaphore_mem>>
        %dma_start3A_122 = arith.constant 0 : i32
        %dma_start3A_123 = tpu.memref_slice %arg12[%mul3A_23, %dma_start3A_122] : memref<10000x64xf32, #tpu.memory_space<vmem_shared>> -> memref<625x64xf32, #tpu.memory_space<vmem_shared>>
        %dma_start3A_124 = tpu.memref_slice %arg3[%mul3A_19, %mul3A_21] : memref<10000x128xf32, #tpu.memory_space<hbm>> -> memref<625x64xf32, #tpu.memory_space<hbm>>
        tpu.enqueue_dma source(%dma_start3A_124 : memref<625x64xf32, #tpu.memory_space<hbm>>) target(%dma_start3A_123 : memref<625x64xf32, #tpu.memory_space<vmem_shared>>) target_semaphore(%run_scoped3A_121 : memref<!tpu.dma_semaphore, #tpu.memory_space<semaphore_mem>>)
        %dma_wait3A_125 = arith.constant 0 : i32
        %dma_wait3A_126 = tpu.memref_slice %arg12[%mul3A_23, %dma_wait3A_125] : memref<10000x64xf32, #tpu.memory_space<vmem_shared>> -> memref<625x64xf32, #tpu.memory_space<vmem_shared>>
        %dma_wait3A_127 = tpu.memref_slice %arg3[%mul3A_19, %mul3A_21] : memref<10000x128xf32, #tpu.memory_space<hbm>> -> memref<625x64xf32, #tpu.memory_space<hbm>>
        tpu.wait_dma2 semaphore(%run_scoped3A_121 : memref<!tpu.dma_semaphore, #tpu.memory_space<semaphore_mem>>) src(%dma_wait3A_127 : memref<625x64xf32, #tpu.memory_space<hbm>>) dst(%dma_wait3A_126 : memref<625x64xf32, #tpu.memory_space<vmem_shared>>)
        tpu.yield
      }) : () -> ()
      %mul3A_24 = arith.constant 632 : i32
      %mul3A_25 = arith.muli %arg1, %mul3A_24 : i32
      %mul3A_26 = arith.constant 632 : i32
      %mul3A_27 = arith.muli %arg1, %mul3A_26 : i32
      "tpu.region"() ({
        %run_scoped3A_121 = tpu.sem_alloc : memref<!tpu.dma_semaphore, #tpu.memory_space<semaphore_mem>>
        %dma_start3A_122 = arith.constant 0 : i32
        %dma_start3A_123 = tpu.memref_slice %arg13[%mul3A_27, %dma_start3A_122] : memref<10112x64xf32, #tpu.memory_space<vmem_shared>> -> memref<632x64xf32, #tpu.memory_space<vmem_shared>>
        %dma_start3A_124 = arith.constant 0 : i32
        %dma_start3A_125 = tpu.memref_slice %arg4[%mul3A_25, %dma_start3A_124] : memref<10112x64xf32, #tpu.memory_space<hbm>> -> memref<632x64xf32, #tpu.memory_space<hbm>>
        tpu.enqueue_dma source(%dma_start3A_125 : memref<632x64xf32, #tpu.memory_space<hbm>>) target(%dma_start3A_123 : memref<632x64xf32, #tpu.memory_space<vmem_shared>>) target_semaphore(%run_scoped3A_121 : memref<!tpu.dma_semaphore, #tpu.memory_space<semaphore_mem>>)
        %dma_wait3A_126 = arith.constant 0 : i32
        %dma_wait3A_127 = tpu.memref_slice %arg13[%mul3A_27, %dma_wait3A_126] : memref<10112x64xf32, #tpu.memory_space<vmem_shared>> -> memref<632x64xf32, #tpu.memory_space<vmem_shared>>
        %dma_wait3A_128 = arith.constant 0 : i32
        %dma_wait3A_129 = tpu.memref_slice %arg4[%mul3A_25, %dma_wait3A_128] : memref<10112x64xf32, #tpu.memory_space<hbm>> -> memref<632x64xf32, #tpu.memory_space<hbm>>
        tpu.wait_dma2 semaphore(%run_scoped3A_121 : memref<!tpu.dma_semaphore, #tpu.memory_space<semaphore_mem>>) src(%dma_wait3A_129 : memref<632x64xf32, #tpu.memory_space<hbm>>) dst(%dma_wait3A_127 : memref<632x64xf32, #tpu.memory_space<vmem_shared>>)
        tpu.yield
      }) : () -> ()
      %barrier3A = arith.constant 0 : index
      tpu.barrier barrier_id(%barrier3A)
      %add3A_28 = arith.constant 0 : i32
      %add3A_29 = arith.addi %add3A_8, %add3A_28 : i32
      %run_scoped3A = arith.constant 0 : i32
      "tpu.region"() ({
        %run_scoped3A_121 = tpu.sem_alloc : memref<!tpu.dma_semaphore, #tpu.memory_space<semaphore_mem>>
        %dma_start3A_122 = arith.constant 0 : i32
        %dma_start3A_123 = tpu.memref_slice %arg2[%run_scoped3A, %add3A_29, %dma_start3A_122] : memref<2x2500x128xi32, #tpu.memory_space<hbm>> -> memref<1x40x128xi32, #tpu.memory_space<hbm>>
        %dma_start3A_124 = tpu.memref_squeeze %dma_start3A_123 : memref<1x40x128xi32, #tpu.memory_space<hbm>> -> memref<40x128xi32, #tpu.memory_space<hbm>>
        %dma_start3A_125 = arith.constant 0 : i32
        %dma_start3A_126 = tpu.memref_slice %arg2[%run_scoped3A, %add3A_29, %dma_start3A_125] : memref<2x2500x128xi32, #tpu.memory_space<hbm>> -> memref<1x40x128xi32, #tpu.memory_space<hbm>>
        %dma_start3A_127 = tpu.memref_squeeze %dma_start3A_126 : memref<1x40x128xi32, #tpu.memory_space<hbm>> -> memref<40x128xi32, #tpu.memory_space<hbm>>
        tpu.enqueue_dma source(%dma_start3A_127 : memref<40x128xi32, #tpu.memory_space<hbm>>) target(%arg6 : memref<40x128xi32, #tpu.memory_space<vmem>>) target_semaphore(%run_scoped3A_121 : memref<!tpu.dma_semaphore, #tpu.memory_space<semaphore_mem>>)
        %dma_wait3A_128 = arith.constant 0 : i32
        %dma_wait3A_129 = tpu.memref_slice %arg2[%run_scoped3A, %add3A_29, %dma_wait3A_128] : memref<2x2500x128xi32, #tpu.memory_space<hbm>> -> memref<1x40x128xi32, #tpu.memory_space<hbm>>
        %dma_wait3A_130 = tpu.memref_squeeze %dma_wait3A_129 : memref<1x40x128xi32, #tpu.memory_space<hbm>> -> memref<40x128xi32, #tpu.memory_space<hbm>>
        %dma_wait3A_131 = arith.constant 0 : i32
        %dma_wait3A_132 = tpu.memref_slice %arg2[%run_scoped3A, %add3A_29, %dma_wait3A_131] : memref<2x2500x128xi32, #tpu.memory_space<hbm>> -> memref<1x40x128xi32, #tpu.memory_space<hbm>>
        %dma_wait3A_133 = tpu.memref_squeeze %dma_wait3A_132 : memref<1x40x128xi32, #tpu.memory_space<hbm>> -> memref<40x128xi32, #tpu.memory_space<hbm>>
        tpu.wait_dma2 semaphore(%run_scoped3A_121 : memref<!tpu.dma_semaphore, #tpu.memory_space<semaphore_mem>>) src(%dma_wait3A_133 : memref<40x128xi32, #tpu.memory_space<hbm>>) dst(%arg6 : memref<40x128xi32, #tpu.memory_space<vmem>>)
        tpu.yield
      }) : () -> ()
      %run_scoped3A_30 = arith.constant 1 : i32
      "tpu.region"() ({
        %run_scoped3A_121 = tpu.sem_alloc : memref<!tpu.dma_semaphore, #tpu.memory_space<semaphore_mem>>
        %dma_start3A_122 = arith.constant 0 : i32
        %dma_start3A_123 = tpu.memref_slice %arg2[%run_scoped3A_30, %add3A_29, %dma_start3A_122] : memref<2x2500x128xi32, #tpu.memory_space<hbm>> -> memref<1x40x128xi32, #tpu.memory_space<hbm>>
        %dma_start3A_124 = tpu.memref_squeeze %dma_start3A_123 : memref<1x40x128xi32, #tpu.memory_space<hbm>> -> memref<40x128xi32, #tpu.memory_space<hbm>>
        %dma_start3A_125 = arith.constant 0 : i32
        %dma_start3A_126 = tpu.memref_slice %arg2[%run_scoped3A_30, %add3A_29, %dma_start3A_125] : memref<2x2500x128xi32, #tpu.memory_space<hbm>> -> memref<1x40x128xi32, #tpu.memory_space<hbm>>
        %dma_start3A_127 = tpu.memref_squeeze %dma_start3A_126 : memref<1x40x128xi32, #tpu.memory_space<hbm>> -> memref<40x128xi32, #tpu.memory_space<hbm>>
        tpu.enqueue_dma source(%dma_start3A_127 : memref<40x128xi32, #tpu.memory_space<hbm>>) target(%arg7 : memref<40x128xi32, #tpu.memory_space<vmem>>) target_semaphore(%run_scoped3A_121 : memref<!tpu.dma_semaphore, #tpu.memory_space<semaphore_mem>>)
        %dma_wait3A_128 = arith.constant 0 : i32
        %dma_wait3A_129 = tpu.memref_slice %arg2[%run_scoped3A_30, %add3A_29, %dma_wait3A_128] : memref<2x2500x128xi32, #tpu.memory_space<hbm>> -> memref<1x40x128xi32, #tpu.memory_space<hbm>>
        %dma_wait3A_130 = tpu.memref_squeeze %dma_wait3A_129 : memref<1x40x128xi32, #tpu.memory_space<hbm>> -> memref<40x128xi32, #tpu.memory_space<hbm>>
        %dma_wait3A_131 = arith.constant 0 : i32
        %dma_wait3A_132 = tpu.memref_slice %arg2[%run_scoped3A_30, %add3A_29, %dma_wait3A_131] : memref<2x2500x128xi32, #tpu.memory_space<hbm>> -> memref<1x40x128xi32, #tpu.memory_space<hbm>>
        %dma_wait3A_133 = tpu.memref_squeeze %dma_wait3A_132 : memref<1x40x128xi32, #tpu.memory_space<hbm>> -> memref<40x128xi32, #tpu.memory_space<hbm>>
        tpu.wait_dma2 semaphore(%run_scoped3A_121 : memref<!tpu.dma_semaphore, #tpu.memory_space<semaphore_mem>>) src(%dma_wait3A_133 : memref<40x128xi32, #tpu.memory_space<hbm>>) dst(%arg7 : memref<40x128xi32, #tpu.memory_space<vmem>>)
        tpu.yield
      }) : () -> ()
      %dma_start3A = arith.constant 0 : i32
      %dma_start3A_31 = arith.constant 0 : i32
      %dma_start3A_32 = tpu.memref_slice %arg6[%dma_start3A, %dma_start3A_31] : memref<40x128xi32, #tpu.memory_space<vmem>> -> memref<1x128xi32, #tpu.memory_space<vmem>>
      %dma_start3A_33 = tpu.memref_squeeze %dma_start3A_32 : memref<1x128xi32, #tpu.memory_space<vmem>> -> memref<128xi32, #tpu.memory_space<vmem>>
      %dma_start3A_34 = arith.constant 0 : i32
      %dma_start3A_35 = arith.constant 0 : i32
      %dma_start3A_36 = tpu.memref_slice %arg12[%dma_start3A_34, %dma_start3A_35] : memref<10000x64xf32, #tpu.memory_space<vmem_shared>> -> memref<10000x64xf32, #tpu.memory_space<vmem_shared>>
      tpu.enqueue_indirect_dma source(%dma_start3A_36 : memref<10000x64xf32, #tpu.memory_space<vmem_shared>>) target(%arg8 : memref<128x64xf32, #tpu.memory_space<vmem>>) offsets(%dma_start3A_33 : memref<128xi32, #tpu.memory_space<vmem>>) semaphore(%arg14 : memref<!tpu.dma_semaphore, #tpu.memory_space<semaphore_mem>>)
      %dma_start3A_37 = arith.constant 1 : i32
      %dma_start3A_38 = arith.constant 0 : i32
      %dma_start3A_39 = tpu.memref_slice %arg6[%dma_start3A_37, %dma_start3A_38] : memref<40x128xi32, #tpu.memory_space<vmem>> -> memref<1x128xi32, #tpu.memory_space<vmem>>
      %dma_start3A_40 = tpu.memref_squeeze %dma_start3A_39 : memref<1x128xi32, #tpu.memory_space<vmem>> -> memref<128xi32, #tpu.memory_space<vmem>>
      %dma_start3A_41 = arith.constant 0 : i32
      %dma_start3A_42 = arith.constant 0 : i32
      %dma_start3A_43 = tpu.memref_slice %arg12[%dma_start3A_41, %dma_start3A_42] : memref<10000x64xf32, #tpu.memory_space<vmem_shared>> -> memref<10000x64xf32, #tpu.memory_space<vmem_shared>>
      tpu.enqueue_indirect_dma source(%dma_start3A_43 : memref<10000x64xf32, #tpu.memory_space<vmem_shared>>) target(%arg9 : memref<128x64xf32, #tpu.memory_space<vmem>>) offsets(%dma_start3A_40 : memref<128xi32, #tpu.memory_space<vmem>>) semaphore(%arg15 : memref<!tpu.dma_semaphore, #tpu.memory_space<semaphore_mem>>)
      %scan3A_44 = arith.constant 0 : i32
      %scan3A_45 = arith.constant 10 : i32
      %scan3A_46 = arith.addi %scan3A_44, %scan3A_45 : i32
      %scan3A_47 = arith.constant 1 : i32
      scf.for %scan3A_121 = %scan3A_44 to %scan3A_46 step %scan3A_47  : i32 {
        %mul3A_122 = arith.constant 1 : i32
        %mul3A_123 = arith.muli %scan3A_121, %mul3A_122 : i32
        %add3A_124 = arith.constant 0 : i32
        %add3A_125 = arith.addi %add3A_124, %mul3A_123 : i32
        %mul3A_126 = arith.constant 4 : i32
        %mul3A_127 = arith.muli %mul3A_126, %add3A_125 : i32
        %add3A_128 = arith.constant 0 : i32
        %add3A_129 = arith.addi %mul3A_127, %add3A_128 : i32
        %gt3A = arith.constant 0 : i32
        %gt3A_130 = arith.cmpi sgt, %add3A_125, %gt3A : i32
        %convert_element_type3A_131 = arith.extui %gt3A_130 : i1 to i32
        %cond3A_132 = arith.constant 0 : i32
        %cond3A_133 = arith.cmpi ne, %convert_element_type3A_131, %cond3A_132 : i32
        scf.if %cond3A_133 {
          %dma_wait3A_237 = arith.constant 0 : i32
          %dma_wait3A_238 = arith.constant 0 : i32
          %dma_wait3A_239 = tpu.memref_slice %arg4[%dma_wait3A_237, %dma_wait3A_238] : memref<10112x64xf32, #tpu.memory_space<hbm>> -> memref<128x64xf32, #tpu.memory_space<hbm>>
          %dma_wait3A_240 = arith.constant 0 : i32
          %dma_wait3A_241 = arith.constant 0 : i32
          %dma_wait3A_242 = tpu.memref_slice %arg4[%dma_wait3A_240, %dma_wait3A_241] : memref<10112x64xf32, #tpu.memory_space<hbm>> -> memref<128x64xf32, #tpu.memory_space<hbm>>
          tpu.wait_dma2 semaphore(%arg20 : memref<!tpu.dma_semaphore, #tpu.memory_space<semaphore_mem>>) src(%dma_wait3A_242 : memref<128x64xf32, #tpu.memory_space<hbm>>) dst(%arg10 : memref<128x64xf32, #tpu.memory_space<vmem>>)
        } else {
        }
        %add3A_134 = arith.constant 2 : i32
        %add3A_135 = arith.addi %add3A_129, %add3A_134 : i32
        %dma_start3A_136 = arith.constant 0 : i32
        %dma_start3A_137 = tpu.memref_slice %arg6[%add3A_135, %dma_start3A_136] : memref<40x128xi32, #tpu.memory_space<vmem>> -> memref<1x128xi32, #tpu.memory_space<vmem>>
        %dma_start3A_138 = tpu.memref_squeeze %dma_start3A_137 : memref<1x128xi32, #tpu.memory_space<vmem>> -> memref<128xi32, #tpu.memory_space<vmem>>
        %dma_start3A_139 = arith.constant 0 : i32
        %dma_start3A_140 = arith.constant 0 : i32
        %dma_start3A_141 = tpu.memref_slice %arg12[%dma_start3A_139, %dma_start3A_140] : memref<10000x64xf32, #tpu.memory_space<vmem_shared>> -> memref<10000x64xf32, #tpu.memory_space<vmem_shared>>
        tpu.enqueue_indirect_dma source(%dma_start3A_141 : memref<10000x64xf32, #tpu.memory_space<vmem_shared>>) target(%arg10 : memref<128x64xf32, #tpu.memory_space<vmem>>) offsets(%dma_start3A_138 : memref<128xi32, #tpu.memory_space<vmem>>) semaphore(%arg16 : memref<!tpu.dma_semaphore, #tpu.memory_space<semaphore_mem>>)
        %dma_wait3A_142 = arith.constant 0 : i32
        %dma_wait3A_143 = arith.constant 0 : i32
        %dma_wait3A_144 = tpu.memref_slice %arg4[%dma_wait3A_142, %dma_wait3A_143] : memref<10112x64xf32, #tpu.memory_space<hbm>> -> memref<128x64xf32, #tpu.memory_space<hbm>>
        %dma_wait3A_145 = arith.constant 0 : i32
        %dma_wait3A_146 = arith.constant 0 : i32
        %dma_wait3A_147 = tpu.memref_slice %arg4[%dma_wait3A_145, %dma_wait3A_146] : memref<10112x64xf32, #tpu.memory_space<hbm>> -> memref<128x64xf32, #tpu.memory_space<hbm>>
        tpu.wait_dma2 semaphore(%arg14 : memref<!tpu.dma_semaphore, #tpu.memory_space<semaphore_mem>>) src(%dma_wait3A_147 : memref<128x64xf32, #tpu.memory_space<hbm>>) dst(%arg8 : memref<128x64xf32, #tpu.memory_space<vmem>>)
        %dma_start3A_148 = arith.constant 0 : i32
        %dma_start3A_149 = tpu.memref_slice %arg7[%add3A_129, %dma_start3A_148] : memref<40x128xi32, #tpu.memory_space<vmem>> -> memref<1x128xi32, #tpu.memory_space<vmem>>
        %dma_start3A_150 = tpu.memref_squeeze %dma_start3A_149 : memref<1x128xi32, #tpu.memory_space<vmem>> -> memref<128xi32, #tpu.memory_space<vmem>>
        %dma_start3A_151 = arith.constant 0 : i32
        %dma_start3A_152 = arith.constant 0 : i32
        %dma_start3A_153 = tpu.memref_slice %arg13[%dma_start3A_151, %dma_start3A_152] : memref<10112x64xf32, #tpu.memory_space<vmem_shared>> -> memref<10112x64xf32, #tpu.memory_space<vmem_shared>>
        tpu.enqueue_indirect_dma source(%arg8 : memref<128x64xf32, #tpu.memory_space<vmem>>) target(%dma_start3A_153 : memref<10112x64xf32, #tpu.memory_space<vmem_shared>>) offsets(%dma_start3A_150 : memref<128xi32, #tpu.memory_space<vmem>>) semaphore(%arg18 : memref<!tpu.dma_semaphore, #tpu.memory_space<semaphore_mem>>) {add = true}
        %mul3A_154 = arith.constant 4 : i32
        %mul3A_155 = arith.muli %mul3A_154, %add3A_125 : i32
        %add3A_156 = arith.constant 1 : i32
        %add3A_157 = arith.addi %mul3A_155, %add3A_156 : i32
        %gt3A_158 = arith.constant 0 : i32
        %gt3A_159 = arith.cmpi sgt, %add3A_125, %gt3A_158 : i32
        %convert_element_type3A_160 = arith.extui %gt3A_159 : i1 to i32
        %cond3A_161 = arith.constant 0 : i32
        %cond3A_162 = arith.cmpi ne, %convert_element_type3A_160, %cond3A_161 : i32
        scf.if %cond3A_162 {
          %dma_wait3A_237 = arith.constant 0 : i32
          %dma_wait3A_238 = arith.constant 0 : i32
          %dma_wait3A_239 = tpu.memref_slice %arg4[%dma_wait3A_237, %dma_wait3A_238] : memref<10112x64xf32, #tpu.memory_space<hbm>> -> memref<128x64xf32, #tpu.memory_space<hbm>>
          %dma_wait3A_240 = arith.constant 0 : i32
          %dma_wait3A_241 = arith.constant 0 : i32
          %dma_wait3A_242 = tpu.memref_slice %arg4[%dma_wait3A_240, %dma_wait3A_241] : memref<10112x64xf32, #tpu.memory_space<hbm>> -> memref<128x64xf32, #tpu.memory_space<hbm>>
          tpu.wait_dma2 semaphore(%arg21 : memref<!tpu.dma_semaphore, #tpu.memory_space<semaphore_mem>>) src(%dma_wait3A_242 : memref<128x64xf32, #tpu.memory_space<hbm>>) dst(%arg11 : memref<128x64xf32, #tpu.memory_space<vmem>>)
        } else {
        }
        %add3A_163 = arith.constant 2 : i32
        %add3A_164 = arith.addi %add3A_157, %add3A_163 : i32
        %dma_start3A_165 = arith.constant 0 : i32
        %dma_start3A_166 = tpu.memref_slice %arg6[%add3A_164, %dma_start3A_165] : memref<40x128xi32, #tpu.memory_space<vmem>> -> memref<1x128xi32, #tpu.memory_space<vmem>>
        %dma_start3A_167 = tpu.memref_squeeze %dma_start3A_166 : memref<1x128xi32, #tpu.memory_space<vmem>> -> memref<128xi32, #tpu.memory_space<vmem>>
        %dma_start3A_168 = arith.constant 0 : i32
        %dma_start3A_169 = arith.constant 0 : i32
        %dma_start3A_170 = tpu.memref_slice %arg12[%dma_start3A_168, %dma_start3A_169] : memref<10000x64xf32, #tpu.memory_space<vmem_shared>> -> memref<10000x64xf32, #tpu.memory_space<vmem_shared>>
        tpu.enqueue_indirect_dma source(%dma_start3A_170 : memref<10000x64xf32, #tpu.memory_space<vmem_shared>>) target(%arg11 : memref<128x64xf32, #tpu.memory_space<vmem>>) offsets(%dma_start3A_167 : memref<128xi32, #tpu.memory_space<vmem>>) semaphore(%arg17 : memref<!tpu.dma_semaphore, #tpu.memory_space<semaphore_mem>>)
        %dma_wait3A_171 = arith.constant 0 : i32
        %dma_wait3A_172 = arith.constant 0 : i32
        %dma_wait3A_173 = tpu.memref_slice %arg4[%dma_wait3A_171, %dma_wait3A_172] : memref<10112x64xf32, #tpu.memory_space<hbm>> -> memref<128x64xf32, #tpu.memory_space<hbm>>
        %dma_wait3A_174 = arith.constant 0 : i32
        %dma_wait3A_175 = arith.constant 0 : i32
        %dma_wait3A_176 = tpu.memref_slice %arg4[%dma_wait3A_174, %dma_wait3A_175] : memref<10112x64xf32, #tpu.memory_space<hbm>> -> memref<128x64xf32, #tpu.memory_space<hbm>>
        tpu.wait_dma2 semaphore(%arg15 : memref<!tpu.dma_semaphore, #tpu.memory_space<semaphore_mem>>) src(%dma_wait3A_176 : memref<128x64xf32, #tpu.memory_space<hbm>>) dst(%arg9 : memref<128x64xf32, #tpu.memory_space<vmem>>)
        %dma_start3A_177 = arith.constant 0 : i32
        %dma_start3A_178 = tpu.memref_slice %arg7[%add3A_157, %dma_start3A_177] : memref<40x128xi32, #tpu.memory_space<vmem>> -> memref<1x128xi32, #tpu.memory_space<vmem>>
        %dma_start3A_179 = tpu.memref_squeeze %dma_start3A_178 : memref<1x128xi32, #tpu.memory_space<vmem>> -> memref<128xi32, #tpu.memory_space<vmem>>
        %dma_start3A_180 = arith.constant 0 : i32
        %dma_start3A_181 = arith.constant 0 : i32
        %dma_start3A_182 = tpu.memref_slice %arg13[%dma_start3A_180, %dma_start3A_181] : memref<10112x64xf32, #tpu.memory_space<vmem_shared>> -> memref<10112x64xf32, #tpu.memory_space<vmem_shared>>
        tpu.enqueue_indirect_dma source(%arg9 : memref<128x64xf32, #tpu.memory_space<vmem>>) target(%dma_start3A_182 : memref<10112x64xf32, #tpu.memory_space<vmem_shared>>) offsets(%dma_start3A_179 : memref<128xi32, #tpu.memory_space<vmem>>) semaphore(%arg19 : memref<!tpu.dma_semaphore, #tpu.memory_space<semaphore_mem>>) {add = true}
        %mul3A_183 = arith.constant 4 : i32
        %mul3A_184 = arith.muli %mul3A_183, %add3A_125 : i32
        %add3A_185 = arith.constant 2 : i32
        %add3A_186 = arith.addi %mul3A_184, %add3A_185 : i32
        %dma_wait3A_187 = arith.constant 0 : i32
        %dma_wait3A_188 = arith.constant 0 : i32
        %dma_wait3A_189 = tpu.memref_slice %arg4[%dma_wait3A_187, %dma_wait3A_188] : memref<10112x64xf32, #tpu.memory_space<hbm>> -> memref<128x64xf32, #tpu.memory_space<hbm>>
        %dma_wait3A_190 = arith.constant 0 : i32
        %dma_wait3A_191 = arith.constant 0 : i32
        %dma_wait3A_192 = tpu.memref_slice %arg4[%dma_wait3A_190, %dma_wait3A_191] : memref<10112x64xf32, #tpu.memory_space<hbm>> -> memref<128x64xf32, #tpu.memory_space<hbm>>
        tpu.wait_dma2 semaphore(%arg18 : memref<!tpu.dma_semaphore, #tpu.memory_space<semaphore_mem>>) src(%dma_wait3A_192 : memref<128x64xf32, #tpu.memory_space<hbm>>) dst(%arg8 : memref<128x64xf32, #tpu.memory_space<vmem>>)
        %lt3A_193 = arith.constant 9 : i32
        %lt3A_194 = arith.cmpi slt, %add3A_125, %lt3A_193 : i32
        %convert_element_type3A_195 = arith.extui %lt3A_194 : i1 to i32
        %cond3A_196 = arith.constant 0 : i32
        %cond3A_197 = arith.cmpi ne, %convert_element_type3A_195, %cond3A_196 : i32
        scf.if %cond3A_197 {
          %add3A_237 = arith.constant 2 : i32
          %add3A_238 = arith.addi %add3A_186, %add3A_237 : i32
          %dma_start3A_239 = arith.constant 0 : i32
          %dma_start3A_240 = tpu.memref_slice %arg6[%add3A_238, %dma_start3A_239] : memref<40x128xi32, #tpu.memory_space<vmem>> -> memref<1x128xi32, #tpu.memory_space<vmem>>
          %dma_start3A_241 = tpu.memref_squeeze %dma_start3A_240 : memref<1x128xi32, #tpu.memory_space<vmem>> -> memref<128xi32, #tpu.memory_space<vmem>>
          %dma_start3A_242 = arith.constant 0 : i32
          %dma_start3A_243 = arith.constant 0 : i32
          %dma_start3A_244 = tpu.memref_slice %arg12[%dma_start3A_242, %dma_start3A_243] : memref<10000x64xf32, #tpu.memory_space<vmem_shared>> -> memref<10000x64xf32, #tpu.memory_space<vmem_shared>>
          tpu.enqueue_indirect_dma source(%dma_start3A_244 : memref<10000x64xf32, #tpu.memory_space<vmem_shared>>) target(%arg8 : memref<128x64xf32, #tpu.memory_space<vmem>>) offsets(%dma_start3A_241 : memref<128xi32, #tpu.memory_space<vmem>>) semaphore(%arg14 : memref<!tpu.dma_semaphore, #tpu.memory_space<semaphore_mem>>)
        } else {
        }
        %dma_wait3A_198 = arith.constant 0 : i32
        %dma_wait3A_199 = arith.constant 0 : i32
        %dma_wait3A_200 = tpu.memref_slice %arg4[%dma_wait3A_198, %dma_wait3A_199] : memref<10112x64xf32, #tpu.memory_space<hbm>> -> memref<128x64xf32, #tpu.memory_space<hbm>>
        %dma_wait3A_201 = arith.constant 0 : i32
        %dma_wait3A_202 = arith.constant 0 : i32
        %dma_wait3A_203 = tpu.memref_slice %arg4[%dma_wait3A_201, %dma_wait3A_202] : memref<10112x64xf32, #tpu.memory_space<hbm>> -> memref<128x64xf32, #tpu.memory_space<hbm>>
        tpu.wait_dma2 semaphore(%arg16 : memref<!tpu.dma_semaphore, #tpu.memory_space<semaphore_mem>>) src(%dma_wait3A_203 : memref<128x64xf32, #tpu.memory_space<hbm>>) dst(%arg10 : memref<128x64xf32, #tpu.memory_space<vmem>>)
        %dma_start3A_204 = arith.constant 0 : i32
        %dma_start3A_205 = tpu.memref_slice %arg7[%add3A_186, %dma_start3A_204] : memref<40x128xi32, #tpu.memory_space<vmem>> -> memref<1x128xi32, #tpu.memory_space<vmem>>
        %dma_start3A_206 = tpu.memref_squeeze %dma_start3A_205 : memref<1x128xi32, #tpu.memory_space<vmem>> -> memref<128xi32, #tpu.memory_space<vmem>>
        %dma_start3A_207 = arith.constant 0 : i32
        %dma_start3A_208 = arith.constant 0 : i32
        %dma_start3A_209 = tpu.memref_slice %arg13[%dma_start3A_207, %dma_start3A_208] : memref<10112x64xf32, #tpu.memory_space<vmem_shared>> -> memref<10112x64xf32, #tpu.memory_space<vmem_shared>>
        tpu.enqueue_indirect_dma source(%arg10 : memref<128x64xf32, #tpu.memory_space<vmem>>) target(%dma_start3A_209 : memref<10112x64xf32, #tpu.memory_space<vmem_shared>>) offsets(%dma_start3A_206 : memref<128xi32, #tpu.memory_space<vmem>>) semaphore(%arg20 : memref<!tpu.dma_semaphore, #tpu.memory_space<semaphore_mem>>) {add = true}
        %mul3A_210 = arith.constant 4 : i32
        %mul3A_211 = arith.muli %mul3A_210, %add3A_125 : i32
        %add3A_212 = arith.constant 3 : i32
        %add3A_213 = arith.addi %mul3A_211, %add3A_212 : i32
        %dma_wait3A_214 = arith.constant 0 : i32
        %dma_wait3A_215 = arith.constant 0 : i32
        %dma_wait3A_216 = tpu.memref_slice %arg4[%dma_wait3A_214, %dma_wait3A_215] : memref<10112x64xf32, #tpu.memory_space<hbm>> -> memref<128x64xf32, #tpu.memory_space<hbm>>
        %dma_wait3A_217 = arith.constant 0 : i32
        %dma_wait3A_218 = arith.constant 0 : i32
        %dma_wait3A_219 = tpu.memref_slice %arg4[%dma_wait3A_217, %dma_wait3A_218] : memref<10112x64xf32, #tpu.memory_space<hbm>> -> memref<128x64xf32, #tpu.memory_space<hbm>>
        tpu.wait_dma2 semaphore(%arg19 : memref<!tpu.dma_semaphore, #tpu.memory_space<semaphore_mem>>) src(%dma_wait3A_219 : memref<128x64xf32, #tpu.memory_space<hbm>>) dst(%arg9 : memref<128x64xf32, #tpu.memory_space<vmem>>)
        %lt3A_220 = arith.constant 9 : i32
        %lt3A_221 = arith.cmpi slt, %add3A_125, %lt3A_220 : i32
        %convert_element_type3A_222 = arith.extui %lt3A_221 : i1 to i32
        %cond3A_223 = arith.constant 0 : i32
        %cond3A_224 = arith.cmpi ne, %convert_element_type3A_222, %cond3A_223 : i32
        scf.if %cond3A_224 {
          %add3A_237 = arith.constant 2 : i32
          %add3A_238 = arith.addi %add3A_213, %add3A_237 : i32
          %dma_start3A_239 = arith.constant 0 : i32
          %dma_start3A_240 = tpu.memref_slice %arg6[%add3A_238, %dma_start3A_239] : memref<40x128xi32, #tpu.memory_space<vmem>> -> memref<1x128xi32, #tpu.memory_space<vmem>>
          %dma_start3A_241 = tpu.memref_squeeze %dma_start3A_240 : memref<1x128xi32, #tpu.memory_space<vmem>> -> memref<128xi32, #tpu.memory_space<vmem>>
          %dma_start3A_242 = arith.constant 0 : i32
          %dma_start3A_243 = arith.constant 0 : i32
          %dma_start3A_244 = tpu.memref_slice %arg12[%dma_start3A_242, %dma_start3A_243] : memref<10000x64xf32, #tpu.memory_space<vmem_shared>> -> memref<10000x64xf32, #tpu.memory_space<vmem_shared>>
          tpu.enqueue_indirect_dma source(%dma_start3A_244 : memref<10000x64xf32, #tpu.memory_space<vmem_shared>>) target(%arg9 : memref<128x64xf32, #tpu.memory_space<vmem>>) offsets(%dma_start3A_241 : memref<128xi32, #tpu.memory_space<vmem>>) semaphore(%arg15 : memref<!tpu.dma_semaphore, #tpu.memory_space<semaphore_mem>>)
        } else {
        }
        %dma_wait3A_225 = arith.constant 0 : i32
        %dma_wait3A_226 = arith.constant 0 : i32
        %dma_wait3A_227 = tpu.memref_slice %arg4[%dma_wait3A_225, %dma_wait3A_226] : memref<10112x64xf32, #tpu.memory_space<hbm>> -> memref<128x64xf32, #tpu.memory_space<hbm>>
        %dma_wait3A_228 = arith.constant 0 : i32
        %dma_wait3A_229 = arith.constant 0 : i32
        %dma_wait3A_230 = tpu.memref_slice %arg4[%dma_wait3A_228, %dma_wait3A_229] : memref<10112x64xf32, #tpu.memory_space<hbm>> -> memref<128x64xf32, #tpu.memory_space<hbm>>
        tpu.wait_dma2 semaphore(%arg17 : memref<!tpu.dma_semaphore, #tpu.memory_space<semaphore_mem>>) src(%dma_wait3A_230 : memref<128x64xf32, #tpu.memory_space<hbm>>) dst(%arg11 : memref<128x64xf32, #tpu.memory_space<vmem>>)
        %dma_start3A_231 = arith.constant 0 : i32
        %dma_start3A_232 = tpu.memref_slice %arg7[%add3A_213, %dma_start3A_231] : memref<40x128xi32, #tpu.memory_space<vmem>> -> memref<1x128xi32, #tpu.memory_space<vmem>>
        %dma_start3A_233 = tpu.memref_squeeze %dma_start3A_232 : memref<1x128xi32, #tpu.memory_space<vmem>> -> memref<128xi32, #tpu.memory_space<vmem>>
        %dma_start3A_234 = arith.constant 0 : i32
        %dma_start3A_235 = arith.constant 0 : i32
        %dma_start3A_236 = tpu.memref_slice %arg13[%dma_start3A_234, %dma_start3A_235] : memref<10112x64xf32, #tpu.memory_space<vmem_shared>> -> memref<10112x64xf32, #tpu.memory_space<vmem_shared>>
        tpu.enqueue_indirect_dma source(%arg11 : memref<128x64xf32, #tpu.memory_space<vmem>>) target(%dma_start3A_236 : memref<10112x64xf32, #tpu.memory_space<vmem_shared>>) offsets(%dma_start3A_233 : memref<128xi32, #tpu.memory_space<vmem>>) semaphore(%arg21 : memref<!tpu.dma_semaphore, #tpu.memory_space<semaphore_mem>>) {add = true}
      }
      %scan3A_48 = arith.constant 10 : i32
      %dma_wait3A = arith.constant 0 : i32
      %dma_wait3A_49 = arith.constant 0 : i32
      %dma_wait3A_50 = tpu.memref_slice %arg4[%dma_wait3A, %dma_wait3A_49] : memref<10112x64xf32, #tpu.memory_space<hbm>> -> memref<128x64xf32, #tpu.memory_space<hbm>>
      %dma_wait3A_51 = arith.constant 0 : i32
      %dma_wait3A_52 = arith.constant 0 : i32
      %dma_wait3A_53 = tpu.memref_slice %arg4[%dma_wait3A_51, %dma_wait3A_52] : memref<10112x64xf32, #tpu.memory_space<hbm>> -> memref<128x64xf32, #tpu.memory_space<hbm>>
      tpu.wait_dma2 semaphore(%arg20 : memref<!tpu.dma_semaphore, #tpu.memory_space<semaphore_mem>>) src(%dma_wait3A_53 : memref<128x64xf32, #tpu.memory_space<hbm>>) dst(%arg10 : memref<128x64xf32, #tpu.memory_space<vmem>>)
      %dma_wait3A_54 = arith.constant 0 : i32
      %dma_wait3A_55 = arith.constant 0 : i32
      %dma_wait3A_56 = tpu.memref_slice %arg4[%dma_wait3A_54, %dma_wait3A_55] : memref<10112x64xf32, #tpu.memory_space<hbm>> -> memref<128x64xf32, #tpu.memory_space<hbm>>
      %dma_wait3A_57 = arith.constant 0 : i32
      %dma_wait3A_58 = arith.constant 0 : i32
      %dma_wait3A_59 = tpu.memref_slice %arg4[%dma_wait3A_57, %dma_wait3A_58] : memref<10112x64xf32, #tpu.memory_space<hbm>> -> memref<128x64xf32, #tpu.memory_space<hbm>>
      tpu.wait_dma2 semaphore(%arg21 : memref<!tpu.dma_semaphore, #tpu.memory_space<semaphore_mem>>) src(%dma_wait3A_59 : memref<128x64xf32, #tpu.memory_space<hbm>>) dst(%arg11 : memref<128x64xf32, #tpu.memory_space<vmem>>)
      %add3A_60 = arith.constant 40 : i32
      %add3A_61 = arith.addi %add3A_8, %add3A_60 : i32
      %sub3A = arith.constant 40 : i32
      %sub3A_62 = arith.subi %add3A_4, %sub3A : i32
      %eq3A = arith.constant 39 : i32
      %eq3A_63 = arith.cmpi eq, %sub3A_62, %eq3A : i32
      %convert_element_type3A = arith.extui %eq3A_63 : i1 to i32
      %cond3A = arith.constant 0 : i32
      %cond3A_64 = arith.cmpi ne, %convert_element_type3A, %cond3A : i32
      scf.if %cond3A_64 {
        %run_scoped3A_121 = arith.constant 0 : i32
        "tpu.region"() ({
          %run_scoped3A_123 = tpu.sem_alloc : memref<!tpu.dma_semaphore, #tpu.memory_space<semaphore_mem>>
          %dma_start3A_124 = arith.constant 0 : i32
          %dma_start3A_125 = arith.constant 0 : i32
          %dma_start3A_126 = tpu.memref_slice %arg6[%dma_start3A_124, %dma_start3A_125] : memref<40x128xi32, #tpu.memory_space<vmem>> -> memref<39x128xi32, #tpu.memory_space<vmem>>
          %dma_start3A_127 = arith.constant 0 : i32
          %dma_start3A_128 = tpu.memref_slice %arg2[%run_scoped3A_121, %add3A_61, %dma_start3A_127] : memref<2x2500x128xi32, #tpu.memory_space<hbm>> -> memref<1x39x128xi32, #tpu.memory_space<hbm>>
          %dma_start3A_129 = tpu.memref_squeeze %dma_start3A_128 : memref<1x39x128xi32, #tpu.memory_space<hbm>> -> memref<39x128xi32, #tpu.memory_space<hbm>>
          %dma_start3A_130 = arith.constant 0 : i32
          %dma_start3A_131 = arith.constant 0 : i32
          %dma_start3A_132 = tpu.memref_slice %arg6[%dma_start3A_130, %dma_start3A_131] : memref<40x128xi32, #tpu.memory_space<vmem>> -> memref<39x128xi32, #tpu.memory_space<vmem>>
          %dma_start3A_133 = arith.constant 0 : i32
          %dma_start3A_134 = tpu.memref_slice %arg2[%run_scoped3A_121, %add3A_61, %dma_start3A_133] : memref<2x2500x128xi32, #tpu.memory_space<hbm>> -> memref<1x39x128xi32, #tpu.memory_space<hbm>>
          %dma_start3A_135 = tpu.memref_squeeze %dma_start3A_134 : memref<1x39x128xi32, #tpu.memory_space<hbm>> -> memref<39x128xi32, #tpu.memory_space<hbm>>
          tpu.enqueue_dma source(%dma_start3A_135 : memref<39x128xi32, #tpu.memory_space<hbm>>) target(%dma_start3A_132 : memref<39x128xi32, #tpu.memory_space<vmem>>) target_semaphore(%run_scoped3A_123 : memref<!tpu.dma_semaphore, #tpu.memory_space<semaphore_mem>>)
          %dma_wait3A_136 = arith.constant 0 : i32
          %dma_wait3A_137 = arith.constant 0 : i32
          %dma_wait3A_138 = tpu.memref_slice %arg6[%dma_wait3A_136, %dma_wait3A_137] : memref<40x128xi32, #tpu.memory_space<vmem>> -> memref<39x128xi32, #tpu.memory_space<vmem>>
          %dma_wait3A_139 = arith.constant 0 : i32
          %dma_wait3A_140 = tpu.memref_slice %arg2[%run_scoped3A_121, %add3A_61, %dma_wait3A_139] : memref<2x2500x128xi32, #tpu.memory_space<hbm>> -> memref<1x39x128xi32, #tpu.memory_space<hbm>>
          %dma_wait3A_141 = tpu.memref_squeeze %dma_wait3A_140 : memref<1x39x128xi32, #tpu.memory_space<hbm>> -> memref<39x128xi32, #tpu.memory_space<hbm>>
          %dma_wait3A_142 = arith.constant 0 : i32
          %dma_wait3A_143 = arith.constant 0 : i32
          %dma_wait3A_144 = tpu.memref_slice %arg6[%dma_wait3A_142, %dma_wait3A_143] : memref<40x128xi32, #tpu.memory_space<vmem>> -> memref<39x128xi32, #tpu.memory_space<vmem>>
          %dma_wait3A_145 = arith.constant 0 : i32
          %dma_wait3A_146 = tpu.memref_slice %arg2[%run_scoped3A_121, %add3A_61, %dma_wait3A_145] : memref<2x2500x128xi32, #tpu.memory_space<hbm>> -> memref<1x39x128xi32, #tpu.memory_space<hbm>>
          %dma_wait3A_147 = tpu.memref_squeeze %dma_wait3A_146 : memref<1x39x128xi32, #tpu.memory_space<hbm>> -> memref<39x128xi32, #tpu.memory_space<hbm>>
          tpu.wait_dma2 semaphore(%run_scoped3A_123 : memref<!tpu.dma_semaphore, #tpu.memory_space<semaphore_mem>>) src(%dma_wait3A_147 : memref<39x128xi32, #tpu.memory_space<hbm>>) dst(%dma_wait3A_144 : memref<39x128xi32, #tpu.memory_space<vmem>>)
          tpu.yield
        }) : () -> ()
        %run_scoped3A_122 = arith.constant 1 : i32
        "tpu.region"() ({
          %run_scoped3A_123 = tpu.sem_alloc : memref<!tpu.dma_semaphore, #tpu.memory_space<semaphore_mem>>
          %dma_start3A_124 = arith.constant 0 : i32
          %dma_start3A_125 = arith.constant 0 : i32
          %dma_start3A_126 = tpu.memref_slice %arg7[%dma_start3A_124, %dma_start3A_125] : memref<40x128xi32, #tpu.memory_space<vmem>> -> memref<39x128xi32, #tpu.memory_space<vmem>>
          %dma_start3A_127 = arith.constant 0 : i32
          %dma_start3A_128 = tpu.memref_slice %arg2[%run_scoped3A_122, %add3A_61, %dma_start3A_127] : memref<2x2500x128xi32, #tpu.memory_space<hbm>> -> memref<1x39x128xi32, #tpu.memory_space<hbm>>
          %dma_start3A_129 = tpu.memref_squeeze %dma_start3A_128 : memref<1x39x128xi32, #tpu.memory_space<hbm>> -> memref<39x128xi32, #tpu.memory_space<hbm>>
          %dma_start3A_130 = arith.constant 0 : i32
          %dma_start3A_131 = arith.constant 0 : i32
          %dma_start3A_132 = tpu.memref_slice %arg7[%dma_start3A_130, %dma_start3A_131] : memref<40x128xi32, #tpu.memory_space<vmem>> -> memref<39x128xi32, #tpu.memory_space<vmem>>
          %dma_start3A_133 = arith.constant 0 : i32
          %dma_start3A_134 = tpu.memref_slice %arg2[%run_scoped3A_122, %add3A_61, %dma_start3A_133] : memref<2x2500x128xi32, #tpu.memory_space<hbm>> -> memref<1x39x128xi32, #tpu.memory_space<hbm>>
          %dma_start3A_135 = tpu.memref_squeeze %dma_start3A_134 : memref<1x39x128xi32, #tpu.memory_space<hbm>> -> memref<39x128xi32, #tpu.memory_space<hbm>>
          tpu.enqueue_dma source(%dma_start3A_135 : memref<39x128xi32, #tpu.memory_space<hbm>>) target(%dma_start3A_132 : memref<39x128xi32, #tpu.memory_space<vmem>>) target_semaphore(%run_scoped3A_123 : memref<!tpu.dma_semaphore, #tpu.memory_space<semaphore_mem>>)
          %dma_wait3A_136 = arith.constant 0 : i32
          %dma_wait3A_137 = arith.constant 0 : i32
          %dma_wait3A_138 = tpu.memref_slice %arg7[%dma_wait3A_136, %dma_wait3A_137] : memref<40x128xi32, #tpu.memory_space<vmem>> -> memref<39x128xi32, #tpu.memory_space<vmem>>
          %dma_wait3A_139 = arith.constant 0 : i32
          %dma_wait3A_140 = tpu.memref_slice %arg2[%run_scoped3A_122, %add3A_61, %dma_wait3A_139] : memref<2x2500x128xi32, #tpu.memory_space<hbm>> -> memref<1x39x128xi32, #tpu.memory_space<hbm>>
          %dma_wait3A_141 = tpu.memref_squeeze %dma_wait3A_140 : memref<1x39x128xi32, #tpu.memory_space<hbm>> -> memref<39x128xi32, #tpu.memory_space<hbm>>
          %dma_wait3A_142 = arith.constant 0 : i32
          %dma_wait3A_143 = arith.constant 0 : i32
          %dma_wait3A_144 = tpu.memref_slice %arg7[%dma_wait3A_142, %dma_wait3A_143] : memref<40x128xi32, #tpu.memory_space<vmem>> -> memref<39x128xi32, #tpu.memory_space<vmem>>
          %dma_wait3A_145 = arith.constant 0 : i32
          %dma_wait3A_146 = tpu.memref_slice %arg2[%run_scoped3A_122, %add3A_61, %dma_wait3A_145] : memref<2x2500x128xi32, #tpu.memory_space<hbm>> -> memref<1x39x128xi32, #tpu.memory_space<hbm>>
          %dma_wait3A_147 = tpu.memref_squeeze %dma_wait3A_146 : memref<1x39x128xi32, #tpu.memory_space<hbm>> -> memref<39x128xi32, #tpu.memory_space<hbm>>
          tpu.wait_dma2 semaphore(%run_scoped3A_123 : memref<!tpu.dma_semaphore, #tpu.memory_space<semaphore_mem>>) src(%dma_wait3A_147 : memref<39x128xi32, #tpu.memory_space<hbm>>) dst(%dma_wait3A_144 : memref<39x128xi32, #tpu.memory_space<vmem>>)
          tpu.yield
        }) : () -> ()
      } else {
      }
      %eq3A_65 = arith.constant 38 : i32
      %eq3A_66 = arith.cmpi eq, %sub3A_62, %eq3A_65 : i32
      %convert_element_type3A_67 = arith.extui %eq3A_66 : i1 to i32
      %cond3A_68 = arith.constant 0 : i32
      %cond3A_69 = arith.cmpi ne, %convert_element_type3A_67, %cond3A_68 : i32
      scf.if %cond3A_69 {
        %run_scoped3A_121 = arith.constant 0 : i32
        "tpu.region"() ({
          %run_scoped3A_123 = tpu.sem_alloc : memref<!tpu.dma_semaphore, #tpu.memory_space<semaphore_mem>>
          %dma_start3A_124 = arith.constant 0 : i32
          %dma_start3A_125 = arith.constant 0 : i32
          %dma_start3A_126 = tpu.memref_slice %arg6[%dma_start3A_124, %dma_start3A_125] : memref<40x128xi32, #tpu.memory_space<vmem>> -> memref<38x128xi32, #tpu.memory_space<vmem>>
          %dma_start3A_127 = arith.constant 0 : i32
          %dma_start3A_128 = tpu.memref_slice %arg2[%run_scoped3A_121, %add3A_61, %dma_start3A_127] : memref<2x2500x128xi32, #tpu.memory_space<hbm>> -> memref<1x38x128xi32, #tpu.memory_space<hbm>>
          %dma_start3A_129 = tpu.memref_squeeze %dma_start3A_128 : memref<1x38x128xi32, #tpu.memory_space<hbm>> -> memref<38x128xi32, #tpu.memory_space<hbm>>
          %dma_start3A_130 = arith.constant 0 : i32
          %dma_start3A_131 = arith.constant 0 : i32
          %dma_start3A_132 = tpu.memref_slice %arg6[%dma_start3A_130, %dma_start3A_131] : memref<40x128xi32, #tpu.memory_space<vmem>> -> memref<38x128xi32, #tpu.memory_space<vmem>>
          %dma_start3A_133 = arith.constant 0 : i32
          %dma_start3A_134 = tpu.memref_slice %arg2[%run_scoped3A_121, %add3A_61, %dma_start3A_133] : memref<2x2500x128xi32, #tpu.memory_space<hbm>> -> memref<1x38x128xi32, #tpu.memory_space<hbm>>
          %dma_start3A_135 = tpu.memref_squeeze %dma_start3A_134 : memref<1x38x128xi32, #tpu.memory_space<hbm>> -> memref<38x128xi32, #tpu.memory_space<hbm>>
          tpu.enqueue_dma source(%dma_start3A_135 : memref<38x128xi32, #tpu.memory_space<hbm>>) target(%dma_start3A_132 : memref<38x128xi32, #tpu.memory_space<vmem>>) target_semaphore(%run_scoped3A_123 : memref<!tpu.dma_semaphore, #tpu.memory_space<semaphore_mem>>)
          %dma_wait3A_136 = arith.constant 0 : i32
          %dma_wait3A_137 = arith.constant 0 : i32
          %dma_wait3A_138 = tpu.memref_slice %arg6[%dma_wait3A_136, %dma_wait3A_137] : memref<40x128xi32, #tpu.memory_space<vmem>> -> memref<38x128xi32, #tpu.memory_space<vmem>>
          %dma_wait3A_139 = arith.constant 0 : i32
          %dma_wait3A_140 = tpu.memref_slice %arg2[%run_scoped3A_121, %add3A_61, %dma_wait3A_139] : memref<2x2500x128xi32, #tpu.memory_space<hbm>> -> memref<1x38x128xi32, #tpu.memory_space<hbm>>
          %dma_wait3A_141 = tpu.memref_squeeze %dma_wait3A_140 : memref<1x38x128xi32, #tpu.memory_space<hbm>> -> memref<38x128xi32, #tpu.memory_space<hbm>>
          %dma_wait3A_142 = arith.constant 0 : i32
          %dma_wait3A_143 = arith.constant 0 : i32
          %dma_wait3A_144 = tpu.memref_slice %arg6[%dma_wait3A_142, %dma_wait3A_143] : memref<40x128xi32, #tpu.memory_space<vmem>> -> memref<38x128xi32, #tpu.memory_space<vmem>>
          %dma_wait3A_145 = arith.constant 0 : i32
          %dma_wait3A_146 = tpu.memref_slice %arg2[%run_scoped3A_121, %add3A_61, %dma_wait3A_145] : memref<2x2500x128xi32, #tpu.memory_space<hbm>> -> memref<1x38x128xi32, #tpu.memory_space<hbm>>
          %dma_wait3A_147 = tpu.memref_squeeze %dma_wait3A_146 : memref<1x38x128xi32, #tpu.memory_space<hbm>> -> memref<38x128xi32, #tpu.memory_space<hbm>>
          tpu.wait_dma2 semaphore(%run_scoped3A_123 : memref<!tpu.dma_semaphore, #tpu.memory_space<semaphore_mem>>) src(%dma_wait3A_147 : memref<38x128xi32, #tpu.memory_space<hbm>>) dst(%dma_wait3A_144 : memref<38x128xi32, #tpu.memory_space<vmem>>)
          tpu.yield
        }) : () -> ()
        %run_scoped3A_122 = arith.constant 1 : i32
        "tpu.region"() ({
          %run_scoped3A_123 = tpu.sem_alloc : memref<!tpu.dma_semaphore, #tpu.memory_space<semaphore_mem>>
          %dma_start3A_124 = arith.constant 0 : i32
          %dma_start3A_125 = arith.constant 0 : i32
          %dma_start3A_126 = tpu.memref_slice %arg7[%dma_start3A_124, %dma_start3A_125] : memref<40x128xi32, #tpu.memory_space<vmem>> -> memref<38x128xi32, #tpu.memory_space<vmem>>
          %dma_start3A_127 = arith.constant 0 : i32
          %dma_start3A_128 = tpu.memref_slice %arg2[%run_scoped3A_122, %add3A_61, %dma_start3A_127] : memref<2x2500x128xi32, #tpu.memory_space<hbm>> -> memref<1x38x128xi32, #tpu.memory_space<hbm>>
          %dma_start3A_129 = tpu.memref_squeeze %dma_start3A_128 : memref<1x38x128xi32, #tpu.memory_space<hbm>> -> memref<38x128xi32, #tpu.memory_space<hbm>>
          %dma_start3A_130 = arith.constant 0 : i32
          %dma_start3A_131 = arith.constant 0 : i32
          %dma_start3A_132 = tpu.memref_slice %arg7[%dma_start3A_130, %dma_start3A_131] : memref<40x128xi32, #tpu.memory_space<vmem>> -> memref<38x128xi32, #tpu.memory_space<vmem>>
          %dma_start3A_133 = arith.constant 0 : i32
          %dma_start3A_134 = tpu.memref_slice %arg2[%run_scoped3A_122, %add3A_61, %dma_start3A_133] : memref<2x2500x128xi32, #tpu.memory_space<hbm>> -> memref<1x38x128xi32, #tpu.memory_space<hbm>>
          %dma_start3A_135 = tpu.memref_squeeze %dma_start3A_134 : memref<1x38x128xi32, #tpu.memory_space<hbm>> -> memref<38x128xi32, #tpu.memory_space<hbm>>
          tpu.enqueue_dma source(%dma_start3A_135 : memref<38x128xi32, #tpu.memory_space<hbm>>) target(%dma_start3A_132 : memref<38x128xi32, #tpu.memory_space<vmem>>) target_semaphore(%run_scoped3A_123 : memref<!tpu.dma_semaphore, #tpu.memory_space<semaphore_mem>>)
          %dma_wait3A_136 = arith.constant 0 : i32
          %dma_wait3A_137 = arith.constant 0 : i32
          %dma_wait3A_138 = tpu.memref_slice %arg7[%dma_wait3A_136, %dma_wait3A_137] : memref<40x128xi32, #tpu.memory_space<vmem>> -> memref<38x128xi32, #tpu.memory_space<vmem>>
          %dma_wait3A_139 = arith.constant 0 : i32
          %dma_wait3A_140 = tpu.memref_slice %arg2[%run_scoped3A_122, %add3A_61, %dma_wait3A_139] : memref<2x2500x128xi32, #tpu.memory_space<hbm>> -> memref<1x38x128xi32, #tpu.memory_space<hbm>>
          %dma_wait3A_141 = tpu.memref_squeeze %dma_wait3A_140 : memref<1x38x128xi32, #tpu.memory_space<hbm>> -> memref<38x128xi32, #tpu.memory_space<hbm>>
          %dma_wait3A_142 = arith.constant 0 : i32
          %dma_wait3A_143 = arith.constant 0 : i32
          %dma_wait3A_144 = tpu.memref_slice %arg7[%dma_wait3A_142, %dma_wait3A_143] : memref<40x128xi32, #tpu.memory_space<vmem>> -> memref<38x128xi32, #tpu.memory_space<vmem>>
          %dma_wait3A_145 = arith.constant 0 : i32
          %dma_wait3A_146 = tpu.memref_slice %arg2[%run_scoped3A_122, %add3A_61, %dma_wait3A_145] : memref<2x2500x128xi32, #tpu.memory_space<hbm>> -> memref<1x38x128xi32, #tpu.memory_space<hbm>>
          %dma_wait3A_147 = tpu.memref_squeeze %dma_wait3A_146 : memref<1x38x128xi32, #tpu.memory_space<hbm>> -> memref<38x128xi32, #tpu.memory_space<hbm>>
          tpu.wait_dma2 semaphore(%run_scoped3A_123 : memref<!tpu.dma_semaphore, #tpu.memory_space<semaphore_mem>>) src(%dma_wait3A_147 : memref<38x128xi32, #tpu.memory_space<hbm>>) dst(%dma_wait3A_144 : memref<38x128xi32, #tpu.memory_space<vmem>>)
          tpu.yield
        }) : () -> ()
      } else {
      }
      %broadcast_in_dim3A = arith.constant 0 : i32
      %broadcast_in_dim3A_70 = vector.broadcast %broadcast_in_dim3A : i32 to vector<16xi32>
      %iota3A = tpu.iota {dimensions = array<i32: 0>} : vector<16xi32>
      %add3A_71 = arith.constant 10000 : i32
      %add3A_72 = vector.broadcast %add3A_71 : i32 to vector<16xi32>
      %add3A_73 = arith.addi %add3A_72, %iota3A : vector<16xi32>
      %le3A = arith.constant 38 : i32
      %le3A_74 = arith.cmpi sle, %sub3A_62, %le3A : i32
      %convert_element_type3A_75 = arith.extui %le3A_74 : i1 to i32
      %cond3A_76 = arith.constant 0 : i32
      %cond3A_77 = arith.cmpi ne, %convert_element_type3A_75, %cond3A_76 : i32
      scf.if %cond3A_77 {
        %swap3A = arith.constant 38 : i32
        %swap3A_121 = arith.index_cast %swap3A : i32 to index
        %swap3A_122 = arith.constant 0 : index
        %swap3A_123 = tpu.vector_load %arg6[%swap3A_121, %swap3A_122] {strides = array<i32>} : memref<40x128xi32, #tpu.memory_space<vmem>>, vector<1x16xi32>,
        %swap3A_124 = vector.shape_cast %swap3A_123 : vector<1x16xi32> to vector<16xi32>
        %swap3A_125 = vector.shape_cast %broadcast_in_dim3A_70 : vector<16xi32> to vector<1x16xi32>
        tpu.vector_store %arg6[%swap3A_121, %swap3A_122], %swap3A_125 {strides = array<i32>} : memref<40x128xi32, #tpu.memory_space<vmem>>, vector<1x16xi32>,
        %swap3A_126 = arith.constant 38 : i32
        %swap3A_127 = arith.index_cast %swap3A_126 : i32 to index
        %swap3A_128 = arith.constant 0 : index
        %swap3A_129 = tpu.vector_load %arg7[%swap3A_127, %swap3A_128] {strides = array<i32>} : memref<40x128xi32, #tpu.memory_space<vmem>>, vector<1x16xi32>,
        %swap3A_130 = vector.shape_cast %swap3A_129 : vector<1x16xi32> to vector<16xi32>
        %swap3A_131 = vector.shape_cast %add3A_73 : vector<16xi32> to vector<1x16xi32>
        tpu.vector_store %arg7[%swap3A_127, %swap3A_128], %swap3A_131 {strides = array<i32>} : memref<40x128xi32, #tpu.memory_space<vmem>>, vector<1x16xi32>,
        %swap3A_132 = arith.constant 38 : i32
        %swap3A_133 = arith.index_cast %swap3A_132 : i32 to index
        %swap3A_134 = arith.constant 16 : index
        %swap3A_135 = tpu.vector_load %arg6[%swap3A_133, %swap3A_134] {strides = array<i32>} : memref<40x128xi32, #tpu.memory_space<vmem>>, vector<1x16xi32>,
        %swap3A_136 = vector.shape_cast %swap3A_135 : vector<1x16xi32> to vector<16xi32>
        %swap3A_137 = vector.shape_cast %broadcast_in_dim3A_70 : vector<16xi32> to vector<1x16xi32>
        tpu.vector_store %arg6[%swap3A_133, %swap3A_134], %swap3A_137 {strides = array<i32>} : memref<40x128xi32, #tpu.memory_space<vmem>>, vector<1x16xi32>,
        %swap3A_138 = arith.constant 38 : i32
        %swap3A_139 = arith.index_cast %swap3A_138 : i32 to index
        %swap3A_140 = arith.constant 16 : index
        %swap3A_141 = tpu.vector_load %arg7[%swap3A_139, %swap3A_140] {strides = array<i32>} : memref<40x128xi32, #tpu.memory_space<vmem>>, vector<1x16xi32>,
        %swap3A_142 = vector.shape_cast %swap3A_141 : vector<1x16xi32> to vector<16xi32>
        %swap3A_143 = vector.shape_cast %add3A_73 : vector<16xi32> to vector<1x16xi32>
        tpu.vector_store %arg7[%swap3A_139, %swap3A_140], %swap3A_143 {strides = array<i32>} : memref<40x128xi32, #tpu.memory_space<vmem>>, vector<1x16xi32>,
        %swap3A_144 = arith.constant 38 : i32
        %swap3A_145 = arith.index_cast %swap3A_144 : i32 to index
        %swap3A_146 = arith.constant 32 : index
        %swap3A_147 = tpu.vector_load %arg6[%swap3A_145, %swap3A_146] {strides = array<i32>} : memref<40x128xi32, #tpu.memory_space<vmem>>, vector<1x16xi32>,
        %swap3A_148 = vector.shape_cast %swap3A_147 : vector<1x16xi32> to vector<16xi32>
        %swap3A_149 = vector.shape_cast %broadcast_in_dim3A_70 : vector<16xi32> to vector<1x16xi32>
        tpu.vector_store %arg6[%swap3A_145, %swap3A_146], %swap3A_149 {strides = array<i32>} : memref<40x128xi32, #tpu.memory_space<vmem>>, vector<1x16xi32>,
        %swap3A_150 = arith.constant 38 : i32
        %swap3A_151 = arith.index_cast %swap3A_150 : i32 to index
        %swap3A_152 = arith.constant 32 : index
        %swap3A_153 = tpu.vector_load %arg7[%swap3A_151, %swap3A_152] {strides = array<i32>} : memref<40x128xi32, #tpu.memory_space<vmem>>, vector<1x16xi32>,
        %swap3A_154 = vector.shape_cast %swap3A_153 : vector<1x16xi32> to vector<16xi32>
        %swap3A_155 = vector.shape_cast %add3A_73 : vector<16xi32> to vector<1x16xi32>
        tpu.vector_store %arg7[%swap3A_151, %swap3A_152], %swap3A_155 {strides = array<i32>} : memref<40x128xi32, #tpu.memory_space<vmem>>, vector<1x16xi32>,
        %swap3A_156 = arith.constant 38 : i32
        %swap3A_157 = arith.index_cast %swap3A_156 : i32 to index
        %swap3A_158 = arith.constant 48 : index
        %swap3A_159 = tpu.vector_load %arg6[%swap3A_157, %swap3A_158] {strides = array<i32>} : memref<40x128xi32, #tpu.memory_space<vmem>>, vector<1x16xi32>,
        %swap3A_160 = vector.shape_cast %swap3A_159 : vector<1x16xi32> to vector<16xi32>
        %swap3A_161 = vector.shape_cast %broadcast_in_dim3A_70 : vector<16xi32> to vector<1x16xi32>
        tpu.vector_store %arg6[%swap3A_157, %swap3A_158], %swap3A_161 {strides = array<i32>} : memref<40x128xi32, #tpu.memory_space<vmem>>, vector<1x16xi32>,
        %swap3A_162 = arith.constant 38 : i32
        %swap3A_163 = arith.index_cast %swap3A_162 : i32 to index
        %swap3A_164 = arith.constant 48 : index
        %swap3A_165 = tpu.vector_load %arg7[%swap3A_163, %swap3A_164] {strides = array<i32>} : memref<40x128xi32, #tpu.memory_space<vmem>>, vector<1x16xi32>,
        %swap3A_166 = vector.shape_cast %swap3A_165 : vector<1x16xi32> to vector<16xi32>
        %swap3A_167 = vector.shape_cast %add3A_73 : vector<16xi32> to vector<1x16xi32>
        tpu.vector_store %arg7[%swap3A_163, %swap3A_164], %swap3A_167 {strides = array<i32>} : memref<40x128xi32, #tpu.memory_space<vmem>>, vector<1x16xi32>,
        %swap3A_168 = arith.constant 38 : i32
        %swap3A_169 = arith.index_cast %swap3A_168 : i32 to index
        %swap3A_170 = arith.constant 64 : index
        %swap3A_171 = tpu.vector_load %arg6[%swap3A_169, %swap3A_170] {strides = array<i32>} : memref<40x128xi32, #tpu.memory_space<vmem>>, vector<1x16xi32>,
        %swap3A_172 = vector.shape_cast %swap3A_171 : vector<1x16xi32> to vector<16xi32>
        %swap3A_173 = vector.shape_cast %broadcast_in_dim3A_70 : vector<16xi32> to vector<1x16xi32>
        tpu.vector_store %arg6[%swap3A_169, %swap3A_170], %swap3A_173 {strides = array<i32>} : memref<40x128xi32, #tpu.memory_space<vmem>>, vector<1x16xi32>,
        %swap3A_174 = arith.constant 38 : i32
        %swap3A_175 = arith.index_cast %swap3A_174 : i32 to index
        %swap3A_176 = arith.constant 64 : index
        %swap3A_177 = tpu.vector_load %arg7[%swap3A_175, %swap3A_176] {strides = array<i32>} : memref<40x128xi32, #tpu.memory_space<vmem>>, vector<1x16xi32>,
        %swap3A_178 = vector.shape_cast %swap3A_177 : vector<1x16xi32> to vector<16xi32>
        %swap3A_179 = vector.shape_cast %add3A_73 : vector<16xi32> to vector<1x16xi32>
        tpu.vector_store %arg7[%swap3A_175, %swap3A_176], %swap3A_179 {strides = array<i32>} : memref<40x128xi32, #tpu.memory_space<vmem>>, vector<1x16xi32>,
        %swap3A_180 = arith.constant 38 : i32
        %swap3A_181 = arith.index_cast %swap3A_180 : i32 to index
        %swap3A_182 = arith.constant 80 : index
        %swap3A_183 = tpu.vector_load %arg6[%swap3A_181, %swap3A_182] {strides = array<i32>} : memref<40x128xi32, #tpu.memory_space<vmem>>, vector<1x16xi32>,
        %swap3A_184 = vector.shape_cast %swap3A_183 : vector<1x16xi32> to vector<16xi32>
        %swap3A_185 = vector.shape_cast %broadcast_in_dim3A_70 : vector<16xi32> to vector<1x16xi32>
        tpu.vector_store %arg6[%swap3A_181, %swap3A_182], %swap3A_185 {strides = array<i32>} : memref<40x128xi32, #tpu.memory_space<vmem>>, vector<1x16xi32>,
        %swap3A_186 = arith.constant 38 : i32
        %swap3A_187 = arith.index_cast %swap3A_186 : i32 to index
        %swap3A_188 = arith.constant 80 : index
        %swap3A_189 = tpu.vector_load %arg7[%swap3A_187, %swap3A_188] {strides = array<i32>} : memref<40x128xi32, #tpu.memory_space<vmem>>, vector<1x16xi32>,
        %swap3A_190 = vector.shape_cast %swap3A_189 : vector<1x16xi32> to vector<16xi32>
        %swap3A_191 = vector.shape_cast %add3A_73 : vector<16xi32> to vector<1x16xi32>
        tpu.vector_store %arg7[%swap3A_187, %swap3A_188], %swap3A_191 {strides = array<i32>} : memref<40x128xi32, #tpu.memory_space<vmem>>, vector<1x16xi32>,
        %swap3A_192 = arith.constant 38 : i32
        %swap3A_193 = arith.index_cast %swap3A_192 : i32 to index
        %swap3A_194 = arith.constant 96 : index
        %swap3A_195 = tpu.vector_load %arg6[%swap3A_193, %swap3A_194] {strides = array<i32>} : memref<40x128xi32, #tpu.memory_space<vmem>>, vector<1x16xi32>,
        %swap3A_196 = vector.shape_cast %swap3A_195 : vector<1x16xi32> to vector<16xi32>
        %swap3A_197 = vector.shape_cast %broadcast_in_dim3A_70 : vector<16xi32> to vector<1x16xi32>
        tpu.vector_store %arg6[%swap3A_193, %swap3A_194], %swap3A_197 {strides = array<i32>} : memref<40x128xi32, #tpu.memory_space<vmem>>, vector<1x16xi32>,
        %swap3A_198 = arith.constant 38 : i32
        %swap3A_199 = arith.index_cast %swap3A_198 : i32 to index
        %swap3A_200 = arith.constant 96 : index
        %swap3A_201 = tpu.vector_load %arg7[%swap3A_199, %swap3A_200] {strides = array<i32>} : memref<40x128xi32, #tpu.memory_space<vmem>>, vector<1x16xi32>,
        %swap3A_202 = vector.shape_cast %swap3A_201 : vector<1x16xi32> to vector<16xi32>
        %swap3A_203 = vector.shape_cast %add3A_73 : vector<16xi32> to vector<1x16xi32>
        tpu.vector_store %arg7[%swap3A_199, %swap3A_200], %swap3A_203 {strides = array<i32>} : memref<40x128xi32, #tpu.memory_space<vmem>>, vector<1x16xi32>,
        %swap3A_204 = arith.constant 38 : i32
        %swap3A_205 = arith.index_cast %swap3A_204 : i32 to index
        %swap3A_206 = arith.constant 112 : index
        %swap3A_207 = tpu.vector_load %arg6[%swap3A_205, %swap3A_206] {strides = array<i32>} : memref<40x128xi32, #tpu.memory_space<vmem>>, vector<1x16xi32>,
        %swap3A_208 = vector.shape_cast %swap3A_207 : vector<1x16xi32> to vector<16xi32>
        %swap3A_209 = vector.shape_cast %broadcast_in_dim3A_70 : vector<16xi32> to vector<1x16xi32>
        tpu.vector_store %arg6[%swap3A_205, %swap3A_206], %swap3A_209 {strides = array<i32>} : memref<40x128xi32, #tpu.memory_space<vmem>>, vector<1x16xi32>,
        %swap3A_210 = arith.constant 38 : i32
        %swap3A_211 = arith.index_cast %swap3A_210 : i32 to index
        %swap3A_212 = arith.constant 112 : index
        %swap3A_213 = tpu.vector_load %arg7[%swap3A_211, %swap3A_212] {strides = array<i32>} : memref<40x128xi32, #tpu.memory_space<vmem>>, vector<1x16xi32>,
        %swap3A_214 = vector.shape_cast %swap3A_213 : vector<1x16xi32> to vector<16xi32>
        %swap3A_215 = vector.shape_cast %add3A_73 : vector<16xi32> to vector<1x16xi32>
        tpu.vector_store %arg7[%swap3A_211, %swap3A_212], %swap3A_215 {strides = array<i32>} : memref<40x128xi32, #tpu.memory_space<vmem>>, vector<1x16xi32>,
      } else {
      }
      %le3A_78 = arith.constant 39 : i32
      %le3A_79 = arith.cmpi sle, %sub3A_62, %le3A_78 : i32
      %convert_element_type3A_80 = arith.extui %le3A_79 : i1 to i32
      %cond3A_81 = arith.constant 0 : i32
      %cond3A_82 = arith.cmpi ne, %convert_element_type3A_80, %cond3A_81 : i32
      scf.if %cond3A_82 {
        %swap3A = arith.constant 39 : i32
        %swap3A_121 = arith.index_cast %swap3A : i32 to index
        %swap3A_122 = arith.constant 0 : index
        %swap3A_123 = tpu.vector_load %arg6[%swap3A_121, %swap3A_122] {strides = array<i32>} : memref<40x128xi32, #tpu.memory_space<vmem>>, vector<1x16xi32>,
        %swap3A_124 = vector.shape_cast %swap3A_123 : vector<1x16xi32> to vector<16xi32>
        %swap3A_125 = vector.shape_cast %broadcast_in_dim3A_70 : vector<16xi32> to vector<1x16xi32>
        tpu.vector_store %arg6[%swap3A_121, %swap3A_122], %swap3A_125 {strides = array<i32>} : memref<40x128xi32, #tpu.memory_space<vmem>>, vector<1x16xi32>,
        %swap3A_126 = arith.constant 39 : i32
        %swap3A_127 = arith.index_cast %swap3A_126 : i32 to index
        %swap3A_128 = arith.constant 0 : index
        %swap3A_129 = tpu.vector_load %arg7[%swap3A_127, %swap3A_128] {strides = array<i32>} : memref<40x128xi32, #tpu.memory_space<vmem>>, vector<1x16xi32>,
        %swap3A_130 = vector.shape_cast %swap3A_129 : vector<1x16xi32> to vector<16xi32>
        %swap3A_131 = vector.shape_cast %add3A_73 : vector<16xi32> to vector<1x16xi32>
        tpu.vector_store %arg7[%swap3A_127, %swap3A_128], %swap3A_131 {strides = array<i32>} : memref<40x128xi32, #tpu.memory_space<vmem>>, vector<1x16xi32>,
        %swap3A_132 = arith.constant 39 : i32
        %swap3A_133 = arith.index_cast %swap3A_132 : i32 to index
        %swap3A_134 = arith.constant 16 : index
        %swap3A_135 = tpu.vector_load %arg6[%swap3A_133, %swap3A_134] {strides = array<i32>} : memref<40x128xi32, #tpu.memory_space<vmem>>, vector<1x16xi32>,
        %swap3A_136 = vector.shape_cast %swap3A_135 : vector<1x16xi32> to vector<16xi32>
        %swap3A_137 = vector.shape_cast %broadcast_in_dim3A_70 : vector<16xi32> to vector<1x16xi32>
        tpu.vector_store %arg6[%swap3A_133, %swap3A_134], %swap3A_137 {strides = array<i32>} : memref<40x128xi32, #tpu.memory_space<vmem>>, vector<1x16xi32>,
        %swap3A_138 = arith.constant 39 : i32
        %swap3A_139 = arith.index_cast %swap3A_138 : i32 to index
        %swap3A_140 = arith.constant 16 : index
        %swap3A_141 = tpu.vector_load %arg7[%swap3A_139, %swap3A_140] {strides = array<i32>} : memref<40x128xi32, #tpu.memory_space<vmem>>, vector<1x16xi32>,
        %swap3A_142 = vector.shape_cast %swap3A_141 : vector<1x16xi32> to vector<16xi32>
        %swap3A_143 = vector.shape_cast %add3A_73 : vector<16xi32> to vector<1x16xi32>
        tpu.vector_store %arg7[%swap3A_139, %swap3A_140], %swap3A_143 {strides = array<i32>} : memref<40x128xi32, #tpu.memory_space<vmem>>, vector<1x16xi32>,
        %swap3A_144 = arith.constant 39 : i32
        %swap3A_145 = arith.index_cast %swap3A_144 : i32 to index
        %swap3A_146 = arith.constant 32 : index
        %swap3A_147 = tpu.vector_load %arg6[%swap3A_145, %swap3A_146] {strides = array<i32>} : memref<40x128xi32, #tpu.memory_space<vmem>>, vector<1x16xi32>,
        %swap3A_148 = vector.shape_cast %swap3A_147 : vector<1x16xi32> to vector<16xi32>
        %swap3A_149 = vector.shape_cast %broadcast_in_dim3A_70 : vector<16xi32> to vector<1x16xi32>
        tpu.vector_store %arg6[%swap3A_145, %swap3A_146], %swap3A_149 {strides = array<i32>} : memref<40x128xi32, #tpu.memory_space<vmem>>, vector<1x16xi32>,
        %swap3A_150 = arith.constant 39 : i32
        %swap3A_151 = arith.index_cast %swap3A_150 : i32 to index
        %swap3A_152 = arith.constant 32 : index
        %swap3A_153 = tpu.vector_load %arg7[%swap3A_151, %swap3A_152] {strides = array<i32>} : memref<40x128xi32, #tpu.memory_space<vmem>>, vector<1x16xi32>,
        %swap3A_154 = vector.shape_cast %swap3A_153 : vector<1x16xi32> to vector<16xi32>
        %swap3A_155 = vector.shape_cast %add3A_73 : vector<16xi32> to vector<1x16xi32>
        tpu.vector_store %arg7[%swap3A_151, %swap3A_152], %swap3A_155 {strides = array<i32>} : memref<40x128xi32, #tpu.memory_space<vmem>>, vector<1x16xi32>,
        %swap3A_156 = arith.constant 39 : i32
        %swap3A_157 = arith.index_cast %swap3A_156 : i32 to index
        %swap3A_158 = arith.constant 48 : index
        %swap3A_159 = tpu.vector_load %arg6[%swap3A_157, %swap3A_158] {strides = array<i32>} : memref<40x128xi32, #tpu.memory_space<vmem>>, vector<1x16xi32>,
        %swap3A_160 = vector.shape_cast %swap3A_159 : vector<1x16xi32> to vector<16xi32>
        %swap3A_161 = vector.shape_cast %broadcast_in_dim3A_70 : vector<16xi32> to vector<1x16xi32>
        tpu.vector_store %arg6[%swap3A_157, %swap3A_158], %swap3A_161 {strides = array<i32>} : memref<40x128xi32, #tpu.memory_space<vmem>>, vector<1x16xi32>,
        %swap3A_162 = arith.constant 39 : i32
        %swap3A_163 = arith.index_cast %swap3A_162 : i32 to index
        %swap3A_164 = arith.constant 48 : index
        %swap3A_165 = tpu.vector_load %arg7[%swap3A_163, %swap3A_164] {strides = array<i32>} : memref<40x128xi32, #tpu.memory_space<vmem>>, vector<1x16xi32>,
        %swap3A_166 = vector.shape_cast %swap3A_165 : vector<1x16xi32> to vector<16xi32>
        %swap3A_167 = vector.shape_cast %add3A_73 : vector<16xi32> to vector<1x16xi32>
        tpu.vector_store %arg7[%swap3A_163, %swap3A_164], %swap3A_167 {strides = array<i32>} : memref<40x128xi32, #tpu.memory_space<vmem>>, vector<1x16xi32>,
        %swap3A_168 = arith.constant 39 : i32
        %swap3A_169 = arith.index_cast %swap3A_168 : i32 to index
        %swap3A_170 = arith.constant 64 : index
        %swap3A_171 = tpu.vector_load %arg6[%swap3A_169, %swap3A_170] {strides = array<i32>} : memref<40x128xi32, #tpu.memory_space<vmem>>, vector<1x16xi32>,
        %swap3A_172 = vector.shape_cast %swap3A_171 : vector<1x16xi32> to vector<16xi32>
        %swap3A_173 = vector.shape_cast %broadcast_in_dim3A_70 : vector<16xi32> to vector<1x16xi32>
        tpu.vector_store %arg6[%swap3A_169, %swap3A_170], %swap3A_173 {strides = array<i32>} : memref<40x128xi32, #tpu.memory_space<vmem>>, vector<1x16xi32>,
        %swap3A_174 = arith.constant 39 : i32
        %swap3A_175 = arith.index_cast %swap3A_174 : i32 to index
        %swap3A_176 = arith.constant 64 : index
        %swap3A_177 = tpu.vector_load %arg7[%swap3A_175, %swap3A_176] {strides = array<i32>} : memref<40x128xi32, #tpu.memory_space<vmem>>, vector<1x16xi32>,
        %swap3A_178 = vector.shape_cast %swap3A_177 : vector<1x16xi32> to vector<16xi32>
        %swap3A_179 = vector.shape_cast %add3A_73 : vector<16xi32> to vector<1x16xi32>
        tpu.vector_store %arg7[%swap3A_175, %swap3A_176], %swap3A_179 {strides = array<i32>} : memref<40x128xi32, #tpu.memory_space<vmem>>, vector<1x16xi32>,
        %swap3A_180 = arith.constant 39 : i32
        %swap3A_181 = arith.index_cast %swap3A_180 : i32 to index
        %swap3A_182 = arith.constant 80 : index
        %swap3A_183 = tpu.vector_load %arg6[%swap3A_181, %swap3A_182] {strides = array<i32>} : memref<40x128xi32, #tpu.memory_space<vmem>>, vector<1x16xi32>,
        %swap3A_184 = vector.shape_cast %swap3A_183 : vector<1x16xi32> to vector<16xi32>
        %swap3A_185 = vector.shape_cast %broadcast_in_dim3A_70 : vector<16xi32> to vector<1x16xi32>
        tpu.vector_store %arg6[%swap3A_181, %swap3A_182], %swap3A_185 {strides = array<i32>} : memref<40x128xi32, #tpu.memory_space<vmem>>, vector<1x16xi32>,
        %swap3A_186 = arith.constant 39 : i32
        %swap3A_187 = arith.index_cast %swap3A_186 : i32 to index
        %swap3A_188 = arith.constant 80 : index
        %swap3A_189 = tpu.vector_load %arg7[%swap3A_187, %swap3A_188] {strides = array<i32>} : memref<40x128xi32, #tpu.memory_space<vmem>>, vector<1x16xi32>,
        %swap3A_190 = vector.shape_cast %swap3A_189 : vector<1x16xi32> to vector<16xi32>
        %swap3A_191 = vector.shape_cast %add3A_73 : vector<16xi32> to vector<1x16xi32>
        tpu.vector_store %arg7[%swap3A_187, %swap3A_188], %swap3A_191 {strides = array<i32>} : memref<40x128xi32, #tpu.memory_space<vmem>>, vector<1x16xi32>,
        %swap3A_192 = arith.constant 39 : i32
        %swap3A_193 = arith.index_cast %swap3A_192 : i32 to index
        %swap3A_194 = arith.constant 96 : index
        %swap3A_195 = tpu.vector_load %arg6[%swap3A_193, %swap3A_194] {strides = array<i32>} : memref<40x128xi32, #tpu.memory_space<vmem>>, vector<1x16xi32>,
        %swap3A_196 = vector.shape_cast %swap3A_195 : vector<1x16xi32> to vector<16xi32>
        %swap3A_197 = vector.shape_cast %broadcast_in_dim3A_70 : vector<16xi32> to vector<1x16xi32>
        tpu.vector_store %arg6[%swap3A_193, %swap3A_194], %swap3A_197 {strides = array<i32>} : memref<40x128xi32, #tpu.memory_space<vmem>>, vector<1x16xi32>,
        %swap3A_198 = arith.constant 39 : i32
        %swap3A_199 = arith.index_cast %swap3A_198 : i32 to index
        %swap3A_200 = arith.constant 96 : index
        %swap3A_201 = tpu.vector_load %arg7[%swap3A_199, %swap3A_200] {strides = array<i32>} : memref<40x128xi32, #tpu.memory_space<vmem>>, vector<1x16xi32>,
        %swap3A_202 = vector.shape_cast %swap3A_201 : vector<1x16xi32> to vector<16xi32>
        %swap3A_203 = vector.shape_cast %add3A_73 : vector<16xi32> to vector<1x16xi32>
        tpu.vector_store %arg7[%swap3A_199, %swap3A_200], %swap3A_203 {strides = array<i32>} : memref<40x128xi32, #tpu.memory_space<vmem>>, vector<1x16xi32>,
        %swap3A_204 = arith.constant 39 : i32
        %swap3A_205 = arith.index_cast %swap3A_204 : i32 to index
        %swap3A_206 = arith.constant 112 : index
        %swap3A_207 = tpu.vector_load %arg6[%swap3A_205, %swap3A_206] {strides = array<i32>} : memref<40x128xi32, #tpu.memory_space<vmem>>, vector<1x16xi32>,
        %swap3A_208 = vector.shape_cast %swap3A_207 : vector<1x16xi32> to vector<16xi32>
        %swap3A_209 = vector.shape_cast %broadcast_in_dim3A_70 : vector<16xi32> to vector<1x16xi32>
        tpu.vector_store %arg6[%swap3A_205, %swap3A_206], %swap3A_209 {strides = array<i32>} : memref<40x128xi32, #tpu.memory_space<vmem>>, vector<1x16xi32>,
        %swap3A_210 = arith.constant 39 : i32
        %swap3A_211 = arith.index_cast %swap3A_210 : i32 to index
        %swap3A_212 = arith.constant 112 : index
        %swap3A_213 = tpu.vector_load %arg7[%swap3A_211, %swap3A_212] {strides = array<i32>} : memref<40x128xi32, #tpu.memory_space<vmem>>, vector<1x16xi32>,
        %swap3A_214 = vector.shape_cast %swap3A_213 : vector<1x16xi32> to vector<16xi32>
        %swap3A_215 = vector.shape_cast %add3A_73 : vector<16xi32> to vector<1x16xi32>
        tpu.vector_store %arg7[%swap3A_211, %swap3A_212], %swap3A_215 {strides = array<i32>} : memref<40x128xi32, #tpu.memory_space<vmem>>, vector<1x16xi32>,
      } else {
      }
      %dma_start3A_83 = arith.constant 0 : i32
      %dma_start3A_84 = arith.constant 0 : i32
      %dma_start3A_85 = tpu.memref_slice %arg6[%dma_start3A_83, %dma_start3A_84] : memref<40x128xi32, #tpu.memory_space<vmem>> -> memref<1x128xi32, #tpu.memory_space<vmem>>
      %dma_start3A_86 = tpu.memref_squeeze %dma_start3A_85 : memref<1x128xi32, #tpu.memory_space<vmem>> -> memref<128xi32, #tpu.memory_space<vmem>>
      %dma_start3A_87 = arith.constant 0 : i32
      %dma_start3A_88 = arith.constant 0 : i32
      %dma_start3A_89 = tpu.memref_slice %arg12[%dma_start3A_87, %dma_start3A_88] : memref<10000x64xf32, #tpu.memory_space<vmem_shared>> -> memref<10000x64xf32, #tpu.memory_space<vmem_shared>>
      tpu.enqueue_indirect_dma source(%dma_start3A_89 : memref<10000x64xf32, #tpu.memory_space<vmem_shared>>) target(%arg8 : memref<128x64xf32, #tpu.memory_space<vmem>>) offsets(%dma_start3A_86 : memref<128xi32, #tpu.memory_space<vmem>>) semaphore(%arg14 : memref<!tpu.dma_semaphore, #tpu.memory_space<semaphore_mem>>)
      %dma_start3A_90 = arith.constant 1 : i32
      %dma_start3A_91 = arith.constant 0 : i32
      %dma_start3A_92 = tpu.memref_slice %arg6[%dma_start3A_90, %dma_start3A_91] : memref<40x128xi32, #tpu.memory_space<vmem>> -> memref<1x128xi32, #tpu.memory_space<vmem>>
      %dma_start3A_93 = tpu.memref_squeeze %dma_start3A_92 : memref<1x128xi32, #tpu.memory_space<vmem>> -> memref<128xi32, #tpu.memory_space<vmem>>
      %dma_start3A_94 = arith.constant 0 : i32
      %dma_start3A_95 = arith.constant 0 : i32
      %dma_start3A_96 = tpu.memref_slice %arg12[%dma_start3A_94, %dma_start3A_95] : memref<10000x64xf32, #tpu.memory_space<vmem_shared>> -> memref<10000x64xf32, #tpu.memory_space<vmem_shared>>
      tpu.enqueue_indirect_dma source(%dma_start3A_96 : memref<10000x64xf32, #tpu.memory_space<vmem_shared>>) target(%arg9 : memref<128x64xf32, #tpu.memory_space<vmem>>) offsets(%dma_start3A_93 : memref<128xi32, #tpu.memory_space<vmem>>) semaphore(%arg15 : memref<!tpu.dma_semaphore, #tpu.memory_space<semaphore_mem>>)
      %scan3A_97 = arith.constant 0 : i32
      %scan3A_98 = arith.constant 10 : i32
      %scan3A_99 = arith.addi %scan3A_97, %scan3A_98 : i32
      %scan3A_100 = arith.constant 1 : i32
      scf.for %scan3A_121 = %scan3A_97 to %scan3A_99 step %scan3A_100  : i32 {
        %mul3A_122 = arith.constant 1 : i32
        %mul3A_123 = arith.muli %scan3A_121, %mul3A_122 : i32
        %add3A_124 = arith.constant 0 : i32
        %add3A_125 = arith.addi %add3A_124, %mul3A_123 : i32
        %mul3A_126 = arith.constant 4 : i32
        %mul3A_127 = arith.muli %mul3A_126, %add3A_125 : i32
        %add3A_128 = arith.constant 0 : i32
        %add3A_129 = arith.addi %mul3A_127, %add3A_128 : i32
        %gt3A = arith.constant 0 : i32
        %gt3A_130 = arith.cmpi sgt, %add3A_125, %gt3A : i32
        %convert_element_type3A_131 = arith.extui %gt3A_130 : i1 to i32
        %cond3A_132 = arith.constant 0 : i32
        %cond3A_133 = arith.cmpi ne, %convert_element_type3A_131, %cond3A_132 : i32
        scf.if %cond3A_133 {
          %dma_wait3A_237 = arith.constant 0 : i32
          %dma_wait3A_238 = arith.constant 0 : i32
          %dma_wait3A_239 = tpu.memref_slice %arg4[%dma_wait3A_237, %dma_wait3A_238] : memref<10112x64xf32, #tpu.memory_space<hbm>> -> memref<128x64xf32, #tpu.memory_space<hbm>>
          %dma_wait3A_240 = arith.constant 0 : i32
          %dma_wait3A_241 = arith.constant 0 : i32
          %dma_wait3A_242 = tpu.memref_slice %arg4[%dma_wait3A_240, %dma_wait3A_241] : memref<10112x64xf32, #tpu.memory_space<hbm>> -> memref<128x64xf32, #tpu.memory_space<hbm>>
          tpu.wait_dma2 semaphore(%arg20 : memref<!tpu.dma_semaphore, #tpu.memory_space<semaphore_mem>>) src(%dma_wait3A_242 : memref<128x64xf32, #tpu.memory_space<hbm>>) dst(%arg10 : memref<128x64xf32, #tpu.memory_space<vmem>>)
        } else {
        }
        %add3A_134 = arith.constant 2 : i32
        %add3A_135 = arith.addi %add3A_129, %add3A_134 : i32
        %dma_start3A_136 = arith.constant 0 : i32
        %dma_start3A_137 = tpu.memref_slice %arg6[%add3A_135, %dma_start3A_136] : memref<40x128xi32, #tpu.memory_space<vmem>> -> memref<1x128xi32, #tpu.memory_space<vmem>>
        %dma_start3A_138 = tpu.memref_squeeze %dma_start3A_137 : memref<1x128xi32, #tpu.memory_space<vmem>> -> memref<128xi32, #tpu.memory_space<vmem>>
        %dma_start3A_139 = arith.constant 0 : i32
        %dma_start3A_140 = arith.constant 0 : i32
        %dma_start3A_141 = tpu.memref_slice %arg12[%dma_start3A_139, %dma_start3A_140] : memref<10000x64xf32, #tpu.memory_space<vmem_shared>> -> memref<10000x64xf32, #tpu.memory_space<vmem_shared>>
        tpu.enqueue_indirect_dma source(%dma_start3A_141 : memref<10000x64xf32, #tpu.memory_space<vmem_shared>>) target(%arg10 : memref<128x64xf32, #tpu.memory_space<vmem>>) offsets(%dma_start3A_138 : memref<128xi32, #tpu.memory_space<vmem>>) semaphore(%arg16 : memref<!tpu.dma_semaphore, #tpu.memory_space<semaphore_mem>>)
        %dma_wait3A_142 = arith.constant 0 : i32
        %dma_wait3A_143 = arith.constant 0 : i32
        %dma_wait3A_144 = tpu.memref_slice %arg4[%dma_wait3A_142, %dma_wait3A_143] : memref<10112x64xf32, #tpu.memory_space<hbm>> -> memref<128x64xf32, #tpu.memory_space<hbm>>
        %dma_wait3A_145 = arith.constant 0 : i32
        %dma_wait3A_146 = arith.constant 0 : i32
        %dma_wait3A_147 = tpu.memref_slice %arg4[%dma_wait3A_145, %dma_wait3A_146] : memref<10112x64xf32, #tpu.memory_space<hbm>> -> memref<128x64xf32, #tpu.memory_space<hbm>>
        tpu.wait_dma2 semaphore(%arg14 : memref<!tpu.dma_semaphore, #tpu.memory_space<semaphore_mem>>) src(%dma_wait3A_147 : memref<128x64xf32, #tpu.memory_space<hbm>>) dst(%arg8 : memref<128x64xf32, #tpu.memory_space<vmem>>)
        %dma_start3A_148 = arith.constant 0 : i32
        %dma_start3A_149 = tpu.memref_slice %arg7[%add3A_129, %dma_start3A_148] : memref<40x128xi32, #tpu.memory_space<vmem>> -> memref<1x128xi32, #tpu.memory_space<vmem>>
        %dma_start3A_150 = tpu.memref_squeeze %dma_start3A_149 : memref<1x128xi32, #tpu.memory_space<vmem>> -> memref<128xi32, #tpu.memory_space<vmem>>
        %dma_start3A_151 = arith.constant 0 : i32
        %dma_start3A_152 = arith.constant 0 : i32
        %dma_start3A_153 = tpu.memref_slice %arg13[%dma_start3A_151, %dma_start3A_152] : memref<10112x64xf32, #tpu.memory_space<vmem_shared>> -> memref<10112x64xf32, #tpu.memory_space<vmem_shared>>
        tpu.enqueue_indirect_dma source(%arg8 : memref<128x64xf32, #tpu.memory_space<vmem>>) target(%dma_start3A_153 : memref<10112x64xf32, #tpu.memory_space<vmem_shared>>) offsets(%dma_start3A_150 : memref<128xi32, #tpu.memory_space<vmem>>) semaphore(%arg18 : memref<!tpu.dma_semaphore, #tpu.memory_space<semaphore_mem>>) {add = true}
        %mul3A_154 = arith.constant 4 : i32
        %mul3A_155 = arith.muli %mul3A_154, %add3A_125 : i32
        %add3A_156 = arith.constant 1 : i32
        %add3A_157 = arith.addi %mul3A_155, %add3A_156 : i32
        %gt3A_158 = arith.constant 0 : i32
        %gt3A_159 = arith.cmpi sgt, %add3A_125, %gt3A_158 : i32
        %convert_element_type3A_160 = arith.extui %gt3A_159 : i1 to i32
        %cond3A_161 = arith.constant 0 : i32
        %cond3A_162 = arith.cmpi ne, %convert_element_type3A_160, %cond3A_161 : i32
        scf.if %cond3A_162 {
          %dma_wait3A_237 = arith.constant 0 : i32
          %dma_wait3A_238 = arith.constant 0 : i32
          %dma_wait3A_239 = tpu.memref_slice %arg4[%dma_wait3A_237, %dma_wait3A_238] : memref<10112x64xf32, #tpu.memory_space<hbm>> -> memref<128x64xf32, #tpu.memory_space<hbm>>
          %dma_wait3A_240 = arith.constant 0 : i32
          %dma_wait3A_241 = arith.constant 0 : i32
          %dma_wait3A_242 = tpu.memref_slice %arg4[%dma_wait3A_240, %dma_wait3A_241] : memref<10112x64xf32, #tpu.memory_space<hbm>> -> memref<128x64xf32, #tpu.memory_space<hbm>>
          tpu.wait_dma2 semaphore(%arg21 : memref<!tpu.dma_semaphore, #tpu.memory_space<semaphore_mem>>) src(%dma_wait3A_242 : memref<128x64xf32, #tpu.memory_space<hbm>>) dst(%arg11 : memref<128x64xf32, #tpu.memory_space<vmem>>)
        } else {
        }
        %add3A_163 = arith.constant 2 : i32
        %add3A_164 = arith.addi %add3A_157, %add3A_163 : i32
        %dma_start3A_165 = arith.constant 0 : i32
        %dma_start3A_166 = tpu.memref_slice %arg6[%add3A_164, %dma_start3A_165] : memref<40x128xi32, #tpu.memory_space<vmem>> -> memref<1x128xi32, #tpu.memory_space<vmem>>
        %dma_start3A_167 = tpu.memref_squeeze %dma_start3A_166 : memref<1x128xi32, #tpu.memory_space<vmem>> -> memref<128xi32, #tpu.memory_space<vmem>>
        %dma_start3A_168 = arith.constant 0 : i32
        %dma_start3A_169 = arith.constant 0 : i32
        %dma_start3A_170 = tpu.memref_slice %arg12[%dma_start3A_168, %dma_start3A_169] : memref<10000x64xf32, #tpu.memory_space<vmem_shared>> -> memref<10000x64xf32, #tpu.memory_space<vmem_shared>>
        tpu.enqueue_indirect_dma source(%dma_start3A_170 : memref<10000x64xf32, #tpu.memory_space<vmem_shared>>) target(%arg11 : memref<128x64xf32, #tpu.memory_space<vmem>>) offsets(%dma_start3A_167 : memref<128xi32, #tpu.memory_space<vmem>>) semaphore(%arg17 : memref<!tpu.dma_semaphore, #tpu.memory_space<semaphore_mem>>)
        %dma_wait3A_171 = arith.constant 0 : i32
        %dma_wait3A_172 = arith.constant 0 : i32
        %dma_wait3A_173 = tpu.memref_slice %arg4[%dma_wait3A_171, %dma_wait3A_172] : memref<10112x64xf32, #tpu.memory_space<hbm>> -> memref<128x64xf32, #tpu.memory_space<hbm>>
        %dma_wait3A_174 = arith.constant 0 : i32
        %dma_wait3A_175 = arith.constant 0 : i32
        %dma_wait3A_176 = tpu.memref_slice %arg4[%dma_wait3A_174, %dma_wait3A_175] : memref<10112x64xf32, #tpu.memory_space<hbm>> -> memref<128x64xf32, #tpu.memory_space<hbm>>
        tpu.wait_dma2 semaphore(%arg15 : memref<!tpu.dma_semaphore, #tpu.memory_space<semaphore_mem>>) src(%dma_wait3A_176 : memref<128x64xf32, #tpu.memory_space<hbm>>) dst(%arg9 : memref<128x64xf32, #tpu.memory_space<vmem>>)
        %dma_start3A_177 = arith.constant 0 : i32
        %dma_start3A_178 = tpu.memref_slice %arg7[%add3A_157, %dma_start3A_177] : memref<40x128xi32, #tpu.memory_space<vmem>> -> memref<1x128xi32, #tpu.memory_space<vmem>>
        %dma_start3A_179 = tpu.memref_squeeze %dma_start3A_178 : memref<1x128xi32, #tpu.memory_space<vmem>> -> memref<128xi32, #tpu.memory_space<vmem>>
        %dma_start3A_180 = arith.constant 0 : i32
        %dma_start3A_181 = arith.constant 0 : i32
        %dma_start3A_182 = tpu.memref_slice %arg13[%dma_start3A_180, %dma_start3A_181] : memref<10112x64xf32, #tpu.memory_space<vmem_shared>> -> memref<10112x64xf32, #tpu.memory_space<vmem_shared>>
        tpu.enqueue_indirect_dma source(%arg9 : memref<128x64xf32, #tpu.memory_space<vmem>>) target(%dma_start3A_182 : memref<10112x64xf32, #tpu.memory_space<vmem_shared>>) offsets(%dma_start3A_179 : memref<128xi32, #tpu.memory_space<vmem>>) semaphore(%arg19 : memref<!tpu.dma_semaphore, #tpu.memory_space<semaphore_mem>>) {add = true}
        %mul3A_183 = arith.constant 4 : i32
        %mul3A_184 = arith.muli %mul3A_183, %add3A_125 : i32
        %add3A_185 = arith.constant 2 : i32
        %add3A_186 = arith.addi %mul3A_184, %add3A_185 : i32
        %dma_wait3A_187 = arith.constant 0 : i32
        %dma_wait3A_188 = arith.constant 0 : i32
        %dma_wait3A_189 = tpu.memref_slice %arg4[%dma_wait3A_187, %dma_wait3A_188] : memref<10112x64xf32, #tpu.memory_space<hbm>> -> memref<128x64xf32, #tpu.memory_space<hbm>>
        %dma_wait3A_190 = arith.constant 0 : i32
        %dma_wait3A_191 = arith.constant 0 : i32
        %dma_wait3A_192 = tpu.memref_slice %arg4[%dma_wait3A_190, %dma_wait3A_191] : memref<10112x64xf32, #tpu.memory_space<hbm>> -> memref<128x64xf32, #tpu.memory_space<hbm>>
        tpu.wait_dma2 semaphore(%arg18 : memref<!tpu.dma_semaphore, #tpu.memory_space<semaphore_mem>>) src(%dma_wait3A_192 : memref<128x64xf32, #tpu.memory_space<hbm>>) dst(%arg8 : memref<128x64xf32, #tpu.memory_space<vmem>>)
        %lt3A_193 = arith.constant 9 : i32
        %lt3A_194 = arith.cmpi slt, %add3A_125, %lt3A_193 : i32
        %convert_element_type3A_195 = arith.extui %lt3A_194 : i1 to i32
        %cond3A_196 = arith.constant 0 : i32
        %cond3A_197 = arith.cmpi ne, %convert_element_type3A_195, %cond3A_196 : i32
        scf.if %cond3A_197 {
          %add3A_237 = arith.constant 2 : i32
          %add3A_238 = arith.addi %add3A_186, %add3A_237 : i32
          %dma_start3A_239 = arith.constant 0 : i32
          %dma_start3A_240 = tpu.memref_slice %arg6[%add3A_238, %dma_start3A_239] : memref<40x128xi32, #tpu.memory_space<vmem>> -> memref<1x128xi32, #tpu.memory_space<vmem>>
          %dma_start3A_241 = tpu.memref_squeeze %dma_start3A_240 : memref<1x128xi32, #tpu.memory_space<vmem>> -> memref<128xi32, #tpu.memory_space<vmem>>
          %dma_start3A_242 = arith.constant 0 : i32
          %dma_start3A_243 = arith.constant 0 : i32
          %dma_start3A_244 = tpu.memref_slice %arg12[%dma_start3A_242, %dma_start3A_243] : memref<10000x64xf32, #tpu.memory_space<vmem_shared>> -> memref<10000x64xf32, #tpu.memory_space<vmem_shared>>
          tpu.enqueue_indirect_dma source(%dma_start3A_244 : memref<10000x64xf32, #tpu.memory_space<vmem_shared>>) target(%arg8 : memref<128x64xf32, #tpu.memory_space<vmem>>) offsets(%dma_start3A_241 : memref<128xi32, #tpu.memory_space<vmem>>) semaphore(%arg14 : memref<!tpu.dma_semaphore, #tpu.memory_space<semaphore_mem>>)
        } else {
        }
        %dma_wait3A_198 = arith.constant 0 : i32
        %dma_wait3A_199 = arith.constant 0 : i32
        %dma_wait3A_200 = tpu.memref_slice %arg4[%dma_wait3A_198, %dma_wait3A_199] : memref<10112x64xf32, #tpu.memory_space<hbm>> -> memref<128x64xf32, #tpu.memory_space<hbm>>
        %dma_wait3A_201 = arith.constant 0 : i32
        %dma_wait3A_202 = arith.constant 0 : i32
        %dma_wait3A_203 = tpu.memref_slice %arg4[%dma_wait3A_201, %dma_wait3A_202] : memref<10112x64xf32, #tpu.memory_space<hbm>> -> memref<128x64xf32, #tpu.memory_space<hbm>>
        tpu.wait_dma2 semaphore(%arg16 : memref<!tpu.dma_semaphore, #tpu.memory_space<semaphore_mem>>) src(%dma_wait3A_203 : memref<128x64xf32, #tpu.memory_space<hbm>>) dst(%arg10 : memref<128x64xf32, #tpu.memory_space<vmem>>)
        %dma_start3A_204 = arith.constant 0 : i32
        %dma_start3A_205 = tpu.memref_slice %arg7[%add3A_186, %dma_start3A_204] : memref<40x128xi32, #tpu.memory_space<vmem>> -> memref<1x128xi32, #tpu.memory_space<vmem>>
        %dma_start3A_206 = tpu.memref_squeeze %dma_start3A_205 : memref<1x128xi32, #tpu.memory_space<vmem>> -> memref<128xi32, #tpu.memory_space<vmem>>
        %dma_start3A_207 = arith.constant 0 : i32
        %dma_start3A_208 = arith.constant 0 : i32
        %dma_start3A_209 = tpu.memref_slice %arg13[%dma_start3A_207, %dma_start3A_208] : memref<10112x64xf32, #tpu.memory_space<vmem_shared>> -> memref<10112x64xf32, #tpu.memory_space<vmem_shared>>
        tpu.enqueue_indirect_dma source(%arg10 : memref<128x64xf32, #tpu.memory_space<vmem>>) target(%dma_start3A_209 : memref<10112x64xf32, #tpu.memory_space<vmem_shared>>) offsets(%dma_start3A_206 : memref<128xi32, #tpu.memory_space<vmem>>) semaphore(%arg20 : memref<!tpu.dma_semaphore, #tpu.memory_space<semaphore_mem>>) {add = true}
        %mul3A_210 = arith.constant 4 : i32
        %mul3A_211 = arith.muli %mul3A_210, %add3A_125 : i32
        %add3A_212 = arith.constant 3 : i32
        %add3A_213 = arith.addi %mul3A_211, %add3A_212 : i32
        %dma_wait3A_214 = arith.constant 0 : i32
        %dma_wait3A_215 = arith.constant 0 : i32
        %dma_wait3A_216 = tpu.memref_slice %arg4[%dma_wait3A_214, %dma_wait3A_215] : memref<10112x64xf32, #tpu.memory_space<hbm>> -> memref<128x64xf32, #tpu.memory_space<hbm>>
        %dma_wait3A_217 = arith.constant 0 : i32
        %dma_wait3A_218 = arith.constant 0 : i32
        %dma_wait3A_219 = tpu.memref_slice %arg4[%dma_wait3A_217, %dma_wait3A_218] : memref<10112x64xf32, #tpu.memory_space<hbm>> -> memref<128x64xf32, #tpu.memory_space<hbm>>
        tpu.wait_dma2 semaphore(%arg19 : memref<!tpu.dma_semaphore, #tpu.memory_space<semaphore_mem>>) src(%dma_wait3A_219 : memref<128x64xf32, #tpu.memory_space<hbm>>) dst(%arg9 : memref<128x64xf32, #tpu.memory_space<vmem>>)
        %lt3A_220 = arith.constant 9 : i32
        %lt3A_221 = arith.cmpi slt, %add3A_125, %lt3A_220 : i32
        %convert_element_type3A_222 = arith.extui %lt3A_221 : i1 to i32
        %cond3A_223 = arith.constant 0 : i32
        %cond3A_224 = arith.cmpi ne, %convert_element_type3A_222, %cond3A_223 : i32
        scf.if %cond3A_224 {
          %add3A_237 = arith.constant 2 : i32
          %add3A_238 = arith.addi %add3A_213, %add3A_237 : i32
          %dma_start3A_239 = arith.constant 0 : i32
          %dma_start3A_240 = tpu.memref_slice %arg6[%add3A_238, %dma_start3A_239] : memref<40x128xi32, #tpu.memory_space<vmem>> -> memref<1x128xi32, #tpu.memory_space<vmem>>
          %dma_start3A_241 = tpu.memref_squeeze %dma_start3A_240 : memref<1x128xi32, #tpu.memory_space<vmem>> -> memref<128xi32, #tpu.memory_space<vmem>>
          %dma_start3A_242 = arith.constant 0 : i32
          %dma_start3A_243 = arith.constant 0 : i32
          %dma_start3A_244 = tpu.memref_slice %arg12[%dma_start3A_242, %dma_start3A_243] : memref<10000x64xf32, #tpu.memory_space<vmem_shared>> -> memref<10000x64xf32, #tpu.memory_space<vmem_shared>>
          tpu.enqueue_indirect_dma source(%dma_start3A_244 : memref<10000x64xf32, #tpu.memory_space<vmem_shared>>) target(%arg9 : memref<128x64xf32, #tpu.memory_space<vmem>>) offsets(%dma_start3A_241 : memref<128xi32, #tpu.memory_space<vmem>>) semaphore(%arg15 : memref<!tpu.dma_semaphore, #tpu.memory_space<semaphore_mem>>)
        } else {
        }
        %dma_wait3A_225 = arith.constant 0 : i32
        %dma_wait3A_226 = arith.constant 0 : i32
        %dma_wait3A_227 = tpu.memref_slice %arg4[%dma_wait3A_225, %dma_wait3A_226] : memref<10112x64xf32, #tpu.memory_space<hbm>> -> memref<128x64xf32, #tpu.memory_space<hbm>>
        %dma_wait3A_228 = arith.constant 0 : i32
        %dma_wait3A_229 = arith.constant 0 : i32
        %dma_wait3A_230 = tpu.memref_slice %arg4[%dma_wait3A_228, %dma_wait3A_229] : memref<10112x64xf32, #tpu.memory_space<hbm>> -> memref<128x64xf32, #tpu.memory_space<hbm>>
        tpu.wait_dma2 semaphore(%arg17 : memref<!tpu.dma_semaphore, #tpu.memory_space<semaphore_mem>>) src(%dma_wait3A_230 : memref<128x64xf32, #tpu.memory_space<hbm>>) dst(%arg11 : memref<128x64xf32, #tpu.memory_space<vmem>>)
        %dma_start3A_231 = arith.constant 0 : i32
        %dma_start3A_232 = tpu.memref_slice %arg7[%add3A_213, %dma_start3A_231] : memref<40x128xi32, #tpu.memory_space<vmem>> -> memref<1x128xi32, #tpu.memory_space<vmem>>
        %dma_start3A_233 = tpu.memref_squeeze %dma_start3A_232 : memref<1x128xi32, #tpu.memory_space<vmem>> -> memref<128xi32, #tpu.memory_space<vmem>>
        %dma_start3A_234 = arith.constant 0 : i32
        %dma_start3A_235 = arith.constant 0 : i32
        %dma_start3A_236 = tpu.memref_slice %arg13[%dma_start3A_234, %dma_start3A_235] : memref<10112x64xf32, #tpu.memory_space<vmem_shared>> -> memref<10112x64xf32, #tpu.memory_space<vmem_shared>>
        tpu.enqueue_indirect_dma source(%arg11 : memref<128x64xf32, #tpu.memory_space<vmem>>) target(%dma_start3A_236 : memref<10112x64xf32, #tpu.memory_space<vmem_shared>>) offsets(%dma_start3A_233 : memref<128xi32, #tpu.memory_space<vmem>>) semaphore(%arg21 : memref<!tpu.dma_semaphore, #tpu.memory_space<semaphore_mem>>) {add = true}
      }
      %scan3A_101 = arith.constant 10 : i32
      %dma_wait3A_102 = arith.constant 0 : i32
      %dma_wait3A_103 = arith.constant 0 : i32
      %dma_wait3A_104 = tpu.memref_slice %arg4[%dma_wait3A_102, %dma_wait3A_103] : memref<10112x64xf32, #tpu.memory_space<hbm>> -> memref<128x64xf32, #tpu.memory_space<hbm>>
      %dma_wait3A_105 = arith.constant 0 : i32
      %dma_wait3A_106 = arith.constant 0 : i32
      %dma_wait3A_107 = tpu.memref_slice %arg4[%dma_wait3A_105, %dma_wait3A_106] : memref<10112x64xf32, #tpu.memory_space<hbm>> -> memref<128x64xf32, #tpu.memory_space<hbm>>
      tpu.wait_dma2 semaphore(%arg20 : memref<!tpu.dma_semaphore, #tpu.memory_space<semaphore_mem>>) src(%dma_wait3A_107 : memref<128x64xf32, #tpu.memory_space<hbm>>) dst(%arg10 : memref<128x64xf32, #tpu.memory_space<vmem>>)
      %dma_wait3A_108 = arith.constant 0 : i32
      %dma_wait3A_109 = arith.constant 0 : i32
      %dma_wait3A_110 = tpu.memref_slice %arg4[%dma_wait3A_108, %dma_wait3A_109] : memref<10112x64xf32, #tpu.memory_space<hbm>> -> memref<128x64xf32, #tpu.memory_space<hbm>>
      %dma_wait3A_111 = arith.constant 0 : i32
      %dma_wait3A_112 = arith.constant 0 : i32
      %dma_wait3A_113 = tpu.memref_slice %arg4[%dma_wait3A_111, %dma_wait3A_112] : memref<10112x64xf32, #tpu.memory_space<hbm>> -> memref<128x64xf32, #tpu.memory_space<hbm>>
      tpu.wait_dma2 semaphore(%arg21 : memref<!tpu.dma_semaphore, #tpu.memory_space<semaphore_mem>>) src(%dma_wait3A_113 : memref<128x64xf32, #tpu.memory_space<hbm>>) dst(%arg11 : memref<128x64xf32, #tpu.memory_space<vmem>>)
      %barrier3A_114 = arith.constant 0 : index
      tpu.barrier barrier_id(%barrier3A_114)
      %mul3A_115 = arith.constant 632 : i32
      %mul3A_116 = arith.muli %arg1, %mul3A_115 : i32
      %mul3A_117 = arith.constant 632 : i32
      %mul3A_118 = arith.muli %arg1, %mul3A_117 : i32
      %mul3A_119 = arith.constant 64 : i32
      %mul3A_120 = arith.muli %add3A_17, %mul3A_119 : i32
      "tpu.region"() ({
        %run_scoped3A_121 = tpu.sem_alloc : memref<!tpu.dma_semaphore, #tpu.memory_space<semaphore_mem>>
        %dma_start3A_122 = tpu.memref_slice %arg5[%arg0, %mul3A_118, %mul3A_120] : memref<2x10112x128xf32, #tpu.memory_space<hbm>> -> memref<1x632x64xf32, #tpu.memory_space<hbm>>
        %dma_start3A_123 = tpu.memref_squeeze %dma_start3A_122 : memref<1x632x64xf32, #tpu.memory_space<hbm>> -> memref<632x64xf32, #tpu.memory_space<hbm>>
        %dma_start3A_124 = arith.constant 0 : i32
        %dma_start3A_125 = tpu.memref_slice %arg13[%mul3A_116, %dma_start3A_124] : memref<10112x64xf32, #tpu.memory_space<vmem_shared>> -> memref<632x64xf32, #tpu.memory_space<vmem_shared>>
        tpu.enqueue_dma source(%dma_start3A_125 : memref<632x64xf32, #tpu.memory_space<vmem_shared>>) target(%dma_start3A_123 : memref<632x64xf32, #tpu.memory_space<hbm>>) target_semaphore(%run_scoped3A_121 : memref<!tpu.dma_semaphore, #tpu.memory_space<semaphore_mem>>)
        %dma_wait3A_126 = tpu.memref_slice %arg5[%arg0, %mul3A_118, %mul3A_120] : memref<2x10112x128xf32, #tpu.memory_space<hbm>> -> memref<1x632x64xf32, #tpu.memory_space<hbm>>
        %dma_wait3A_127 = tpu.memref_squeeze %dma_wait3A_126 : memref<1x632x64xf32, #tpu.memory_space<hbm>> -> memref<632x64xf32, #tpu.memory_space<hbm>>
        %dma_wait3A_128 = arith.constant 0 : i32
        %dma_wait3A_129 = tpu.memref_slice %arg13[%mul3A_116, %dma_wait3A_128] : memref<10112x64xf32, #tpu.memory_space<vmem_shared>> -> memref<632x64xf32, #tpu.memory_space<vmem_shared>>
        tpu.wait_dma2 semaphore(%run_scoped3A_121 : memref<!tpu.dma_semaphore, #tpu.memory_space<semaphore_mem>>) src(%dma_wait3A_129 : memref<632x64xf32, #tpu.memory_space<vmem_shared>>) dst(%dma_wait3A_127 : memref<632x64xf32, #tpu.memory_space<hbm>>)
        tpu.yield
      }) : () -> ()
    }
    %scan3A_12 = arith.constant 2 : i32
    return
  }
}

#map = affine_map<(d0, d1) -> (0, 0, 0)>
#map1 = affine_map<(d0, d1) -> (0, 0)>
module attributes {stable_mosaic.version = 14 : i64} {
  func.func @deg_kernel(%arg0: i32, %arg1: i32, %arg2: memref<2x2500x128xi32, #tpu.memory_space<hbm>>, %arg3: memref<128x16xf32, #tpu.memory_space<hbm>>, %arg4: memref<10112x16xf32, #tpu.memory_space<hbm>>, %arg5: memref<2x10112x16xf32, #tpu.memory_space<hbm>>, %arg6: memref<79x128xi32, #tpu.memory_space<vmem>>, %arg7: memref<128x16xf32, #tpu.memory_space<vmem>>, %arg8: memref<10112x16xf32, #tpu.memory_space<vmem_shared>>, %arg9: memref<!tpu.dma_semaphore, #tpu.memory_space<semaphore_mem>>) attributes {dimension_semantics = [#tpu.dimension_semantics<core_parallel>, #tpu.dimension_semantics<subcore_parallel>], iteration_bounds = array<i64: 2, 16>, scalar_prefetch = 0 : i64, scratch_operands = 4 : i64, tpu.core_type = #tpu.core_type<sc_vector_subcore>, window_params = [{transform_indices = #map}, {transform_indices = #map1}, {transform_indices = #map1}, {transform_indices = #map}]} {
    %mul3A = arith.constant 16 : i32
    %mul3A_0 = arith.muli %arg0, %mul3A : i32
    %add3A = arith.addi %mul3A_0, %arg1 : i32
    %lt3A = arith.constant 4 : i32
    %lt3A_1 = arith.cmpi slt, %add3A, %lt3A : i32
    %jit3A = arith.constant 1 : i32
    %jit3A_2 = arith.constant 0 : i32
    %select_n3A = arith.select %lt3A_1, %jit3A, %jit3A_2 : i32
    %add3A_3 = arith.constant 78 : i32
    %add3A_4 = arith.addi %add3A_3, %select_n3A : i32
    %mul3A_5 = arith.constant 78 : i32
    %mul3A_6 = arith.muli %add3A, %mul3A_5 : i32
    %min3A = arith.constant 4 : i32
    %min3A_7 = arith.minsi %add3A, %min3A : i32
    %add3A_8 = arith.addi %mul3A_6, %min3A_7 : i32
    %mul3A_9 = arith.constant 632 : i32
    %mul3A_10 = arith.muli %arg1, %mul3A_9 : i32
    %mul3A_11 = arith.constant 632 : i32
    %mul3A_12 = arith.muli %arg1, %mul3A_11 : i32
    "tpu.region"() ({
      %run_scoped3A = tpu.sem_alloc : memref<!tpu.dma_semaphore, #tpu.memory_space<semaphore_mem>>
      %dma_start3A = arith.constant 0 : i32
      %dma_start3A_36 = tpu.memref_slice %arg8[%mul3A_12, %dma_start3A] : memref<10112x16xf32, #tpu.memory_space<vmem_shared>> -> memref<632x16xf32, #tpu.memory_space<vmem_shared>>
      %dma_start3A_37 = arith.constant 0 : i32
      %dma_start3A_38 = tpu.memref_slice %arg4[%mul3A_10, %dma_start3A_37] : memref<10112x16xf32, #tpu.memory_space<hbm>> -> memref<632x16xf32, #tpu.memory_space<hbm>>
      tpu.enqueue_dma source(%dma_start3A_38 : memref<632x16xf32, #tpu.memory_space<hbm>>) target(%dma_start3A_36 : memref<632x16xf32, #tpu.memory_space<vmem_shared>>) target_semaphore(%run_scoped3A : memref<!tpu.dma_semaphore, #tpu.memory_space<semaphore_mem>>)
      %dma_wait3A = arith.constant 0 : i32
      %dma_wait3A_39 = tpu.memref_slice %arg8[%mul3A_12, %dma_wait3A] : memref<10112x16xf32, #tpu.memory_space<vmem_shared>> -> memref<632x16xf32, #tpu.memory_space<vmem_shared>>
      %dma_wait3A_40 = arith.constant 0 : i32
      %dma_wait3A_41 = tpu.memref_slice %arg4[%mul3A_10, %dma_wait3A_40] : memref<10112x16xf32, #tpu.memory_space<hbm>> -> memref<632x16xf32, #tpu.memory_space<hbm>>
      tpu.wait_dma2 semaphore(%run_scoped3A : memref<!tpu.dma_semaphore, #tpu.memory_space<semaphore_mem>>) src(%dma_wait3A_41 : memref<632x16xf32, #tpu.memory_space<hbm>>) dst(%dma_wait3A_39 : memref<632x16xf32, #tpu.memory_space<vmem_shared>>)
      tpu.yield
    }) : () -> ()
    %eq3A = arith.constant 79 : i32
    %eq3A_13 = arith.cmpi eq, %add3A_4, %eq3A : i32
    %convert_element_type3A = arith.extui %eq3A_13 : i1 to i32
    %cond3A = arith.constant 1 : i32
    %cond3A_14 = arith.constant 0 : i32
    %cond3A_15 = arith.cmpi ne, %convert_element_type3A, %cond3A_14 : i32
    scf.if %cond3A_15 {
      "tpu.region"() ({
        %run_scoped3A = tpu.sem_alloc : memref<!tpu.dma_semaphore, #tpu.memory_space<semaphore_mem>>
        %dma_start3A = arith.constant 0 : i32
        %dma_start3A_36 = arith.constant 0 : i32
        %dma_start3A_37 = tpu.memref_slice %arg6[%dma_start3A, %dma_start3A_36] : memref<79x128xi32, #tpu.memory_space<vmem>> -> memref<79x128xi32, #tpu.memory_space<vmem>>
        %dma_start3A_38 = arith.constant 0 : i32
        %dma_start3A_39 = arith.constant 0 : i32
        %dma_start3A_40 = tpu.memref_slice %arg2[%cond3A, %dma_start3A_38, %dma_start3A_39] : memref<2x2500x128xi32, #tpu.memory_space<hbm>> -> memref<1x2500x128xi32, #tpu.memory_space<hbm>>
        %dma_start3A_41 = tpu.memref_squeeze %dma_start3A_40 : memref<1x2500x128xi32, #tpu.memory_space<hbm>> -> memref<2500x128xi32, #tpu.memory_space<hbm>>
        %dma_start3A_42 = arith.constant 0 : i32
        %dma_start3A_43 = tpu.memref_slice %dma_start3A_41[%add3A_8, %dma_start3A_42] : memref<2500x128xi32, #tpu.memory_space<hbm>> -> memref<79x128xi32, #tpu.memory_space<hbm>>
        %dma_start3A_44 = arith.constant 0 : i32
        %dma_start3A_45 = arith.constant 0 : i32
        %dma_start3A_46 = tpu.memref_slice %arg6[%dma_start3A_44, %dma_start3A_45] : memref<79x128xi32, #tpu.memory_space<vmem>> -> memref<79x128xi32, #tpu.memory_space<vmem>>
        %dma_start3A_47 = arith.constant 0 : i32
        %dma_start3A_48 = arith.constant 0 : i32
        %dma_start3A_49 = tpu.memref_slice %arg2[%cond3A, %dma_start3A_47, %dma_start3A_48] : memref<2x2500x128xi32, #tpu.memory_space<hbm>> -> memref<1x2500x128xi32, #tpu.memory_space<hbm>>
        %dma_start3A_50 = tpu.memref_squeeze %dma_start3A_49 : memref<1x2500x128xi32, #tpu.memory_space<hbm>> -> memref<2500x128xi32, #tpu.memory_space<hbm>>
        %dma_start3A_51 = arith.constant 0 : i32
        %dma_start3A_52 = tpu.memref_slice %dma_start3A_50[%add3A_8, %dma_start3A_51] : memref<2500x128xi32, #tpu.memory_space<hbm>> -> memref<79x128xi32, #tpu.memory_space<hbm>>
        tpu.enqueue_dma source(%dma_start3A_52 : memref<79x128xi32, #tpu.memory_space<hbm>>) target(%dma_start3A_46 : memref<79x128xi32, #tpu.memory_space<vmem>>) target_semaphore(%run_scoped3A : memref<!tpu.dma_semaphore, #tpu.memory_space<semaphore_mem>>)
        %dma_wait3A = arith.constant 0 : i32
        %dma_wait3A_53 = arith.constant 0 : i32
        %dma_wait3A_54 = tpu.memref_slice %arg6[%dma_wait3A, %dma_wait3A_53] : memref<79x128xi32, #tpu.memory_space<vmem>> -> memref<79x128xi32, #tpu.memory_space<vmem>>
        %dma_wait3A_55 = arith.constant 0 : i32
        %dma_wait3A_56 = arith.constant 0 : i32
        %dma_wait3A_57 = tpu.memref_slice %arg2[%cond3A, %dma_wait3A_55, %dma_wait3A_56] : memref<2x2500x128xi32, #tpu.memory_space<hbm>> -> memref<1x2500x128xi32, #tpu.memory_space<hbm>>
        %dma_wait3A_58 = tpu.memref_squeeze %dma_wait3A_57 : memref<1x2500x128xi32, #tpu.memory_space<hbm>> -> memref<2500x128xi32, #tpu.memory_space<hbm>>
        %dma_wait3A_59 = arith.constant 0 : i32
        %dma_wait3A_60 = tpu.memref_slice %dma_wait3A_58[%add3A_8, %dma_wait3A_59] : memref<2500x128xi32, #tpu.memory_space<hbm>> -> memref<79x128xi32, #tpu.memory_space<hbm>>
        %dma_wait3A_61 = arith.constant 0 : i32
        %dma_wait3A_62 = arith.constant 0 : i32
        %dma_wait3A_63 = tpu.memref_slice %arg6[%dma_wait3A_61, %dma_wait3A_62] : memref<79x128xi32, #tpu.memory_space<vmem>> -> memref<79x128xi32, #tpu.memory_space<vmem>>
        %dma_wait3A_64 = arith.constant 0 : i32
        %dma_wait3A_65 = arith.constant 0 : i32
        %dma_wait3A_66 = tpu.memref_slice %arg2[%cond3A, %dma_wait3A_64, %dma_wait3A_65] : memref<2x2500x128xi32, #tpu.memory_space<hbm>> -> memref<1x2500x128xi32, #tpu.memory_space<hbm>>
        %dma_wait3A_67 = tpu.memref_squeeze %dma_wait3A_66 : memref<1x2500x128xi32, #tpu.memory_space<hbm>> -> memref<2500x128xi32, #tpu.memory_space<hbm>>
        %dma_wait3A_68 = arith.constant 0 : i32
        %dma_wait3A_69 = tpu.memref_slice %dma_wait3A_67[%add3A_8, %dma_wait3A_68] : memref<2500x128xi32, #tpu.memory_space<hbm>> -> memref<79x128xi32, #tpu.memory_space<hbm>>
        tpu.wait_dma2 semaphore(%run_scoped3A : memref<!tpu.dma_semaphore, #tpu.memory_space<semaphore_mem>>) src(%dma_wait3A_69 : memref<79x128xi32, #tpu.memory_space<hbm>>) dst(%dma_wait3A_63 : memref<79x128xi32, #tpu.memory_space<vmem>>)
        tpu.yield
      }) : () -> ()
    } else {
    }
    %eq3A_16 = arith.constant 78 : i32
    %eq3A_17 = arith.cmpi eq, %add3A_4, %eq3A_16 : i32
    %convert_element_type3A_18 = arith.extui %eq3A_17 : i1 to i32
    %cond3A_19 = arith.constant 1 : i32
    %cond3A_20 = arith.constant 0 : i32
    %cond3A_21 = arith.cmpi ne, %convert_element_type3A_18, %cond3A_20 : i32
    scf.if %cond3A_21 {
      "tpu.region"() ({
        %run_scoped3A = tpu.sem_alloc : memref<!tpu.dma_semaphore, #tpu.memory_space<semaphore_mem>>
        %dma_start3A = arith.constant 0 : i32
        %dma_start3A_36 = arith.constant 0 : i32
        %dma_start3A_37 = tpu.memref_slice %arg6[%dma_start3A, %dma_start3A_36] : memref<79x128xi32, #tpu.memory_space<vmem>> -> memref<78x128xi32, #tpu.memory_space<vmem>>
        %dma_start3A_38 = arith.constant 0 : i32
        %dma_start3A_39 = arith.constant 0 : i32
        %dma_start3A_40 = tpu.memref_slice %arg2[%cond3A_19, %dma_start3A_38, %dma_start3A_39] : memref<2x2500x128xi32, #tpu.memory_space<hbm>> -> memref<1x2500x128xi32, #tpu.memory_space<hbm>>
        %dma_start3A_41 = tpu.memref_squeeze %dma_start3A_40 : memref<1x2500x128xi32, #tpu.memory_space<hbm>> -> memref<2500x128xi32, #tpu.memory_space<hbm>>
        %dma_start3A_42 = arith.constant 0 : i32
        %dma_start3A_43 = tpu.memref_slice %dma_start3A_41[%add3A_8, %dma_start3A_42] : memref<2500x128xi32, #tpu.memory_space<hbm>> -> memref<78x128xi32, #tpu.memory_space<hbm>>
        %dma_start3A_44 = arith.constant 0 : i32
        %dma_start3A_45 = arith.constant 0 : i32
        %dma_start3A_46 = tpu.memref_slice %arg6[%dma_start3A_44, %dma_start3A_45] : memref<79x128xi32, #tpu.memory_space<vmem>> -> memref<78x128xi32, #tpu.memory_space<vmem>>
        %dma_start3A_47 = arith.constant 0 : i32
        %dma_start3A_48 = arith.constant 0 : i32
        %dma_start3A_49 = tpu.memref_slice %arg2[%cond3A_19, %dma_start3A_47, %dma_start3A_48] : memref<2x2500x128xi32, #tpu.memory_space<hbm>> -> memref<1x2500x128xi32, #tpu.memory_space<hbm>>
        %dma_start3A_50 = tpu.memref_squeeze %dma_start3A_49 : memref<1x2500x128xi32, #tpu.memory_space<hbm>> -> memref<2500x128xi32, #tpu.memory_space<hbm>>
        %dma_start3A_51 = arith.constant 0 : i32
        %dma_start3A_52 = tpu.memref_slice %dma_start3A_50[%add3A_8, %dma_start3A_51] : memref<2500x128xi32, #tpu.memory_space<hbm>> -> memref<78x128xi32, #tpu.memory_space<hbm>>
        tpu.enqueue_dma source(%dma_start3A_52 : memref<78x128xi32, #tpu.memory_space<hbm>>) target(%dma_start3A_46 : memref<78x128xi32, #tpu.memory_space<vmem>>) target_semaphore(%run_scoped3A : memref<!tpu.dma_semaphore, #tpu.memory_space<semaphore_mem>>)
        %dma_wait3A = arith.constant 0 : i32
        %dma_wait3A_53 = arith.constant 0 : i32
        %dma_wait3A_54 = tpu.memref_slice %arg6[%dma_wait3A, %dma_wait3A_53] : memref<79x128xi32, #tpu.memory_space<vmem>> -> memref<78x128xi32, #tpu.memory_space<vmem>>
        %dma_wait3A_55 = arith.constant 0 : i32
        %dma_wait3A_56 = arith.constant 0 : i32
        %dma_wait3A_57 = tpu.memref_slice %arg2[%cond3A_19, %dma_wait3A_55, %dma_wait3A_56] : memref<2x2500x128xi32, #tpu.memory_space<hbm>> -> memref<1x2500x128xi32, #tpu.memory_space<hbm>>
        %dma_wait3A_58 = tpu.memref_squeeze %dma_wait3A_57 : memref<1x2500x128xi32, #tpu.memory_space<hbm>> -> memref<2500x128xi32, #tpu.memory_space<hbm>>
        %dma_wait3A_59 = arith.constant 0 : i32
        %dma_wait3A_60 = tpu.memref_slice %dma_wait3A_58[%add3A_8, %dma_wait3A_59] : memref<2500x128xi32, #tpu.memory_space<hbm>> -> memref<78x128xi32, #tpu.memory_space<hbm>>
        %dma_wait3A_61 = arith.constant 0 : i32
        %dma_wait3A_62 = arith.constant 0 : i32
        %dma_wait3A_63 = tpu.memref_slice %arg6[%dma_wait3A_61, %dma_wait3A_62] : memref<79x128xi32, #tpu.memory_space<vmem>> -> memref<78x128xi32, #tpu.memory_space<vmem>>
        %dma_wait3A_64 = arith.constant 0 : i32
        %dma_wait3A_65 = arith.constant 0 : i32
        %dma_wait3A_66 = tpu.memref_slice %arg2[%cond3A_19, %dma_wait3A_64, %dma_wait3A_65] : memref<2x2500x128xi32, #tpu.memory_space<hbm>> -> memref<1x2500x128xi32, #tpu.memory_space<hbm>>
        %dma_wait3A_67 = tpu.memref_squeeze %dma_wait3A_66 : memref<1x2500x128xi32, #tpu.memory_space<hbm>> -> memref<2500x128xi32, #tpu.memory_space<hbm>>
        %dma_wait3A_68 = arith.constant 0 : i32
        %dma_wait3A_69 = tpu.memref_slice %dma_wait3A_67[%add3A_8, %dma_wait3A_68] : memref<2500x128xi32, #tpu.memory_space<hbm>> -> memref<78x128xi32, #tpu.memory_space<hbm>>
        tpu.wait_dma2 semaphore(%run_scoped3A : memref<!tpu.dma_semaphore, #tpu.memory_space<semaphore_mem>>) src(%dma_wait3A_69 : memref<78x128xi32, #tpu.memory_space<hbm>>) dst(%dma_wait3A_63 : memref<78x128xi32, #tpu.memory_space<vmem>>)
        tpu.yield
      }) : () -> ()
    } else {
    }
    "tpu.region"() ({
      %run_scoped3A = tpu.sem_alloc : memref<!tpu.dma_semaphore, #tpu.memory_space<semaphore_mem>>
      tpu.enqueue_dma source(%arg3 : memref<128x16xf32, #tpu.memory_space<hbm>>) target(%arg7 : memref<128x16xf32, #tpu.memory_space<vmem>>) target_semaphore(%run_scoped3A : memref<!tpu.dma_semaphore, #tpu.memory_space<semaphore_mem>>)
      tpu.wait_dma2 semaphore(%run_scoped3A : memref<!tpu.dma_semaphore, #tpu.memory_space<semaphore_mem>>) src(%arg3 : memref<128x16xf32, #tpu.memory_space<hbm>>) dst(%arg7 : memref<128x16xf32, #tpu.memory_space<vmem>>)
      tpu.yield
    }) : () -> ()
    %barrier3A = arith.constant 0 : index
    tpu.barrier barrier_id(%barrier3A)
    %scan3A = arith.constant 0 : i32
    %scan3A_22 = arith.constant 79 : i32
    %scan3A_23 = arith.addi %scan3A, %scan3A_22 : i32
    %scan3A_24 = arith.constant 1 : i32
    scf.for %scan3A_36 = %scan3A to %scan3A_23 step %scan3A_24  : i32 {
      %mul3A_37 = arith.constant 1 : i32
      %mul3A_38 = arith.muli %scan3A_36, %mul3A_37 : i32
      %add3A_39 = arith.constant 0 : i32
      %add3A_40 = arith.addi %add3A_39, %mul3A_38 : i32
      %lt3A_41 = arith.cmpi slt, %add3A_40, %add3A_4 : i32
      %convert_element_type3A_42 = arith.extui %lt3A_41 : i1 to i32
      %cond3A_43 = arith.constant 0 : i32
      %cond3A_44 = arith.cmpi ne, %convert_element_type3A_42, %cond3A_43 : i32
      scf.if %cond3A_44 {
        %dma_start3A = arith.constant 0 : i32
        %dma_start3A_45 = tpu.memref_slice %arg6[%add3A_40, %dma_start3A] : memref<79x128xi32, #tpu.memory_space<vmem>> -> memref<1x128xi32, #tpu.memory_space<vmem>>
        %dma_start3A_46 = tpu.memref_squeeze %dma_start3A_45 : memref<1x128xi32, #tpu.memory_space<vmem>> -> memref<128xi32, #tpu.memory_space<vmem>>
        %dma_start3A_47 = arith.constant 0 : i32
        %dma_start3A_48 = arith.constant 0 : i32
        %dma_start3A_49 = tpu.memref_slice %arg8[%dma_start3A_47, %dma_start3A_48] : memref<10112x16xf32, #tpu.memory_space<vmem_shared>> -> memref<10112x16xf32, #tpu.memory_space<vmem_shared>>
        tpu.enqueue_indirect_dma source(%arg7 : memref<128x16xf32, #tpu.memory_space<vmem>>) target(%dma_start3A_49 : memref<10112x16xf32, #tpu.memory_space<vmem_shared>>) offsets(%dma_start3A_46 : memref<128xi32, #tpu.memory_space<vmem>>) semaphore(%arg9 : memref<!tpu.dma_semaphore, #tpu.memory_space<semaphore_mem>>) {add = true}
      } else {
      }
    }
    %scan3A_25 = arith.constant 79 : i32
    %scan3A_26 = arith.constant 0 : i32
    %scan3A_27 = arith.constant 79 : i32
    %scan3A_28 = arith.addi %scan3A_26, %scan3A_27 : i32
    %scan3A_29 = arith.constant 1 : i32
    scf.for %scan3A_36 = %scan3A_26 to %scan3A_28 step %scan3A_29  : i32 {
      %mul3A_37 = arith.constant 1 : i32
      %mul3A_38 = arith.muli %scan3A_36, %mul3A_37 : i32
      %add3A_39 = arith.constant 0 : i32
      %add3A_40 = arith.addi %add3A_39, %mul3A_38 : i32
      %lt3A_41 = arith.cmpi slt, %add3A_40, %add3A_4 : i32
      %convert_element_type3A_42 = arith.extui %lt3A_41 : i1 to i32
      %cond3A_43 = arith.constant 0 : i32
      %cond3A_44 = arith.cmpi ne, %convert_element_type3A_42, %cond3A_43 : i32
      scf.if %cond3A_44 {
        tpu.wait_dma2 semaphore(%arg9 : memref<!tpu.dma_semaphore, #tpu.memory_space<semaphore_mem>>) src(%arg3 : memref<128x16xf32, #tpu.memory_space<hbm>>) dst(%arg7 : memref<128x16xf32, #tpu.memory_space<vmem>>)
      } else {
      }
    }
    %scan3A_30 = arith.constant 79 : i32
    %barrier3A_31 = arith.constant 0 : index
    tpu.barrier barrier_id(%barrier3A_31)
    %mul3A_32 = arith.constant 632 : i32
    %mul3A_33 = arith.muli %arg1, %mul3A_32 : i32
    %mul3A_34 = arith.constant 632 : i32
    %mul3A_35 = arith.muli %arg1, %mul3A_34 : i32
    "tpu.region"() ({
      %run_scoped3A = tpu.sem_alloc : memref<!tpu.dma_semaphore, #tpu.memory_space<semaphore_mem>>
      %dma_start3A = arith.constant 0 : i32
      %dma_start3A_36 = tpu.memref_slice %arg5[%arg0, %mul3A_35, %dma_start3A] : memref<2x10112x16xf32, #tpu.memory_space<hbm>> -> memref<1x632x16xf32, #tpu.memory_space<hbm>>
      %dma_start3A_37 = tpu.memref_squeeze %dma_start3A_36 : memref<1x632x16xf32, #tpu.memory_space<hbm>> -> memref<632x16xf32, #tpu.memory_space<hbm>>
      %dma_start3A_38 = arith.constant 0 : i32
      %dma_start3A_39 = tpu.memref_slice %arg8[%mul3A_33, %dma_start3A_38] : memref<10112x16xf32, #tpu.memory_space<vmem_shared>> -> memref<632x16xf32, #tpu.memory_space<vmem_shared>>
      tpu.enqueue_dma source(%dma_start3A_39 : memref<632x16xf32, #tpu.memory_space<vmem_shared>>) target(%dma_start3A_37 : memref<632x16xf32, #tpu.memory_space<hbm>>) target_semaphore(%run_scoped3A : memref<!tpu.dma_semaphore, #tpu.memory_space<semaphore_mem>>)
      %dma_wait3A = arith.constant 0 : i32
      %dma_wait3A_40 = tpu.memref_slice %arg5[%arg0, %mul3A_35, %dma_wait3A] : memref<2x10112x16xf32, #tpu.memory_space<hbm>> -> memref<1x632x16xf32, #tpu.memory_space<hbm>>
      %dma_wait3A_41 = tpu.memref_squeeze %dma_wait3A_40 : memref<1x632x16xf32, #tpu.memory_space<hbm>> -> memref<632x16xf32, #tpu.memory_space<hbm>>
      %dma_wait3A_42 = arith.constant 0 : i32
      %dma_wait3A_43 = tpu.memref_slice %arg8[%mul3A_33, %dma_wait3A_42] : memref<10112x16xf32, #tpu.memory_space<vmem_shared>> -> memref<632x16xf32, #tpu.memory_space<vmem_shared>>
      tpu.wait_dma2 semaphore(%run_scoped3A : memref<!tpu.dma_semaphore, #tpu.memory_space<semaphore_mem>>) src(%dma_wait3A_43 : memref<632x16xf32, #tpu.memory_space<vmem_shared>>) dst(%dma_wait3A_41 : memref<632x16xf32, #tpu.memory_space<hbm>>)
      tpu.yield
    }) : () -> ()
    return
  }
}

module attributes {stable_mosaic.version = 14 : i64} {
  func.func @_mm_body(%arg0: i32, %arg1: memref<1000x128xf32, #tpu.memory_space<vmem>>, %arg2: memref<128x128xf32, #tpu.memory_space<vmem>>, %arg3: memref<1000x128xf32, #tpu.memory_space<vmem>>) attributes {dimension_semantics = [#tpu.dimension_semantics<arbitrary>], iteration_bounds = array<i64: 10>, scalar_prefetch = 0 : i64, scratch_operands = 0 : i64, tpu.core_type = #tpu.core_type<tc>, window_params = [{transform_indices = @transform_0, window_bounds = array<i64: 1000, 128>}, {pipeline_mode = #tpu.pipeline_mode<synchronous>, transform_indices = @transform_1, window_bounds = array<i64: 128, 128>}, {transform_indices = @transform_2, window_bounds = array<i64: 1000, 128>}]} {
    %get3A = arith.constant 0 : index
    %get3A_0 = arith.constant 0 : index
    %get3A_1 = vector.load %arg1[%get3A, %get3A_0] : memref<1000x128xf32, #tpu.memory_space<vmem>>, vector<1000x128xf32>
    %get3A_2 = arith.constant 0 : index
    %get3A_3 = arith.constant 0 : index
    %get3A_4 = vector.load %arg2[%get3A_2, %get3A_3] : memref<128x128xf32, #tpu.memory_space<vmem>>, vector<128x128xf32>
    %dot_general3A = arith.constant dense<0.000000e+00> : vector<1000x128xf32>
    %dot_general3A_5 = tpu.matmul %get3A_1, %get3A_4, %dot_general3A {dimension_numbers = #tpu.dot_dimension_numbers<[1], [0], [0], [1], [0, 0, 1, 1], [], []>, precision = #tpu.contract_precision<fp32>, transpose_lhs_hint = false} : vector<1000x128xf32>, vector<128x128xf32>, vector<1000x128xf32> -> vector<1000x128xf32>
    %swap3A = arith.constant 0 : index
    %swap3A_6 = arith.constant 0 : index
    %swap3A_7 = vector.load %arg3[%swap3A, %swap3A_6] : memref<1000x128xf32, #tpu.memory_space<vmem>>, vector<1000x128xf32>
    tpu.vector_store %arg3[%swap3A, %swap3A_6], %dot_general3A_5 {strides = array<i32>} : memref<1000x128xf32, #tpu.memory_space<vmem>>, vector<1000x128xf32>,
    return
  }
  func.func @transform_0(%arg0: i32) -> (i32, i32) {
    %c0_i32 = arith.constant 0 : i32
    %c0_i32_0 = arith.constant 0 : i32
    return %arg0, %c0_i32 : i32, i32
  }
  func.func @transform_1(%arg0: i32) -> (i32, i32) {
    %c0_i32 = arith.constant 0 : i32
    %c0_i32_0 = arith.constant 0 : i32
    %c0_i32_1 = arith.constant 0 : i32
    return %c0_i32, %c0_i32_0 : i32, i32
  }
  func.func @transform_2(%arg0: i32) -> (i32, i32) {
    %c0_i32 = arith.constant 0 : i32
    %c0_i32_0 = arith.constant 0 : i32
    return %arg0, %c0_i32 : i32, i32
  }
}

module attributes {stable_mosaic.version = 14 : i64} {
  func.func @_scale_body(%arg0: i32, %arg1: memref<1000x128xf32, #tpu.memory_space<vmem>>, %arg2: memref<2x1000x16xf32, #tpu.memory_space<vmem>>, %arg3: memref<1000x128xf32, #tpu.memory_space<vmem>>) attributes {dimension_semantics = [#tpu.dimension_semantics<arbitrary>], iteration_bounds = array<i64: 10>, scalar_prefetch = 0 : i64, scratch_operands = 0 : i64, tpu.core_type = #tpu.core_type<tc>, window_params = [{transform_indices = @transform_0, window_bounds = array<i64: 1000, 128>}, {transform_indices = @transform_1, window_bounds = array<i64: 2, 1000, 16>}, {transform_indices = @transform_2, window_bounds = array<i64: 1000, 128>}]} {
    %get3A = arith.constant 0 : index
    %get3A_0 = arith.constant 0 : index
    %get3A_1 = vector.load %arg1[%get3A, %get3A_0] : memref<1000x128xf32, #tpu.memory_space<vmem>>, vector<1000x128xf32>
    %get3A_2 = arith.constant 0 : index
    %get3A_3 = arith.constant 0 : index
    %get3A_4 = arith.constant 0 : index
    %get3A_5 = vector.load %arg2[%get3A_2, %get3A_3, %get3A_4] : memref<2x1000x16xf32, #tpu.memory_space<vmem>>, vector<2x1000x16xf32>
    %slice3A = vector.extract_strided_slice %get3A_5 {offsets = [0, 0, 0], sizes = [1, 1000, 1], strides = [1, 1, 1]} : vector<2x1000x16xf32> to vector<1x1000x1xf32>
    %squeeze3A = vector.shape_cast %slice3A : vector<1x1000x1xf32> to vector<1000x1xf32>
    %slice3A_6 = vector.extract_strided_slice %get3A_5 {offsets = [1, 0, 0], sizes = [1, 1000, 1], strides = [1, 1, 1]} : vector<2x1000x16xf32> to vector<1x1000x1xf32>
    %squeeze3A_7 = vector.shape_cast %slice3A_6 : vector<1x1000x1xf32> to vector<1000x1xf32>
    %add3A = arith.addf %squeeze3A, %squeeze3A_7 : vector<1000x1xf32>
    %add3A_8 = arith.constant 1.000000e+00 : f32
    %add3A_9 = vector.broadcast %add3A_8 : f32 to vector<1000x1xf32>
    %add3A_10 = arith.addf %add3A, %add3A_9 : vector<1000x1xf32>
    %sqrt3A = math.sqrt %add3A_10 : vector<1000x1xf32>
    %div3A = arith.constant 1.000000e+00 : f32
    %div3A_11 = vector.broadcast %div3A : f32 to vector<1000x1xf32>
    %div3A_12 = arith.divf %div3A_11, %sqrt3A : vector<1000x1xf32>
    %mul3A = vector.broadcast %div3A_12 : vector<1000x1xf32> to vector<1000x128xf32>
    %mul3A_13 = arith.mulf %get3A_1, %mul3A : vector<1000x128xf32>
    %swap3A = arith.constant 0 : index
    %swap3A_14 = arith.constant 0 : index
    %swap3A_15 = vector.load %arg3[%swap3A, %swap3A_14] : memref<1000x128xf32, #tpu.memory_space<vmem>>, vector<1000x128xf32>
    tpu.vector_store %arg3[%swap3A, %swap3A_14], %mul3A_13 {strides = array<i32>} : memref<1000x128xf32, #tpu.memory_space<vmem>>, vector<1000x128xf32>,
    return
  }
  func.func @transform_0(%arg0: i32) -> (i32, i32) {
    %c0_i32 = arith.constant 0 : i32
    %c0_i32_0 = arith.constant 0 : i32
    return %arg0, %c0_i32 : i32, i32
  }
  func.func @transform_1(%arg0: i32) -> (i32, i32, i32) {
    %c0_i32 = arith.constant 0 : i32
    %c0_i32_0 = arith.constant 0 : i32
    %c0_i32_1 = arith.constant 0 : i32
    return %c0_i32, %arg0, %c0_i32_0 : i32, i32, i32
  }
  func.func @transform_2(%arg0: i32) -> (i32, i32) {
    %c0_i32 = arith.constant 0 : i32
    %c0_i32_0 = arith.constant 0 : i32
    return %arg0, %c0_i32 : i32, i32
  }
}

module attributes {stable_mosaic.version = 14 : i64} {
  func.func @_hidden_body(%arg0: i32, %arg1: memref<2x1000x128xf32, #tpu.memory_space<vmem>>, %arg2: memref<1000x128xf32, #tpu.memory_space<vmem>>, %arg3: memref<2x1000x16xf32, #tpu.memory_space<vmem>>, %arg4: memref<1x128xf32, #tpu.memory_space<vmem>>, %arg5: memref<1000x128xf32, #tpu.memory_space<vmem>>) attributes {dimension_semantics = [#tpu.dimension_semantics<arbitrary>], iteration_bounds = array<i64: 10>, scalar_prefetch = 0 : i64, scratch_operands = 0 : i64, tpu.core_type = #tpu.core_type<tc>, window_params = [{transform_indices = @transform_0, window_bounds = array<i64: 2, 1000, 128>}, {transform_indices = @transform_1, window_bounds = array<i64: 1000, 128>}, {transform_indices = @transform_2, window_bounds = array<i64: 2, 1000, 16>}, {pipeline_mode = #tpu.pipeline_mode<synchronous>, transform_indices = @transform_3, window_bounds = array<i64: 1, 128>}, {transform_indices = @transform_4, window_bounds = array<i64: 1000, 128>}]} {
    %get3A = arith.constant 0 : index
    %get3A_0 = arith.constant 0 : index
    %get3A_1 = arith.constant 0 : index
    %get3A_2 = vector.load %arg3[%get3A, %get3A_0, %get3A_1] : memref<2x1000x16xf32, #tpu.memory_space<vmem>>, vector<2x1000x16xf32>
    %slice3A = vector.extract_strided_slice %get3A_2 {offsets = [0, 0, 0], sizes = [1, 1000, 1], strides = [1, 1, 1]} : vector<2x1000x16xf32> to vector<1x1000x1xf32>
    %squeeze3A = vector.shape_cast %slice3A : vector<1x1000x1xf32> to vector<1000x1xf32>
    %slice3A_3 = vector.extract_strided_slice %get3A_2 {offsets = [1, 0, 0], sizes = [1, 1000, 1], strides = [1, 1, 1]} : vector<2x1000x16xf32> to vector<1x1000x1xf32>
    %squeeze3A_4 = vector.shape_cast %slice3A_3 : vector<1x1000x1xf32> to vector<1000x1xf32>
    %add3A = arith.addf %squeeze3A, %squeeze3A_4 : vector<1000x1xf32>
    %add3A_5 = arith.constant 1.000000e+00 : f32
    %add3A_6 = vector.broadcast %add3A_5 : f32 to vector<1000x1xf32>
    %add3A_7 = arith.addf %add3A, %add3A_6 : vector<1000x1xf32>
    %sqrt3A = math.sqrt %add3A_7 : vector<1000x1xf32>
    %div3A = arith.constant 1.000000e+00 : f32
    %div3A_8 = vector.broadcast %div3A : f32 to vector<1000x1xf32>
    %div3A_9 = arith.divf %div3A_8, %sqrt3A : vector<1000x1xf32>
    %get3A_10 = arith.constant 0 : index
    %get3A_11 = arith.constant 0 : index
    %get3A_12 = arith.constant 0 : index
    %get3A_13 = vector.load %arg1[%get3A_10, %get3A_11, %get3A_12] : memref<2x1000x128xf32, #tpu.memory_space<vmem>>, vector<2x1000x128xf32>
    %slice3A_14 = vector.extract_strided_slice %get3A_13 {offsets = [0, 0, 0], sizes = [1, 1000, 128], strides = [1, 1, 1]} : vector<2x1000x128xf32> to vector<1x1000x128xf32>
    %squeeze3A_15 = vector.shape_cast %slice3A_14 : vector<1x1000x128xf32> to vector<1000x128xf32>
    %slice3A_16 = vector.extract_strided_slice %get3A_13 {offsets = [1, 0, 0], sizes = [1, 1000, 128], strides = [1, 1, 1]} : vector<2x1000x128xf32> to vector<1x1000x128xf32>
    %squeeze3A_17 = vector.shape_cast %slice3A_16 : vector<1x1000x128xf32> to vector<1000x128xf32>
    %add3A_18 = arith.addf %squeeze3A_15, %squeeze3A_17 : vector<1000x128xf32>
    %get3A_19 = arith.constant 0 : index
    %get3A_20 = arith.constant 0 : index
    %get3A_21 = vector.load %arg2[%get3A_19, %get3A_20] : memref<1000x128xf32, #tpu.memory_space<vmem>>, vector<1000x128xf32>
    %add3A_22 = arith.addf %add3A_18, %get3A_21 : vector<1000x128xf32>
    %mul3A = vector.broadcast %div3A_9 : vector<1000x1xf32> to vector<1000x128xf32>
    %mul3A_23 = arith.mulf %add3A_22, %mul3A : vector<1000x128xf32>
    %get3A_24 = arith.constant 0 : index
    %get3A_25 = arith.constant 0 : index
    %get3A_26 = vector.load %arg4[%get3A_24, %get3A_25] : memref<1x128xf32, #tpu.memory_space<vmem>>, vector<1x128xf32>
    %add3A_27 = vector.broadcast %get3A_26 : vector<1x128xf32> to vector<1000x128xf32>
    %add3A_28 = arith.addf %mul3A_23, %add3A_27 : vector<1000x128xf32>
    %max3A = arith.constant 0.000000e+00 : f32
    %max3A_29 = vector.broadcast %max3A : f32 to vector<1000x128xf32>
    %max3A_30 = arith.maximumf %add3A_28, %max3A_29 : vector<1000x128xf32>
    %mul3A_31 = vector.broadcast %div3A_9 : vector<1000x1xf32> to vector<1000x128xf32>
    %mul3A_32 = arith.mulf %max3A_30, %mul3A_31 : vector<1000x128xf32>
    %swap3A = arith.constant 0 : index
    %swap3A_33 = arith.constant 0 : index
    %swap3A_34 = vector.load %arg5[%swap3A, %swap3A_33] : memref<1000x128xf32, #tpu.memory_space<vmem>>, vector<1000x128xf32>
    tpu.vector_store %arg5[%swap3A, %swap3A_33], %mul3A_32 {strides = array<i32>} : memref<1000x128xf32, #tpu.memory_space<vmem>>, vector<1000x128xf32>,
    return
  }
  func.func @transform_0(%arg0: i32) -> (i32, i32, i32) {
    %c0_i32 = arith.constant 0 : i32
    %c0_i32_0 = arith.constant 0 : i32
    %c0_i32_1 = arith.constant 0 : i32
    return %c0_i32, %arg0, %c0_i32_0 : i32, i32, i32
  }
  func.func @transform_1(%arg0: i32) -> (i32, i32) {
    %c0_i32 = arith.constant 0 : i32
    %c0_i32_0 = arith.constant 0 : i32
    return %arg0, %c0_i32 : i32, i32
  }
  func.func @transform_2(%arg0: i32) -> (i32, i32, i32) {
    %c0_i32 = arith.constant 0 : i32
    %c0_i32_0 = arith.constant 0 : i32
    %c0_i32_1 = arith.constant 0 : i32
    return %c0_i32, %arg0, %c0_i32_0 : i32, i32, i32
  }
  func.func @transform_3(%arg0: i32) -> (i32, i32) {
    %c0_i32 = arith.constant 0 : i32
    %c0_i32_0 = arith.constant 0 : i32
    %c0_i32_1 = arith.constant 0 : i32
    return %c0_i32, %c0_i32_0 : i32, i32
  }
  func.func @transform_4(%arg0: i32) -> (i32, i32) {
    %c0_i32 = arith.constant 0 : i32
    %c0_i32_0 = arith.constant 0 : i32
    return %arg0, %c0_i32 : i32, i32
  }
}

module attributes {stable_mosaic.version = 14 : i64} {
  func.func @_final_body(%arg0: i32, %arg1: memref<2x1000x128xf32, #tpu.memory_space<vmem>>, %arg2: memref<1000x128xf32, #tpu.memory_space<vmem>>, %arg3: memref<2x1000x16xf32, #tpu.memory_space<vmem>>, %arg4: memref<128x64xf32, #tpu.memory_space<vmem>>, %arg5: memref<1x64xf32, #tpu.memory_space<vmem>>, %arg6: memref<128x64xf32, #tpu.memory_space<vmem>>, %arg7: memref<1x64xf32, #tpu.memory_space<vmem>>, %arg8: memref<1000x64xf32, #tpu.memory_space<vmem>>, %arg9: memref<1000x64xf32, #tpu.memory_space<vmem>>) attributes {dimension_semantics = [#tpu.dimension_semantics<arbitrary>], iteration_bounds = array<i64: 10>, scalar_prefetch = 0 : i64, scratch_operands = 0 : i64, tpu.core_type = #tpu.core_type<tc>, window_params = [{transform_indices = @transform_0, window_bounds = array<i64: 2, 1000, 128>}, {transform_indices = @transform_1, window_bounds = array<i64: 1000, 128>}, {transform_indices = @transform_2, window_bounds = array<i64: 2, 1000, 16>}, {pipeline_mode = #tpu.pipeline_mode<synchronous>, transform_indices = @transform_3, window_bounds = array<i64: 128, 64>}, {pipeline_mode = #tpu.pipeline_mode<synchronous>, transform_indices = @transform_4, window_bounds = array<i64: 1, 64>}, {pipeline_mode = #tpu.pipeline_mode<synchronous>, transform_indices = @transform_5, window_bounds = array<i64: 128, 64>}, {pipeline_mode = #tpu.pipeline_mode<synchronous>, transform_indices = @transform_6, window_bounds = array<i64: 1, 64>}, {transform_indices = @transform_7, window_bounds = array<i64: 1000, 64>}, {transform_indices = @transform_8, window_bounds = array<i64: 1000, 64>}]} {
    %get3A = arith.constant 0 : index
    %get3A_0 = arith.constant 0 : index
    %get3A_1 = arith.constant 0 : index
    %get3A_2 = vector.load %arg3[%get3A, %get3A_0, %get3A_1] : memref<2x1000x16xf32, #tpu.memory_space<vmem>>, vector<2x1000x16xf32>
    %slice3A = vector.extract_strided_slice %get3A_2 {offsets = [0, 0, 0], sizes = [1, 1000, 1], strides = [1, 1, 1]} : vector<2x1000x16xf32> to vector<1x1000x1xf32>
    %squeeze3A = vector.shape_cast %slice3A : vector<1x1000x1xf32> to vector<1000x1xf32>
    %slice3A_3 = vector.extract_strided_slice %get3A_2 {offsets = [1, 0, 0], sizes = [1, 1000, 1], strides = [1, 1, 1]} : vector<2x1000x16xf32> to vector<1x1000x1xf32>
    %squeeze3A_4 = vector.shape_cast %slice3A_3 : vector<1x1000x1xf32> to vector<1000x1xf32>
    %add3A = arith.addf %squeeze3A, %squeeze3A_4 : vector<1000x1xf32>
    %add3A_5 = arith.constant 1.000000e+00 : f32
    %add3A_6 = vector.broadcast %add3A_5 : f32 to vector<1000x1xf32>
    %add3A_7 = arith.addf %add3A, %add3A_6 : vector<1000x1xf32>
    %sqrt3A = math.sqrt %add3A_7 : vector<1000x1xf32>
    %div3A = arith.constant 1.000000e+00 : f32
    %div3A_8 = vector.broadcast %div3A : f32 to vector<1000x1xf32>
    %div3A_9 = arith.divf %div3A_8, %sqrt3A : vector<1000x1xf32>
    %get3A_10 = arith.constant 0 : index
    %get3A_11 = arith.constant 0 : index
    %get3A_12 = arith.constant 0 : index
    %get3A_13 = vector.load %arg1[%get3A_10, %get3A_11, %get3A_12] : memref<2x1000x128xf32, #tpu.memory_space<vmem>>, vector<2x1000x128xf32>
    %slice3A_14 = vector.extract_strided_slice %get3A_13 {offsets = [0, 0, 0], sizes = [1, 1000, 128], strides = [1, 1, 1]} : vector<2x1000x128xf32> to vector<1x1000x128xf32>
    %squeeze3A_15 = vector.shape_cast %slice3A_14 : vector<1x1000x128xf32> to vector<1000x128xf32>
    %slice3A_16 = vector.extract_strided_slice %get3A_13 {offsets = [1, 0, 0], sizes = [1, 1000, 128], strides = [1, 1, 1]} : vector<2x1000x128xf32> to vector<1x1000x128xf32>
    %squeeze3A_17 = vector.shape_cast %slice3A_16 : vector<1x1000x128xf32> to vector<1000x128xf32>
    %add3A_18 = arith.addf %squeeze3A_15, %squeeze3A_17 : vector<1000x128xf32>
    %get3A_19 = arith.constant 0 : index
    %get3A_20 = arith.constant 0 : index
    %get3A_21 = vector.load %arg2[%get3A_19, %get3A_20] : memref<1000x128xf32, #tpu.memory_space<vmem>>, vector<1000x128xf32>
    %add3A_22 = arith.addf %add3A_18, %get3A_21 : vector<1000x128xf32>
    %mul3A = vector.broadcast %div3A_9 : vector<1000x1xf32> to vector<1000x128xf32>
    %mul3A_23 = arith.mulf %add3A_22, %mul3A : vector<1000x128xf32>
    %get3A_24 = arith.constant 0 : index
    %get3A_25 = arith.constant 0 : index
    %get3A_26 = vector.load %arg4[%get3A_24, %get3A_25] : memref<128x64xf32, #tpu.memory_space<vmem>>, vector<128x64xf32>
    %dot_general3A = arith.constant dense<0.000000e+00> : vector<1000x64xf32>
    %dot_general3A_27 = tpu.matmul %mul3A_23, %get3A_26, %dot_general3A {dimension_numbers = #tpu.dot_dimension_numbers<[1], [0], [0], [1], [0, 0, 1, 1], [], []>, precision = #tpu.contract_precision<fp32>, transpose_lhs_hint = false} : vector<1000x128xf32>, vector<128x64xf32>, vector<1000x64xf32> -> vector<1000x64xf32>
    %get3A_28 = arith.constant 0 : index
    %get3A_29 = arith.constant 0 : index
    %get3A_30 = vector.load %arg5[%get3A_28, %get3A_29] : memref<1x64xf32, #tpu.memory_space<vmem>>, vector<1x64xf32>
    %add3A_31 = vector.broadcast %get3A_30 : vector<1x64xf32> to vector<1000x64xf32>
    %add3A_32 = arith.addf %dot_general3A_27, %add3A_31 : vector<1000x64xf32>
    %swap3A = arith.constant 0 : index
    %swap3A_33 = arith.constant 0 : index
    %swap3A_34 = vector.load %arg8[%swap3A, %swap3A_33] : memref<1000x64xf32, #tpu.memory_space<vmem>>, vector<1000x64xf32>
    tpu.vector_store %arg8[%swap3A, %swap3A_33], %add3A_32 {strides = array<i32>} : memref<1000x64xf32, #tpu.memory_space<vmem>>, vector<1000x64xf32>,
    %get3A_35 = arith.constant 0 : index
    %get3A_36 = arith.constant 0 : index
    %get3A_37 = vector.load %arg6[%get3A_35, %get3A_36] : memref<128x64xf32, #tpu.memory_space<vmem>>, vector<128x64xf32>
    %dot_general3A_38 = arith.constant dense<0.000000e+00> : vector<1000x64xf32>
    %dot_general3A_39 = tpu.matmul %mul3A_23, %get3A_37, %dot_general3A_38 {dimension_numbers = #tpu.dot_dimension_numbers<[1], [0], [0], [1], [0, 0, 1, 1], [], []>, precision = #tpu.contract_precision<fp32>, transpose_lhs_hint = false} : vector<1000x128xf32>, vector<128x64xf32>, vector<1000x64xf32> -> vector<1000x64xf32>
    %get3A_40 = arith.constant 0 : index
    %get3A_41 = arith.constant 0 : index
    %get3A_42 = vector.load %arg7[%get3A_40, %get3A_41] : memref<1x64xf32, #tpu.memory_space<vmem>>, vector<1x64xf32>
    %add3A_43 = vector.broadcast %get3A_42 : vector<1x64xf32> to vector<1000x64xf32>
    %add3A_44 = arith.addf %dot_general3A_39, %add3A_43 : vector<1000x64xf32>
    %swap3A_45 = arith.constant 0 : index
    %swap3A_46 = arith.constant 0 : index
    %swap3A_47 = vector.load %arg9[%swap3A_45, %swap3A_46] : memref<1000x64xf32, #tpu.memory_space<vmem>>, vector<1000x64xf32>
    tpu.vector_store %arg9[%swap3A_45, %swap3A_46], %add3A_44 {strides = array<i32>} : memref<1000x64xf32, #tpu.memory_space<vmem>>, vector<1000x64xf32>,
    return
  }
  func.func @transform_0(%arg0: i32) -> (i32, i32, i32) {
    %c0_i32 = arith.constant 0 : i32
    %c0_i32_0 = arith.constant 0 : i32
    %c0_i32_1 = arith.constant 0 : i32
    return %c0_i32, %arg0, %c0_i32_0 : i32, i32, i32
  }
  func.func @transform_1(%arg0: i32) -> (i32, i32) {
    %c0_i32 = arith.constant 0 : i32
    %c0_i32_0 = arith.constant 0 : i32
    return %arg0, %c0_i32 : i32, i32
  }
  func.func @transform_2(%arg0: i32) -> (i32, i32, i32) {
    %c0_i32 = arith.constant 0 : i32
    %c0_i32_0 = arith.constant 0 : i32
    %c0_i32_1 = arith.constant 0 : i32
    return %c0_i32, %arg0, %c0_i32_0 : i32, i32, i32
  }
  func.func @transform_3(%arg0: i32) -> (i32, i32) {
    %c0_i32 = arith.constant 0 : i32
    %c0_i32_0 = arith.constant 0 : i32
    %c0_i32_1 = arith.constant 0 : i32
    return %c0_i32, %c0_i32_0 : i32, i32
  }
  func.func @transform_4(%arg0: i32) -> (i32, i32) {
    %c0_i32 = arith.constant 0 : i32
    %c0_i32_0 = arith.constant 0 : i32
    %c0_i32_1 = arith.constant 0 : i32
    return %c0_i32, %c0_i32_0 : i32, i32
  }
  func.func @transform_5(%arg0: i32) -> (i32, i32) {
    %c0_i32 = arith.constant 0 : i32
    %c0_i32_0 = arith.constant 0 : i32
    %c0_i32_1 = arith.constant 0 : i32
    return %c0_i32, %c0_i32_0 : i32, i32
  }
  func.func @transform_6(%arg0: i32) -> (i32, i32) {
    %c0_i32 = arith.constant 0 : i32
    %c0_i32_0 = arith.constant 0 : i32
    %c0_i32_1 = arith.constant 0 : i32
    return %c0_i32, %c0_i32_0 : i32, i32
  }
  func.func @transform_7(%arg0: i32) -> (i32, i32) {
    %c0_i32 = arith.constant 0 : i32
    %c0_i32_0 = arith.constant 0 : i32
    return %arg0, %c0_i32 : i32, i32
  }
  func.func @transform_8(%arg0: i32) -> (i32, i32) {
    %c0_i32 = arith.constant 0 : i32
    %c0_i32_0 = arith.constant 0 : i32
    return %arg0, %c0_i32 : i32, i32
  }
}

</mosaic_0001>

<sc_bundles>
// kernel: kernel.12.cloned.1.call-start
scs
__scs_entry_jumppad:
0x0: {  	(pc) =	sbr.rel $0x88, $3  }
0x1: {  	(tag) =	ssettag $0x0;
	lr =	simm.s32 $0x1  }
0x2: {  	[smem:$0x3F99] =	sst lr;
	_ =	strace $0xD0000000  }
0x3: {  	_ = 	snop  }
0x4: {  	_ = 	snop  }
0x5: {  	_ = 	snop  }
0x6: {  	_ = 	snop  }
0x7: {  	_ = 	snop  }
__scs_overlays_trampoline_lowered:
0x8: {  	[smem:$0x3FA8] =	sst s0  }
0x9: {  	[smem:$0x3FA9] =	sst s1  }
0xa: {  	[smem:$0x3FAA] =	sst s2  }
0xb: {  	[smem:$0x3FAB] =	sst s3  }
0xc: {  	[smem:$0x3FAC] =	sst s4  }
0xd: {  	[smem:$0x3FAD] =	sst s5  }
0xe: {  	[smem:$0x3FAE] =	sst s6  }
0xf: {  	[smem:$0x3FAF] =	sst s7  }
0x10: {  	[smem:$0x3FB0] =	sst s8  }
0x11: {  	[smem:$0x3FB1] =	sst s9;
	s0 =	simm.s32 @!p0 $0x0  }
0x12: {  	s1 =	sld [smem:$0x3F97];
	s0 =	simm.s32 @p0 $0x1  }
0x13: {  	[smem:$0x3FB2] =	sst s0;
	s0 =	simm.s32 @!p1 $0x0  }
0x14: {  	s2 =	sld [smem:$0x3F96];
	s0 =	simm.s32 @p1 $0x1  }
0x15: {  	[smem:$0x3FB3] =	sst s0;
	s0 =	simm.s32 @!p2 $0x0  }
0x16: {  	s3 =	sld [smem:$0x3FDB];
	s0 =	simm.s32 @p2 $0x1  }
0x17: {  	s4 =	simm.s32 $0x1BF5;
	[smem:$0x3FB5] =	sst s0  }
0x18: {  	s0 =	sld [smem:$0x3F98];
	_ =	swait.ge [sflag:s4], $0x0  }
0x19: {  	s7 =	sld [smem:$0x3F99]  }
0x1a: {  	s8 =	sadd.s32 $0xFFFFE003, lr  }
0x1b: {  	s9 =	sadd.s32 $0xFFFFFEF7, lr;
	s5 =	simm.s32 $0xFFFFFFFF;
	p2 =	slt.u32 s8, $0xFFFFF086  }
0x1c: {  	p1 =	slt.u32 s9, $0xF7A;
	s5 =	simm.s32 @!p2 $0x0  }
0x1d: {  	s5 =	simm.s32 @p1 $0x1;
	p0 =	seq.s32 s7, s2  }
0x1e: {  	s7 =	smul.u32 @!p0 $0xF7A, s2;
	p2 =	seq.s32 @!p0 s5, $0x0  }
0x1f: {  	s9 =	smul.u32 $0xF7A, s1;
	s8 =	simm.s32 @!p0 $0x1BF5;
	p2 =	por !p2, p0  }
0x20: {  	[sflag:s8] =	ssyncset.s32 @!p0 $0xFFFFF086;
	s6 =	sadd.s32 @!p0 s3, s7;
	s7 =	simm.s32 @!p0 $0x108  }
0x21: {  	s3 =	sadd.s32 s3, s9;
	s6 =	sadd.s32 @!p0 $0x88, s6;
	s7 =	simm.s32 @p2 $0x1082  }
0x22: {  	[simem:s7], [sflag:s8] =	dma.local @!p0 [hbm:s6], $0xF7A  }
0x23: {  	s9 =	sor.u32 $0xD0000000, s2;
	s6 =	simm.s32 $0x108;
	_ =	swait.ge @!p0 [sflag:s8], $0x0  }
0x24: {  	s3 =	sadd.s32 $0x88, s3;
	s6 =	simm.s32 @!p1 $0x1082;
	[sflag:s4] =	ssyncset.s32 $0xFFFFF086  }
0x25: {  	[simem:s6], [sflag:s4] =	dma.local [hbm:s3], $0xF7A  }
0x26: {  	[smem:$0x3F99] =	sst s1;
	(tag) =	ssettag s2;
	_ =	strace s9  }
0x27: {  	s1 =	sld [smem:$0x3FA9]  }
0x28: {  	s2 =	sld [smem:$0x3FAA]  }
0x29: {  	s4 =	sld [smem:$0x3FAC]  }
0x2a: {  	p0 =	seq.s32 s5, $0x0;
	s5 =	sld [smem:$0x3FAD]  }
0x2b: {  	s6 =	sld [smem:$0x3FAE]  }
0x2c: {  	s7 =	sld [smem:$0x3FAF]  }
0x2d: {  	s3 =	simm.s32 $0x108;
	s8 =	sld [smem:$0x3FB0]  }
0x2e: {  	s3 =	simm.s32 @!p0 $0x1082;
	s9 =	sld [smem:$0x3FB1]  }
0x2f: {  	lr =	sadd.s32 s0, s3;
	s0 =	sld [smem:$0x3FA8]  }
0x30: {  	s3 =	sld [smem:$0x3FAB]  }
0x31: {  	[smem:$0x3FB4] =	sst s10  }
0x32: {  	s10 =	sld [smem:$0x3FB2];
	_ =	sdelay $0x3  }
0x33: {  	p0 =	seq.s32 s10, $0x1;
	s10 =	sld [smem:$0x3FB4];
	_ =	sdelay $0x3  }
0x34: {  	[smem:$0x3FB4] =	sst s10  }
0x35: {  	s10 =	sld [smem:$0x3FB3];
	_ =	sdelay $0x3  }
0x36: {  	p1 =	seq.s32 s10, $0x1;
	s10 =	sld [smem:$0x3FB4];
	_ =	sdelay $0x3  }
0x37: {  	[smem:$0x3FB4] =	sst s10  }
0x38: {  	s10 =	sld [smem:$0x3FB5]  }
0x39: {  	_ = 	snop;
	(pc) =	sbr.ind lr, $3  }
0x3a: {  	_ = 	snop  }
0x3b: {  	_ = 	snop  }
0x3c: {  	p2 =	seq.s32 s10, $0x1;
	s10 =	sld [smem:$0x3FB4]  }
0x3d: {  	_ =	shalt  }
0x3e: {  	_ =	shalt  }
0x3f: {  	_ =	shalt  }
0x40: {  	_ =	shalt  }
0x41: {  	_ =	shalt  }
0x42: {  	_ =	shalt  }
0x43: {  	_ =	shalt  }
0x44: {  	_ =	shalt  }
0x45: {  	_ =	shalt  }
0x46: {  	_ =	shalt  }
0x47: {  	_ =	shalt  }
0x48: {  	_ =	shalt  }
0x49: {  	_ =	shalt  }
0x4a: {  	_ =	shalt  }
0x4b: {  	_ =	shalt  }
0x4c: {  	_ =	shalt  }
0x4d: {  	_ =	shalt  }
0x4e: {  	_ =	shalt  }
0x4f: {  	_ =	shalt  }
0x50: {  	_ =	shalt  }
0x51: {  	_ =	shalt  }
0x52: {  	_ =	shalt  }
0x53: {  	_ =	shalt  }
0x54: {  	_ =	shalt  }
0x55: {  	_ =	shalt  }
0x56: {  	_ =	shalt  }
0x57: {  	_ =	shalt  }
0x58: {  	_ =	shalt  }
0x59: {  	_ =	shalt  }
0x5a: {  	_ =	shalt  }
0x5b: {  	_ =	shalt  }
0x5c: {  	_ =	shalt  }
0x5d: {  	_ =	shalt  }
0x5e: {  	_ =	shalt  }
0x5f: {  	_ =	shalt  }
0x60: {  	_ =	shalt  }
0x61: {  	_ =	shalt  }
0x62: {  	_ =	shalt  }
0x63: {  	_ =	shalt  }
0x64: {  	_ =	shalt  }
0x65: {  	_ =	shalt  }
0x66: {  	_ =	shalt  }
0x67: {  	_ =	shalt  }
0x68: {  	_ =	shalt  }
0x69: {  	_ =	shalt  }
0x6a: {  	_ =	shalt  }
0x6b: {  	_ =	shalt  }
0x6c: {  	_ =	shalt  }
0x6d: {  	_ =	shalt  }
0x6e: {  	_ =	shalt  }
0x6f: {  	_ =	shalt  }
0x70: {  	_ =	shalt  }
0x71: {  	_ =	shalt  }
0x72: {  	_ =	shalt  }
0x73: {  	_ =	shalt  }
0x74: {  	_ =	shalt  }
0x75: {  	_ =	shalt  }
0x76: {  	_ =	shalt  }
0x77: {  	_ =	shalt  }
0x78: {  	_ =	shalt  }
0x79: {  	_ =	shalt  }
0x7a: {  	_ =	shalt  }
0x7b: {  	_ =	shalt  }
0x7c: {  	_ =	shalt  }
0x7d: {  	_ =	shalt  }
0x7e: {  	_ =	shalt  }
0x7f: {  	_ =	shalt  }
0x80: {  	_ =	shalt  }
0x81: {  	_ =	shalt  }
0x82: {  	_ =	shalt  }
0x83: {  	_ =	shalt  }
0x84: {  	_ =	shalt  }
0x85: {  	_ =	shalt  }
0x86: {  	_ =	shalt  }
0x87: {  	_ =	shalt  }
.Lfunc_end0:
.L_simem_size_0:
called_computation.1_lowered:
.L_overlay_start_0:
0x88: {  	s2 =	sld [smem:$0x3FD9]  }
0x89: {  	s3 =	sld [smem:$0x3FFE];
	_ =	sdelay $0x1  }
0x8a: {  	s1 =	srdreg.scid  }
0x8b: {  	s0 =	sand.u32 $0x1, s1  }
0x8c: {  	s14 =	sshll.u32 s0, $0xA;
	s2 =	sadd.s32 s3, s2  }
0x8d: {  	s2 =	sadd.s32 s2, s14  }
0x8e: {  	[smem:$0x3FC0] =	sst s2  }
0x8f: {  	_ = 	snop  }
0x90: {  	s2 =	sld [smem:$0x3FD0];
	_ =	sdelay $0x2  }
0x91: {  	s15 =	simm.s32 $0xA;
	s4 =	simm.s32 $0x10  }
0x92: {  	[smem:s4], [sflag:s15] =	dma.local [hbm:s2], $0x1  }
0x93: {  	_ =	swait.eq [sflag:s15], $0x1  }
0x94: {  	[sflag:s15] =	ssyncset.done $0x0  }
0x95: {  	s16 =	sld [smem:$0x10];
	[sflag:s15] =	ssyncadd.s32 $0xFFFFFFFF  }
0x96: {  	s17 =	sld [smem:$0x11];
	(tm) =	ssettm $0x1  }
0x97: {  	s18 =	sld [smem:$0x3FFB];
	_ =	sdelay $0x3  }
0x98: {  	_ =	strace s18  }
0x99: {  	s4 =	sld [smem:$0x3FFC];
	_ =	sdelay $0x3  }
0x9a: {  	_ =	strace s4  }
0x9b: {  	s4 =	sld [smem:$0x3FFD];
	_ =	sdelay $0x3  }
0x9c: {  	_ =	strace s4  }
0x9d: {  	_ =	strace $0x8FFFFFFF  }
0x9e: {  	s19 =	sld [smem:$0x3FDB];
	_ =	sdelay $0x1  }
0x9f: {  	s5 =	simm.s32 $_scs_section_size  }
0xa0: {  	s6 =	simm.s32 $_size__tile_overlayer_lowered;
	s7 =	simm.s32 $_tile_overlayer_lowered  }
0xa1: {  	s22 =	simm.s32 $0x1BFF;
	s21 =	sshll.u32 s7, $0x1;
	s4 =	sadd.s32 s5, s19  }
0xa2: {  	s8 =	simm.s32 $0x0;
	s20 =	sshll.u32 s6, $0x1;
	s6 =	sadd.s32 s21, s4  }
0xa3: {  	[timem:s8], [sflag:s22] =	dma.local [hbm:s6], s20  }
0xa4: {  	_ =	swait.ge [sflag:s22], s20  }
0xa5: {  	s5 =	ssub.s32 $0x0, s20;
	[sflag:s22] =	ssyncset.done $0x0  }
0xa6: {  	[sflag:s22] =	ssyncadd.s32 s5;
	_ =	sdelay $0x1  }
0xa7: {  	s23 =	simm.s32 $0x1B8B  }
0xa8: {  	_ =	swait.ge [sflag:s23], $0x1  }
0xa9: {  	[sflag:s23] =	ssyncset.done $0x0  }
0xaa: {  	s25 =	simm.s32 $0x1B8E;
	s24 =	sld [smem:$0x3FFE];
	[sflag:s23] =	ssyncadd.s32 $0xFFFFFFFF  }
0xab: {  	s26 =	simm.s32 $execute0_lowered;
	[smem:$0x3FD2] =	sst s25  }
0xac: {  	s6 =	sshll.u32 s26, $0x1;
	_ =	strace $0x80000049;
	[dreg:$0x1] =	wrdreg $0xFFFFFFFF  }
0xad: {  	s28 =	simm.s32 $_size_execute0_lowered;
	s4 =	sadd.s32 s4, s6;
	[dreg:$0x0] =	wrdreg $0x0  }
0xae: {  	s6 =	sshll.u32 s28, $0x1;
	[dreg:$0x2] =	wrdreg s4  }
0xaf: {  	[dreg:$0x3] =	wrdreg s6  }
0xb0: {  	[dreg:$0x4] =	wrdreg $0xC0  }
0xb1: {  	_ =	task [dreg:s8], $0x5FFFF  }
0xb2: {  	[dreg:$0x1] =	wrdreg $0xFFFFFFFF  }
0xb3: {  	[dreg:$0x0] =	wrdreg $0x60  }
0xb4: {  	[dreg:$0x2] =	wrdreg s16  }
0xb5: {  	[dreg:$0x3] =	wrdreg s24  }
0xb6: {  	[dreg:$0x4] =	wrdreg s17  }
0xb7: {  	[dreg:$0x5] =	wrdreg $0xA8000  }
0xb8: {  	[dreg:$0x6] =	wrdreg $0x144400  }
0xb9: {  	[dreg:$0x7] =	wrdreg $0x9  }
0xba: {  	_ =	task.clear_ibuf [dreg:s8], $0x8FFFF;
	_ =	strace $0x90000049  }
0xbb: {  	s29 =	simm.s32 $0x9;
	_ =	strace $0x8000004B  }
0xbc: {  	_ =	swait.ge [sflag:s29], $0x1  }
0xbd: {  	[sflag:s29] =	ssyncadd.s32 $0xFFFFFFFF  }
0xbe: {  	_ =	strace $0x9000004B  }
0xbf: {  	_ =	sfence  }
0xc0: {  	s30 =	sld [smem:$0x0];
	_ =	sdelay $0x2  }
0xc1: {  	s31 =	sshll.u32 s1, $0xD;
	s1 =	sshrl.u32 s1, $0x2  }
0xc2: {  	s3 =	sand.u32 $0x4000, s31;
	s1 =	sadd.s32 s1, s30  }
0xc3: {  	s0 =	sor.u32 s3, s0;
	s1 =	sshll.u32 s1, $0x11  }
0xc4: {  	s0 =	sor.u32 s1, s0  }
0xc5: {  	s0 =	sadd.s32 $0x8F2B, s0  }
0xc6: {  	[sflag:s0] =	ssyncadd.remote.s32 $0x1  }
0xc7: {  	_ =	sfence.sel $0xFFFF  }
0xc8: {  	[dreg:$0x0] =	wrdreg $0xFFFFFFFF;
	(pc) =	sbr.abs _section_cstart, $3  }
0xc9: {  	[dreg:$0x1] =	wrdreg $0xFFFFFFFF  }
0xca: {  	_ =	task.clear_ibuf [dreg:s8], $0x2FFFF;
	_ =	strace $0x9FFFFFFF  }
0xcb: {  	(tm) =	ssettm $0x7FFFFFFF  }
tec
execute0_lowered:
.L_overlay_start_1:
0x0: {  	(tag) =	ssettag $0x1  }
0x1: {  	s0 =	rddreg [dreg:$0x0]  }
0x2: {  	s3 =	rddreg [dreg:$0x1]  }
0x3: {  	s4 =	rddreg [dreg:$0x2]  }
0x4: {  	s1 =	rddreg [dreg:$0x3]  }
0x5: {  	s2 =	rddreg [dreg:$0x4];
	s5 =	srdreg.scid;
	s15 =	simm.s32 $0x0  }
0x6: {  	s11 =	stileid.u32;
	s28 =	simm.s32 $0x6800;
	s30 =	simm.s32 $0x8800  }
0x7: {  	s31 =	simm.s32 $0x2;
	s29 =	simm.s32 $0x2780;
	s9 =	smul.u32 $0x27100, s11  }
0x8: {  	s5 =	sand.u32 $0x1, s5;
	[smem:$0x7FF] =	sst s15;
	s10 =	smul.u32 $0x9E00, s11  }
0x9: {  	s7 =	sadd.s32 $0x52400, s3;
	s3 =	sadd.s32 $0x79600, s3;
	s16 =	smul.u32 $0x13880, s11  }
0xa: {  	s21 =	sadd.s32 $0x9C40, s0;
	s23 =	smul.u32 $0x13C00, s11;
	s25 =	sshll.u32 s11, $0x6  }
0xb: {  	s6 =	sshll.u32 s5, $0x4;
	_ =	strace $0x8000004A;
	[dreg:$0x7] =	wrdreg s7  }
0xc: {  	s12 =	ssub.s32 $0x2, s5;
	[dreg:$0x8] =	wrdreg s3;
	s5 =	smul.u32 $0x13C000, s5  }
0xd: {  	s6 =	sor.u32 s11, s6;
	s13 =	sshrl.u32 s12, $0x1;
	[dreg:$0x9] =	wrdreg s16  }
0xe: {  	s17 =	sshrl.u32 s9, $0x2;
	s18 =	sadd.s32 s10, s2;
	s19 =	sshrl.u32 s10, $0x3  }
0xf: {  	s16 =	sor.u32 $0x1C09, s25;
	s9 =	simm.s32 $0x10;
	s25 =	simm.s32 $0x4800  }
0x10: {  	s10 =	simm.s32 $0x7;
	s11 =	simm.s32 $0x1300;
	s8 =	smul.u32 $0x4E, s6  }
0x11: {  	s3 =	ssub.s32 s12, s13;
	s14 =	smin.u32 s6, $0x4;
	[dreg:$0xa] =	wrdreg s18  }
0x12: {  	s4 =	sadd.s32 s4, s19;
	s24 =	sadd.s32 s23, s5;
	s18 =	simm.s32 $0x1  }
0x13: {  	s19 =	simm.s32 $0x8;
	s23 =	simm.s32 $0x80;
	[dreg:$0xb] =	wrdreg s4  }
0x14: {  	p0 =	sgt.u32 s6, $0x3;
	s6 =	simm.s32 $0x6;
	[dreg:$0xe] =	wrdreg s24  }
0x15: {  	s3 =	smax.u32 s3, $0x1;
	s24 =	simm.s32 $0x2800;
	s7 =	sadd.s32 s14, s8  }
0x16: {  	s8 =	sadd.s32 s17, s1;
	[dreg:$0xf] =	wrdreg s3;
	s3 =	simm.s32 $0x5  }
0x17: {  	s14 =	simm.s32 $0x2600;
	s17 =	simm.s32 $0x1380;
	s20 =	sshll.u32 s7, $0x4  }
0x18: {  	s26 =	sshrl.u32 s8, $0x3;
	s8 =	simm.s32 $0x4;
	s22 =	sadd.s32 $0x280, s20  }
0x19: {  	s12 =	sadd.s32 s0, s20;
	s4 =	sadd.s32 s20, s21;
	[dreg:$0x10] =	wrdreg s26  }
0x1a: {  	s20 =	simm.s32 $0x2680;
	s26 =	simm.s32 $0x2700;
	[dreg:$0xc] =	wrdreg s12  }
0x1b: {  	v1 =	vlaneseq.u32;
	[dreg:$0xd] =	wrdreg s4;
	s12 =	sadd.s32 s0, s22;
	s13 =	sadd.s32 s22, s21  }
0x1c: {  	v0 =	vimm.s32 $0x0;
	v1 =	vor.u32 $0x2710, v1;
	s21 =	simm.s32 $0x9;
	s22 =	simm.s32 $0x1400;
	s4 =	simm.s32 $0x3  }
.LBB2_1:
0x1d: {  	[dreg:$0x6] =	wrdreg s15;
	p2 =	por $0x1, $0x1;
	s0 =	simm.s32 $0x0  }
.LBB2_2:
0x1e: {  	s5 =	rddreg [dreg:$0x9]  }
0x1f: {  	s5 =	sor.u32 s5, s0  }
0x20: {  	s7 =	rddreg [dreg:$0x7];
	s5 =	sshrl.u32 s5, $0x3  }
0x21: {  	s15 =	rddreg [dreg:$0x10];
	s5 =	sadd.s32 s7, s5  }
0x22: {  	[spmem:s15@s19], [sflag:s16] =	dma.strided [hbm:s5@s9], $0x1388, s18, $0x8   }
0x23: {  	_ =	swait.ge [sflag:s21], $0x1388  }
0x24: {  	[sflag:s21] =	ssyncset.done $0x0;
	s15 =	rddreg [dreg:$0xa]  }
0x25: {  	s7 =	rddreg [dreg:$0xb];
	[sflag:s21] =	ssyncadd.s32 $0xFFFFEC78;
	s15 =	sshrl.u32 s15, $0x3  }
0x26: {  	[spmem:s15], [sflag:s16] =	dma.local [hbm:s7], $0x13C0  }
0x27: {  	_ =	swait.ge [sflag:s21], $0x13C0  }
0x28: {  	[sflag:s21] =	ssyncset.done $0x0  }
0x29: {  	[sflag:s21] =	ssyncadd.s32 $0xFFFFEC40  }
0x2a: {  	[bflag:$0x0] =	sbarrier.arrive $0xFFFF  }
0x2b: {  	s5 =	simm.s32 $0x0;
	s9 =	rddreg [dreg:$0xc]  }
0x2c: {  	[tilespmem:s5], [sflag:$0x9] =	stream.linear.gather [hbm4b:s9+s5], $0x1400, $0x38;
	[tilespmem:$0x1E240] =	vst v63  }
0x2d: {  	_ =	swait.ge [sflag:s21], $0x1400  }
0x2e: {  	[sflag:s21] =	ssyncset.done $0x0  }
0x2f: {  	s9 =	rddreg [dreg:$0xd];
	[sflag:s21] =	ssyncadd.s32 $0xFFFFEC00  }
0x30: {  	[tilespmem:s22], [sflag:$0x9] =	stream.linear.gather [hbm4b:s9+s5], $0x1400, $0x38;
	[tilespmem:$0x1E240] =	vst v63  }
0x31: {  	_ =	swait.ge [sflag:s21], $0x1400  }
0x32: {  	[sflag:s21] =	ssyncset.done $0x0  }
0x33: {  	[sflag:s21] =	ssyncadd.s32 $0xFFFFEC00  }
0x34: {  	[tilespmem:s24], [sflag:$0x1] =	stream.indirect.gather [spmem:s1], $0x40, s5, s23, $0xb8;
	[tilespmem:$0x1E240] =	vst v63  }
0x35: {  	_ = 	snop  }
0x36: {  	[tilespmem:s25], [sflag:$0x2] =	stream.indirect.gather [spmem:s1], $0x40, s23, s23, $0xb8;
	[tilespmem:$0x1E240] =	vst v63  }
0x37: {  	s7 =	simm.s32 $0x100  }
0x38: {  	[tilespmem:s28], [sflag:$0x3] =	stream.indirect.gather [spmem:s1], $0x40, s7, s23, $0xb8;
	[tilespmem:$0x1E240] =	vst v63  }
0x39: {  	_ =	swait.ge [sflag:s18], $0x2000  }
0x3a: {  	[sflag:s18] =	ssyncset.done $0x0  }
0x3b: {  	[sflag:s18] =	ssyncadd.s32 $0xFFFFE000  }
0x3c: {  	[spmem:s2] =	stream.indirect.scatter.add.f32 [tilespmem:s24], [sflag:$0x5], $0x40, s22, s23, $0xb8;
	[tilespmem:$0x1E240] =	vst v63  }
0x3d: {  	s9 =	simm.s32 $0x180  }
0x3e: {  	[tilespmem:s30], [sflag:$0x4] =	stream.indirect.gather [spmem:s1], $0x40, s9, s23, $0xb8;
	[tilespmem:$0x1E240] =	vst v63  }
0x3f: {  	_ =	swait.ge [sflag:s31], $0x2000  }
0x40: {  	[sflag:s31] =	ssyncset.done $0x0  }
0x41: {  	s7 =	simm.s32 $0x1480;
	[sflag:s31] =	ssyncadd.s32 $0xFFFFE000  }
0x42: {  	[spmem:s2] =	stream.indirect.scatter.add.f32 [tilespmem:s25], [sflag:$0x6], $0x40, s7, s23, $0xb8;
	[tilespmem:$0x1E240] =	vst v63  }
0x43: {  	_ =	swait.ge [sflag:s3], $0x2000  }
0x44: {  	[sflag:s3] =	ssyncset.done $0x0  }
0x45: {  	s9 =	simm.s32 $0x200;
	[sflag:s3] =	ssyncadd.s32 $0xFFFFE000  }
0x46: {  	[tilespmem:s24], [sflag:$0x1] =	stream.indirect.gather [spmem:s1], $0x40, s9, s23, $0xb8;
	[tilespmem:$0x1E240] =	vst v63  }
0x47: {  	_ =	swait.ge [sflag:s4], $0x2000  }
0x48: {  	[sflag:s4] =	ssyncset.done $0x0  }
0x49: {  	s7 =	simm.s32 $0x1500;
	[sflag:s4] =	ssyncadd.s32 $0xFFFFE000  }
0x4a: {  	[spmem:s2] =	stream.indirect.scatter.add.f32 [tilespmem:s28], [sflag:$0x7], $0x40, s7, s23, $0xb8;
	[tilespmem:$0x1E240] =	vst v63  }
0x4b: {  	_ =	swait.ge [sflag:s6], $0x2000  }
0x4c: {  	[sflag:s6] =	ssyncset.done $0x0  }
0x4d: {  	s9 =	simm.s32 $0x280;
	[sflag:s6] =	ssyncadd.s32 $0xFFFFE000  }
0x4e: {  	[tilespmem:s25], [sflag:$0x2] =	stream.indirect.gather [spmem:s1], $0x40, s9, s23, $0xb8;
	[tilespmem:$0x1E240] =	vst v63  }
0x4f: {  	_ =	swait.ge [sflag:s8], $0x2000  }
0x50: {  	[sflag:s8] =	ssyncset.done $0x0  }
0x51: {  	s7 =	simm.s32 $0x1580;
	[sflag:s8] =	ssyncadd.s32 $0xFFFFE000  }
0x52: {  	[spmem:s2] =	stream.indirect.scatter.add.f32 [tilespmem:s30], [sflag:$0x8], $0x40, s7, s23, $0xb8;
	[tilespmem:$0x1E240] =	vst v63  }
0x53: {  	_ =	swait.ge [sflag:s10], $0x2000  }
0x54: {  	[sflag:s10] =	ssyncset.done $0x0  }
0x55: {  	s9 =	simm.s32 $0x300;
	[sflag:s10] =	ssyncadd.s32 $0xFFFFE000  }
0x56: {  	[tilespmem:s28], [sflag:$0x3] =	stream.indirect.gather [spmem:s1], $0x40, s9, s23, $0xb8;
	[tilespmem:$0x1E240] =	vst v63  }
0x57: {  	_ =	swait.ge [sflag:s18], $0x2000  }
0x58: {  	[sflag:s18] =	ssyncset.done $0x0  }
0x59: {  	s7 =	simm.s32 $0x1600;
	[sflag:s18] =	ssyncadd.s32 $0xFFFFE000  }
0x5a: {  	[spmem:s2] =	stream.indirect.scatter.add.f32 [tilespmem:s24], [sflag:$0x5], $0x40, s7, s23, $0xb8;
	[tilespmem:$0x1E240] =	vst v63  }
0x5b: {  	_ =	swait.ge [sflag:s19], $0x2000  }
0x5c: {  	[sflag:s19] =	ssyncset.done $0x0  }
0x5d: {  	s9 =	simm.s32 $0x380;
	[sflag:s19] =	ssyncadd.s32 $0xFFFFE000  }
0x5e: {  	[tilespmem:s30], [sflag:$0x4] =	stream.indirect.gather [spmem:s1], $0x40, s9, s23, $0xb8;
	[tilespmem:$0x1E240] =	vst v63  }
0x5f: {  	_ =	swait.ge [sflag:s31], $0x2000  }
0x60: {  	[sflag:s31] =	ssyncset.done $0x0  }
0x61: {  	s7 =	simm.s32 $0x1680;
	[sflag:s31] =	ssyncadd.s32 $0xFFFFE000  }
0x62: {  	[spmem:s2] =	stream.indirect.scatter.add.f32 [tilespmem:s25], [sflag:$0x6], $0x40, s7, s23, $0xb8;
	[tilespmem:$0x1E240] =	vst v63  }
0x63: {  	_ =	swait.ge [sflag:s3], $0x2000  }
0x64: {  	[sflag:s3] =	ssyncset.done $0x0  }
0x65: {  	s9 =	simm.s32 $0x400;
	[sflag:s3] =	ssyncadd.s32 $0xFFFFE000  }
0x66: {  	[tilespmem:s24], [sflag:$0x1] =	stream.indirect.gather [spmem:s1], $0x40, s9, s23, $0xb8;
	[tilespmem:$0x1E240] =	vst v63  }
0x67: {  	_ =	swait.ge [sflag:s4], $0x2000  }
0x68: {  	[sflag:s4] =	ssyncset.done $0x0  }
0x69: {  	s7 =	simm.s32 $0x1700;
	[sflag:s4] =	ssyncadd.s32 $0xFFFFE000  }
0x6a: {  	[spmem:s2] =	stream.indirect.scatter.add.f32 [tilespmem:s28], [sflag:$0x7], $0x40, s7, s23, $0xb8;
	[tilespmem:$0x1E240] =	vst v63  }
0x6b: {  	_ =	swait.ge [sflag:s6], $0x2000  }
0x6c: {  	[sflag:s6] =	ssyncset.done $0x0  }
0x6d: {  	s9 =	simm.s32 $0x480;
	[sflag:s6] =	ssyncadd.s32 $0xFFFFE000  }
0x6e: {  	[tilespmem:s25], [sflag:$0x2] =	stream.indirect.gather [spmem:s1], $0x40, s9, s23, $0xb8;
	[tilespmem:$0x1E240] =	vst v63  }
0x6f: {  	_ =	swait.ge [sflag:s8], $0x2000  }
0x70: {  	p1 =	por p2, p2;
	[sflag:s8] =	ssyncset.done $0x0  }
0x71: {  	s5 =	simm.s32 $0x800;
	s7 =	simm.s32 $0x1780;
	[sflag:s8] =	ssyncadd.s32 $0xFFFFE000  }
.LBB2_3:
0x72: {  	[spmem:s2] =	stream.indirect.scatter.add.f32 [tilespmem:s30], [sflag:$0x8], $0x40, s7, s23, $0xb8;
	[tilespmem:$0x1E240] =	vst v63  }
0x73: {  	s7 =	smov.u32 s5  }
0x74: {  	p2 =	sne.s32 s5, $0x3800;
	s5 =	sadd.s32 $0x800, s5;
	_ =	swait.ge [sflag:s10], $0x2000  }
0x75: {  	s7 =	sshra.s32 s7, $0x2;
	[sflag:s10] =	ssyncset.done $0x0  }
0x76: {  	s9 =	sadd.s32 $0x300, s7;
	[sflag:s10] =	ssyncadd.s32 $0xFFFFE000  }
0x77: {  	[tilespmem:s28], [sflag:$0x3] =	stream.indirect.gather [spmem:s1], $0x40, s9, s23, $0xb8;
	[tilespmem:$0x1E240] =	vst v63  }
0x78: {  	_ =	swait.ge [sflag:s18], $0x2000  }
0x79: {  	[sflag:s18] =	ssyncset.done $0x0  }
0x7a: {  	s9 =	sadd.s32 $0x1600, s7;
	[sflag:s18] =	ssyncadd.s32 $0xFFFFE000  }
0x7b: {  	[spmem:s2] =	stream.indirect.scatter.add.f32 [tilespmem:s24], [sflag:$0x5], $0x40, s9, s23, $0xb8;
	[tilespmem:$0x1E240] =	vst v63  }
0x7c: {  	_ =	swait.ge [sflag:s19], $0x2000  }
0x7d: {  	[sflag:s19] =	ssyncset.done $0x0  }
0x7e: {  	s9 =	sadd.s32 $0x380, s7;
	[sflag:s19] =	ssyncadd.s32 $0xFFFFE000  }
0x7f: {  	[tilespmem:s30], [sflag:$0x4] =	stream.indirect.gather [spmem:s1], $0x40, s9, s23, $0xb8;
	[tilespmem:$0x1E240] =	vst v63  }
0x80: {  	_ =	swait.ge [sflag:s31], $0x2000  }
0x81: {  	[sflag:s31] =	ssyncset.done $0x0  }
0x82: {  	s9 =	sadd.s32 $0x1680, s7;
	[sflag:s31] =	ssyncadd.s32 $0xFFFFE000  }
0x83: {  	[spmem:s2] =	stream.indirect.scatter.add.f32 [tilespmem:s25], [sflag:$0x6], $0x40, s9, s23, $0xb8;
	[tilespmem:$0x1E240] =	vst v63  }
0x84: {  	_ =	swait.ge [sflag:s3], $0x2000  }
0x85: {  	[sflag:s3] =	ssyncset.done $0x0  }
0x86: {  	s9 =	sadd.s32 $0x400, s7;
	[sflag:s3] =	ssyncadd.s32 $0xFFFFE000  }
0x87: {  	[tilespmem:s24], [sflag:$0x1] =	stream.indirect.gather [spmem:s1], $0x40, s9, s23, $0xb8;
	[tilespmem:$0x1E240] =	vst v63  }
0x88: {  	_ =	swait.ge [sflag:s4], $0x2000  }
0x89: {  	[sflag:s4] =	ssyncset.done $0x0  }
0x8a: {  	s9 =	sadd.s32 $0x1700, s7;
	[sflag:s4] =	ssyncadd.s32 $0xFFFFE000  }
0x8b: {  	[spmem:s2] =	stream.indirect.scatter.add.f32 [tilespmem:s28], [sflag:$0x7], $0x40, s9, s23, $0xb8;
	[tilespmem:$0x1E240] =	vst v63  }
0x8c: {  	_ =	swait.ge [sflag:s6], $0x2000  }
0x8d: {  	[sflag:s6] =	ssyncset.done $0x0  }
.Ltmp0:
0x8e: {  	s9 =	sadd.s32 $0x480, s7;
	[sflag:s6] =	ssyncadd.s32 $0xFFFFE000;
	(pc) =	sbr.rel @p2 .LBB2_3-.Ltmp0, $4  }
0x8f: {  	[tilespmem:s25], [sflag:$0x2] =	stream.indirect.gather [spmem:s1], $0x40, s9, s23, $0xb8;
	[tilespmem:$0x1E240] =	vst v63  }
0x90: {  	_ =	swait.ge [sflag:s8], $0x2000  }
0x91: {  	[sflag:s8] =	ssyncset.done $0x0  }
0x92: {  	s7 =	sadd.s32 $0x1780, s7;
	[sflag:s8] =	ssyncadd.s32 $0xFFFFE000  }
0x93: {  	[spmem:s2] =	stream.indirect.scatter.add.f32 [tilespmem:s30], [sflag:$0x8], $0x40, s7, s23, $0xb8;
	[tilespmem:$0x1E240] =	vst v63  }
0x94: {  	_ =	swait.ge [sflag:s10], $0x2000  }
0x95: {  	[sflag:s10] =	ssyncset.done $0x0  }
0x96: {  	[sflag:s10] =	ssyncadd.s32 $0xFFFFE000  }
0x97: {  	[tilespmem:s28], [sflag:$0x3] =	stream.indirect.gather [spmem:s1], $0x40, s11, s23, $0xb8;
	[tilespmem:$0x1E240] =	vst v63  }
0x98: {  	_ =	swait.ge [sflag:s18], $0x2000  }
0x99: {  	[sflag:s18] =	ssyncset.done $0x0  }
0x9a: {  	[sflag:s18] =	ssyncadd.s32 $0xFFFFE000  }
0x9b: {  	[spmem:s2] =	stream.indirect.scatter.add.f32 [tilespmem:s24], [sflag:$0x5], $0x40, s14, s23, $0xb8;
	[tilespmem:$0x1E240] =	vst v63  }
0x9c: {  	_ =	swait.ge [sflag:s19], $0x2000  }
0x9d: {  	[sflag:s19] =	ssyncset.done $0x0  }
0x9e: {  	[sflag:s19] =	ssyncadd.s32 $0xFFFFE000  }
0x9f: {  	[tilespmem:s30], [sflag:$0x4] =	stream.indirect.gather [spmem:s1], $0x40, s17, s23, $0xb8;
	[tilespmem:$0x1E240] =	vst v63  }
0xa0: {  	_ =	swait.ge [sflag:s31], $0x2000  }
0xa1: {  	[sflag:s31] =	ssyncset.done $0x0  }
0xa2: {  	[sflag:s31] =	ssyncadd.s32 $0xFFFFE000  }
0xa3: {  	[spmem:s2] =	stream.indirect.scatter.add.f32 [tilespmem:s25], [sflag:$0x6], $0x40, s20, s23, $0xb8;
	[tilespmem:$0x1E240] =	vst v63  }
0xa4: {  	_ =	swait.ge [sflag:s3], $0x2000  }
0xa5: {  	[sflag:s3] =	ssyncset.done $0x0  }
0xa6: {  	[sflag:s3] =	ssyncadd.s32 $0xFFFFE000  }
0xa7: {  	_ =	swait.ge [sflag:s4], $0x2000  }
0xa8: {  	[sflag:s4] =	ssyncset.done $0x0  }
0xa9: {  	[sflag:s4] =	ssyncadd.s32 $0xFFFFE000  }
0xaa: {  	[spmem:s2] =	stream.indirect.scatter.add.f32 [tilespmem:s28], [sflag:$0x7], $0x40, s26, s23, $0xb8;
	[tilespmem:$0x1E240] =	vst v63  }
0xab: {  	_ =	swait.ge [sflag:s6], $0x2000  }
0xac: {  	[sflag:s6] =	ssyncset.done $0x0  }
0xad: {  	[sflag:s6] =	ssyncadd.s32 $0xFFFFE000  }
0xae: {  	_ =	swait.ge [sflag:s8], $0x2000  }
0xaf: {  	[sflag:s8] =	ssyncset.done $0x0  }
0xb0: {  	[sflag:s8] =	ssyncadd.s32 $0xFFFFE000  }
0xb1: {  	[spmem:s2] =	stream.indirect.scatter.add.f32 [tilespmem:s30], [sflag:$0x8], $0x40, s29, s23, $0xb8;
	[tilespmem:$0x1E240] =	vst v63  }
0xb2: {  	_ =	swait.ge [sflag:s10], $0x2000  }
0xb3: {  	[sflag:s10] =	ssyncset.done $0x0  }
0xb4: {  	[sflag:s10] =	ssyncadd.s32 $0xFFFFE000  }
0xb5: {  	_ =	swait.ge [sflag:s19], $0x2000  }
0xb6: {  	[sflag:s19] =	ssyncset.done $0x0  }
0xb7: {  	s5 =	simm.s32 @p0 $0x0;
	s7 =	simm.s32 @p0 $0x9;
	[sflag:s19] =	ssyncadd.s32 $0xFFFFE000  }
0xb8: {  	[tilespmem:s5], [sflag:$0x9] =	stream.linear.gather @p0 [hbm4b:s12+s5], $0x1300, $0x38;
	[tilespmem:$0x1E240] =	vst v63  }
0xb9: {  	_ =	swait.ge @p0 [sflag:s7], $0x1300  }
0xba: {  	[sflag:s7] =	ssyncset.done @p0 $0x0  }
0xbb: {  	s9 =	simm.s32 @p0 $0x1400;
	[sflag:s7] =	ssyncadd.s32 @p0 $0xFFFFED00  }
0xbc: {  	[tilespmem:s9], [sflag:$0x9] =	stream.linear.gather @p0 [hbm4b:s13+s5], $0x1300, $0x38;
	[tilespmem:$0x1E240] =	vst v63  }
0xbd: {  	_ =	swait.ge @p0 [sflag:s7], $0x1300  }
0xbe: {  	[sflag:s7] =	ssyncset.done @p0 $0x0  }
0xbf: {  	v2 =	vimm.s32 @p0 $0x0;
	v3 =	vlaneseq.u32 @p0;
	[sflag:s7] =	ssyncadd.s32 @p0 $0xFFFFED00  }
0xc0: {  	v3 =	vor.u32 @p0 $0x2710, v3;
	[tilespmem:$0x1300] =	vst @p0 v2  }
0xc1: {  	[tilespmem:$0x2700] =	vst @p0 v3  }
0xc2: {  	[tilespmem:$0x1310] =	vst @p0 v2  }
0xc3: {  	[tilespmem:$0x2710] =	vst @p0 v3  }
0xc4: {  	[tilespmem:$0x1320] =	vst @p0 v2  }
0xc5: {  	[tilespmem:$0x2720] =	vst @p0 v3  }
0xc6: {  	[tilespmem:$0x1330] =	vst @p0 v2  }
0xc7: {  	[tilespmem:$0x2730] =	vst @p0 v3  }
0xc8: {  	[tilespmem:$0x1340] =	vst @p0 v2  }
0xc9: {  	[tilespmem:$0x2740] =	vst @p0 v3  }
0xca: {  	[tilespmem:$0x1350] =	vst @p0 v2  }
0xcb: {  	[tilespmem:$0x2750] =	vst @p0 v3  }
0xcc: {  	[tilespmem:$0x1360] =	vst @p0 v2  }
0xcd: {  	[tilespmem:$0x2760] =	vst @p0 v3  }
0xce: {  	[tilespmem:$0x1370] =	vst @p0 v2  }
0xcf: {  	s5 =	simm.s32 @!p0 $0x0;
	s7 =	simm.s32 @!p0 $0x9;
	[tilespmem:$0x2770] =	vst @p0 v3  }
0xd0: {  	[tilespmem:s5], [sflag:$0x9] =	stream.linear.gather @!p0 [hbm4b:s12+s5], $0x1380, $0x38;
	[tilespmem:$0x1E240] =	vst v63  }
0xd1: {  	_ =	swait.ge @!p0 [sflag:s7], $0x1380  }
0xd2: {  	[sflag:s7] =	ssyncset.done @!p0 $0x0  }
0xd3: {  	s9 =	simm.s32 @!p0 $0x1400;
	[sflag:s7] =	ssyncadd.s32 @!p0 $0xFFFFEC80  }
0xd4: {  	[tilespmem:s9], [sflag:$0x9] =	stream.linear.gather @!p0 [hbm4b:s13+s5], $0x1380, $0x38;
	[tilespmem:$0x1E240] =	vst v63  }
0xd5: {  	_ =	swait.ge @!p0 [sflag:s7], $0x1380  }
0xd6: {  	[sflag:s7] =	ssyncset.done @!p0 $0x0  }
0xd7: {  	[sflag:s7] =	ssyncadd.s32 @!p0 $0xFFFFEC80  }
0xd8: {  	[tilespmem:$0x1380] =	vst v0  }
0xd9: {  	[tilespmem:$0x2780] =	vst v1  }
0xda: {  	[tilespmem:$0x1390] =	vst v0  }
0xdb: {  	[tilespmem:$0x2790] =	vst v1  }
0xdc: {  	[tilespmem:$0x13A0] =	vst v0  }
0xdd: {  	[tilespmem:$0x27A0] =	vst v1  }
0xde: {  	[tilespmem:$0x13B0] =	vst v0  }
0xdf: {  	[tilespmem:$0x27B0] =	vst v1  }
0xe0: {  	[tilespmem:$0x13C0] =	vst v0  }
0xe1: {  	[tilespmem:$0x27C0] =	vst v1  }
0xe2: {  	[tilespmem:$0x13D0] =	vst v0  }
0xe3: {  	[tilespmem:$0x27D0] =	vst v1  }
0xe4: {  	[tilespmem:$0x13E0] =	vst v0  }
0xe5: {  	[tilespmem:$0x27E0] =	vst v1  }
0xe6: {  	[tilespmem:$0x13F0] =	vst v0  }
0xe7: {  	s9 =	simm.s32 $0x0;
	[tilespmem:$0x27F0] =	vst v1  }
0xe8: {  	[tilespmem:s24], [sflag:$0x1] =	stream.indirect.gather [spmem:s1], $0x40, s9, s23, $0xb8;
	[tilespmem:$0x1E240] =	vst v63  }
0xe9: {  	_ = 	snop  }
0xea: {  	[tilespmem:s25], [sflag:$0x2] =	stream.indirect.gather [spmem:s1], $0x40, s23, s23, $0xb8;
	[tilespmem:$0x1E240] =	vst v63  }
0xeb: {  	s7 =	simm.s32 $0x100  }
0xec: {  	[tilespmem:s28], [sflag:$0x3] =	stream.indirect.gather [spmem:s1], $0x40, s7, s23, $0xb8;
	[tilespmem:$0x1E240] =	vst v63  }
0xed: {  	_ =	swait.ge [sflag:s18], $0x2000  }
0xee: {  	[sflag:s18] =	ssyncset.done $0x0  }
0xef: {  	[sflag:s18] =	ssyncadd.s32 $0xFFFFE000  }
0xf0: {  	[spmem:s2] =	stream.indirect.scatter.add.f32 [tilespmem:s24], [sflag:$0x5], $0x40, s22, s23, $0xb8;
	[tilespmem:$0x1E240] =	vst v63  }
0xf1: {  	s9 =	simm.s32 $0x180  }
0xf2: {  	[tilespmem:s30], [sflag:$0x4] =	stream.indirect.gather [spmem:s1], $0x40, s9, s23, $0xb8;
	[tilespmem:$0x1E240] =	vst v63  }
0xf3: {  	_ =	swait.ge [sflag:s31], $0x2000  }
0xf4: {  	[sflag:s31] =	ssyncset.done $0x0  }
0xf5: {  	s7 =	simm.s32 $0x1480;
	[sflag:s31] =	ssyncadd.s32 $0xFFFFE000  }
0xf6: {  	[spmem:s2] =	stream.indirect.scatter.add.f32 [tilespmem:s25], [sflag:$0x6], $0x40, s7, s23, $0xb8;
	[tilespmem:$0x1E240] =	vst v63  }
0xf7: {  	_ =	swait.ge [sflag:s3], $0x2000  }
0xf8: {  	[sflag:s3] =	ssyncset.done $0x0  }
0xf9: {  	s9 =	simm.s32 $0x200;
	[sflag:s3] =	ssyncadd.s32 $0xFFFFE000  }
0xfa: {  	[tilespmem:s24], [sflag:$0x1] =	stream.indirect.gather [spmem:s1], $0x40, s9, s23, $0xb8;
	[tilespmem:$0x1E240] =	vst v63  }
0xfb: {  	_ =	swait.ge [sflag:s4], $0x2000  }
0xfc: {  	[sflag:s4] =	ssyncset.done $0x0  }
0xfd: {  	s7 =	simm.s32 $0x1500;
	[sflag:s4] =	ssyncadd.s32 $0xFFFFE000  }
0xfe: {  	[spmem:s2] =	stream.indirect.scatter.add.f32 [tilespmem:s28], [sflag:$0x7], $0x40, s7, s23, $0xb8;
	[tilespmem:$0x1E240] =	vst v63  }
0xff: {  	_ =	swait.ge [sflag:s6], $0x2000  }
0x100: {  	[sflag:s6] =	ssyncset.done $0x0  }
0x101: {  	s9 =	simm.s32 $0x280;
	[sflag:s6] =	ssyncadd.s32 $0xFFFFE000  }
0x102: {  	[tilespmem:s25], [sflag:$0x2] =	stream.indirect.gather [spmem:s1], $0x40, s9, s23, $0xb8;
	[tilespmem:$0x1E240] =	vst v63  }
0x103: {  	_ =	swait.ge [sflag:s8], $0x2000  }
0x104: {  	[sflag:s8] =	ssyncset.done $0x0  }
0x105: {  	s7 =	simm.s32 $0x1580;
	[sflag:s8] =	ssyncadd.s32 $0xFFFFE000  }
0x106: {  	[spmem:s2] =	stream.indirect.scatter.add.f32 [tilespmem:s30], [sflag:$0x8], $0x40, s7, s23, $0xb8;
	[tilespmem:$0x1E240] =	vst v63  }
0x107: {  	_ =	swait.ge [sflag:s10], $0x2000  }
0x108: {  	[sflag:s10] =	ssyncset.done $0x0  }
0x109: {  	s9 =	simm.s32 $0x300;
	[sflag:s10] =	ssyncadd.s32 $0xFFFFE000  }
0x10a: {  	[tilespmem:s28], [sflag:$0x3] =	stream.indirect.gather [spmem:s1], $0x40, s9, s23, $0xb8;
	[tilespmem:$0x1E240] =	vst v63  }
0x10b: {  	_ =	swait.ge [sflag:s18], $0x2000  }
0x10c: {  	[sflag:s18] =	ssyncset.done $0x0  }
0x10d: {  	s7 =	simm.s32 $0x1600;
	[sflag:s18] =	ssyncadd.s32 $0xFFFFE000  }
0x10e: {  	[spmem:s2] =	stream.indirect.scatter.add.f32 [tilespmem:s24], [sflag:$0x5], $0x40, s7, s23, $0xb8;
	[tilespmem:$0x1E240] =	vst v63  }
0x10f: {  	_ =	swait.ge [sflag:s19], $0x2000  }
0x110: {  	[sflag:s19] =	ssyncset.done $0x0  }
0x111: {  	s9 =	simm.s32 $0x380;
	[sflag:s19] =	ssyncadd.s32 $0xFFFFE000  }
0x112: {  	[tilespmem:s30], [sflag:$0x4] =	stream.indirect.gather [spmem:s1], $0x40, s9, s23, $0xb8;
	[tilespmem:$0x1E240] =	vst v63  }
0x113: {  	_ =	swait.ge [sflag:s31], $0x2000  }
0x114: {  	[sflag:s31] =	ssyncset.done $0x0  }
0x115: {  	s7 =	simm.s32 $0x1680;
	[sflag:s31] =	ssyncadd.s32 $0xFFFFE000  }
0x116: {  	[spmem:s2] =	stream.indirect.scatter.add.f32 [tilespmem:s25], [sflag:$0x6], $0x40, s7, s23, $0xb8;
	[tilespmem:$0x1E240] =	vst v63  }
0x117: {  	_ =	swait.ge [sflag:s3], $0x2000  }
0x118: {  	[sflag:s3] =	ssyncset.done $0x0  }
0x119: {  	s9 =	simm.s32 $0x400;
	[sflag:s3] =	ssyncadd.s32 $0xFFFFE000  }
0x11a: {  	[tilespmem:s24], [sflag:$0x1] =	stream.indirect.gather [spmem:s1], $0x40, s9, s23, $0xb8;
	[tilespmem:$0x1E240] =	vst v63  }
0x11b: {  	_ =	swait.ge [sflag:s4], $0x2000  }
0x11c: {  	[sflag:s4] =	ssyncset.done $0x0  }
0x11d: {  	s7 =	simm.s32 $0x1700;
	[sflag:s4] =	ssyncadd.s32 $0xFFFFE000  }
0x11e: {  	[spmem:s2] =	stream.indirect.scatter.add.f32 [tilespmem:s28], [sflag:$0x7], $0x40, s7, s23, $0xb8;
	[tilespmem:$0x1E240] =	vst v63  }
0x11f: {  	_ =	swait.ge [sflag:s6], $0x2000  }
0x120: {  	[sflag:s6] =	ssyncset.done $0x0  }
0x121: {  	s9 =	simm.s32 $0x480;
	[sflag:s6] =	ssyncadd.s32 $0xFFFFE000  }
0x122: {  	[tilespmem:s25], [sflag:$0x2] =	stream.indirect.gather [spmem:s1], $0x40, s9, s23, $0xb8;
	[tilespmem:$0x1E240] =	vst v63  }
0x123: {  	_ =	swait.ge [sflag:s8], $0x2000  }
0x124: {  	[sflag:s8] =	ssyncset.done $0x0  }
0x125: {  	s5 =	simm.s32 $0x800;
	s7 =	simm.s32 $0x1780;
	[sflag:s8] =	ssyncadd.s32 $0xFFFFE000  }
.LBB2_5:
0x126: {  	[spmem:s2] =	stream.indirect.scatter.add.f32 [tilespmem:s30], [sflag:$0x8], $0x40, s7, s23, $0xb8;
	[tilespmem:$0x1E240] =	vst v63  }
0x127: {  	s7 =	smov.u32 s5  }
0x128: {  	p2 =	sne.s32 s5, $0x3800;
	s5 =	sadd.s32 $0x800, s5;
	_ =	swait.ge [sflag:s10], $0x2000  }
0x129: {  	s7 =	sshra.s32 s7, $0x2;
	[sflag:s10] =	ssyncset.done $0x0  }
0x12a: {  	s9 =	sadd.s32 $0x300, s7;
	[sflag:s10] =	ssyncadd.s32 $0xFFFFE000  }
0x12b: {  	[tilespmem:s28], [sflag:$0x3] =	stream.indirect.gather [spmem:s1], $0x40, s9, s23, $0xb8;
	[tilespmem:$0x1E240] =	vst v63  }
0x12c: {  	_ =	swait.ge [sflag:s18], $0x2000  }
0x12d: {  	[sflag:s18] =	ssyncset.done $0x0  }
0x12e: {  	s9 =	sadd.s32 $0x1600, s7;
	[sflag:s18] =	ssyncadd.s32 $0xFFFFE000  }
0x12f: {  	[spmem:s2] =	stream.indirect.scatter.add.f32 [tilespmem:s24], [sflag:$0x5], $0x40, s9, s23, $0xb8;
	[tilespmem:$0x1E240] =	vst v63  }
0x130: {  	_ =	swait.ge [sflag:s19], $0x2000  }
0x131: {  	[sflag:s19] =	ssyncset.done $0x0  }
0x132: {  	s9 =	sadd.s32 $0x380, s7;
	[sflag:s19] =	ssyncadd.s32 $0xFFFFE000  }
0x133: {  	[tilespmem:s30], [sflag:$0x4] =	stream.indirect.gather [spmem:s1], $0x40, s9, s23, $0xb8;
	[tilespmem:$0x1E240] =	vst v63  }
0x134: {  	_ =	swait.ge [sflag:s31], $0x2000  }
0x135: {  	[sflag:s31] =	ssyncset.done $0x0  }
0x136: {  	s9 =	sadd.s32 $0x1680, s7;
	[sflag:s31] =	ssyncadd.s32 $0xFFFFE000  }
0x137: {  	[spmem:s2] =	stream.indirect.scatter.add.f32 [tilespmem:s25], [sflag:$0x6], $0x40, s9, s23, $0xb8;
	[tilespmem:$0x1E240] =	vst v63  }
0x138: {  	_ =	swait.ge [sflag:s3], $0x2000  }
0x139: {  	[sflag:s3] =	ssyncset.done $0x0  }
0x13a: {  	s9 =	sadd.s32 $0x400, s7;
	[sflag:s3] =	ssyncadd.s32 $0xFFFFE000  }
0x13b: {  	[tilespmem:s24], [sflag:$0x1] =	stream.indirect.gather [spmem:s1], $0x40, s9, s23, $0xb8;
	[tilespmem:$0x1E240] =	vst v63  }
0x13c: {  	_ =	swait.ge [sflag:s4], $0x2000  }
0x13d: {  	[sflag:s4] =	ssyncset.done $0x0  }
0x13e: {  	s9 =	sadd.s32 $0x1700, s7;
	[sflag:s4] =	ssyncadd.s32 $0xFFFFE000  }
0x13f: {  	[spmem:s2] =	stream.indirect.scatter.add.f32 [tilespmem:s28], [sflag:$0x7], $0x40, s9, s23, $0xb8;
	[tilespmem:$0x1E240] =	vst v63  }
0x140: {  	_ =	swait.ge [sflag:s6], $0x2000  }
0x141: {  	[sflag:s6] =	ssyncset.done $0x0  }
.Ltmp1:
0x142: {  	s9 =	sadd.s32 $0x480, s7;
	[sflag:s6] =	ssyncadd.s32 $0xFFFFE000;
	(pc) =	sbr.rel @p2 .LBB2_5-.Ltmp1, $4  }
0x143: {  	[tilespmem:s25], [sflag:$0x2] =	stream.indirect.gather [spmem:s1], $0x40, s9, s23, $0xb8;
	[tilespmem:$0x1E240] =	vst v63  }
0x144: {  	_ =	swait.ge [sflag:s8], $0x2000  }
0x145: {  	[sflag:s8] =	ssyncset.done $0x0  }
0x146: {  	s7 =	sadd.s32 $0x1780, s7;
	[sflag:s8] =	ssyncadd.s32 $0xFFFFE000  }
0x147: {  	[spmem:s2] =	stream.indirect.scatter.add.f32 [tilespmem:s30], [sflag:$0x8], $0x40, s7, s23, $0xb8;
	[tilespmem:$0x1E240] =	vst v63  }
0x148: {  	_ =	swait.ge [sflag:s10], $0x2000  }
0x149: {  	[sflag:s10] =	ssyncset.done $0x0  }
0x14a: {  	[sflag:s10] =	ssyncadd.s32 $0xFFFFE000  }
0x14b: {  	[tilespmem:s28], [sflag:$0x3] =	stream.indirect.gather [spmem:s1], $0x40, s11, s23, $0xb8;
	[tilespmem:$0x1E240] =	vst v63  }
0x14c: {  	_ =	swait.ge [sflag:s18], $0x2000  }
0x14d: {  	[sflag:s18] =	ssyncset.done $0x0  }
0x14e: {  	[sflag:s18] =	ssyncadd.s32 $0xFFFFE000  }
0x14f: {  	[spmem:s2] =	stream.indirect.scatter.add.f32 [tilespmem:s24], [sflag:$0x5], $0x40, s14, s23, $0xb8;
	[tilespmem:$0x1E240] =	vst v63  }
0x150: {  	_ =	swait.ge [sflag:s19], $0x2000  }
0x151: {  	[sflag:s19] =	ssyncset.done $0x0  }
0x152: {  	[sflag:s19] =	ssyncadd.s32 $0xFFFFE000  }
0x153: {  	[tilespmem:s30], [sflag:$0x4] =	stream.indirect.gather [spmem:s1], $0x40, s17, s23, $0xb8;
	[tilespmem:$0x1E240] =	vst v63  }
0x154: {  	_ =	swait.ge [sflag:s31], $0x2000  }
0x155: {  	[sflag:s31] =	ssyncset.done $0x0  }
0x156: {  	[sflag:s31] =	ssyncadd.s32 $0xFFFFE000  }
0x157: {  	[spmem:s2] =	stream.indirect.scatter.add.f32 [tilespmem:s25], [sflag:$0x6], $0x40, s20, s23, $0xb8;
	[tilespmem:$0x1E240] =	vst v63  }
0x158: {  	_ =	swait.ge [sflag:s3], $0x2000  }
0x159: {  	[sflag:s3] =	ssyncset.done $0x0  }
0x15a: {  	[sflag:s3] =	ssyncadd.s32 $0xFFFFE000  }
0x15b: {  	_ =	swait.ge [sflag:s4], $0x2000  }
0x15c: {  	[sflag:s4] =	ssyncset.done $0x0  }
0x15d: {  	[sflag:s4] =	ssyncadd.s32 $0xFFFFE000  }
0x15e: {  	[spmem:s2] =	stream.indirect.scatter.add.f32 [tilespmem:s28], [sflag:$0x7], $0x40, s26, s23, $0xb8;
	[tilespmem:$0x1E240] =	vst v63  }
0x15f: {  	_ =	swait.ge [sflag:s6], $0x2000  }
0x160: {  	[sflag:s6] =	ssyncset.done $0x0  }
0x161: {  	[sflag:s6] =	ssyncadd.s32 $0xFFFFE000  }
0x162: {  	_ =	swait.ge [sflag:s8], $0x2000  }
0x163: {  	[sflag:s8] =	ssyncset.done $0x0  }
0x164: {  	[sflag:s8] =	ssyncadd.s32 $0xFFFFE000  }
0x165: {  	[spmem:s2] =	stream.indirect.scatter.add.f32 [tilespmem:s30], [sflag:$0x8], $0x40, s29, s23, $0xb8;
	[tilespmem:$0x1E240] =	vst v63  }
0x166: {  	_ =	swait.ge [sflag:s10], $0x2000  }
0x167: {  	[sflag:s10] =	ssyncset.done $0x0  }
0x168: {  	[sflag:s10] =	ssyncadd.s32 $0xFFFFE000  }
0x169: {  	_ =	swait.ge [sflag:s19], $0x2000  }
0x16a: {  	[sflag:s19] =	ssyncset.done $0x0  }
0x16b: {  	s5 =	rddreg [dreg:$0xe];
	[sflag:s19] =	ssyncadd.s32 $0xFFFFE000  }
0x16c: {  	s0 =	sor.u32 s5, s0;
	[bflag:$0x0] =	sbarrier.arrive $0xFFFF  }
0x16d: {  	s0 =	sshrl.u32 s0, $0x3;
	s9 =	rddreg [dreg:$0x8]  }
.Ltmp2:
0x16e: {  	s0 =	sadd.s32 s9, s0;
	s9 =	simm.s32 $0x10;
	(pc) =	sbr.rel @p1 .LBB2_2-.Ltmp2, $4  }
0x16f: {  	[hbm:s0@s9], [sflag:s16] =	dma.strided [spmem:s15@s19], $0x13C0, s18, $0x8   }
0x170: {  	_ =	swait.ge [sflag:s21], $0x13C0  }
0x171: {  	[sflag:s21] =	ssyncset.done $0x0  }
0x172: {  	p2 =	por $0x0, $0x0;
	s0 =	simm.s32 $0x40;
	[sflag:s21] =	ssyncadd.s32 $0xFFFFEC40  }
0x173: {  	s15 =	rddreg [dreg:$0x6]  }
0x174: {  	s0 =	rddreg [dreg:$0xf];
	s15 =	sadd.s32 $0x1, s15  }
0x175: {  	p1 =	sne.s32 s15, s0  }
.Ltmp3:
0x176: {  	_ = 	snop;
	(pc) =	sbr.rel @p1 .LBB2_1-.Ltmp3, $1  }
0x177: {  	_ =	sdelay $0x3  }
0x178: {  	_ =	sfence.sel $0x180000  }
0x179: {  	[bflag:$0x0] =	sbarrier.arrive $0xFFFF  }
0x17a: {  	_ =	strace $0x9000004A  }
0x17b: {  	s0 =	stileid.u32;
	[bflag:$0x2] =	sbarrier.arrive $0xFFFF  }
0x17c: {  	p0 =	sne.s32 s0, $0x0;
	s0 =	rddreg [dreg:$0x5]  }
0x17d: {  	s0 =	sadd.s32 @!p0 $0x100000, s0  }
0x17e: {  	[sflag:s0] =	ssyncadd.tile.s32 @!p0 $0x1;
	_ =	shalt  }
.Lfunc_end2:
_tile_overlayer_lowered:
.L_overlay_start_2:
0x17f: {  	(tag) =	ssettag $0x2  }
0x180: {  	s0 =	rddreg [dreg:$0x0];
	s2 =	stileid.u32  }
0x181: {  	s1 =	rddreg [dreg:$0x1];
	p0 =	sne.s32 s2, $0x0  }
0x182: {  	s3 =	rddreg [dreg:$0x2];
	[bflag:$0x3] =	sbarrier.arrive $0xFFFF;
	s2 =	simm.s32 @!p0 $0x1C09  }
0x183: {  	[timem:s3], [sflag:s2] =	dma.local @!p0 [hbm:s0], s1  }
0x184: {  	s0 =	simm.s32 @!p0 $0x9  }
0x185: {  	_ =	swait.ge @!p0 [sflag:s0], s1  }
0x186: {  	s1 =	ssub.s32 @!p0 $0x0, s1;
	[sflag:s0] =	ssyncset.done @!p0 $0x0  }
0x187: {  	[sflag:s0] =	ssyncadd.s32 @!p0 s1  }
0x188: {  	[bflag:$0x3] =	sbarrier.arrive $0xFFFF  }
0x189: {  	_ =	shalt  }

// kernel: kernel.15.cloned.1.call-start
scs
__scs_entry_jumppad:
0x0: {  	(pc) =	sbr.rel $0x88, $3  }
0x1: {  	(tag) =	ssettag $0x0;
	lr =	simm.s32 $0x1  }
0x2: {  	[smem:$0x3F99] =	sst lr;
	_ =	strace $0xD0000000  }
0x3: {  	_ = 	snop  }
0x4: {  	_ = 	snop  }
0x5: {  	_ = 	snop  }
0x6: {  	_ = 	snop  }
0x7: {  	_ = 	snop  }
__scs_overlays_trampoline_lowered:
0x8: {  	[smem:$0x3FA8] =	sst s0  }
0x9: {  	[smem:$0x3FA9] =	sst s1  }
0xa: {  	[smem:$0x3FAA] =	sst s2  }
0xb: {  	[smem:$0x3FAB] =	sst s3  }
0xc: {  	[smem:$0x3FAC] =	sst s4  }
0xd: {  	[smem:$0x3FAD] =	sst s5  }
0xe: {  	[smem:$0x3FAE] =	sst s6  }
0xf: {  	[smem:$0x3FAF] =	sst s7  }
0x10: {  	[smem:$0x3FB0] =	sst s8  }
0x11: {  	[smem:$0x3FB1] =	sst s9;
	s0 =	simm.s32 @!p0 $0x0  }
0x12: {  	s1 =	sld [smem:$0x3F97];
	s0 =	simm.s32 @p0 $0x1  }
0x13: {  	[smem:$0x3FB2] =	sst s0;
	s0 =	simm.s32 @!p1 $0x0  }
0x14: {  	s2 =	sld [smem:$0x3F96];
	s0 =	simm.s32 @p1 $0x1  }
0x15: {  	[smem:$0x3FB3] =	sst s0;
	s0 =	simm.s32 @!p2 $0x0  }
0x16: {  	s3 =	sld [smem:$0x3FDB];
	s0 =	simm.s32 @p2 $0x1  }
0x17: {  	s4 =	simm.s32 $0x1BF5;
	[smem:$0x3FB5] =	sst s0  }
0x18: {  	s0 =	sld [smem:$0x3F98];
	_ =	swait.ge [sflag:s4], $0x0  }
0x19: {  	s7 =	sld [smem:$0x3F99]  }
0x1a: {  	s8 =	sadd.s32 $0xFFFFE003, lr  }
0x1b: {  	s9 =	sadd.s32 $0xFFFFFEF7, lr;
	s5 =	simm.s32 $0xFFFFFFFF;
	p2 =	slt.u32 s8, $0xFFFFF086  }
0x1c: {  	p1 =	slt.u32 s9, $0xF7A;
	s5 =	simm.s32 @!p2 $0x0  }
0x1d: {  	s5 =	simm.s32 @p1 $0x1;
	p0 =	seq.s32 s7, s2  }
0x1e: {  	s7 =	smul.u32 @!p0 $0xF7A, s2;
	p2 =	seq.s32 @!p0 s5, $0x0  }
0x1f: {  	s9 =	smul.u32 $0xF7A, s1;
	s8 =	simm.s32 @!p0 $0x1BF5;
	p2 =	por !p2, p0  }
0x20: {  	[sflag:s8] =	ssyncset.s32 @!p0 $0xFFFFF086;
	s6 =	sadd.s32 @!p0 s3, s7;
	s7 =	simm.s32 @!p0 $0x108  }
0x21: {  	s3 =	sadd.s32 s3, s9;
	s6 =	sadd.s32 @!p0 $0x88, s6;
	s7 =	simm.s32 @p2 $0x1082  }
0x22: {  	[simem:s7], [sflag:s8] =	dma.local @!p0 [hbm:s6], $0xF7A  }
0x23: {  	s9 =	sor.u32 $0xD0000000, s2;
	s6 =	simm.s32 $0x108;
	_ =	swait.ge @!p0 [sflag:s8], $0x0  }
0x24: {  	s3 =	sadd.s32 $0x88, s3;
	s6 =	simm.s32 @!p1 $0x1082;
	[sflag:s4] =	ssyncset.s32 $0xFFFFF086  }
0x25: {  	[simem:s6], [sflag:s4] =	dma.local [hbm:s3], $0xF7A  }
0x26: {  	[smem:$0x3F99] =	sst s1;
	(tag) =	ssettag s2;
	_ =	strace s9  }
0x27: {  	s1 =	sld [smem:$0x3FA9]  }
0x28: {  	s2 =	sld [smem:$0x3FAA]  }
0x29: {  	s4 =	sld [smem:$0x3FAC]  }
0x2a: {  	p0 =	seq.s32 s5, $0x0;
	s5 =	sld [smem:$0x3FAD]  }
0x2b: {  	s6 =	sld [smem:$0x3FAE]  }
0x2c: {  	s7 =	sld [smem:$0x3FAF]  }
0x2d: {  	s3 =	simm.s32 $0x108;
	s8 =	sld [smem:$0x3FB0]  }
0x2e: {  	s3 =	simm.s32 @!p0 $0x1082;
	s9 =	sld [smem:$0x3FB1]  }
0x2f: {  	lr =	sadd.s32 s0, s3;
	s0 =	sld [smem:$0x3FA8]  }
0x30: {  	s3 =	sld [smem:$0x3FAB]  }
0x31: {  	[smem:$0x3FB4] =	sst s10  }
0x32: {  	s10 =	sld [smem:$0x3FB2];
	_ =	sdelay $0x3  }
0x33: {  	p0 =	seq.s32 s10, $0x1;
	s10 =	sld [smem:$0x3FB4];
	_ =	sdelay $0x3  }
0x34: {  	[smem:$0x3FB4] =	sst s10  }
0x35: {  	s10 =	sld [smem:$0x3FB3];
	_ =	sdelay $0x3  }
0x36: {  	p1 =	seq.s32 s10, $0x1;
	s10 =	sld [smem:$0x3FB4];
	_ =	sdelay $0x3  }
0x37: {  	[smem:$0x3FB4] =	sst s10  }
0x38: {  	s10 =	sld [smem:$0x3FB5]  }
0x39: {  	_ = 	snop;
	(pc) =	sbr.ind lr, $3  }
0x3a: {  	_ = 	snop  }
0x3b: {  	_ = 	snop  }
0x3c: {  	p2 =	seq.s32 s10, $0x1;
	s10 =	sld [smem:$0x3FB4]  }
0x3d: {  	_ =	shalt  }
0x3e: {  	_ =	shalt  }
0x3f: {  	_ =	shalt  }
0x40: {  	_ =	shalt  }
0x41: {  	_ =	shalt  }
0x42: {  	_ =	shalt  }
0x43: {  	_ =	shalt  }
0x44: {  	_ =	shalt  }
0x45: {  	_ =	shalt  }
0x46: {  	_ =	shalt  }
0x47: {  	_ =	shalt  }
0x48: {  	_ =	shalt  }
0x49: {  	_ =	shalt  }
0x4a: {  	_ =	shalt  }
0x4b: {  	_ =	shalt  }
0x4c: {  	_ =	shalt  }
0x4d: {  	_ =	shalt  }
0x4e: {  	_ =	shalt  }
0x4f: {  	_ =	shalt  }
0x50: {  	_ =	shalt  }
0x51: {  	_ =	shalt  }
0x52: {  	_ =	shalt  }
0x53: {  	_ =	shalt  }
0x54: {  	_ =	shalt  }
0x55: {  	_ =	shalt  }
0x56: {  	_ =	shalt  }
0x57: {  	_ =	shalt  }
0x58: {  	_ =	shalt  }
0x59: {  	_ =	shalt  }
0x5a: {  	_ =	shalt  }
0x5b: {  	_ =	shalt  }
0x5c: {  	_ =	shalt  }
0x5d: {  	_ =	shalt  }
0x5e: {  	_ =	shalt  }
0x5f: {  	_ =	shalt  }
0x60: {  	_ =	shalt  }
0x61: {  	_ =	shalt  }
0x62: {  	_ =	shalt  }
0x63: {  	_ =	shalt  }
0x64: {  	_ =	shalt  }
0x65: {  	_ =	shalt  }
0x66: {  	_ =	shalt  }
0x67: {  	_ =	shalt  }
0x68: {  	_ =	shalt  }
0x69: {  	_ =	shalt  }
0x6a: {  	_ =	shalt  }
0x6b: {  	_ =	shalt  }
0x6c: {  	_ =	shalt  }
0x6d: {  	_ =	shalt  }
0x6e: {  	_ =	shalt  }
0x6f: {  	_ =	shalt  }
0x70: {  	_ =	shalt  }
0x71: {  	_ =	shalt  }
0x72: {  	_ =	shalt  }
0x73: {  	_ =	shalt  }
0x74: {  	_ =	shalt  }
0x75: {  	_ =	shalt  }
0x76: {  	_ =	shalt  }
0x77: {  	_ =	shalt  }
0x78: {  	_ =	shalt  }
0x79: {  	_ =	shalt  }
0x7a: {  	_ =	shalt  }
0x7b: {  	_ =	shalt  }
0x7c: {  	_ =	shalt  }
0x7d: {  	_ =	shalt  }
0x7e: {  	_ =	shalt  }
0x7f: {  	_ =	shalt  }
0x80: {  	_ =	shalt  }
0x81: {  	_ =	shalt  }
0x82: {  	_ =	shalt  }
0x83: {  	_ =	shalt  }
0x84: {  	_ =	shalt  }
0x85: {  	_ =	shalt  }
0x86: {  	_ =	shalt  }
0x87: {  	_ =	shalt  }
.Lfunc_end0:
.L_simem_size_0:
called_computation.2_lowered:
.L_overlay_start_0:
0x88: {  	s2 =	sld [smem:$0x3FD9]  }
0x89: {  	s3 =	sld [smem:$0x3FFE];
	_ =	sdelay $0x1  }
0x8a: {  	s1 =	srdreg.scid  }
0x8b: {  	s0 =	sand.u32 $0x1, s1  }
0x8c: {  	s14 =	sshll.u32 s0, $0xA;
	s2 =	sadd.s32 s3, s2  }
0x8d: {  	s2 =	sadd.s32 s2, s14  }
0x8e: {  	[smem:$0x3FC0] =	sst s2  }
0x8f: {  	_ = 	snop  }
0x90: {  	s2 =	sld [smem:$0x3FD0];
	_ =	sdelay $0x2  }
0x91: {  	s15 =	simm.s32 $0xA;
	s4 =	simm.s32 $0x10  }
0x92: {  	[smem:s4], [sflag:s15] =	dma.local [hbm:s2], $0x1  }
0x93: {  	_ =	swait.eq [sflag:s15], $0x1  }
0x94: {  	[sflag:s15] =	ssyncset.done $0x0  }
0x95: {  	s16 =	sld [smem:$0x10];
	[sflag:s15] =	ssyncadd.s32 $0xFFFFFFFF  }
0x96: {  	s17 =	sld [smem:$0x11];
	(tm) =	ssettm $0x1  }
0x97: {  	s18 =	sld [smem:$0x3FFB];
	_ =	sdelay $0x3  }
0x98: {  	_ =	strace s18  }
0x99: {  	s4 =	sld [smem:$0x3FFC];
	_ =	sdelay $0x3  }
0x9a: {  	_ =	strace s4  }
0x9b: {  	s4 =	sld [smem:$0x3FFD];
	_ =	sdelay $0x3  }
0x9c: {  	_ =	strace s4  }
0x9d: {  	_ =	strace $0x8FFFFFFF  }
0x9e: {  	s19 =	sld [smem:$0x3FDB];
	_ =	sdelay $0x1  }
0x9f: {  	s5 =	simm.s32 $_scs_section_size  }
0xa0: {  	s6 =	simm.s32 $_size__tile_overlayer_lowered;
	s7 =	simm.s32 $_tile_overlayer_lowered  }
0xa1: {  	s22 =	simm.s32 $0x1BFF;
	s21 =	sshll.u32 s7, $0x1;
	s4 =	sadd.s32 s5, s19  }
0xa2: {  	s8 =	simm.s32 $0x0;
	s20 =	sshll.u32 s6, $0x1;
	s6 =	sadd.s32 s21, s4  }
0xa3: {  	[timem:s8], [sflag:s22] =	dma.local [hbm:s6], s20  }
0xa4: {  	_ =	swait.ge [sflag:s22], s20  }
0xa5: {  	s5 =	ssub.s32 $0x0, s20;
	[sflag:s22] =	ssyncset.done $0x0  }
0xa6: {  	[sflag:s22] =	ssyncadd.s32 s5;
	_ =	sdelay $0x1  }
0xa7: {  	s23 =	simm.s32 $0x1B8B  }
0xa8: {  	_ =	swait.ge [sflag:s23], $0x1  }
0xa9: {  	[sflag:s23] =	ssyncset.done $0x0  }
0xaa: {  	s25 =	simm.s32 $0x1B8E;
	s24 =	sld [smem:$0x3FFE];
	[sflag:s23] =	ssyncadd.s32 $0xFFFFFFFF  }
0xab: {  	s26 =	simm.s32 $execute0_lowered;
	[smem:$0x3FD2] =	sst s25  }
0xac: {  	s6 =	sshll.u32 s26, $0x1;
	_ =	strace $0x8000004C;
	[dreg:$0x1] =	wrdreg $0xFFFFFFFF  }
0xad: {  	s28 =	simm.s32 $_size_execute0_lowered;
	s4 =	sadd.s32 s4, s6;
	[dreg:$0x0] =	wrdreg $0x0  }
0xae: {  	s6 =	sshll.u32 s28, $0x1;
	[dreg:$0x2] =	wrdreg s4  }
0xaf: {  	[dreg:$0x3] =	wrdreg s6  }
0xb0: {  	[dreg:$0x4] =	wrdreg $0xC0  }
0xb1: {  	_ =	task [dreg:s8], $0x5FFFF  }
0xb2: {  	[dreg:$0x1] =	wrdreg $0xFFFFFFFF  }
0xb3: {  	[dreg:$0x0] =	wrdreg $0x60  }
0xb4: {  	[dreg:$0x2] =	wrdreg s16  }
0xb5: {  	[dreg:$0x3] =	wrdreg s24  }
0xb6: {  	[dreg:$0x4] =	wrdreg s17  }
0xb7: {  	[dreg:$0x5] =	wrdreg $0xA8000  }
0xb8: {  	[dreg:$0x6] =	wrdreg $0x144400  }
0xb9: {  	[dreg:$0x7] =	wrdreg $0x9  }
0xba: {  	_ =	task.clear_ibuf [dreg:s8], $0x8FFFF;
	_ =	strace $0x9000004C  }
0xbb: {  	s29 =	simm.s32 $0x9;
	_ =	strace $0x8000004E  }
0xbc: {  	_ =	swait.ge [sflag:s29], $0x1  }
0xbd: {  	[sflag:s29] =	ssyncadd.s32 $0xFFFFFFFF  }
0xbe: {  	_ =	strace $0x9000004E  }
0xbf: {  	_ =	sfence  }
0xc0: {  	s30 =	sld [smem:$0x0];
	_ =	sdelay $0x2  }
0xc1: {  	s31 =	sshll.u32 s1, $0xD;
	s1 =	sshrl.u32 s1, $0x2  }
0xc2: {  	s3 =	sand.u32 $0x4000, s31;
	s1 =	sadd.s32 s1, s30  }
0xc3: {  	s0 =	sor.u32 s3, s0;
	s1 =	sshll.u32 s1, $0x11  }
0xc4: {  	s0 =	sor.u32 s1, s0  }
0xc5: {  	s0 =	sadd.s32 $0x8F2B, s0  }
0xc6: {  	[sflag:s0] =	ssyncadd.remote.s32 $0x1  }
0xc7: {  	_ =	sfence.sel $0xFFFF  }
0xc8: {  	[dreg:$0x0] =	wrdreg $0xFFFFFFFF;
	(pc) =	sbr.abs _section_cstart, $3  }
0xc9: {  	[dreg:$0x1] =	wrdreg $0xFFFFFFFF  }
0xca: {  	_ =	task.clear_ibuf [dreg:s8], $0x2FFFF;
	_ =	strace $0x9FFFFFFF  }
0xcb: {  	(tm) =	ssettm $0x7FFFFFFF  }
tec
execute0_lowered:
.L_overlay_start_1:
0x0: {  	(tag) =	ssettag $0x1  }
0x1: {  	s0 =	rddreg [dreg:$0x0]  }
0x2: {  	s3 =	rddreg [dreg:$0x1]  }
0x3: {  	s4 =	rddreg [dreg:$0x2]  }
0x4: {  	s1 =	rddreg [dreg:$0x3]  }
0x5: {  	s2 =	rddreg [dreg:$0x4];
	s5 =	srdreg.scid;
	s15 =	simm.s32 $0x0  }
0x6: {  	s11 =	stileid.u32;
	s28 =	simm.s32 $0x6800;
	s30 =	simm.s32 $0x8800  }
0x7: {  	s31 =	simm.s32 $0x2;
	s29 =	simm.s32 $0x2780;
	s9 =	smul.u32 $0x27100, s11  }
0x8: {  	s5 =	sand.u32 $0x1, s5;
	[smem:$0x7FF] =	sst s15;
	s10 =	smul.u32 $0x9E00, s11  }
0x9: {  	s7 =	sadd.s32 $0x52400, s3;
	s3 =	sadd.s32 $0x79600, s3;
	s16 =	smul.u32 $0x13880, s11  }
0xa: {  	s21 =	sadd.s32 $0x9C40, s0;
	s23 =	smul.u32 $0x13C00, s11;
	s25 =	sshll.u32 s11, $0x6  }
0xb: {  	s6 =	sshll.u32 s5, $0x4;
	_ =	strace $0x8000004D;
	[dreg:$0x7] =	wrdreg s7  }
0xc: {  	s12 =	ssub.s32 $0x2, s5;
	[dreg:$0x8] =	wrdreg s3;
	s5 =	smul.u32 $0x13C000, s5  }
0xd: {  	s6 =	sor.u32 s11, s6;
	s13 =	sshrl.u32 s12, $0x1;
	[dreg:$0x9] =	wrdreg s16  }
0xe: {  	s17 =	sshrl.u32 s9, $0x2;
	s18 =	sadd.s32 s10, s2;
	s19 =	sshrl.u32 s10, $0x3  }
0xf: {  	s16 =	sor.u32 $0x1C09, s25;
	s9 =	simm.s32 $0x10;
	s25 =	simm.s32 $0x4800  }
0x10: {  	s10 =	simm.s32 $0x7;
	s11 =	simm.s32 $0x1300;
	s8 =	smul.u32 $0x4E, s6  }
0x11: {  	s3 =	ssub.s32 s12, s13;
	s14 =	smin.u32 s6, $0x4;
	[dreg:$0xa] =	wrdreg s18  }
0x12: {  	s4 =	sadd.s32 s4, s19;
	s24 =	sadd.s32 s23, s5;
	s18 =	simm.s32 $0x1  }
0x13: {  	s19 =	simm.s32 $0x8;
	s23 =	simm.s32 $0x80;
	[dreg:$0xb] =	wrdreg s4  }
0x14: {  	p0 =	sgt.u32 s6, $0x3;
	s6 =	simm.s32 $0x6;
	[dreg:$0xe] =	wrdreg s24  }
0x15: {  	s3 =	smax.u32 s3, $0x1;
	s24 =	simm.s32 $0x2800;
	s7 =	sadd.s32 s14, s8  }
0x16: {  	s8 =	sadd.s32 s17, s1;
	[dreg:$0xf] =	wrdreg s3;
	s3 =	simm.s32 $0x5  }
0x17: {  	s14 =	simm.s32 $0x2600;
	s17 =	simm.s32 $0x1380;
	s20 =	sshll.u32 s7, $0x4  }
0x18: {  	s26 =	sshrl.u32 s8, $0x3;
	s8 =	simm.s32 $0x4;
	s22 =	sadd.s32 $0x280, s20  }
0x19: {  	s12 =	sadd.s32 s0, s20;
	s4 =	sadd.s32 s20, s21;
	[dreg:$0x10] =	wrdreg s26  }
0x1a: {  	s20 =	simm.s32 $0x2680;
	s26 =	simm.s32 $0x2700;
	[dreg:$0xc] =	wrdreg s12  }
0x1b: {  	v1 =	vlaneseq.u32;
	[dreg:$0xd] =	wrdreg s4;
	s12 =	sadd.s32 s0, s22;
	s13 =	sadd.s32 s22, s21  }
0x1c: {  	v0 =	vimm.s32 $0x0;
	v1 =	vor.u32 $0x2710, v1;
	s21 =	simm.s32 $0x9;
	s22 =	simm.s32 $0x1400;
	s4 =	simm.s32 $0x3  }
.LBB2_1:
0x1d: {  	[dreg:$0x6] =	wrdreg s15;
	p2 =	por $0x1, $0x1;
	s0 =	simm.s32 $0x0  }
.LBB2_2:
0x1e: {  	s5 =	rddreg [dreg:$0x9]  }
0x1f: {  	s5 =	sor.u32 s5, s0  }
0x20: {  	s7 =	rddreg [dreg:$0x7];
	s5 =	sshrl.u32 s5, $0x3  }
0x21: {  	s15 =	rddreg [dreg:$0x10];
	s5 =	sadd.s32 s7, s5  }
0x22: {  	[spmem:s15@s19], [sflag:s16] =	dma.strided [hbm:s5@s9], $0x1388, s18, $0x8   }
0x23: {  	_ =	swait.ge [sflag:s21], $0x1388  }
0x24: {  	[sflag:s21] =	ssyncset.done $0x0;
	s15 =	rddreg [dreg:$0xa]  }
0x25: {  	s7 =	rddreg [dreg:$0xb];
	[sflag:s21] =	ssyncadd.s32 $0xFFFFEC78;
	s15 =	sshrl.u32 s15, $0x3  }
0x26: {  	[spmem:s15], [sflag:s16] =	dma.local [hbm:s7], $0x13C0  }
0x27: {  	_ =	swait.ge [sflag:s21], $0x13C0  }
0x28: {  	[sflag:s21] =	ssyncset.done $0x0  }
0x29: {  	[sflag:s21] =	ssyncadd.s32 $0xFFFFEC40  }
0x2a: {  	[bflag:$0x0] =	sbarrier.arrive $0xFFFF  }
0x2b: {  	s5 =	simm.s32 $0x0;
	s9 =	rddreg [dreg:$0xc]  }
0x2c: {  	[tilespmem:s5], [sflag:$0x9] =	stream.linear.gather [hbm4b:s9+s5], $0x1400, $0x38;
	[tilespmem:$0x1E240] =	vst v63  }
0x2d: {  	_ =	swait.ge [sflag:s21], $0x1400  }
0x2e: {  	[sflag:s21] =	ssyncset.done $0x0  }
0x2f: {  	s9 =	rddreg [dreg:$0xd];
	[sflag:s21] =	ssyncadd.s32 $0xFFFFEC00  }
0x30: {  	[tilespmem:s22], [sflag:$0x9] =	stream.linear.gather [hbm4b:s9+s5], $0x1400, $0x38;
	[tilespmem:$0x1E240] =	vst v63  }
0x31: {  	_ =	swait.ge [sflag:s21], $0x1400  }
0x32: {  	[sflag:s21] =	ssyncset.done $0x0  }
0x33: {  	[sflag:s21] =	ssyncadd.s32 $0xFFFFEC00  }
0x34: {  	[tilespmem:s24], [sflag:$0x1] =	stream.indirect.gather [spmem:s1], $0x40, s5, s23, $0xb8;
	[tilespmem:$0x1E240] =	vst v63  }
0x35: {  	_ = 	snop  }
0x36: {  	[tilespmem:s25], [sflag:$0x2] =	stream.indirect.gather [spmem:s1], $0x40, s23, s23, $0xb8;
	[tilespmem:$0x1E240] =	vst v63  }
0x37: {  	s7 =	simm.s32 $0x100  }
0x38: {  	[tilespmem:s28], [sflag:$0x3] =	stream.indirect.gather [spmem:s1], $0x40, s7, s23, $0xb8;
	[tilespmem:$0x1E240] =	vst v63  }
0x39: {  	_ =	swait.ge [sflag:s18], $0x2000  }
0x3a: {  	[sflag:s18] =	ssyncset.done $0x0  }
0x3b: {  	[sflag:s18] =	ssyncadd.s32 $0xFFFFE000  }
0x3c: {  	[spmem:s2] =	stream.indirect.scatter.add.f32 [tilespmem:s24], [sflag:$0x5], $0x40, s22, s23, $0xb8;
	[tilespmem:$0x1E240] =	vst v63  }
0x3d: {  	s9 =	simm.s32 $0x180  }
0x3e: {  	[tilespmem:s30], [sflag:$0x4] =	stream.indirect.gather [spmem:s1], $0x40, s9, s23, $0xb8;
	[tilespmem:$0x1E240] =	vst v63  }
0x3f: {  	_ =	swait.ge [sflag:s31], $0x2000  }
0x40: {  	[sflag:s31] =	ssyncset.done $0x0  }
0x41: {  	s7 =	simm.s32 $0x1480;
	[sflag:s31] =	ssyncadd.s32 $0xFFFFE000  }
0x42: {  	[spmem:s2] =	stream.indirect.scatter.add.f32 [tilespmem:s25], [sflag:$0x6], $0x40, s7, s23, $0xb8;
	[tilespmem:$0x1E240] =	vst v63  }
0x43: {  	_ =	swait.ge [sflag:s3], $0x2000  }
0x44: {  	[sflag:s3] =	ssyncset.done $0x0  }
0x45: {  	s9 =	simm.s32 $0x200;
	[sflag:s3] =	ssyncadd.s32 $0xFFFFE000  }
0x46: {  	[tilespmem:s24], [sflag:$0x1] =	stream.indirect.gather [spmem:s1], $0x40, s9, s23, $0xb8;
	[tilespmem:$0x1E240] =	vst v63  }
0x47: {  	_ =	swait.ge [sflag:s4], $0x2000  }
0x48: {  	[sflag:s4] =	ssyncset.done $0x0  }
0x49: {  	s7 =	simm.s32 $0x1500;
	[sflag:s4] =	ssyncadd.s32 $0xFFFFE000  }
0x4a: {  	[spmem:s2] =	stream.indirect.scatter.add.f32 [tilespmem:s28], [sflag:$0x7], $0x40, s7, s23, $0xb8;
	[tilespmem:$0x1E240] =	vst v63  }
0x4b: {  	_ =	swait.ge [sflag:s6], $0x2000  }
0x4c: {  	[sflag:s6] =	ssyncset.done $0x0  }
0x4d: {  	s9 =	simm.s32 $0x280;
	[sflag:s6] =	ssyncadd.s32 $0xFFFFE000  }
0x4e: {  	[tilespmem:s25], [sflag:$0x2] =	stream.indirect.gather [spmem:s1], $0x40, s9, s23, $0xb8;
	[tilespmem:$0x1E240] =	vst v63  }
0x4f: {  	_ =	swait.ge [sflag:s8], $0x2000  }
0x50: {  	[sflag:s8] =	ssyncset.done $0x0  }
0x51: {  	s7 =	simm.s32 $0x1580;
	[sflag:s8] =	ssyncadd.s32 $0xFFFFE000  }
0x52: {  	[spmem:s2] =	stream.indirect.scatter.add.f32 [tilespmem:s30], [sflag:$0x8], $0x40, s7, s23, $0xb8;
	[tilespmem:$0x1E240] =	vst v63  }
0x53: {  	_ =	swait.ge [sflag:s10], $0x2000  }
0x54: {  	[sflag:s10] =	ssyncset.done $0x0  }
0x55: {  	s9 =	simm.s32 $0x300;
	[sflag:s10] =	ssyncadd.s32 $0xFFFFE000  }
0x56: {  	[tilespmem:s28], [sflag:$0x3] =	stream.indirect.gather [spmem:s1], $0x40, s9, s23, $0xb8;
	[tilespmem:$0x1E240] =	vst v63  }
0x57: {  	_ =	swait.ge [sflag:s18], $0x2000  }
0x58: {  	[sflag:s18] =	ssyncset.done $0x0  }
0x59: {  	s7 =	simm.s32 $0x1600;
	[sflag:s18] =	ssyncadd.s32 $0xFFFFE000  }
0x5a: {  	[spmem:s2] =	stream.indirect.scatter.add.f32 [tilespmem:s24], [sflag:$0x5], $0x40, s7, s23, $0xb8;
	[tilespmem:$0x1E240] =	vst v63  }
0x5b: {  	_ =	swait.ge [sflag:s19], $0x2000  }
0x5c: {  	[sflag:s19] =	ssyncset.done $0x0  }
0x5d: {  	s9 =	simm.s32 $0x380;
	[sflag:s19] =	ssyncadd.s32 $0xFFFFE000  }
0x5e: {  	[tilespmem:s30], [sflag:$0x4] =	stream.indirect.gather [spmem:s1], $0x40, s9, s23, $0xb8;
	[tilespmem:$0x1E240] =	vst v63  }
0x5f: {  	_ =	swait.ge [sflag:s31], $0x2000  }
0x60: {  	[sflag:s31] =	ssyncset.done $0x0  }
0x61: {  	s7 =	simm.s32 $0x1680;
	[sflag:s31] =	ssyncadd.s32 $0xFFFFE000  }
0x62: {  	[spmem:s2] =	stream.indirect.scatter.add.f32 [tilespmem:s25], [sflag:$0x6], $0x40, s7, s23, $0xb8;
	[tilespmem:$0x1E240] =	vst v63  }
0x63: {  	_ =	swait.ge [sflag:s3], $0x2000  }
0x64: {  	[sflag:s3] =	ssyncset.done $0x0  }
0x65: {  	s9 =	simm.s32 $0x400;
	[sflag:s3] =	ssyncadd.s32 $0xFFFFE000  }
0x66: {  	[tilespmem:s24], [sflag:$0x1] =	stream.indirect.gather [spmem:s1], $0x40, s9, s23, $0xb8;
	[tilespmem:$0x1E240] =	vst v63  }
0x67: {  	_ =	swait.ge [sflag:s4], $0x2000  }
0x68: {  	[sflag:s4] =	ssyncset.done $0x0  }
0x69: {  	s7 =	simm.s32 $0x1700;
	[sflag:s4] =	ssyncadd.s32 $0xFFFFE000  }
0x6a: {  	[spmem:s2] =	stream.indirect.scatter.add.f32 [tilespmem:s28], [sflag:$0x7], $0x40, s7, s23, $0xb8;
	[tilespmem:$0x1E240] =	vst v63  }
0x6b: {  	_ =	swait.ge [sflag:s6], $0x2000  }
0x6c: {  	[sflag:s6] =	ssyncset.done $0x0  }
0x6d: {  	s9 =	simm.s32 $0x480;
	[sflag:s6] =	ssyncadd.s32 $0xFFFFE000  }
0x6e: {  	[tilespmem:s25], [sflag:$0x2] =	stream.indirect.gather [spmem:s1], $0x40, s9, s23, $0xb8;
	[tilespmem:$0x1E240] =	vst v63  }
0x6f: {  	_ =	swait.ge [sflag:s8], $0x2000  }
0x70: {  	p1 =	por p2, p2;
	[sflag:s8] =	ssyncset.done $0x0  }
0x71: {  	s5 =	simm.s32 $0x800;
	s7 =	simm.s32 $0x1780;
	[sflag:s8] =	ssyncadd.s32 $0xFFFFE000  }
.LBB2_3:
0x72: {  	[spmem:s2] =	stream.indirect.scatter.add.f32 [tilespmem:s30], [sflag:$0x8], $0x40, s7, s23, $0xb8;
	[tilespmem:$0x1E240] =	vst v63  }
0x73: {  	s7 =	smov.u32 s5  }
0x74: {  	p2 =	sne.s32 s5, $0x3800;
	s5 =	sadd.s32 $0x800, s5;
	_ =	swait.ge [sflag:s10], $0x2000  }
0x75: {  	s7 =	sshra.s32 s7, $0x2;
	[sflag:s10] =	ssyncset.done $0x0  }
0x76: {  	s9 =	sadd.s32 $0x300, s7;
	[sflag:s10] =	ssyncadd.s32 $0xFFFFE000  }
0x77: {  	[tilespmem:s28], [sflag:$0x3] =	stream.indirect.gather [spmem:s1], $0x40, s9, s23, $0xb8;
	[tilespmem:$0x1E240] =	vst v63  }
0x78: {  	_ =	swait.ge [sflag:s18], $0x2000  }
0x79: {  	[sflag:s18] =	ssyncset.done $0x0  }
0x7a: {  	s9 =	sadd.s32 $0x1600, s7;
	[sflag:s18] =	ssyncadd.s32 $0xFFFFE000  }
0x7b: {  	[spmem:s2] =	stream.indirect.scatter.add.f32 [tilespmem:s24], [sflag:$0x5], $0x40, s9, s23, $0xb8;
	[tilespmem:$0x1E240] =	vst v63  }
0x7c: {  	_ =	swait.ge [sflag:s19], $0x2000  }
0x7d: {  	[sflag:s19] =	ssyncset.done $0x0  }
0x7e: {  	s9 =	sadd.s32 $0x380, s7;
	[sflag:s19] =	ssyncadd.s32 $0xFFFFE000  }
0x7f: {  	[tilespmem:s30], [sflag:$0x4] =	stream.indirect.gather [spmem:s1], $0x40, s9, s23, $0xb8;
	[tilespmem:$0x1E240] =	vst v63  }
0x80: {  	_ =	swait.ge [sflag:s31], $0x2000  }
0x81: {  	[sflag:s31] =	ssyncset.done $0x0  }
0x82: {  	s9 =	sadd.s32 $0x1680, s7;
	[sflag:s31] =	ssyncadd.s32 $0xFFFFE000  }
0x83: {  	[spmem:s2] =	stream.indirect.scatter.add.f32 [tilespmem:s25], [sflag:$0x6], $0x40, s9, s23, $0xb8;
	[tilespmem:$0x1E240] =	vst v63  }
0x84: {  	_ =	swait.ge [sflag:s3], $0x2000  }
0x85: {  	[sflag:s3] =	ssyncset.done $0x0  }
0x86: {  	s9 =	sadd.s32 $0x400, s7;
	[sflag:s3] =	ssyncadd.s32 $0xFFFFE000  }
0x87: {  	[tilespmem:s24], [sflag:$0x1] =	stream.indirect.gather [spmem:s1], $0x40, s9, s23, $0xb8;
	[tilespmem:$0x1E240] =	vst v63  }
0x88: {  	_ =	swait.ge [sflag:s4], $0x2000  }
0x89: {  	[sflag:s4] =	ssyncset.done $0x0  }
0x8a: {  	s9 =	sadd.s32 $0x1700, s7;
	[sflag:s4] =	ssyncadd.s32 $0xFFFFE000  }
0x8b: {  	[spmem:s2] =	stream.indirect.scatter.add.f32 [tilespmem:s28], [sflag:$0x7], $0x40, s9, s23, $0xb8;
	[tilespmem:$0x1E240] =	vst v63  }
0x8c: {  	_ =	swait.ge [sflag:s6], $0x2000  }
0x8d: {  	[sflag:s6] =	ssyncset.done $0x0  }
.Ltmp0:
0x8e: {  	s9 =	sadd.s32 $0x480, s7;
	[sflag:s6] =	ssyncadd.s32 $0xFFFFE000;
	(pc) =	sbr.rel @p2 .LBB2_3-.Ltmp0, $4  }
0x8f: {  	[tilespmem:s25], [sflag:$0x2] =	stream.indirect.gather [spmem:s1], $0x40, s9, s23, $0xb8;
	[tilespmem:$0x1E240] =	vst v63  }
0x90: {  	_ =	swait.ge [sflag:s8], $0x2000  }
0x91: {  	[sflag:s8] =	ssyncset.done $0x0  }
0x92: {  	s7 =	sadd.s32 $0x1780, s7;
	[sflag:s8] =	ssyncadd.s32 $0xFFFFE000  }
0x93: {  	[spmem:s2] =	stream.indirect.scatter.add.f32 [tilespmem:s30], [sflag:$0x8], $0x40, s7, s23, $0xb8;
	[tilespmem:$0x1E240] =	vst v63  }
0x94: {  	_ =	swait.ge [sflag:s10], $0x2000  }
0x95: {  	[sflag:s10] =	ssyncset.done $0x0  }
0x96: {  	[sflag:s10] =	ssyncadd.s32 $0xFFFFE000  }
0x97: {  	[tilespmem:s28], [sflag:$0x3] =	stream.indirect.gather [spmem:s1], $0x40, s11, s23, $0xb8;
	[tilespmem:$0x1E240] =	vst v63  }
0x98: {  	_ =	swait.ge [sflag:s18], $0x2000  }
0x99: {  	[sflag:s18] =	ssyncset.done $0x0  }
0x9a: {  	[sflag:s18] =	ssyncadd.s32 $0xFFFFE000  }
0x9b: {  	[spmem:s2] =	stream.indirect.scatter.add.f32 [tilespmem:s24], [sflag:$0x5], $0x40, s14, s23, $0xb8;
	[tilespmem:$0x1E240] =	vst v63  }
0x9c: {  	_ =	swait.ge [sflag:s19], $0x2000  }
0x9d: {  	[sflag:s19] =	ssyncset.done $0x0  }
0x9e: {  	[sflag:s19] =	ssyncadd.s32 $0xFFFFE000  }
0x9f: {  	[tilespmem:s30], [sflag:$0x4] =	stream.indirect.gather [spmem:s1], $0x40, s17, s23, $0xb8;
	[tilespmem:$0x1E240] =	vst v63  }
0xa0: {  	_ =	swait.ge [sflag:s31], $0x2000  }
0xa1: {  	[sflag:s31] =	ssyncset.done $0x0  }
0xa2: {  	[sflag:s31] =	ssyncadd.s32 $0xFFFFE000  }
0xa3: {  	[spmem:s2] =	stream.indirect.scatter.add.f32 [tilespmem:s25], [sflag:$0x6], $0x40, s20, s23, $0xb8;
	[tilespmem:$0x1E240] =	vst v63  }
0xa4: {  	_ =	swait.ge [sflag:s3], $0x2000  }
0xa5: {  	[sflag:s3] =	ssyncset.done $0x0  }
0xa6: {  	[sflag:s3] =	ssyncadd.s32 $0xFFFFE000  }
0xa7: {  	_ =	swait.ge [sflag:s4], $0x2000  }
0xa8: {  	[sflag:s4] =	ssyncset.done $0x0  }
0xa9: {  	[sflag:s4] =	ssyncadd.s32 $0xFFFFE000  }
0xaa: {  	[spmem:s2] =	stream.indirect.scatter.add.f32 [tilespmem:s28], [sflag:$0x7], $0x40, s26, s23, $0xb8;
	[tilespmem:$0x1E240] =	vst v63  }
0xab: {  	_ =	swait.ge [sflag:s6], $0x2000  }
0xac: {  	[sflag:s6] =	ssyncset.done $0x0  }
0xad: {  	[sflag:s6] =	ssyncadd.s32 $0xFFFFE000  }
0xae: {  	_ =	swait.ge [sflag:s8], $0x2000  }
0xaf: {  	[sflag:s8] =	ssyncset.done $0x0  }
0xb0: {  	[sflag:s8] =	ssyncadd.s32 $0xFFFFE000  }
0xb1: {  	[spmem:s2] =	stream.indirect.scatter.add.f32 [tilespmem:s30], [sflag:$0x8], $0x40, s29, s23, $0xb8;
	[tilespmem:$0x1E240] =	vst v63  }
0xb2: {  	_ =	swait.ge [sflag:s10], $0x2000  }
0xb3: {  	[sflag:s10] =	ssyncset.done $0x0  }
0xb4: {  	[sflag:s10] =	ssyncadd.s32 $0xFFFFE000  }
0xb5: {  	_ =	swait.ge [sflag:s19], $0x2000  }
0xb6: {  	[sflag:s19] =	ssyncset.done $0x0  }
0xb7: {  	s5 =	simm.s32 @p0 $0x0;
	s7 =	simm.s32 @p0 $0x9;
	[sflag:s19] =	ssyncadd.s32 $0xFFFFE000  }
0xb8: {  	[tilespmem:s5], [sflag:$0x9] =	stream.linear.gather @p0 [hbm4b:s12+s5], $0x1300, $0x38;
	[tilespmem:$0x1E240] =	vst v63  }
0xb9: {  	_ =	swait.ge @p0 [sflag:s7], $0x1300  }
0xba: {  	[sflag:s7] =	ssyncset.done @p0 $0x0  }
0xbb: {  	s9 =	simm.s32 @p0 $0x1400;
	[sflag:s7] =	ssyncadd.s32 @p0 $0xFFFFED00  }
0xbc: {  	[tilespmem:s9], [sflag:$0x9] =	stream.linear.gather @p0 [hbm4b:s13+s5], $0x1300, $0x38;
	[tilespmem:$0x1E240] =	vst v63  }
0xbd: {  	_ =	swait.ge @p0 [sflag:s7], $0x1300  }
0xbe: {  	[sflag:s7] =	ssyncset.done @p0 $0x0  }
0xbf: {  	v2 =	vimm.s32 @p0 $0x0;
	v3 =	vlaneseq.u32 @p0;
	[sflag:s7] =	ssyncadd.s32 @p0 $0xFFFFED00  }
0xc0: {  	v3 =	vor.u32 @p0 $0x2710, v3;
	[tilespmem:$0x1300] =	vst @p0 v2  }
0xc1: {  	[tilespmem:$0x2700] =	vst @p0 v3  }
0xc2: {  	[tilespmem:$0x1310] =	vst @p0 v2  }
0xc3: {  	[tilespmem:$0x2710] =	vst @p0 v3  }
0xc4: {  	[tilespmem:$0x1320] =	vst @p0 v2  }
0xc5: {  	[tilespmem:$0x2720] =	vst @p0 v3  }
0xc6: {  	[tilespmem:$0x1330] =	vst @p0 v2  }
0xc7: {  	[tilespmem:$0x2730] =	vst @p0 v3  }
0xc8: {  	[tilespmem:$0x1340] =	vst @p0 v2  }
0xc9: {  	[tilespmem:$0x2740] =	vst @p0 v3  }
0xca: {  	[tilespmem:$0x1350] =	vst @p0 v2  }
0xcb: {  	[tilespmem:$0x2750] =	vst @p0 v3  }
0xcc: {  	[tilespmem:$0x1360] =	vst @p0 v2  }
0xcd: {  	[tilespmem:$0x2760] =	vst @p0 v3  }
0xce: {  	[tilespmem:$0x1370] =	vst @p0 v2  }
0xcf: {  	s5 =	simm.s32 @!p0 $0x0;
	s7 =	simm.s32 @!p0 $0x9;
	[tilespmem:$0x2770] =	vst @p0 v3  }
0xd0: {  	[tilespmem:s5], [sflag:$0x9] =	stream.linear.gather @!p0 [hbm4b:s12+s5], $0x1380, $0x38;
	[tilespmem:$0x1E240] =	vst v63  }
0xd1: {  	_ =	swait.ge @!p0 [sflag:s7], $0x1380  }
0xd2: {  	[sflag:s7] =	ssyncset.done @!p0 $0x0  }
0xd3: {  	s9 =	simm.s32 @!p0 $0x1400;
	[sflag:s7] =	ssyncadd.s32 @!p0 $0xFFFFEC80  }
0xd4: {  	[tilespmem:s9], [sflag:$0x9] =	stream.linear.gather @!p0 [hbm4b:s13+s5], $0x1380, $0x38;
	[tilespmem:$0x1E240] =	vst v63  }
0xd5: {  	_ =	swait.ge @!p0 [sflag:s7], $0x1380  }
0xd6: {  	[sflag:s7] =	ssyncset.done @!p0 $0x0  }
0xd7: {  	[sflag:s7] =	ssyncadd.s32 @!p0 $0xFFFFEC80  }
0xd8: {  	[tilespmem:$0x1380] =	vst v0  }
0xd9: {  	[tilespmem:$0x2780] =	vst v1  }
0xda: {  	[tilespmem:$0x1390] =	vst v0  }
0xdb: {  	[tilespmem:$0x2790] =	vst v1  }
0xdc: {  	[tilespmem:$0x13A0] =	vst v0  }
0xdd: {  	[tilespmem:$0x27A0] =	vst v1  }
0xde: {  	[tilespmem:$0x13B0] =	vst v0  }
0xdf: {  	[tilespmem:$0x27B0] =	vst v1  }
0xe0: {  	[tilespmem:$0x13C0] =	vst v0  }
0xe1: {  	[tilespmem:$0x27C0] =	vst v1  }
0xe2: {  	[tilespmem:$0x13D0] =	vst v0  }
0xe3: {  	[tilespmem:$0x27D0] =	vst v1  }
0xe4: {  	[tilespmem:$0x13E0] =	vst v0  }
0xe5: {  	[tilespmem:$0x27E0] =	vst v1  }
0xe6: {  	[tilespmem:$0x13F0] =	vst v0  }
0xe7: {  	s9 =	simm.s32 $0x0;
	[tilespmem:$0x27F0] =	vst v1  }
0xe8: {  	[tilespmem:s24], [sflag:$0x1] =	stream.indirect.gather [spmem:s1], $0x40, s9, s23, $0xb8;
	[tilespmem:$0x1E240] =	vst v63  }
0xe9: {  	_ = 	snop  }
0xea: {  	[tilespmem:s25], [sflag:$0x2] =	stream.indirect.gather [spmem:s1], $0x40, s23, s23, $0xb8;
	[tilespmem:$0x1E240] =	vst v63  }
0xeb: {  	s7 =	simm.s32 $0x100  }
0xec: {  	[tilespmem:s28], [sflag:$0x3] =	stream.indirect.gather [spmem:s1], $0x40, s7, s23, $0xb8;
	[tilespmem:$0x1E240] =	vst v63  }
0xed: {  	_ =	swait.ge [sflag:s18], $0x2000  }
0xee: {  	[sflag:s18] =	ssyncset.done $0x0  }
0xef: {  	[sflag:s18] =	ssyncadd.s32 $0xFFFFE000  }
0xf0: {  	[spmem:s2] =	stream.indirect.scatter.add.f32 [tilespmem:s24], [sflag:$0x5], $0x40, s22, s23, $0xb8;
	[tilespmem:$0x1E240] =	vst v63  }
0xf1: {  	s9 =	simm.s32 $0x180  }
0xf2: {  	[tilespmem:s30], [sflag:$0x4] =	stream.indirect.gather [spmem:s1], $0x40, s9, s23, $0xb8;
	[tilespmem:$0x1E240] =	vst v63  }
0xf3: {  	_ =	swait.ge [sflag:s31], $0x2000  }
0xf4: {  	[sflag:s31] =	ssyncset.done $0x0  }
0xf5: {  	s7 =	simm.s32 $0x1480;
	[sflag:s31] =	ssyncadd.s32 $0xFFFFE000  }
0xf6: {  	[spmem:s2] =	stream.indirect.scatter.add.f32 [tilespmem:s25], [sflag:$0x6], $0x40, s7, s23, $0xb8;
	[tilespmem:$0x1E240] =	vst v63  }
0xf7: {  	_ =	swait.ge [sflag:s3], $0x2000  }
0xf8: {  	[sflag:s3] =	ssyncset.done $0x0  }
0xf9: {  	s9 =	simm.s32 $0x200;
	[sflag:s3] =	ssyncadd.s32 $0xFFFFE000  }
0xfa: {  	[tilespmem:s24], [sflag:$0x1] =	stream.indirect.gather [spmem:s1], $0x40, s9, s23, $0xb8;
	[tilespmem:$0x1E240] =	vst v63  }
0xfb: {  	_ =	swait.ge [sflag:s4], $0x2000  }
0xfc: {  	[sflag:s4] =	ssyncset.done $0x0  }
0xfd: {  	s7 =	simm.s32 $0x1500;
	[sflag:s4] =	ssyncadd.s32 $0xFFFFE000  }
0xfe: {  	[spmem:s2] =	stream.indirect.scatter.add.f32 [tilespmem:s28], [sflag:$0x7], $0x40, s7, s23, $0xb8;
	[tilespmem:$0x1E240] =	vst v63  }
0xff: {  	_ =	swait.ge [sflag:s6], $0x2000  }
0x100: {  	[sflag:s6] =	ssyncset.done $0x0  }
0x101: {  	s9 =	simm.s32 $0x280;
	[sflag:s6] =	ssyncadd.s32 $0xFFFFE000  }
0x102: {  	[tilespmem:s25], [sflag:$0x2] =	stream.indirect.gather [spmem:s1], $0x40, s9, s23, $0xb8;
	[tilespmem:$0x1E240] =	vst v63  }
0x103: {  	_ =	swait.ge [sflag:s8], $0x2000  }
0x104: {  	[sflag:s8] =	ssyncset.done $0x0  }
0x105: {  	s7 =	simm.s32 $0x1580;
	[sflag:s8] =	ssyncadd.s32 $0xFFFFE000  }
0x106: {  	[spmem:s2] =	stream.indirect.scatter.add.f32 [tilespmem:s30], [sflag:$0x8], $0x40, s7, s23, $0xb8;
	[tilespmem:$0x1E240] =	vst v63  }
0x107: {  	_ =	swait.ge [sflag:s10], $0x2000  }
0x108: {  	[sflag:s10] =	ssyncset.done $0x0  }
0x109: {  	s9 =	simm.s32 $0x300;
	[sflag:s10] =	ssyncadd.s32 $0xFFFFE000  }
0x10a: {  	[tilespmem:s28], [sflag:$0x3] =	stream.indirect.gather [spmem:s1], $0x40, s9, s23, $0xb8;
	[tilespmem:$0x1E240] =	vst v63  }
0x10b: {  	_ =	swait.ge [sflag:s18], $0x2000  }
0x10c: {  	[sflag:s18] =	ssyncset.done $0x0  }
0x10d: {  	s7 =	simm.s32 $0x1600;
	[sflag:s18] =	ssyncadd.s32 $0xFFFFE000  }
0x10e: {  	[spmem:s2] =	stream.indirect.scatter.add.f32 [tilespmem:s24], [sflag:$0x5], $0x40, s7, s23, $0xb8;
	[tilespmem:$0x1E240] =	vst v63  }
0x10f: {  	_ =	swait.ge [sflag:s19], $0x2000  }
0x110: {  	[sflag:s19] =	ssyncset.done $0x0  }
0x111: {  	s9 =	simm.s32 $0x380;
	[sflag:s19] =	ssyncadd.s32 $0xFFFFE000  }
0x112: {  	[tilespmem:s30], [sflag:$0x4] =	stream.indirect.gather [spmem:s1], $0x40, s9, s23, $0xb8;
	[tilespmem:$0x1E240] =	vst v63  }
0x113: {  	_ =	swait.ge [sflag:s31], $0x2000  }
0x114: {  	[sflag:s31] =	ssyncset.done $0x0  }
0x115: {  	s7 =	simm.s32 $0x1680;
	[sflag:s31] =	ssyncadd.s32 $0xFFFFE000  }
0x116: {  	[spmem:s2] =	stream.indirect.scatter.add.f32 [tilespmem:s25], [sflag:$0x6], $0x40, s7, s23, $0xb8;
	[tilespmem:$0x1E240] =	vst v63  }
0x117: {  	_ =	swait.ge [sflag:s3], $0x2000  }
0x118: {  	[sflag:s3] =	ssyncset.done $0x0  }
0x119: {  	s9 =	simm.s32 $0x400;
	[sflag:s3] =	ssyncadd.s32 $0xFFFFE000  }
0x11a: {  	[tilespmem:s24], [sflag:$0x1] =	stream.indirect.gather [spmem:s1], $0x40, s9, s23, $0xb8;
	[tilespmem:$0x1E240] =	vst v63  }
0x11b: {  	_ =	swait.ge [sflag:s4], $0x2000  }
0x11c: {  	[sflag:s4] =	ssyncset.done $0x0  }
0x11d: {  	s7 =	simm.s32 $0x1700;
	[sflag:s4] =	ssyncadd.s32 $0xFFFFE000  }
0x11e: {  	[spmem:s2] =	stream.indirect.scatter.add.f32 [tilespmem:s28], [sflag:$0x7], $0x40, s7, s23, $0xb8;
	[tilespmem:$0x1E240] =	vst v63  }
0x11f: {  	_ =	swait.ge [sflag:s6], $0x2000  }
0x120: {  	[sflag:s6] =	ssyncset.done $0x0  }
0x121: {  	s9 =	simm.s32 $0x480;
	[sflag:s6] =	ssyncadd.s32 $0xFFFFE000  }
0x122: {  	[tilespmem:s25], [sflag:$0x2] =	stream.indirect.gather [spmem:s1], $0x40, s9, s23, $0xb8;
	[tilespmem:$0x1E240] =	vst v63  }
0x123: {  	_ =	swait.ge [sflag:s8], $0x2000  }
0x124: {  	[sflag:s8] =	ssyncset.done $0x0  }
0x125: {  	s5 =	simm.s32 $0x800;
	s7 =	simm.s32 $0x1780;
	[sflag:s8] =	ssyncadd.s32 $0xFFFFE000  }
.LBB2_5:
0x126: {  	[spmem:s2] =	stream.indirect.scatter.add.f32 [tilespmem:s30], [sflag:$0x8], $0x40, s7, s23, $0xb8;
	[tilespmem:$0x1E240] =	vst v63  }
0x127: {  	s7 =	smov.u32 s5  }
0x128: {  	p2 =	sne.s32 s5, $0x3800;
	s5 =	sadd.s32 $0x800, s5;
	_ =	swait.ge [sflag:s10], $0x2000  }
0x129: {  	s7 =	sshra.s32 s7, $0x2;
	[sflag:s10] =	ssyncset.done $0x0  }
0x12a: {  	s9 =	sadd.s32 $0x300, s7;
	[sflag:s10] =	ssyncadd.s32 $0xFFFFE000  }
0x12b: {  	[tilespmem:s28], [sflag:$0x3] =	stream.indirect.gather [spmem:s1], $0x40, s9, s23, $0xb8;
	[tilespmem:$0x1E240] =	vst v63  }
0x12c: {  	_ =	swait.ge [sflag:s18], $0x2000  }
0x12d: {  	[sflag:s18] =	ssyncset.done $0x0  }
0x12e: {  	s9 =	sadd.s32 $0x1600, s7;
	[sflag:s18] =	ssyncadd.s32 $0xFFFFE000  }
0x12f: {  	[spmem:s2] =	stream.indirect.scatter.add.f32 [tilespmem:s24], [sflag:$0x5], $0x40, s9, s23, $0xb8;
	[tilespmem:$0x1E240] =	vst v63  }
0x130: {  	_ =	swait.ge [sflag:s19], $0x2000  }
0x131: {  	[sflag:s19] =	ssyncset.done $0x0  }
0x132: {  	s9 =	sadd.s32 $0x380, s7;
	[sflag:s19] =	ssyncadd.s32 $0xFFFFE000  }
0x133: {  	[tilespmem:s30], [sflag:$0x4] =	stream.indirect.gather [spmem:s1], $0x40, s9, s23, $0xb8;
	[tilespmem:$0x1E240] =	vst v63  }
0x134: {  	_ =	swait.ge [sflag:s31], $0x2000  }
0x135: {  	[sflag:s31] =	ssyncset.done $0x0  }
0x136: {  	s9 =	sadd.s32 $0x1680, s7;
	[sflag:s31] =	ssyncadd.s32 $0xFFFFE000  }
0x137: {  	[spmem:s2] =	stream.indirect.scatter.add.f32 [tilespmem:s25], [sflag:$0x6], $0x40, s9, s23, $0xb8;
	[tilespmem:$0x1E240] =	vst v63  }
0x138: {  	_ =	swait.ge [sflag:s3], $0x2000  }
0x139: {  	[sflag:s3] =	ssyncset.done $0x0  }
0x13a: {  	s9 =	sadd.s32 $0x400, s7;
	[sflag:s3] =	ssyncadd.s32 $0xFFFFE000  }
0x13b: {  	[tilespmem:s24], [sflag:$0x1] =	stream.indirect.gather [spmem:s1], $0x40, s9, s23, $0xb8;
	[tilespmem:$0x1E240] =	vst v63  }
0x13c: {  	_ =	swait.ge [sflag:s4], $0x2000  }
0x13d: {  	[sflag:s4] =	ssyncset.done $0x0  }
0x13e: {  	s9 =	sadd.s32 $0x1700, s7;
	[sflag:s4] =	ssyncadd.s32 $0xFFFFE000  }
0x13f: {  	[spmem:s2] =	stream.indirect.scatter.add.f32 [tilespmem:s28], [sflag:$0x7], $0x40, s9, s23, $0xb8;
	[tilespmem:$0x1E240] =	vst v63  }
0x140: {  	_ =	swait.ge [sflag:s6], $0x2000  }
0x141: {  	[sflag:s6] =	ssyncset.done $0x0  }
.Ltmp1:
0x142: {  	s9 =	sadd.s32 $0x480, s7;
	[sflag:s6] =	ssyncadd.s32 $0xFFFFE000;
	(pc) =	sbr.rel @p2 .LBB2_5-.Ltmp1, $4  }
0x143: {  	[tilespmem:s25], [sflag:$0x2] =	stream.indirect.gather [spmem:s1], $0x40, s9, s23, $0xb8;
	[tilespmem:$0x1E240] =	vst v63  }
0x144: {  	_ =	swait.ge [sflag:s8], $0x2000  }
0x145: {  	[sflag:s8] =	ssyncset.done $0x0  }
0x146: {  	s7 =	sadd.s32 $0x1780, s7;
	[sflag:s8] =	ssyncadd.s32 $0xFFFFE000  }
0x147: {  	[spmem:s2] =	stream.indirect.scatter.add.f32 [tilespmem:s30], [sflag:$0x8], $0x40, s7, s23, $0xb8;
	[tilespmem:$0x1E240] =	vst v63  }
0x148: {  	_ =	swait.ge [sflag:s10], $0x2000  }
0x149: {  	[sflag:s10] =	ssyncset.done $0x0  }
0x14a: {  	[sflag:s10] =	ssyncadd.s32 $0xFFFFE000  }
0x14b: {  	[tilespmem:s28], [sflag:$0x3] =	stream.indirect.gather [spmem:s1], $0x40, s11, s23, $0xb8;
	[tilespmem:$0x1E240] =	vst v63  }
0x14c: {  	_ =	swait.ge [sflag:s18], $0x2000  }
0x14d: {  	[sflag:s18] =	ssyncset.done $0x0  }
0x14e: {  	[sflag:s18] =	ssyncadd.s32 $0xFFFFE000  }
0x14f: {  	[spmem:s2] =	stream.indirect.scatter.add.f32 [tilespmem:s24], [sflag:$0x5], $0x40, s14, s23, $0xb8;
	[tilespmem:$0x1E240] =	vst v63  }
0x150: {  	_ =	swait.ge [sflag:s19], $0x2000  }
0x151: {  	[sflag:s19] =	ssyncset.done $0x0  }
0x152: {  	[sflag:s19] =	ssyncadd.s32 $0xFFFFE000  }
0x153: {  	[tilespmem:s30], [sflag:$0x4] =	stream.indirect.gather [spmem:s1], $0x40, s17, s23, $0xb8;
	[tilespmem:$0x1E240] =	vst v63  }
0x154: {  	_ =	swait.ge [sflag:s31], $0x2000  }
0x155: {  	[sflag:s31] =	ssyncset.done $0x0  }
0x156: {  	[sflag:s31] =	ssyncadd.s32 $0xFFFFE000  }
0x157: {  	[spmem:s2] =	stream.indirect.scatter.add.f32 [tilespmem:s25], [sflag:$0x6], $0x40, s20, s23, $0xb8;
	[tilespmem:$0x1E240] =	vst v63  }
0x158: {  	_ =	swait.ge [sflag:s3], $0x2000  }
0x159: {  	[sflag:s3] =	ssyncset.done $0x0  }
0x15a: {  	[sflag:s3] =	ssyncadd.s32 $0xFFFFE000  }
0x15b: {  	_ =	swait.ge [sflag:s4], $0x2000  }
0x15c: {  	[sflag:s4] =	ssyncset.done $0x0  }
0x15d: {  	[sflag:s4] =	ssyncadd.s32 $0xFFFFE000  }
0x15e: {  	[spmem:s2] =	stream.indirect.scatter.add.f32 [tilespmem:s28], [sflag:$0x7], $0x40, s26, s23, $0xb8;
	[tilespmem:$0x1E240] =	vst v63  }
0x15f: {  	_ =	swait.ge [sflag:s6], $0x2000  }
0x160: {  	[sflag:s6] =	ssyncset.done $0x0  }
0x161: {  	[sflag:s6] =	ssyncadd.s32 $0xFFFFE000  }
0x162: {  	_ =	swait.ge [sflag:s8], $0x2000  }
0x163: {  	[sflag:s8] =	ssyncset.done $0x0  }
0x164: {  	[sflag:s8] =	ssyncadd.s32 $0xFFFFE000  }
0x165: {  	[spmem:s2] =	stream.indirect.scatter.add.f32 [tilespmem:s30], [sflag:$0x8], $0x40, s29, s23, $0xb8;
	[tilespmem:$0x1E240] =	vst v63  }
0x166: {  	_ =	swait.ge [sflag:s10], $0x2000  }
0x167: {  	[sflag:s10] =	ssyncset.done $0x0  }
0x168: {  	[sflag:s10] =	ssyncadd.s32 $0xFFFFE000  }
0x169: {  	_ =	swait.ge [sflag:s19], $0x2000  }
0x16a: {  	[sflag:s19] =	ssyncset.done $0x0  }
0x16b: {  	s5 =	rddreg [dreg:$0xe];
	[sflag:s19] =	ssyncadd.s32 $0xFFFFE000  }
0x16c: {  	s0 =	sor.u32 s5, s0;
	[bflag:$0x0] =	sbarrier.arrive $0xFFFF  }
0x16d: {  	s0 =	sshrl.u32 s0, $0x3;
	s9 =	rddreg [dreg:$0x8]  }
.Ltmp2:
0x16e: {  	s0 =	sadd.s32 s9, s0;
	s9 =	simm.s32 $0x10;
	(pc) =	sbr.rel @p1 .LBB2_2-.Ltmp2, $4  }
0x16f: {  	[hbm:s0@s9], [sflag:s16] =	dma.strided [spmem:s15@s19], $0x13C0, s18, $0x8   }
0x170: {  	_ =	swait.ge [sflag:s21], $0x13C0  }
0x171: {  	[sflag:s21] =	ssyncset.done $0x0  }
0x172: {  	p2 =	por $0x0, $0x0;
	s0 =	simm.s32 $0x40;
	[sflag:s21] =	ssyncadd.s32 $0xFFFFEC40  }
0x173: {  	s15 =	rddreg [dreg:$0x6]  }
0x174: {  	s0 =	rddreg [dreg:$0xf];
	s15 =	sadd.s32 $0x1, s15  }
0x175: {  	p1 =	sne.s32 s15, s0  }
.Ltmp3:
0x176: {  	_ = 	snop;
	(pc) =	sbr.rel @p1 .LBB2_1-.Ltmp3, $1  }
0x177: {  	_ =	sdelay $0x3  }
0x178: {  	_ =	sfence.sel $0x180000  }
0x179: {  	[bflag:$0x0] =	sbarrier.arrive $0xFFFF  }
0x17a: {  	_ =	strace $0x9000004D  }
0x17b: {  	s0 =	stileid.u32;
	[bflag:$0x2] =	sbarrier.arrive $0xFFFF  }
0x17c: {  	p0 =	sne.s32 s0, $0x0;
	s0 =	rddreg [dreg:$0x5]  }
0x17d: {  	s0 =	sadd.s32 @!p0 $0x100000, s0  }
0x17e: {  	[sflag:s0] =	ssyncadd.tile.s32 @!p0 $0x1;
	_ =	shalt  }
.Lfunc_end2:
_tile_overlayer_lowered:
.L_overlay_start_2:
0x17f: {  	(tag) =	ssettag $0x2  }
0x180: {  	s0 =	rddreg [dreg:$0x0];
	s2 =	stileid.u32  }
0x181: {  	s1 =	rddreg [dreg:$0x1];
	p0 =	sne.s32 s2, $0x0  }
0x182: {  	s3 =	rddreg [dreg:$0x2];
	[bflag:$0x3] =	sbarrier.arrive $0xFFFF;
	s2 =	simm.s32 @!p0 $0x1C09  }
0x183: {  	[timem:s3], [sflag:s2] =	dma.local @!p0 [hbm:s0], s1  }
0x184: {  	s0 =	simm.s32 @!p0 $0x9  }
0x185: {  	_ =	swait.ge @!p0 [sflag:s0], s1  }
0x186: {  	s1 =	ssub.s32 @!p0 $0x0, s1;
	[sflag:s0] =	ssyncset.done @!p0 $0x0  }
0x187: {  	[sflag:s0] =	ssyncadd.s32 @!p0 s1  }
0x188: {  	[bflag:$0x3] =	sbarrier.arrive $0xFFFF  }
0x189: {  	_ =	shalt  }

// kernel: kernel.9.cloned.1.call-start
scs
__scs_entry_jumppad:
0x0: {  	(pc) =	sbr.rel $0x88, $3  }
0x1: {  	(tag) =	ssettag $0x0;
	lr =	simm.s32 $0x1  }
0x2: {  	[smem:$0x3F99] =	sst lr;
	_ =	strace $0xD0000000  }
0x3: {  	_ = 	snop  }
0x4: {  	_ = 	snop  }
0x5: {  	_ = 	snop  }
0x6: {  	_ = 	snop  }
0x7: {  	_ = 	snop  }
__scs_overlays_trampoline_lowered:
0x8: {  	[smem:$0x3FA8] =	sst s0  }
0x9: {  	[smem:$0x3FA9] =	sst s1  }
0xa: {  	[smem:$0x3FAA] =	sst s2  }
0xb: {  	[smem:$0x3FAB] =	sst s3  }
0xc: {  	[smem:$0x3FAC] =	sst s4  }
0xd: {  	[smem:$0x3FAD] =	sst s5  }
0xe: {  	[smem:$0x3FAE] =	sst s6  }
0xf: {  	[smem:$0x3FAF] =	sst s7  }
0x10: {  	[smem:$0x3FB0] =	sst s8  }
0x11: {  	[smem:$0x3FB1] =	sst s9;
	s0 =	simm.s32 @!p0 $0x0  }
0x12: {  	s1 =	sld [smem:$0x3F97];
	s0 =	simm.s32 @p0 $0x1  }
0x13: {  	[smem:$0x3FB2] =	sst s0;
	s0 =	simm.s32 @!p1 $0x0  }
0x14: {  	s2 =	sld [smem:$0x3F96];
	s0 =	simm.s32 @p1 $0x1  }
0x15: {  	[smem:$0x3FB3] =	sst s0;
	s0 =	simm.s32 @!p2 $0x0  }
0x16: {  	s3 =	sld [smem:$0x3FDB];
	s0 =	simm.s32 @p2 $0x1  }
0x17: {  	s4 =	simm.s32 $0x1BF5;
	[smem:$0x3FB5] =	sst s0  }
0x18: {  	s0 =	sld [smem:$0x3F98];
	_ =	swait.ge [sflag:s4], $0x0  }
0x19: {  	s7 =	sld [smem:$0x3F99]  }
0x1a: {  	s8 =	sadd.s32 $0xFFFFE003, lr  }
0x1b: {  	s9 =	sadd.s32 $0xFFFFFEF7, lr;
	s5 =	simm.s32 $0xFFFFFFFF;
	p2 =	slt.u32 s8, $0xFFFFF086  }
0x1c: {  	p1 =	slt.u32 s9, $0xF7A;
	s5 =	simm.s32 @!p2 $0x0  }
0x1d: {  	s5 =	simm.s32 @p1 $0x1;
	p0 =	seq.s32 s7, s2  }
0x1e: {  	s7 =	smul.u32 @!p0 $0xF7A, s2;
	p2 =	seq.s32 @!p0 s5, $0x0  }
0x1f: {  	s9 =	smul.u32 $0xF7A, s1;
	s8 =	simm.s32 @!p0 $0x1BF5;
	p2 =	por !p2, p0  }
0x20: {  	[sflag:s8] =	ssyncset.s32 @!p0 $0xFFFFF086;
	s6 =	sadd.s32 @!p0 s3, s7;
	s7 =	simm.s32 @!p0 $0x108  }
0x21: {  	s3 =	sadd.s32 s3, s9;
	s6 =	sadd.s32 @!p0 $0x88, s6;
	s7 =	simm.s32 @p2 $0x1082  }
0x22: {  	[simem:s7], [sflag:s8] =	dma.local @!p0 [hbm:s6], $0xF7A  }
0x23: {  	s9 =	sor.u32 $0xD0000000, s2;
	s6 =	simm.s32 $0x108;
	_ =	swait.ge @!p0 [sflag:s8], $0x0  }
0x24: {  	s3 =	sadd.s32 $0x88, s3;
	s6 =	simm.s32 @!p1 $0x1082;
	[sflag:s4] =	ssyncset.s32 $0xFFFFF086  }
0x25: {  	[simem:s6], [sflag:s4] =	dma.local [hbm:s3], $0xF7A  }
0x26: {  	[smem:$0x3F99] =	sst s1;
	(tag) =	ssettag s2;
	_ =	strace s9  }
0x27: {  	s1 =	sld [smem:$0x3FA9]  }
0x28: {  	s2 =	sld [smem:$0x3FAA]  }
0x29: {  	s4 =	sld [smem:$0x3FAC]  }
0x2a: {  	p0 =	seq.s32 s5, $0x0;
	s5 =	sld [smem:$0x3FAD]  }
0x2b: {  	s6 =	sld [smem:$0x3FAE]  }
0x2c: {  	s7 =	sld [smem:$0x3FAF]  }
0x2d: {  	s3 =	simm.s32 $0x108;
	s8 =	sld [smem:$0x3FB0]  }
0x2e: {  	s3 =	simm.s32 @!p0 $0x1082;
	s9 =	sld [smem:$0x3FB1]  }
0x2f: {  	lr =	sadd.s32 s0, s3;
	s0 =	sld [smem:$0x3FA8]  }
0x30: {  	s3 =	sld [smem:$0x3FAB]  }
0x31: {  	[smem:$0x3FB4] =	sst s10  }
0x32: {  	s10 =	sld [smem:$0x3FB2];
	_ =	sdelay $0x3  }
0x33: {  	p0 =	seq.s32 s10, $0x1;
	s10 =	sld [smem:$0x3FB4];
	_ =	sdelay $0x3  }
0x34: {  	[smem:$0x3FB4] =	sst s10  }
0x35: {  	s10 =	sld [smem:$0x3FB3];
	_ =	sdelay $0x3  }
0x36: {  	p1 =	seq.s32 s10, $0x1;
	s10 =	sld [smem:$0x3FB4];
	_ =	sdelay $0x3  }
0x37: {  	[smem:$0x3FB4] =	sst s10  }
0x38: {  	s10 =	sld [smem:$0x3FB5]  }
0x39: {  	_ = 	snop;
	(pc) =	sbr.ind lr, $3  }
0x3a: {  	_ = 	snop  }
0x3b: {  	_ = 	snop  }
0x3c: {  	p2 =	seq.s32 s10, $0x1;
	s10 =	sld [smem:$0x3FB4]  }
0x3d: {  	_ =	shalt  }
0x3e: {  	_ =	shalt  }
0x3f: {  	_ =	shalt  }
0x40: {  	_ =	shalt  }
0x41: {  	_ =	shalt  }
0x42: {  	_ =	shalt  }
0x43: {  	_ =	shalt  }
0x44: {  	_ =	shalt  }
0x45: {  	_ =	shalt  }
0x46: {  	_ =	shalt  }
0x47: {  	_ =	shalt  }
0x48: {  	_ =	shalt  }
0x49: {  	_ =	shalt  }
0x4a: {  	_ =	shalt  }
0x4b: {  	_ =	shalt  }
0x4c: {  	_ =	shalt  }
0x4d: {  	_ =	shalt  }
0x4e: {  	_ =	shalt  }
0x4f: {  	_ =	shalt  }
0x50: {  	_ =	shalt  }
0x51: {  	_ =	shalt  }
0x52: {  	_ =	shalt  }
0x53: {  	_ =	shalt  }
0x54: {  	_ =	shalt  }
0x55: {  	_ =	shalt  }
0x56: {  	_ =	shalt  }
0x57: {  	_ =	shalt  }
0x58: {  	_ =	shalt  }
0x59: {  	_ =	shalt  }
0x5a: {  	_ =	shalt  }
0x5b: {  	_ =	shalt  }
0x5c: {  	_ =	shalt  }
0x5d: {  	_ =	shalt  }
0x5e: {  	_ =	shalt  }
0x5f: {  	_ =	shalt  }
0x60: {  	_ =	shalt  }
0x61: {  	_ =	shalt  }
0x62: {  	_ =	shalt  }
0x63: {  	_ =	shalt  }
0x64: {  	_ =	shalt  }
0x65: {  	_ =	shalt  }
0x66: {  	_ =	shalt  }
0x67: {  	_ =	shalt  }
0x68: {  	_ =	shalt  }
0x69: {  	_ =	shalt  }
0x6a: {  	_ =	shalt  }
0x6b: {  	_ =	shalt  }
0x6c: {  	_ =	shalt  }
0x6d: {  	_ =	shalt  }
0x6e: {  	_ =	shalt  }
0x6f: {  	_ =	shalt  }
0x70: {  	_ =	shalt  }
0x71: {  	_ =	shalt  }
0x72: {  	_ =	shalt  }
0x73: {  	_ =	shalt  }
0x74: {  	_ =	shalt  }
0x75: {  	_ =	shalt  }
0x76: {  	_ =	shalt  }
0x77: {  	_ =	shalt  }
0x78: {  	_ =	shalt  }
0x79: {  	_ =	shalt  }
0x7a: {  	_ =	shalt  }
0x7b: {  	_ =	shalt  }
0x7c: {  	_ =	shalt  }
0x7d: {  	_ =	shalt  }
0x7e: {  	_ =	shalt  }
0x7f: {  	_ =	shalt  }
0x80: {  	_ =	shalt  }
0x81: {  	_ =	shalt  }
0x82: {  	_ =	shalt  }
0x83: {  	_ =	shalt  }
0x84: {  	_ =	shalt  }
0x85: {  	_ =	shalt  }
0x86: {  	_ =	shalt  }
0x87: {  	_ =	shalt  }
.Lfunc_end0:
.L_simem_size_0:
called_computation_lowered:
.L_overlay_start_0:
0x88: {  	s2 =	sld [smem:$0x3FD9]  }
0x89: {  	s3 =	sld [smem:$0x3FFE];
	_ =	sdelay $0x1  }
0x8a: {  	s1 =	srdreg.scid  }
0x8b: {  	s0 =	sand.u32 $0x1, s1  }
0x8c: {  	s14 =	sshll.u32 s0, $0xA;
	s2 =	sadd.s32 s3, s2  }
0x8d: {  	s2 =	sadd.s32 s2, s14  }
0x8e: {  	[smem:$0x3FC0] =	sst s2  }
0x8f: {  	_ = 	snop  }
0x90: {  	s2 =	sld [smem:$0x3FD0];
	_ =	sdelay $0x2  }
0x91: {  	s15 =	simm.s32 $0xA;
	s4 =	simm.s32 $0x10  }
0x92: {  	[smem:s4], [sflag:s15] =	dma.local [hbm:s2], $0x1  }
0x93: {  	_ =	swait.eq [sflag:s15], $0x1  }
0x94: {  	[sflag:s15] =	ssyncset.done $0x0  }
0x95: {  	s16 =	sld [smem:$0x10];
	[sflag:s15] =	ssyncadd.s32 $0xFFFFFFFF  }
0x96: {  	s17 =	sld [smem:$0x11];
	(tm) =	ssettm $0x1  }
0x97: {  	s18 =	sld [smem:$0x3FFB];
	_ =	sdelay $0x3  }
0x98: {  	_ =	strace s18  }
0x99: {  	s4 =	sld [smem:$0x3FFC];
	_ =	sdelay $0x3  }
0x9a: {  	_ =	strace s4  }
0x9b: {  	s4 =	sld [smem:$0x3FFD];
	_ =	sdelay $0x3  }
0x9c: {  	_ =	strace s4  }
0x9d: {  	_ =	strace $0x8FFFFFFF  }
0x9e: {  	s19 =	sld [smem:$0x3FDB];
	_ =	sdelay $0x1  }
0x9f: {  	s5 =	simm.s32 $_scs_section_size  }
0xa0: {  	s6 =	simm.s32 $_size__tile_overlayer_lowered;
	s7 =	simm.s32 $_tile_overlayer_lowered  }
0xa1: {  	s22 =	simm.s32 $0x1BFF;
	s21 =	sshll.u32 s7, $0x1;
	s4 =	sadd.s32 s5, s19  }
0xa2: {  	s8 =	simm.s32 $0x0;
	s20 =	sshll.u32 s6, $0x1;
	s6 =	sadd.s32 s21, s4  }
0xa3: {  	[timem:s8], [sflag:s22] =	dma.local [hbm:s6], s20  }
0xa4: {  	_ =	swait.ge [sflag:s22], s20  }
0xa5: {  	s5 =	ssub.s32 $0x0, s20;
	[sflag:s22] =	ssyncset.done $0x0  }
0xa6: {  	[sflag:s22] =	ssyncadd.s32 s5;
	_ =	sdelay $0x1  }
0xa7: {  	s23 =	simm.s32 $0x1B8B  }
0xa8: {  	_ =	swait.ge [sflag:s23], $0x1  }
0xa9: {  	[sflag:s23] =	ssyncset.done $0x0  }
0xaa: {  	s25 =	simm.s32 $0x1B8E;
	s24 =	sld [smem:$0x3FFE];
	[sflag:s23] =	ssyncadd.s32 $0xFFFFFFFF  }
0xab: {  	s26 =	simm.s32 $execute0_lowered;
	[smem:$0x3FD2] =	sst s25  }
0xac: {  	s6 =	sshll.u32 s26, $0x1;
	_ =	strace $0x80000046;
	[dreg:$0x1] =	wrdreg $0xFFFFFFFF  }
0xad: {  	s28 =	simm.s32 $_size_execute0_lowered;
	s4 =	sadd.s32 s4, s6;
	[dreg:$0x0] =	wrdreg $0x0  }
0xae: {  	s6 =	sshll.u32 s28, $0x1;
	[dreg:$0x2] =	wrdreg s4  }
0xaf: {  	[dreg:$0x3] =	wrdreg s6  }
0xb0: {  	[dreg:$0x4] =	wrdreg $0xC0  }
0xb1: {  	_ =	task [dreg:s8], $0x5FFFF  }
0xb2: {  	[dreg:$0x1] =	wrdreg $0xFFFFFFFF  }
0xb3: {  	[dreg:$0x0] =	wrdreg $0x60  }
0xb4: {  	[dreg:$0x2] =	wrdreg s16  }
0xb5: {  	[dreg:$0x3] =	wrdreg s24  }
0xb6: {  	[dreg:$0x4] =	wrdreg s17  }
0xb7: {  	[dreg:$0x5] =	wrdreg $0x2F800  }
0xb8: {  	[dreg:$0x6] =	wrdreg $0x9  }
0xb9: {  	_ =	task.clear_ibuf [dreg:s8], $0x7FFFF;
	_ =	strace $0x90000046  }
0xba: {  	s29 =	simm.s32 $0x9;
	_ =	strace $0x80000048  }
0xbb: {  	_ =	swait.ge [sflag:s29], $0x1  }
0xbc: {  	[sflag:s29] =	ssyncadd.s32 $0xFFFFFFFF  }
0xbd: {  	_ =	strace $0x90000048  }
0xbe: {  	_ =	sfence  }
0xbf: {  	s30 =	sld [smem:$0x0];
	_ =	sdelay $0x2  }
0xc0: {  	s31 =	sshll.u32 s1, $0xD;
	s1 =	sshrl.u32 s1, $0x2  }
0xc1: {  	s3 =	sand.u32 $0x4000, s31;
	s1 =	sadd.s32 s1, s30  }
0xc2: {  	s0 =	sor.u32 s3, s0;
	s1 =	sshll.u32 s1, $0x11  }
0xc3: {  	s0 =	sor.u32 s1, s0  }
0xc4: {  	s0 =	sadd.s32 $0x8F2B, s0  }
0xc5: {  	[sflag:s0] =	ssyncadd.remote.s32 $0x1  }
0xc6: {  	_ =	sfence.sel $0xFFFF  }
0xc7: {  	[dreg:$0x0] =	wrdreg $0xFFFFFFFF;
	(pc) =	sbr.abs _section_cstart, $3  }
0xc8: {  	[dreg:$0x1] =	wrdreg $0xFFFFFFFF  }
0xc9: {  	_ =	task.clear_ibuf [dreg:s8], $0x2FFFF;
	_ =	strace $0x9FFFFFFF  }
0xca: {  	(tm) =	ssettm $0x7FFFFFFF  }
0xcb: {  	_ =	shalt  }
tec
execute0_lowered:
.L_overlay_start_1:
0x0: {  	(tag) =	ssettag $0x1  }
0x1: {  	s8 =	rddreg [dreg:$0x0]  }
0x2: {  	s5 =	rddreg [dreg:$0x1]  }
0x3: {  	s9 =	rddreg [dreg:$0x2]  }
0x4: {  	s2 =	rddreg [dreg:$0x3]  }
0x5: {  	s0 =	rddreg [dreg:$0x4]  }
0x6: {  	s3 =	simm.s32 $0x0;
	s1 =	stileid.u32;
	s6 =	srdreg.scid  }
0x7: {  	[smem:$0x7FF] =	sst s3;
	s7 =	smul.u32 $0x2780, s1  }
0x8: {  	s4 =	sadd.s32 $0x8400, s5;
	s6 =	sand.u32 $0x1, s6;
	s30 =	sshll.u32 s1, $0x6  }
0x9: {  	s15 =	sadd.s32 $0x9C40, s8;
	_ =	strace $0x80000047;
	s11 =	ssub.s32 $0x2, s6  }
0xa: {  	s12 =	sshll.u32 s6, $0x4;
	s14 =	smul.u32 $0x27800, s6;
	s10 =	sshrl.u32 s7, $0x3  }
0xb: {  	s28 =	sshrl.u32 s11, $0x1;
	s12 =	sor.u32 s1, s12;
	s29 =	sadd.s32 s7, s2  }
0xc: {  	s10 =	sadd.s32 s10, s5;
	s11 =	ssub.s32 s11, s28;
	p0 =	sgt.u32 s12, $0x3  }
0xd: {  	s13 =	smul.u32 $0x4E, s12;
	s5 =	simm.s32 $0x4E;
	s12 =	smin.u32 s12, $0x4  }
0xe: {  	s14 =	sadd.s32 s7, s14;
	s7 =	sor.u32 $0x1C02, s30;
	s5 =	simm.s32 @!p0 $0x4F  }
0xf: {  	s6 =	sadd.s32 $0x3400, s10;
	s31 =	sshrl.u32 s14, $0x3;
	s12 =	sadd.s32 s12, s13  }
0x10: {  	s10 =	sshrl.u32 s29, $0x3;
	s8 =	sadd.s32 s9, s31;
	s14 =	sshll.u32 s12, $0x4  }
0x11: {  	s9 =	smax.u32 s11, $0x1;
	s11 =	simm.s32 $0x2;
	s12 =	sadd.s32 @p0 s14, s15  }
0x12: {  	s13 =	sadd.s32 @!p0 s14, s15;
	s14 =	simm.s32 $0x2780;
	s15 =	simm.s32 $0x0  }
.LBB2_1:
0x13: {  	[spmem:s10], [sflag:s7] =	dma.local [hbm:s6], $0x4F0  }
0x14: {  	_ =	swait.ge [sflag:s11], $0x4F0  }
0x15: {  	[sflag:s11] =	ssyncset.done $0x0  }
0x16: {  	s16 =	simm.s32 @p0 $0x0;
	[sflag:s11] =	ssyncadd.s32 $0xFFFFFB10  }
0x17: {  	[tilespmem:s16], [sflag:$0x2] =	stream.linear.gather @p0 [hbm4b:s12+s16], $0x2700, $0x38;
	[tilespmem:$0x5700] =	vst v63  }
0x18: {  	s16 =	simm.s32 @p0 $0x2  }
0x19: {  	_ =	swait.ge @p0 [sflag:s16], $0x2700  }
0x1a: {  	[sflag:s16] =	ssyncset.done @p0 $0x0  }
0x1b: {  	[sflag:s16] =	ssyncadd.s32 @p0 $0xFFFFD900;
	s16 =	simm.s32 @!p0 $0x0  }
0x1c: {  	[tilespmem:s16], [sflag:$0x2] =	stream.linear.gather @!p0 [hbm4b:s13+s16], $0x2780, $0x38;
	[tilespmem:$0x5700] =	vst v63  }
0x1d: {  	s16 =	simm.s32 @!p0 $0x2  }
0x1e: {  	_ =	swait.ge @!p0 [sflag:s16], $0x2780  }
0x1f: {  	[sflag:s16] =	ssyncset.done @!p0 $0x0  }
0x20: {  	[sflag:s16] =	ssyncadd.s32 @!p0 $0xFFFFD880  }
0x21: {  	[tilespmem:s14], [sflag:$0x2] =	stream.linear.gather [hbm4b:s4+s3], $0x800, $0x38;
	[tilespmem:$0x5700] =	vst v63  }
0x22: {  	_ =	swait.ge [sflag:s11], $0x800  }
0x23: {  	[sflag:s11] =	ssyncset.done $0x0  }
0x24: {  	[sflag:s11] =	ssyncadd.s32 $0xFFFFF800  }
0x25: {  	s17 =	simm.s32 $0x0;
	s16 =	simm.s32 $0x0;
	[bflag:$0x0] =	sbarrier.arrive $0xFFFF  }
.LBB2_2:
0x26: {  	p1 =	sge.u32 s17, s5  }
0x27: {  	s17 =	sadd.s32 $0x1, s17;
	s18 =	simm.s32 @!p1 $0x80;
	s19 =	simm.s32 @!p1 $0x2780  }
0x28: {  	[spmem:s2] =	stream.indirect.scatter.add.f32 @!p1 [tilespmem:s19], [sflag:$0x1], $0x10, s16, s18, $0xb8;
	[tilespmem:$0x5700] =	vst v63  }
0x29: {  	p1 =	sne.s32 s17, $0x4F  }
.Ltmp0:
0x2a: {  	_ = 	snop;
	(pc) =	sbr.rel @p1 .LBB2_2-.Ltmp0, $2  }
0x2b: {  	_ =	sdelay $0x2  }
0x2c: {  	s16 =	sadd.s32 $0x80, s16  }
0x2d: {  	p1 =	sle.u32 s5, $0x0  }
0x2e: {  	s17 =	simm.s32 @!p1 $0x1  }
0x2f: {  	_ =	swait.ge @!p1 [sflag:s17], $0x800  }
0x30: {  	s16 =	simm.s32 $0x1;
	[sflag:s17] =	ssyncset.done @!p1 $0x0  }
.LBB2_4:
0x31: {  	[sflag:s17] =	ssyncadd.s32 @!p1 $0xFFFFF800;
	s17 =	smov.u32 s16;
	s16 =	sadd.s32 $0x1, s16  }
0x32: {  	p2 =	sne.s32 s16, $0x4F  }
.Ltmp1:
0x33: {  	(pc) =	sbr.rel @p2 .LBB2_4-.Ltmp1, $4  }
0x34: {  	p1 =	sge.u32 s17, s5  }
0x35: {  	s17 =	simm.s32 @!p1 $0x1  }
0x36: {  	_ =	swait.ge @!p1 [sflag:s17], $0x800  }
0x37: {  	[sflag:s17] =	ssyncset.done @!p1 $0x0  }
0x38: {  	s15 =	sadd.s32 $0x1, s15  }
0x39: {  	[sflag:s17] =	ssyncadd.s32 @!p1 $0xFFFFF800;
	p1 =	sne.s32 s15, s9  }
.Ltmp2:
0x3a: {  	[bflag:$0x0] =	sbarrier.arrive $0xFFFF;
	(pc) =	sbr.rel @p1 .LBB2_1-.Ltmp2, $4  }
0x3b: {  	[hbm:s8], [sflag:s7] =	dma.local [spmem:s10], $0x4F0  }
0x3c: {  	_ =	swait.ge [sflag:s11], $0x4F0  }
0x3d: {  	[sflag:s11] =	ssyncset.done $0x0  }
0x3e: {  	[sflag:s11] =	ssyncadd.s32 $0xFFFFFB10  }
0x3f: {  	_ =	sfence.sel $0x180000  }
0x40: {  	[bflag:$0x0] =	sbarrier.arrive $0xFFFF  }
0x41: {  	p0 =	sne.s32 s1, $0x0;
	_ =	strace $0x90000047  }
0x42: {  	s0 =	sadd.s32 @!p0 $0x100000, s0;
	[bflag:$0x2] =	sbarrier.arrive $0xFFFF  }
0x43: {  	[sflag:s0] =	ssyncadd.tile.s32 @!p0 $0x1;
	_ =	shalt  }
.Lfunc_end2:
_tile_overlayer_lowered:
.L_overlay_start_2:
0x44: {  	(tag) =	ssettag $0x2  }
0x45: {  	s0 =	rddreg [dreg:$0x0];
	s2 =	stileid.u32  }
0x46: {  	s1 =	rddreg [dreg:$0x1];
	p0 =	sne.s32 s2, $0x0  }
0x47: {  	s3 =	rddreg [dreg:$0x2];
	[bflag:$0x3] =	sbarrier.arrive $0xFFFF;
	s2 =	simm.s32 @!p0 $0x1C02  }
0x48: {  	[timem:s3], [sflag:s2] =	dma.local @!p0 [hbm:s0], s1  }
0x49: {  	s0 =	simm.s32 @!p0 $0x2  }
0x4a: {  	_ =	swait.ge @!p0 [sflag:s0], s1  }
0x4b: {  	s1 =	ssub.s32 @!p0 $0x0, s1;
	[sflag:s0] =	ssyncset.done @!p0 $0x0  }
0x4c: {  	[sflag:s0] =	ssyncadd.s32 @!p0 s1  }
0x4d: {  	[bflag:$0x3] =	sbarrier.arrive $0xFFFF  }
0x4e: {  	_ =	shalt  }

</sc_bundles>
